<compile_context>
chip_gen: v7x
topology: tpu7x:2x2x1
jax: 0.10.2.dev20260603
libtpu: 0.0.44.dev20260713+nightly
codegen_flags: <defaults>
</compile_context>

<pallas_src>
import functools

import jax
import jax.numpy as jnp
from jax import lax
from jax.experimental import pallas as pl
from jax.experimental.pallas import tpu as pltpu
from jax.experimental.pallas import tpu_sc as plsc

N_TOKENS = 32768
D = 768
E = 64
K = 8
L = 16
NC = 2
NS = 16
NW = NC * NS

TC_TILE = 4096
SLABS = (16384, 16384)



def _probs_body(x_ref, w_ref, b_ref, out_ref):
    s = lax.dot_general(w_ref[...], x_ref[...],
                        (((1,), (1,)), ((), ())),
                        preferred_element_type=jnp.float32)
    s = s + b_ref[...]
    m = jnp.max(s, axis=0, keepdims=True)
    z = jnp.exp(s - m)
    out_ref[...] = z / jnp.sum(z, axis=0, keepdims=True)


def _probs_tc(x, w, b2, tok0, slab_tokens):
    blk0 = tok0 // TC_TILE
    return pl.pallas_call(
        _probs_body,
        grid=(slab_tokens // TC_TILE,),
        in_specs=[
            pl.BlockSpec((TC_TILE, D), lambda i: (blk0 + i, 0)),
            pl.BlockSpec((E, D), lambda i: (0, 0)),
            pl.BlockSpec((E, 1), lambda i: (0, 0)),
        ],
        out_specs=pl.BlockSpec((E, TC_TILE), lambda i: (0, i)),
        out_shape=jax.ShapeDtypeStruct((E, slab_tokens), jnp.float32),
    )(x, w, b2)



_SORT8 = [(0, 1), (2, 3), (4, 5), (6, 7),
          (0, 2), (1, 3), (4, 6), (5, 7),
          (1, 2), (5, 6),
          (0, 4), (1, 5), (2, 6), (3, 7),
          (2, 4), (3, 5),
          (1, 2), (3, 4), (5, 6)]
_BITONIC8 = [(0, 4), (1, 5), (2, 6), (3, 7),
             (0, 2), (1, 3), (4, 6), (5, 7),
             (0, 1), (2, 3), (4, 5), (6, 7)]


def _cs_desc(v, i, j):
    hi = jnp.maximum(v[i], v[j])
    lo = jnp.minimum(v[i], v[j])
    v[i] = hi
    v[j] = lo


def _sort8_desc(v):
    for i, j in _SORT8:
        _cs_desc(v, i, j)
    return v


def _merge_top8(a, b):
    out = [jnp.maximum(a[i], b[7 - i]) for i in range(8)]
    for i, j in _BITONIC8:
        _cs_desc(out, i, j)
    return out


def _top8_of_64(vals):
    groups = [_sort8_desc([vals[g * 8 + i] for i in range(8)])
              for g in range(8)]
    r = [_merge_top8(groups[2 * i], groups[2 * i + 1]) for i in range(4)]
    r = [_merge_top8(r[0], r[1]), _merge_top8(r[2], r[3])]
    return _merge_top8(r[0], r[1])


def _topk_sc_body(probs_hbm, pout_hbm, iout_hbm, pv, pov, iov, *, cpw):
    wid = lax.axis_index("s") * NC + lax.axis_index("c")
    base = wid * cpw
    obase = base * K
    pltpu.sync_copy(probs_hbm.at[:, pl.ds(base, cpw)], pv)

    def one_chunk(off):
        rows = off + lax.iota(jnp.int32, L)
        packed = []
        for e in range(E):
            bits = plsc.bitcast(pv[e, pl.ds(off, L)], jnp.int32)
            u = (bits & jnp.int32(-64)) | jnp.int32(63 - e)
            packed.append(plsc.bitcast(u, jnp.float32))
        top = _top8_of_64(packed)
        eidx = []
        ps = []
        for j in range(K):
            ej = jnp.int32(63) - (plsc.bitcast(top[j], jnp.int32)
                                  & jnp.int32(63))
            eidx.append(ej)
            ps.append(plsc.load_gather(pv, [ej, rows]))
        qs = [jnp.exp(p - ps[0]) for p in ps]
        z = qs[0]
        for j in range(1, K):
            z = z + qs[j]
        for j in range(K):
            flat = rows * K + j
            plsc.store_scatter(pov, [flat], qs[j] / z)
            plsc.store_scatter(iov, [flat], eidx[j])

    @plsc.parallel_loop(0, cpw // L, unroll=2)
    def chunk(i):
        one_chunk(i * L)
    pltpu.sync_copy(pov, pout_hbm.at[pl.ds(obase, cpw * K)])
    pltpu.sync_copy(iov, iout_hbm.at[pl.ds(obase, cpw * K)])


@functools.cache
def _topk_sc(n_tokens):
    cpw = n_tokens // NW
    return pl.kernel(
        functools.partial(_topk_sc_body, cpw=cpw),
        out_type=[jax.ShapeDtypeStruct((n_tokens * K,), jnp.float32),
                  jax.ShapeDtypeStruct((n_tokens * K,), jnp.int32)],
        mesh=plsc.VectorSubcoreMesh(core_axis_name="c", subcore_axis_name="s",
                                    num_cores=NC, num_subcores=NS),
        scratch_types=[pltpu.VMEM((E, cpw), jnp.float32),
                       pltpu.VMEM((cpw * K,), jnp.float32),
                       pltpu.VMEM((cpw * K,), jnp.int32)],
        compiler_params=pltpu.CompilerParams(needs_layout_passes=False,
                                             use_tc_tiling_on_sc=False),
    )



def kernel(x_local, W, b):
    x = x_local.reshape(x_local.shape[0], -1)
    b2 = b.reshape(E, 1)
    pouts, iouts = [], []
    tok0 = 0
    for slab_tokens in SLABS:
        probs_t = _probs_tc(x, W, b2, tok0, slab_tokens)
        po, io = _topk_sc(slab_tokens)(probs_t)
        pouts.append(po)
        iouts.append(io)
        tok0 += slab_tokens
    out_p = jnp.concatenate(pouts) if len(SLABS) > 1 else pouts[0]
    out_i = jnp.concatenate(iouts) if len(SLABS) > 1 else iouts[0]
    return (out_p.reshape(N_TOKENS, K), out_i.reshape(N_TOKENS, K))

# --- scband reference (transcript-rebuilt; emitter-appended) ---
"""Pipeline reference for scband-gate-network-gobal-68659347194405 (READ-ONLY COPY).

The authoritative reference and input builder live on the scoring server;
editing this copy changes nothing except your own understanding.
"""

import jax, jax.numpy as jnp
import numpy as np

TOP_K = 8

def setup_inputs(seed: int = 0) -> dict:
    key = jax.random.key(seed)
    k1, k2, k3 = jax.random.split(key, 3)
    x_local = jax.random.normal(k1, (32768, 768), dtype=jnp.float32)
    # nn.Linear(input_dim=768, num_experts=64): weight [64, 768], bias [64]
    bound = 1.0 / np.sqrt(768.0)
    W = jax.random.uniform(k2, (64, 768), minval=-bound, maxval=bound, dtype=jnp.float32)
    b = jax.random.uniform(k3, (64,), minval=-bound, maxval=bound, dtype=jnp.float32)
    return {"x_local": x_local, "W": W, "b": b}

def reference(x_local, W, b):
    # x_local.view(N, -1) is identity for 2D input
    x = x_local.reshape(x_local.shape[0], -1)
    scores = x @ W.T + b
    probs = jax.nn.softmax(scores, axis=-1)
    top_k_scores, top_k_indices = jax.lax.top_k(probs, TOP_K)
    probs_out = jax.nn.softmax(top_k_scores, axis=-1)
    return (probs_out, top_k_indices)

if __name__ == "__main__":
    import jax
    _d = setup_inputs()
    print(jax.jit(kernel)(*tuple(_d.values())))

</pallas_src>

<mosaic_0001>
#map = affine_map<(d0, d1) -> (0, 0)>
#map1 = affine_map<(d0, d1) -> (0)>
module attributes {stable_mosaic.version = 14 : i64} {
  func.func @_topk_sc_body(%arg0: i32, %arg1: i32, %arg2: memref<64x16384xf32, #tpu.memory_space<hbm>>, %arg3: memref<131072xf32, #tpu.memory_space<hbm>>, %arg4: memref<131072xi32, #tpu.memory_space<hbm>>, %arg5: memref<64x512xf32, #tpu.memory_space<vmem>>, %arg6: memref<4096xf32, #tpu.memory_space<vmem>>, %arg7: memref<4096xi32, #tpu.memory_space<vmem>>) attributes {dimension_semantics = [#tpu.dimension_semantics<core_parallel>, #tpu.dimension_semantics<subcore_parallel>], iteration_bounds = array<i64: 2, 16>, scalar_prefetch = 0 : i64, scratch_operands = 3 : i64, tpu.core_type = #tpu.core_type<sc_vector_subcore>, window_params = [{transform_indices = #map}, {transform_indices = #map1}, {transform_indices = #map1}]} {
    %mul3A = arith.constant 2 : i32
    %mul3A_0 = arith.muli %arg1, %mul3A : i32
    %add3A = arith.addi %mul3A_0, %arg0 : i32
    %mul3A_1 = arith.constant 512 : i32
    %mul3A_2 = arith.muli %add3A, %mul3A_1 : i32
    %mul3A_3 = arith.constant 8 : i32
    %mul3A_4 = arith.muli %mul3A_2, %mul3A_3 : i32
    "tpu.region"() ({
      %run_scoped3A = tpu.sem_alloc : memref<!tpu.dma_semaphore, #tpu.memory_space<semaphore_mem>>
      %dma_start3A = arith.constant 0 : i32
      %dma_start3A_7 = tpu.memref_slice %arg2[%dma_start3A, %mul3A_2] : memref<64x16384xf32, #tpu.memory_space<hbm>> -> memref<64x512xf32, #tpu.memory_space<hbm>>
      %dma_start3A_8 = arith.constant 0 : i32
      %dma_start3A_9 = tpu.memref_slice %arg2[%dma_start3A_8, %mul3A_2] : memref<64x16384xf32, #tpu.memory_space<hbm>> -> memref<64x512xf32, #tpu.memory_space<hbm>>
      tpu.enqueue_dma source(%dma_start3A_9 : memref<64x512xf32, #tpu.memory_space<hbm>>) target(%arg5 : memref<64x512xf32, #tpu.memory_space<vmem>>) target_semaphore(%run_scoped3A : memref<!tpu.dma_semaphore, #tpu.memory_space<semaphore_mem>>)
      %dma_wait3A = arith.constant 0 : i32
      %dma_wait3A_10 = tpu.memref_slice %arg2[%dma_wait3A, %mul3A_2] : memref<64x16384xf32, #tpu.memory_space<hbm>> -> memref<64x512xf32, #tpu.memory_space<hbm>>
      %dma_wait3A_11 = arith.constant 0 : i32
      %dma_wait3A_12 = tpu.memref_slice %arg2[%dma_wait3A_11, %mul3A_2] : memref<64x16384xf32, #tpu.memory_space<hbm>> -> memref<64x512xf32, #tpu.memory_space<hbm>>
      tpu.wait_dma2 semaphore(%run_scoped3A : memref<!tpu.dma_semaphore, #tpu.memory_space<semaphore_mem>>) src(%dma_wait3A_12 : memref<64x512xf32, #tpu.memory_space<hbm>>) dst(%arg5 : memref<64x512xf32, #tpu.memory_space<vmem>>)
      tpu.yield
    }) : () -> ()
    %parallel_loop3A = arith.constant 0 : i32
    %parallel_loop3A_5 = arith.constant 32 : i32
    %parallel_loop3A_6 = arith.constant 1 : i32
    scf.for %parallel_loop3A_7 = %parallel_loop3A to %parallel_loop3A_5 step %parallel_loop3A_6  : i32 {
      %parallel_loop3A_8 = arith.constant 16 : i32
      %parallel_loop3A_9 = arith.muli %parallel_loop3A_7, %parallel_loop3A_8 : i32
      %parallel_loop3A_10 = tpu.iota {dimensions = array<i32: 0>} : vector<16xi32>
      %parallel_loop3A_11 = vector.broadcast %parallel_loop3A_9 : i32 to vector<16xi32>
      %parallel_loop3A_12 = arith.addi %parallel_loop3A_11, %parallel_loop3A_10 : vector<16xi32>
      %parallel_loop3A_13 = arith.constant 0 : i32
      %parallel_loop3A_14 = arith.index_cast %parallel_loop3A_13 : i32 to index
      %parallel_loop3A_15 = arith.index_cast %parallel_loop3A_9 : i32 to index
      %parallel_loop3A_16 = tpu.vector_load %arg5[%parallel_loop3A_14, %parallel_loop3A_15] {strides = array<i32>} : memref<64x512xf32, #tpu.memory_space<vmem>>, vector<16xf32>,
      %parallel_loop3A_17 = vector.bitcast %parallel_loop3A_16 : vector<16xf32> to vector<16xi32>
      %parallel_loop3A_18 = arith.constant -64 : i32
      %parallel_loop3A_19 = vector.broadcast %parallel_loop3A_18 : i32 to vector<16xi32>
      %parallel_loop3A_20 = arith.andi %parallel_loop3A_17, %parallel_loop3A_19 : vector<16xi32>
      %parallel_loop3A_21 = arith.constant 63 : i32
      %parallel_loop3A_22 = vector.broadcast %parallel_loop3A_21 : i32 to vector<16xi32>
      %parallel_loop3A_23 = arith.ori %parallel_loop3A_20, %parallel_loop3A_22 : vector<16xi32>
      %parallel_loop3A_24 = vector.bitcast %parallel_loop3A_23 : vector<16xi32> to vector<16xf32>
      %parallel_loop3A_25 = arith.constant 1 : i32
      %parallel_loop3A_26 = arith.index_cast %parallel_loop3A_25 : i32 to index
      %parallel_loop3A_27 = arith.index_cast %parallel_loop3A_9 : i32 to index
      %parallel_loop3A_28 = tpu.vector_load %arg5[%parallel_loop3A_26, %parallel_loop3A_27] {strides = array<i32>} : memref<64x512xf32, #tpu.memory_space<vmem>>, vector<16xf32>,
      %parallel_loop3A_29 = vector.bitcast %parallel_loop3A_28 : vector<16xf32> to vector<16xi32>
      %parallel_loop3A_30 = arith.constant -64 : i32
      %parallel_loop3A_31 = vector.broadcast %parallel_loop3A_30 : i32 to vector<16xi32>
      %parallel_loop3A_32 = arith.andi %parallel_loop3A_29, %parallel_loop3A_31 : vector<16xi32>
      %parallel_loop3A_33 = arith.constant 62 : i32
      %parallel_loop3A_34 = vector.broadcast %parallel_loop3A_33 : i32 to vector<16xi32>
      %parallel_loop3A_35 = arith.ori %parallel_loop3A_32, %parallel_loop3A_34 : vector<16xi32>
      %parallel_loop3A_36 = vector.bitcast %parallel_loop3A_35 : vector<16xi32> to vector<16xf32>
      %parallel_loop3A_37 = arith.constant 2 : i32
      %parallel_loop3A_38 = arith.index_cast %parallel_loop3A_37 : i32 to index
      %parallel_loop3A_39 = arith.index_cast %parallel_loop3A_9 : i32 to index
      %parallel_loop3A_40 = tpu.vector_load %arg5[%parallel_loop3A_38, %parallel_loop3A_39] {strides = array<i32>} : memref<64x512xf32, #tpu.memory_space<vmem>>, vector<16xf32>,
      %parallel_loop3A_41 = vector.bitcast %parallel_loop3A_40 : vector<16xf32> to vector<16xi32>
      %parallel_loop3A_42 = arith.constant -64 : i32
      %parallel_loop3A_43 = vector.broadcast %parallel_loop3A_42 : i32 to vector<16xi32>
      %parallel_loop3A_44 = arith.andi %parallel_loop3A_41, %parallel_loop3A_43 : vector<16xi32>
      %parallel_loop3A_45 = arith.constant 61 : i32
      %parallel_loop3A_46 = vector.broadcast %parallel_loop3A_45 : i32 to vector<16xi32>
      %parallel_loop3A_47 = arith.ori %parallel_loop3A_44, %parallel_loop3A_46 : vector<16xi32>
      %parallel_loop3A_48 = vector.bitcast %parallel_loop3A_47 : vector<16xi32> to vector<16xf32>
      %parallel_loop3A_49 = arith.constant 3 : i32
      %parallel_loop3A_50 = arith.index_cast %parallel_loop3A_49 : i32 to index
      %parallel_loop3A_51 = arith.index_cast %parallel_loop3A_9 : i32 to index
      %parallel_loop3A_52 = tpu.vector_load %arg5[%parallel_loop3A_50, %parallel_loop3A_51] {strides = array<i32>} : memref<64x512xf32, #tpu.memory_space<vmem>>, vector<16xf32>,
      %parallel_loop3A_53 = vector.bitcast %parallel_loop3A_52 : vector<16xf32> to vector<16xi32>
      %parallel_loop3A_54 = arith.constant -64 : i32
      %parallel_loop3A_55 = vector.broadcast %parallel_loop3A_54 : i32 to vector<16xi32>
      %parallel_loop3A_56 = arith.andi %parallel_loop3A_53, %parallel_loop3A_55 : vector<16xi32>
      %parallel_loop3A_57 = arith.constant 60 : i32
      %parallel_loop3A_58 = vector.broadcast %parallel_loop3A_57 : i32 to vector<16xi32>
      %parallel_loop3A_59 = arith.ori %parallel_loop3A_56, %parallel_loop3A_58 : vector<16xi32>
      %parallel_loop3A_60 = vector.bitcast %parallel_loop3A_59 : vector<16xi32> to vector<16xf32>
      %parallel_loop3A_61 = arith.constant 4 : i32
      %parallel_loop3A_62 = arith.index_cast %parallel_loop3A_61 : i32 to index
      %parallel_loop3A_63 = arith.index_cast %parallel_loop3A_9 : i32 to index
      %parallel_loop3A_64 = tpu.vector_load %arg5[%parallel_loop3A_62, %parallel_loop3A_63] {strides = array<i32>} : memref<64x512xf32, #tpu.memory_space<vmem>>, vector<16xf32>,
      %parallel_loop3A_65 = vector.bitcast %parallel_loop3A_64 : vector<16xf32> to vector<16xi32>
      %parallel_loop3A_66 = arith.constant -64 : i32
      %parallel_loop3A_67 = vector.broadcast %parallel_loop3A_66 : i32 to vector<16xi32>
      %parallel_loop3A_68 = arith.andi %parallel_loop3A_65, %parallel_loop3A_67 : vector<16xi32>
      %parallel_loop3A_69 = arith.constant 59 : i32
      %parallel_loop3A_70 = vector.broadcast %parallel_loop3A_69 : i32 to vector<16xi32>
      %parallel_loop3A_71 = arith.ori %parallel_loop3A_68, %parallel_loop3A_70 : vector<16xi32>
      %parallel_loop3A_72 = vector.bitcast %parallel_loop3A_71 : vector<16xi32> to vector<16xf32>
      %parallel_loop3A_73 = arith.constant 5 : i32
      %parallel_loop3A_74 = arith.index_cast %parallel_loop3A_73 : i32 to index
      %parallel_loop3A_75 = arith.index_cast %parallel_loop3A_9 : i32 to index
      %parallel_loop3A_76 = tpu.vector_load %arg5[%parallel_loop3A_74, %parallel_loop3A_75] {strides = array<i32>} : memref<64x512xf32, #tpu.memory_space<vmem>>, vector<16xf32>,
      %parallel_loop3A_77 = vector.bitcast %parallel_loop3A_76 : vector<16xf32> to vector<16xi32>
      %parallel_loop3A_78 = arith.constant -64 : i32
      %parallel_loop3A_79 = vector.broadcast %parallel_loop3A_78 : i32 to vector<16xi32>
      %parallel_loop3A_80 = arith.andi %parallel_loop3A_77, %parallel_loop3A_79 : vector<16xi32>
      %parallel_loop3A_81 = arith.constant 58 : i32
      %parallel_loop3A_82 = vector.broadcast %parallel_loop3A_81 : i32 to vector<16xi32>
      %parallel_loop3A_83 = arith.ori %parallel_loop3A_80, %parallel_loop3A_82 : vector<16xi32>
      %parallel_loop3A_84 = vector.bitcast %parallel_loop3A_83 : vector<16xi32> to vector<16xf32>
      %parallel_loop3A_85 = arith.constant 6 : i32
      %parallel_loop3A_86 = arith.index_cast %parallel_loop3A_85 : i32 to index
      %parallel_loop3A_87 = arith.index_cast %parallel_loop3A_9 : i32 to index
      %parallel_loop3A_88 = tpu.vector_load %arg5[%parallel_loop3A_86, %parallel_loop3A_87] {strides = array<i32>} : memref<64x512xf32, #tpu.memory_space<vmem>>, vector<16xf32>,
      %parallel_loop3A_89 = vector.bitcast %parallel_loop3A_88 : vector<16xf32> to vector<16xi32>
      %parallel_loop3A_90 = arith.constant -64 : i32
      %parallel_loop3A_91 = vector.broadcast %parallel_loop3A_90 : i32 to vector<16xi32>
      %parallel_loop3A_92 = arith.andi %parallel_loop3A_89, %parallel_loop3A_91 : vector<16xi32>
      %parallel_loop3A_93 = arith.constant 57 : i32
      %parallel_loop3A_94 = vector.broadcast %parallel_loop3A_93 : i32 to vector<16xi32>
      %parallel_loop3A_95 = arith.ori %parallel_loop3A_92, %parallel_loop3A_94 : vector<16xi32>
      %parallel_loop3A_96 = vector.bitcast %parallel_loop3A_95 : vector<16xi32> to vector<16xf32>
      %parallel_loop3A_97 = arith.constant 7 : i32
      %parallel_loop3A_98 = arith.index_cast %parallel_loop3A_97 : i32 to index
      %parallel_loop3A_99 = arith.index_cast %parallel_loop3A_9 : i32 to index
      %parallel_loop3A_100 = tpu.vector_load %arg5[%parallel_loop3A_98, %parallel_loop3A_99] {strides = array<i32>} : memref<64x512xf32, #tpu.memory_space<vmem>>, vector<16xf32>,
      %parallel_loop3A_101 = vector.bitcast %parallel_loop3A_100 : vector<16xf32> to vector<16xi32>
      %parallel_loop3A_102 = arith.constant -64 : i32
      %parallel_loop3A_103 = vector.broadcast %parallel_loop3A_102 : i32 to vector<16xi32>
      %parallel_loop3A_104 = arith.andi %parallel_loop3A_101, %parallel_loop3A_103 : vector<16xi32>
      %parallel_loop3A_105 = arith.constant 56 : i32
      %parallel_loop3A_106 = vector.broadcast %parallel_loop3A_105 : i32 to vector<16xi32>
      %parallel_loop3A_107 = arith.ori %parallel_loop3A_104, %parallel_loop3A_106 : vector<16xi32>
      %parallel_loop3A_108 = vector.bitcast %parallel_loop3A_107 : vector<16xi32> to vector<16xf32>
      %parallel_loop3A_109 = arith.constant 8 : i32
      %parallel_loop3A_110 = arith.index_cast %parallel_loop3A_109 : i32 to index
      %parallel_loop3A_111 = arith.index_cast %parallel_loop3A_9 : i32 to index
      %parallel_loop3A_112 = tpu.vector_load %arg5[%parallel_loop3A_110, %parallel_loop3A_111] {strides = array<i32>} : memref<64x512xf32, #tpu.memory_space<vmem>>, vector<16xf32>,
      %parallel_loop3A_113 = vector.bitcast %parallel_loop3A_112 : vector<16xf32> to vector<16xi32>
      %parallel_loop3A_114 = arith.constant -64 : i32
      %parallel_loop3A_115 = vector.broadcast %parallel_loop3A_114 : i32 to vector<16xi32>
      %parallel_loop3A_116 = arith.andi %parallel_loop3A_113, %parallel_loop3A_115 : vector<16xi32>
      %parallel_loop3A_117 = arith.constant 55 : i32
      %parallel_loop3A_118 = vector.broadcast %parallel_loop3A_117 : i32 to vector<16xi32>
      %parallel_loop3A_119 = arith.ori %parallel_loop3A_116, %parallel_loop3A_118 : vector<16xi32>
      %parallel_loop3A_120 = vector.bitcast %parallel_loop3A_119 : vector<16xi32> to vector<16xf32>
      %parallel_loop3A_121 = arith.constant 9 : i32
      %parallel_loop3A_122 = arith.index_cast %parallel_loop3A_121 : i32 to index
      %parallel_loop3A_123 = arith.index_cast %parallel_loop3A_9 : i32 to index
      %parallel_loop3A_124 = tpu.vector_load %arg5[%parallel_loop3A_122, %parallel_loop3A_123] {strides = array<i32>} : memref<64x512xf32, #tpu.memory_space<vmem>>, vector<16xf32>,
      %parallel_loop3A_125 = vector.bitcast %parallel_loop3A_124 : vector<16xf32> to vector<16xi32>
      %parallel_loop3A_126 = arith.constant -64 : i32
      %parallel_loop3A_127 = vector.broadcast %parallel_loop3A_126 : i32 to vector<16xi32>
      %parallel_loop3A_128 = arith.andi %parallel_loop3A_125, %parallel_loop3A_127 : vector<16xi32>
      %parallel_loop3A_129 = arith.constant 54 : i32
      %parallel_loop3A_130 = vector.broadcast %parallel_loop3A_129 : i32 to vector<16xi32>
      %parallel_loop3A_131 = arith.ori %parallel_loop3A_128, %parallel_loop3A_130 : vector<16xi32>
      %parallel_loop3A_132 = vector.bitcast %parallel_loop3A_131 : vector<16xi32> to vector<16xf32>
      %parallel_loop3A_133 = arith.constant 10 : i32
      %parallel_loop3A_134 = arith.index_cast %parallel_loop3A_133 : i32 to index
      %parallel_loop3A_135 = arith.index_cast %parallel_loop3A_9 : i32 to index
      %parallel_loop3A_136 = tpu.vector_load %arg5[%parallel_loop3A_134, %parallel_loop3A_135] {strides = array<i32>} : memref<64x512xf32, #tpu.memory_space<vmem>>, vector<16xf32>,
      %parallel_loop3A_137 = vector.bitcast %parallel_loop3A_136 : vector<16xf32> to vector<16xi32>
      %parallel_loop3A_138 = arith.constant -64 : i32
      %parallel_loop3A_139 = vector.broadcast %parallel_loop3A_138 : i32 to vector<16xi32>
      %parallel_loop3A_140 = arith.andi %parallel_loop3A_137, %parallel_loop3A_139 : vector<16xi32>
      %parallel_loop3A_141 = arith.constant 53 : i32
      %parallel_loop3A_142 = vector.broadcast %parallel_loop3A_141 : i32 to vector<16xi32>
      %parallel_loop3A_143 = arith.ori %parallel_loop3A_140, %parallel_loop3A_142 : vector<16xi32>
      %parallel_loop3A_144 = vector.bitcast %parallel_loop3A_143 : vector<16xi32> to vector<16xf32>
      %parallel_loop3A_145 = arith.constant 11 : i32
      %parallel_loop3A_146 = arith.index_cast %parallel_loop3A_145 : i32 to index
      %parallel_loop3A_147 = arith.index_cast %parallel_loop3A_9 : i32 to index
      %parallel_loop3A_148 = tpu.vector_load %arg5[%parallel_loop3A_146, %parallel_loop3A_147] {strides = array<i32>} : memref<64x512xf32, #tpu.memory_space<vmem>>, vector<16xf32>,
      %parallel_loop3A_149 = vector.bitcast %parallel_loop3A_148 : vector<16xf32> to vector<16xi32>
      %parallel_loop3A_150 = arith.constant -64 : i32
      %parallel_loop3A_151 = vector.broadcast %parallel_loop3A_150 : i32 to vector<16xi32>
      %parallel_loop3A_152 = arith.andi %parallel_loop3A_149, %parallel_loop3A_151 : vector<16xi32>
      %parallel_loop3A_153 = arith.constant 52 : i32
      %parallel_loop3A_154 = vector.broadcast %parallel_loop3A_153 : i32 to vector<16xi32>
      %parallel_loop3A_155 = arith.ori %parallel_loop3A_152, %parallel_loop3A_154 : vector<16xi32>
      %parallel_loop3A_156 = vector.bitcast %parallel_loop3A_155 : vector<16xi32> to vector<16xf32>
      %parallel_loop3A_157 = arith.constant 12 : i32
      %parallel_loop3A_158 = arith.index_cast %parallel_loop3A_157 : i32 to index
      %parallel_loop3A_159 = arith.index_cast %parallel_loop3A_9 : i32 to index
      %parallel_loop3A_160 = tpu.vector_load %arg5[%parallel_loop3A_158, %parallel_loop3A_159] {strides = array<i32>} : memref<64x512xf32, #tpu.memory_space<vmem>>, vector<16xf32>,
      %parallel_loop3A_161 = vector.bitcast %parallel_loop3A_160 : vector<16xf32> to vector<16xi32>
      %parallel_loop3A_162 = arith.constant -64 : i32
      %parallel_loop3A_163 = vector.broadcast %parallel_loop3A_162 : i32 to vector<16xi32>
      %parallel_loop3A_164 = arith.andi %parallel_loop3A_161, %parallel_loop3A_163 : vector<16xi32>
      %parallel_loop3A_165 = arith.constant 51 : i32
      %parallel_loop3A_166 = vector.broadcast %parallel_loop3A_165 : i32 to vector<16xi32>
      %parallel_loop3A_167 = arith.ori %parallel_loop3A_164, %parallel_loop3A_166 : vector<16xi32>
      %parallel_loop3A_168 = vector.bitcast %parallel_loop3A_167 : vector<16xi32> to vector<16xf32>
      %parallel_loop3A_169 = arith.constant 13 : i32
      %parallel_loop3A_170 = arith.index_cast %parallel_loop3A_169 : i32 to index
      %parallel_loop3A_171 = arith.index_cast %parallel_loop3A_9 : i32 to index
      %parallel_loop3A_172 = tpu.vector_load %arg5[%parallel_loop3A_170, %parallel_loop3A_171] {strides = array<i32>} : memref<64x512xf32, #tpu.memory_space<vmem>>, vector<16xf32>,
      %parallel_loop3A_173 = vector.bitcast %parallel_loop3A_172 : vector<16xf32> to vector<16xi32>
      %parallel_loop3A_174 = arith.constant -64 : i32
      %parallel_loop3A_175 = vector.broadcast %parallel_loop3A_174 : i32 to vector<16xi32>
      %parallel_loop3A_176 = arith.andi %parallel_loop3A_173, %parallel_loop3A_175 : vector<16xi32>
      %parallel_loop3A_177 = arith.constant 50 : i32
      %parallel_loop3A_178 = vector.broadcast %parallel_loop3A_177 : i32 to vector<16xi32>
      %parallel_loop3A_179 = arith.ori %parallel_loop3A_176, %parallel_loop3A_178 : vector<16xi32>
      %parallel_loop3A_180 = vector.bitcast %parallel_loop3A_179 : vector<16xi32> to vector<16xf32>
      %parallel_loop3A_181 = arith.constant 14 : i32
      %parallel_loop3A_182 = arith.index_cast %parallel_loop3A_181 : i32 to index
      %parallel_loop3A_183 = arith.index_cast %parallel_loop3A_9 : i32 to index
      %parallel_loop3A_184 = tpu.vector_load %arg5[%parallel_loop3A_182, %parallel_loop3A_183] {strides = array<i32>} : memref<64x512xf32, #tpu.memory_space<vmem>>, vector<16xf32>,
      %parallel_loop3A_185 = vector.bitcast %parallel_loop3A_184 : vector<16xf32> to vector<16xi32>
      %parallel_loop3A_186 = arith.constant -64 : i32
      %parallel_loop3A_187 = vector.broadcast %parallel_loop3A_186 : i32 to vector<16xi32>
      %parallel_loop3A_188 = arith.andi %parallel_loop3A_185, %parallel_loop3A_187 : vector<16xi32>
      %parallel_loop3A_189 = arith.constant 49 : i32
      %parallel_loop3A_190 = vector.broadcast %parallel_loop3A_189 : i32 to vector<16xi32>
      %parallel_loop3A_191 = arith.ori %parallel_loop3A_188, %parallel_loop3A_190 : vector<16xi32>
      %parallel_loop3A_192 = vector.bitcast %parallel_loop3A_191 : vector<16xi32> to vector<16xf32>
      %parallel_loop3A_193 = arith.constant 15 : i32
      %parallel_loop3A_194 = arith.index_cast %parallel_loop3A_193 : i32 to index
      %parallel_loop3A_195 = arith.index_cast %parallel_loop3A_9 : i32 to index
      %parallel_loop3A_196 = tpu.vector_load %arg5[%parallel_loop3A_194, %parallel_loop3A_195] {strides = array<i32>} : memref<64x512xf32, #tpu.memory_space<vmem>>, vector<16xf32>,
      %parallel_loop3A_197 = vector.bitcast %parallel_loop3A_196 : vector<16xf32> to vector<16xi32>
      %parallel_loop3A_198 = arith.constant -64 : i32
      %parallel_loop3A_199 = vector.broadcast %parallel_loop3A_198 : i32 to vector<16xi32>
      %parallel_loop3A_200 = arith.andi %parallel_loop3A_197, %parallel_loop3A_199 : vector<16xi32>
      %parallel_loop3A_201 = arith.constant 48 : i32
      %parallel_loop3A_202 = vector.broadcast %parallel_loop3A_201 : i32 to vector<16xi32>
      %parallel_loop3A_203 = arith.ori %parallel_loop3A_200, %parallel_loop3A_202 : vector<16xi32>
      %parallel_loop3A_204 = vector.bitcast %parallel_loop3A_203 : vector<16xi32> to vector<16xf32>
      %parallel_loop3A_205 = arith.constant 16 : i32
      %parallel_loop3A_206 = arith.index_cast %parallel_loop3A_205 : i32 to index
      %parallel_loop3A_207 = arith.index_cast %parallel_loop3A_9 : i32 to index
      %parallel_loop3A_208 = tpu.vector_load %arg5[%parallel_loop3A_206, %parallel_loop3A_207] {strides = array<i32>} : memref<64x512xf32, #tpu.memory_space<vmem>>, vector<16xf32>,
      %parallel_loop3A_209 = vector.bitcast %parallel_loop3A_208 : vector<16xf32> to vector<16xi32>
      %parallel_loop3A_210 = arith.constant -64 : i32
      %parallel_loop3A_211 = vector.broadcast %parallel_loop3A_210 : i32 to vector<16xi32>
      %parallel_loop3A_212 = arith.andi %parallel_loop3A_209, %parallel_loop3A_211 : vector<16xi32>
      %parallel_loop3A_213 = arith.constant 47 : i32
      %parallel_loop3A_214 = vector.broadcast %parallel_loop3A_213 : i32 to vector<16xi32>
      %parallel_loop3A_215 = arith.ori %parallel_loop3A_212, %parallel_loop3A_214 : vector<16xi32>
      %parallel_loop3A_216 = vector.bitcast %parallel_loop3A_215 : vector<16xi32> to vector<16xf32>
      %parallel_loop3A_217 = arith.constant 17 : i32
      %parallel_loop3A_218 = arith.index_cast %parallel_loop3A_217 : i32 to index
      %parallel_loop3A_219 = arith.index_cast %parallel_loop3A_9 : i32 to index
      %parallel_loop3A_220 = tpu.vector_load %arg5[%parallel_loop3A_218, %parallel_loop3A_219] {strides = array<i32>} : memref<64x512xf32, #tpu.memory_space<vmem>>, vector<16xf32>,
      %parallel_loop3A_221 = vector.bitcast %parallel_loop3A_220 : vector<16xf32> to vector<16xi32>
      %parallel_loop3A_222 = arith.constant -64 : i32
      %parallel_loop3A_223 = vector.broadcast %parallel_loop3A_222 : i32 to vector<16xi32>
      %parallel_loop3A_224 = arith.andi %parallel_loop3A_221, %parallel_loop3A_223 : vector<16xi32>
      %parallel_loop3A_225 = arith.constant 46 : i32
      %parallel_loop3A_226 = vector.broadcast %parallel_loop3A_225 : i32 to vector<16xi32>
      %parallel_loop3A_227 = arith.ori %parallel_loop3A_224, %parallel_loop3A_226 : vector<16xi32>
      %parallel_loop3A_228 = vector.bitcast %parallel_loop3A_227 : vector<16xi32> to vector<16xf32>
      %parallel_loop3A_229 = arith.constant 18 : i32
      %parallel_loop3A_230 = arith.index_cast %parallel_loop3A_229 : i32 to index
      %parallel_loop3A_231 = arith.index_cast %parallel_loop3A_9 : i32 to index
      %parallel_loop3A_232 = tpu.vector_load %arg5[%parallel_loop3A_230, %parallel_loop3A_231] {strides = array<i32>} : memref<64x512xf32, #tpu.memory_space<vmem>>, vector<16xf32>,
      %parallel_loop3A_233 = vector.bitcast %parallel_loop3A_232 : vector<16xf32> to vector<16xi32>
      %parallel_loop3A_234 = arith.constant -64 : i32
      %parallel_loop3A_235 = vector.broadcast %parallel_loop3A_234 : i32 to vector<16xi32>
      %parallel_loop3A_236 = arith.andi %parallel_loop3A_233, %parallel_loop3A_235 : vector<16xi32>
      %parallel_loop3A_237 = arith.constant 45 : i32
      %parallel_loop3A_238 = vector.broadcast %parallel_loop3A_237 : i32 to vector<16xi32>
      %parallel_loop3A_239 = arith.ori %parallel_loop3A_236, %parallel_loop3A_238 : vector<16xi32>
      %parallel_loop3A_240 = vector.bitcast %parallel_loop3A_239 : vector<16xi32> to vector<16xf32>
      %parallel_loop3A_241 = arith.constant 19 : i32
      %parallel_loop3A_242 = arith.index_cast %parallel_loop3A_241 : i32 to index
      %parallel_loop3A_243 = arith.index_cast %parallel_loop3A_9 : i32 to index
      %parallel_loop3A_244 = tpu.vector_load %arg5[%parallel_loop3A_242, %parallel_loop3A_243] {strides = array<i32>} : memref<64x512xf32, #tpu.memory_space<vmem>>, vector<16xf32>,
      %parallel_loop3A_245 = vector.bitcast %parallel_loop3A_244 : vector<16xf32> to vector<16xi32>
      %parallel_loop3A_246 = arith.constant -64 : i32
      %parallel_loop3A_247 = vector.broadcast %parallel_loop3A_246 : i32 to vector<16xi32>
      %parallel_loop3A_248 = arith.andi %parallel_loop3A_245, %parallel_loop3A_247 : vector<16xi32>
      %parallel_loop3A_249 = arith.constant 44 : i32
      %parallel_loop3A_250 = vector.broadcast %parallel_loop3A_249 : i32 to vector<16xi32>
      %parallel_loop3A_251 = arith.ori %parallel_loop3A_248, %parallel_loop3A_250 : vector<16xi32>
      %parallel_loop3A_252 = vector.bitcast %parallel_loop3A_251 : vector<16xi32> to vector<16xf32>
      %parallel_loop3A_253 = arith.constant 20 : i32
      %parallel_loop3A_254 = arith.index_cast %parallel_loop3A_253 : i32 to index
      %parallel_loop3A_255 = arith.index_cast %parallel_loop3A_9 : i32 to index
      %parallel_loop3A_256 = tpu.vector_load %arg5[%parallel_loop3A_254, %parallel_loop3A_255] {strides = array<i32>} : memref<64x512xf32, #tpu.memory_space<vmem>>, vector<16xf32>,
      %parallel_loop3A_257 = vector.bitcast %parallel_loop3A_256 : vector<16xf32> to vector<16xi32>
      %parallel_loop3A_258 = arith.constant -64 : i32
      %parallel_loop3A_259 = vector.broadcast %parallel_loop3A_258 : i32 to vector<16xi32>
      %parallel_loop3A_260 = arith.andi %parallel_loop3A_257, %parallel_loop3A_259 : vector<16xi32>
      %parallel_loop3A_261 = arith.constant 43 : i32
      %parallel_loop3A_262 = vector.broadcast %parallel_loop3A_261 : i32 to vector<16xi32>
      %parallel_loop3A_263 = arith.ori %parallel_loop3A_260, %parallel_loop3A_262 : vector<16xi32>
      %parallel_loop3A_264 = vector.bitcast %parallel_loop3A_263 : vector<16xi32> to vector<16xf32>
      %parallel_loop3A_265 = arith.constant 21 : i32
      %parallel_loop3A_266 = arith.index_cast %parallel_loop3A_265 : i32 to index
      %parallel_loop3A_267 = arith.index_cast %parallel_loop3A_9 : i32 to index
      %parallel_loop3A_268 = tpu.vector_load %arg5[%parallel_loop3A_266, %parallel_loop3A_267] {strides = array<i32>} : memref<64x512xf32, #tpu.memory_space<vmem>>, vector<16xf32>,
      %parallel_loop3A_269 = vector.bitcast %parallel_loop3A_268 : vector<16xf32> to vector<16xi32>
      %parallel_loop3A_270 = arith.constant -64 : i32
      %parallel_loop3A_271 = vector.broadcast %parallel_loop3A_270 : i32 to vector<16xi32>
      %parallel_loop3A_272 = arith.andi %parallel_loop3A_269, %parallel_loop3A_271 : vector<16xi32>
      %parallel_loop3A_273 = arith.constant 42 : i32
      %parallel_loop3A_274 = vector.broadcast %parallel_loop3A_273 : i32 to vector<16xi32>
      %parallel_loop3A_275 = arith.ori %parallel_loop3A_272, %parallel_loop3A_274 : vector<16xi32>
      %parallel_loop3A_276 = vector.bitcast %parallel_loop3A_275 : vector<16xi32> to vector<16xf32>
      %parallel_loop3A_277 = arith.constant 22 : i32
      %parallel_loop3A_278 = arith.index_cast %parallel_loop3A_277 : i32 to index
      %parallel_loop3A_279 = arith.index_cast %parallel_loop3A_9 : i32 to index
      %parallel_loop3A_280 = tpu.vector_load %arg5[%parallel_loop3A_278, %parallel_loop3A_279] {strides = array<i32>} : memref<64x512xf32, #tpu.memory_space<vmem>>, vector<16xf32>,
      %parallel_loop3A_281 = vector.bitcast %parallel_loop3A_280 : vector<16xf32> to vector<16xi32>
      %parallel_loop3A_282 = arith.constant -64 : i32
      %parallel_loop3A_283 = vector.broadcast %parallel_loop3A_282 : i32 to vector<16xi32>
      %parallel_loop3A_284 = arith.andi %parallel_loop3A_281, %parallel_loop3A_283 : vector<16xi32>
      %parallel_loop3A_285 = arith.constant 41 : i32
      %parallel_loop3A_286 = vector.broadcast %parallel_loop3A_285 : i32 to vector<16xi32>
      %parallel_loop3A_287 = arith.ori %parallel_loop3A_284, %parallel_loop3A_286 : vector<16xi32>
      %parallel_loop3A_288 = vector.bitcast %parallel_loop3A_287 : vector<16xi32> to vector<16xf32>
      %parallel_loop3A_289 = arith.constant 23 : i32
      %parallel_loop3A_290 = arith.index_cast %parallel_loop3A_289 : i32 to index
      %parallel_loop3A_291 = arith.index_cast %parallel_loop3A_9 : i32 to index
      %parallel_loop3A_292 = tpu.vector_load %arg5[%parallel_loop3A_290, %parallel_loop3A_291] {strides = array<i32>} : memref<64x512xf32, #tpu.memory_space<vmem>>, vector<16xf32>,
      %parallel_loop3A_293 = vector.bitcast %parallel_loop3A_292 : vector<16xf32> to vector<16xi32>
      %parallel_loop3A_294 = arith.constant -64 : i32
      %parallel_loop3A_295 = vector.broadcast %parallel_loop3A_294 : i32 to vector<16xi32>
      %parallel_loop3A_296 = arith.andi %parallel_loop3A_293, %parallel_loop3A_295 : vector<16xi32>
      %parallel_loop3A_297 = arith.constant 40 : i32
      %parallel_loop3A_298 = vector.broadcast %parallel_loop3A_297 : i32 to vector<16xi32>
      %parallel_loop3A_299 = arith.ori %parallel_loop3A_296, %parallel_loop3A_298 : vector<16xi32>
      %parallel_loop3A_300 = vector.bitcast %parallel_loop3A_299 : vector<16xi32> to vector<16xf32>
      %parallel_loop3A_301 = arith.constant 24 : i32
      %parallel_loop3A_302 = arith.index_cast %parallel_loop3A_301 : i32 to index
      %parallel_loop3A_303 = arith.index_cast %parallel_loop3A_9 : i32 to index
      %parallel_loop3A_304 = tpu.vector_load %arg5[%parallel_loop3A_302, %parallel_loop3A_303] {strides = array<i32>} : memref<64x512xf32, #tpu.memory_space<vmem>>, vector<16xf32>,
      %parallel_loop3A_305 = vector.bitcast %parallel_loop3A_304 : vector<16xf32> to vector<16xi32>
      %parallel_loop3A_306 = arith.constant -64 : i32
      %parallel_loop3A_307 = vector.broadcast %parallel_loop3A_306 : i32 to vector<16xi32>
      %parallel_loop3A_308 = arith.andi %parallel_loop3A_305, %parallel_loop3A_307 : vector<16xi32>
      %parallel_loop3A_309 = arith.constant 39 : i32
      %parallel_loop3A_310 = vector.broadcast %parallel_loop3A_309 : i32 to vector<16xi32>
      %parallel_loop3A_311 = arith.ori %parallel_loop3A_308, %parallel_loop3A_310 : vector<16xi32>
      %parallel_loop3A_312 = vector.bitcast %parallel_loop3A_311 : vector<16xi32> to vector<16xf32>
      %parallel_loop3A_313 = arith.constant 25 : i32
      %parallel_loop3A_314 = arith.index_cast %parallel_loop3A_313 : i32 to index
      %parallel_loop3A_315 = arith.index_cast %parallel_loop3A_9 : i32 to index
      %parallel_loop3A_316 = tpu.vector_load %arg5[%parallel_loop3A_314, %parallel_loop3A_315] {strides = array<i32>} : memref<64x512xf32, #tpu.memory_space<vmem>>, vector<16xf32>,
      %parallel_loop3A_317 = vector.bitcast %parallel_loop3A_316 : vector<16xf32> to vector<16xi32>
      %parallel_loop3A_318 = arith.constant -64 : i32
      %parallel_loop3A_319 = vector.broadcast %parallel_loop3A_318 : i32 to vector<16xi32>
      %parallel_loop3A_320 = arith.andi %parallel_loop3A_317, %parallel_loop3A_319 : vector<16xi32>
      %parallel_loop3A_321 = arith.constant 38 : i32
      %parallel_loop3A_322 = vector.broadcast %parallel_loop3A_321 : i32 to vector<16xi32>
      %parallel_loop3A_323 = arith.ori %parallel_loop3A_320, %parallel_loop3A_322 : vector<16xi32>
      %parallel_loop3A_324 = vector.bitcast %parallel_loop3A_323 : vector<16xi32> to vector<16xf32>
      %parallel_loop3A_325 = arith.constant 26 : i32
      %parallel_loop3A_326 = arith.index_cast %parallel_loop3A_325 : i32 to index
      %parallel_loop3A_327 = arith.index_cast %parallel_loop3A_9 : i32 to index
      %parallel_loop3A_328 = tpu.vector_load %arg5[%parallel_loop3A_326, %parallel_loop3A_327] {strides = array<i32>} : memref<64x512xf32, #tpu.memory_space<vmem>>, vector<16xf32>,
      %parallel_loop3A_329 = vector.bitcast %parallel_loop3A_328 : vector<16xf32> to vector<16xi32>
      %parallel_loop3A_330 = arith.constant -64 : i32
      %parallel_loop3A_331 = vector.broadcast %parallel_loop3A_330 : i32 to vector<16xi32>
      %parallel_loop3A_332 = arith.andi %parallel_loop3A_329, %parallel_loop3A_331 : vector<16xi32>
      %parallel_loop3A_333 = arith.constant 37 : i32
      %parallel_loop3A_334 = vector.broadcast %parallel_loop3A_333 : i32 to vector<16xi32>
      %parallel_loop3A_335 = arith.ori %parallel_loop3A_332, %parallel_loop3A_334 : vector<16xi32>
      %parallel_loop3A_336 = vector.bitcast %parallel_loop3A_335 : vector<16xi32> to vector<16xf32>
      %parallel_loop3A_337 = arith.constant 27 : i32
      %parallel_loop3A_338 = arith.index_cast %parallel_loop3A_337 : i32 to index
      %parallel_loop3A_339 = arith.index_cast %parallel_loop3A_9 : i32 to index
      %parallel_loop3A_340 = tpu.vector_load %arg5[%parallel_loop3A_338, %parallel_loop3A_339] {strides = array<i32>} : memref<64x512xf32, #tpu.memory_space<vmem>>, vector<16xf32>,
      %parallel_loop3A_341 = vector.bitcast %parallel_loop3A_340 : vector<16xf32> to vector<16xi32>
      %parallel_loop3A_342 = arith.constant -64 : i32
      %parallel_loop3A_343 = vector.broadcast %parallel_loop3A_342 : i32 to vector<16xi32>
      %parallel_loop3A_344 = arith.andi %parallel_loop3A_341, %parallel_loop3A_343 : vector<16xi32>
      %parallel_loop3A_345 = arith.constant 36 : i32
      %parallel_loop3A_346 = vector.broadcast %parallel_loop3A_345 : i32 to vector<16xi32>
      %parallel_loop3A_347 = arith.ori %parallel_loop3A_344, %parallel_loop3A_346 : vector<16xi32>
      %parallel_loop3A_348 = vector.bitcast %parallel_loop3A_347 : vector<16xi32> to vector<16xf32>
      %parallel_loop3A_349 = arith.constant 28 : i32
      %parallel_loop3A_350 = arith.index_cast %parallel_loop3A_349 : i32 to index
      %parallel_loop3A_351 = arith.index_cast %parallel_loop3A_9 : i32 to index
      %parallel_loop3A_352 = tpu.vector_load %arg5[%parallel_loop3A_350, %parallel_loop3A_351] {strides = array<i32>} : memref<64x512xf32, #tpu.memory_space<vmem>>, vector<16xf32>,
      %parallel_loop3A_353 = vector.bitcast %parallel_loop3A_352 : vector<16xf32> to vector<16xi32>
      %parallel_loop3A_354 = arith.constant -64 : i32
      %parallel_loop3A_355 = vector.broadcast %parallel_loop3A_354 : i32 to vector<16xi32>
      %parallel_loop3A_356 = arith.andi %parallel_loop3A_353, %parallel_loop3A_355 : vector<16xi32>
      %parallel_loop3A_357 = arith.constant 35 : i32
      %parallel_loop3A_358 = vector.broadcast %parallel_loop3A_357 : i32 to vector<16xi32>
      %parallel_loop3A_359 = arith.ori %parallel_loop3A_356, %parallel_loop3A_358 : vector<16xi32>
      %parallel_loop3A_360 = vector.bitcast %parallel_loop3A_359 : vector<16xi32> to vector<16xf32>
      %parallel_loop3A_361 = arith.constant 29 : i32
      %parallel_loop3A_362 = arith.index_cast %parallel_loop3A_361 : i32 to index
      %parallel_loop3A_363 = arith.index_cast %parallel_loop3A_9 : i32 to index
      %parallel_loop3A_364 = tpu.vector_load %arg5[%parallel_loop3A_362, %parallel_loop3A_363] {strides = array<i32>} : memref<64x512xf32, #tpu.memory_space<vmem>>, vector<16xf32>,
      %parallel_loop3A_365 = vector.bitcast %parallel_loop3A_364 : vector<16xf32> to vector<16xi32>
      %parallel_loop3A_366 = arith.constant -64 : i32
      %parallel_loop3A_367 = vector.broadcast %parallel_loop3A_366 : i32 to vector<16xi32>
      %parallel_loop3A_368 = arith.andi %parallel_loop3A_365, %parallel_loop3A_367 : vector<16xi32>
      %parallel_loop3A_369 = arith.constant 34 : i32
      %parallel_loop3A_370 = vector.broadcast %parallel_loop3A_369 : i32 to vector<16xi32>
      %parallel_loop3A_371 = arith.ori %parallel_loop3A_368, %parallel_loop3A_370 : vector<16xi32>
      %parallel_loop3A_372 = vector.bitcast %parallel_loop3A_371 : vector<16xi32> to vector<16xf32>
      %parallel_loop3A_373 = arith.constant 30 : i32
      %parallel_loop3A_374 = arith.index_cast %parallel_loop3A_373 : i32 to index
      %parallel_loop3A_375 = arith.index_cast %parallel_loop3A_9 : i32 to index
      %parallel_loop3A_376 = tpu.vector_load %arg5[%parallel_loop3A_374, %parallel_loop3A_375] {strides = array<i32>} : memref<64x512xf32, #tpu.memory_space<vmem>>, vector<16xf32>,
      %parallel_loop3A_377 = vector.bitcast %parallel_loop3A_376 : vector<16xf32> to vector<16xi32>
      %parallel_loop3A_378 = arith.constant -64 : i32
      %parallel_loop3A_379 = vector.broadcast %parallel_loop3A_378 : i32 to vector<16xi32>
      %parallel_loop3A_380 = arith.andi %parallel_loop3A_377, %parallel_loop3A_379 : vector<16xi32>
      %parallel_loop3A_381 = arith.constant 33 : i32
      %parallel_loop3A_382 = vector.broadcast %parallel_loop3A_381 : i32 to vector<16xi32>
      %parallel_loop3A_383 = arith.ori %parallel_loop3A_380, %parallel_loop3A_382 : vector<16xi32>
      %parallel_loop3A_384 = vector.bitcast %parallel_loop3A_383 : vector<16xi32> to vector<16xf32>
      %parallel_loop3A_385 = arith.constant 31 : i32
      %parallel_loop3A_386 = arith.index_cast %parallel_loop3A_385 : i32 to index
      %parallel_loop3A_387 = arith.index_cast %parallel_loop3A_9 : i32 to index
      %parallel_loop3A_388 = tpu.vector_load %arg5[%parallel_loop3A_386, %parallel_loop3A_387] {strides = array<i32>} : memref<64x512xf32, #tpu.memory_space<vmem>>, vector<16xf32>,
      %parallel_loop3A_389 = vector.bitcast %parallel_loop3A_388 : vector<16xf32> to vector<16xi32>
      %parallel_loop3A_390 = arith.constant -64 : i32
      %parallel_loop3A_391 = vector.broadcast %parallel_loop3A_390 : i32 to vector<16xi32>
      %parallel_loop3A_392 = arith.andi %parallel_loop3A_389, %parallel_loop3A_391 : vector<16xi32>
      %parallel_loop3A_393 = arith.constant 32 : i32
      %parallel_loop3A_394 = vector.broadcast %parallel_loop3A_393 : i32 to vector<16xi32>
      %parallel_loop3A_395 = arith.ori %parallel_loop3A_392, %parallel_loop3A_394 : vector<16xi32>
      %parallel_loop3A_396 = vector.bitcast %parallel_loop3A_395 : vector<16xi32> to vector<16xf32>
      %parallel_loop3A_397 = arith.constant 32 : i32
      %parallel_loop3A_398 = arith.index_cast %parallel_loop3A_397 : i32 to index
      %parallel_loop3A_399 = arith.index_cast %parallel_loop3A_9 : i32 to index
      %parallel_loop3A_400 = tpu.vector_load %arg5[%parallel_loop3A_398, %parallel_loop3A_399] {strides = array<i32>} : memref<64x512xf32, #tpu.memory_space<vmem>>, vector<16xf32>,
      %parallel_loop3A_401 = vector.bitcast %parallel_loop3A_400 : vector<16xf32> to vector<16xi32>
      %parallel_loop3A_402 = arith.constant -64 : i32
      %parallel_loop3A_403 = vector.broadcast %parallel_loop3A_402 : i32 to vector<16xi32>
      %parallel_loop3A_404 = arith.andi %parallel_loop3A_401, %parallel_loop3A_403 : vector<16xi32>
      %parallel_loop3A_405 = arith.constant 31 : i32
      %parallel_loop3A_406 = vector.broadcast %parallel_loop3A_405 : i32 to vector<16xi32>
      %parallel_loop3A_407 = arith.ori %parallel_loop3A_404, %parallel_loop3A_406 : vector<16xi32>
      %parallel_loop3A_408 = vector.bitcast %parallel_loop3A_407 : vector<16xi32> to vector<16xf32>
      %parallel_loop3A_409 = arith.constant 33 : i32
      %parallel_loop3A_410 = arith.index_cast %parallel_loop3A_409 : i32 to index
      %parallel_loop3A_411 = arith.index_cast %parallel_loop3A_9 : i32 to index
      %parallel_loop3A_412 = tpu.vector_load %arg5[%parallel_loop3A_410, %parallel_loop3A_411] {strides = array<i32>} : memref<64x512xf32, #tpu.memory_space<vmem>>, vector<16xf32>,
      %parallel_loop3A_413 = vector.bitcast %parallel_loop3A_412 : vector<16xf32> to vector<16xi32>
      %parallel_loop3A_414 = arith.constant -64 : i32
      %parallel_loop3A_415 = vector.broadcast %parallel_loop3A_414 : i32 to vector<16xi32>
      %parallel_loop3A_416 = arith.andi %parallel_loop3A_413, %parallel_loop3A_415 : vector<16xi32>
      %parallel_loop3A_417 = arith.constant 30 : i32
      %parallel_loop3A_418 = vector.broadcast %parallel_loop3A_417 : i32 to vector<16xi32>
      %parallel_loop3A_419 = arith.ori %parallel_loop3A_416, %parallel_loop3A_418 : vector<16xi32>
      %parallel_loop3A_420 = vector.bitcast %parallel_loop3A_419 : vector<16xi32> to vector<16xf32>
      %parallel_loop3A_421 = arith.constant 34 : i32
      %parallel_loop3A_422 = arith.index_cast %parallel_loop3A_421 : i32 to index
      %parallel_loop3A_423 = arith.index_cast %parallel_loop3A_9 : i32 to index
      %parallel_loop3A_424 = tpu.vector_load %arg5[%parallel_loop3A_422, %parallel_loop3A_423] {strides = array<i32>} : memref<64x512xf32, #tpu.memory_space<vmem>>, vector<16xf32>,
      %parallel_loop3A_425 = vector.bitcast %parallel_loop3A_424 : vector<16xf32> to vector<16xi32>
      %parallel_loop3A_426 = arith.constant -64 : i32
      %parallel_loop3A_427 = vector.broadcast %parallel_loop3A_426 : i32 to vector<16xi32>
      %parallel_loop3A_428 = arith.andi %parallel_loop3A_425, %parallel_loop3A_427 : vector<16xi32>
      %parallel_loop3A_429 = arith.constant 29 : i32
      %parallel_loop3A_430 = vector.broadcast %parallel_loop3A_429 : i32 to vector<16xi32>
      %parallel_loop3A_431 = arith.ori %parallel_loop3A_428, %parallel_loop3A_430 : vector<16xi32>
      %parallel_loop3A_432 = vector.bitcast %parallel_loop3A_431 : vector<16xi32> to vector<16xf32>
      %parallel_loop3A_433 = arith.constant 35 : i32
      %parallel_loop3A_434 = arith.index_cast %parallel_loop3A_433 : i32 to index
      %parallel_loop3A_435 = arith.index_cast %parallel_loop3A_9 : i32 to index
      %parallel_loop3A_436 = tpu.vector_load %arg5[%parallel_loop3A_434, %parallel_loop3A_435] {strides = array<i32>} : memref<64x512xf32, #tpu.memory_space<vmem>>, vector<16xf32>,
      %parallel_loop3A_437 = vector.bitcast %parallel_loop3A_436 : vector<16xf32> to vector<16xi32>
      %parallel_loop3A_438 = arith.constant -64 : i32
      %parallel_loop3A_439 = vector.broadcast %parallel_loop3A_438 : i32 to vector<16xi32>
      %parallel_loop3A_440 = arith.andi %parallel_loop3A_437, %parallel_loop3A_439 : vector<16xi32>
      %parallel_loop3A_441 = arith.constant 28 : i32
      %parallel_loop3A_442 = vector.broadcast %parallel_loop3A_441 : i32 to vector<16xi32>
      %parallel_loop3A_443 = arith.ori %parallel_loop3A_440, %parallel_loop3A_442 : vector<16xi32>
      %parallel_loop3A_444 = vector.bitcast %parallel_loop3A_443 : vector<16xi32> to vector<16xf32>
      %parallel_loop3A_445 = arith.constant 36 : i32
      %parallel_loop3A_446 = arith.index_cast %parallel_loop3A_445 : i32 to index
      %parallel_loop3A_447 = arith.index_cast %parallel_loop3A_9 : i32 to index
      %parallel_loop3A_448 = tpu.vector_load %arg5[%parallel_loop3A_446, %parallel_loop3A_447] {strides = array<i32>} : memref<64x512xf32, #tpu.memory_space<vmem>>, vector<16xf32>,
      %parallel_loop3A_449 = vector.bitcast %parallel_loop3A_448 : vector<16xf32> to vector<16xi32>
      %parallel_loop3A_450 = arith.constant -64 : i32
      %parallel_loop3A_451 = vector.broadcast %parallel_loop3A_450 : i32 to vector<16xi32>
      %parallel_loop3A_452 = arith.andi %parallel_loop3A_449, %parallel_loop3A_451 : vector<16xi32>
      %parallel_loop3A_453 = arith.constant 27 : i32
      %parallel_loop3A_454 = vector.broadcast %parallel_loop3A_453 : i32 to vector<16xi32>
      %parallel_loop3A_455 = arith.ori %parallel_loop3A_452, %parallel_loop3A_454 : vector<16xi32>
      %parallel_loop3A_456 = vector.bitcast %parallel_loop3A_455 : vector<16xi32> to vector<16xf32>
      %parallel_loop3A_457 = arith.constant 37 : i32
      %parallel_loop3A_458 = arith.index_cast %parallel_loop3A_457 : i32 to index
      %parallel_loop3A_459 = arith.index_cast %parallel_loop3A_9 : i32 to index
      %parallel_loop3A_460 = tpu.vector_load %arg5[%parallel_loop3A_458, %parallel_loop3A_459] {strides = array<i32>} : memref<64x512xf32, #tpu.memory_space<vmem>>, vector<16xf32>,
      %parallel_loop3A_461 = vector.bitcast %parallel_loop3A_460 : vector<16xf32> to vector<16xi32>
      %parallel_loop3A_462 = arith.constant -64 : i32
      %parallel_loop3A_463 = vector.broadcast %parallel_loop3A_462 : i32 to vector<16xi32>
      %parallel_loop3A_464 = arith.andi %parallel_loop3A_461, %parallel_loop3A_463 : vector<16xi32>
      %parallel_loop3A_465 = arith.constant 26 : i32
      %parallel_loop3A_466 = vector.broadcast %parallel_loop3A_465 : i32 to vector<16xi32>
      %parallel_loop3A_467 = arith.ori %parallel_loop3A_464, %parallel_loop3A_466 : vector<16xi32>
      %parallel_loop3A_468 = vector.bitcast %parallel_loop3A_467 : vector<16xi32> to vector<16xf32>
      %parallel_loop3A_469 = arith.constant 38 : i32
      %parallel_loop3A_470 = arith.index_cast %parallel_loop3A_469 : i32 to index
      %parallel_loop3A_471 = arith.index_cast %parallel_loop3A_9 : i32 to index
      %parallel_loop3A_472 = tpu.vector_load %arg5[%parallel_loop3A_470, %parallel_loop3A_471] {strides = array<i32>} : memref<64x512xf32, #tpu.memory_space<vmem>>, vector<16xf32>,
      %parallel_loop3A_473 = vector.bitcast %parallel_loop3A_472 : vector<16xf32> to vector<16xi32>
      %parallel_loop3A_474 = arith.constant -64 : i32
      %parallel_loop3A_475 = vector.broadcast %parallel_loop3A_474 : i32 to vector<16xi32>
      %parallel_loop3A_476 = arith.andi %parallel_loop3A_473, %parallel_loop3A_475 : vector<16xi32>
      %parallel_loop3A_477 = arith.constant 25 : i32
      %parallel_loop3A_478 = vector.broadcast %parallel_loop3A_477 : i32 to vector<16xi32>
      %parallel_loop3A_479 = arith.ori %parallel_loop3A_476, %parallel_loop3A_478 : vector<16xi32>
      %parallel_loop3A_480 = vector.bitcast %parallel_loop3A_479 : vector<16xi32> to vector<16xf32>
      %parallel_loop3A_481 = arith.constant 39 : i32
      %parallel_loop3A_482 = arith.index_cast %parallel_loop3A_481 : i32 to index
      %parallel_loop3A_483 = arith.index_cast %parallel_loop3A_9 : i32 to index
      %parallel_loop3A_484 = tpu.vector_load %arg5[%parallel_loop3A_482, %parallel_loop3A_483] {strides = array<i32>} : memref<64x512xf32, #tpu.memory_space<vmem>>, vector<16xf32>,
      %parallel_loop3A_485 = vector.bitcast %parallel_loop3A_484 : vector<16xf32> to vector<16xi32>
      %parallel_loop3A_486 = arith.constant -64 : i32
      %parallel_loop3A_487 = vector.broadcast %parallel_loop3A_486 : i32 to vector<16xi32>
      %parallel_loop3A_488 = arith.andi %parallel_loop3A_485, %parallel_loop3A_487 : vector<16xi32>
      %parallel_loop3A_489 = arith.constant 24 : i32
      %parallel_loop3A_490 = vector.broadcast %parallel_loop3A_489 : i32 to vector<16xi32>
      %parallel_loop3A_491 = arith.ori %parallel_loop3A_488, %parallel_loop3A_490 : vector<16xi32>
      %parallel_loop3A_492 = vector.bitcast %parallel_loop3A_491 : vector<16xi32> to vector<16xf32>
      %parallel_loop3A_493 = arith.constant 40 : i32
      %parallel_loop3A_494 = arith.index_cast %parallel_loop3A_493 : i32 to index
      %parallel_loop3A_495 = arith.index_cast %parallel_loop3A_9 : i32 to index
      %parallel_loop3A_496 = tpu.vector_load %arg5[%parallel_loop3A_494, %parallel_loop3A_495] {strides = array<i32>} : memref<64x512xf32, #tpu.memory_space<vmem>>, vector<16xf32>,
      %parallel_loop3A_497 = vector.bitcast %parallel_loop3A_496 : vector<16xf32> to vector<16xi32>
      %parallel_loop3A_498 = arith.constant -64 : i32
      %parallel_loop3A_499 = vector.broadcast %parallel_loop3A_498 : i32 to vector<16xi32>
      %parallel_loop3A_500 = arith.andi %parallel_loop3A_497, %parallel_loop3A_499 : vector<16xi32>
      %parallel_loop3A_501 = arith.constant 23 : i32
      %parallel_loop3A_502 = vector.broadcast %parallel_loop3A_501 : i32 to vector<16xi32>
      %parallel_loop3A_503 = arith.ori %parallel_loop3A_500, %parallel_loop3A_502 : vector<16xi32>
      %parallel_loop3A_504 = vector.bitcast %parallel_loop3A_503 : vector<16xi32> to vector<16xf32>
      %parallel_loop3A_505 = arith.constant 41 : i32
      %parallel_loop3A_506 = arith.index_cast %parallel_loop3A_505 : i32 to index
      %parallel_loop3A_507 = arith.index_cast %parallel_loop3A_9 : i32 to index
      %parallel_loop3A_508 = tpu.vector_load %arg5[%parallel_loop3A_506, %parallel_loop3A_507] {strides = array<i32>} : memref<64x512xf32, #tpu.memory_space<vmem>>, vector<16xf32>,
      %parallel_loop3A_509 = vector.bitcast %parallel_loop3A_508 : vector<16xf32> to vector<16xi32>
      %parallel_loop3A_510 = arith.constant -64 : i32
      %parallel_loop3A_511 = vector.broadcast %parallel_loop3A_510 : i32 to vector<16xi32>
      %parallel_loop3A_512 = arith.andi %parallel_loop3A_509, %parallel_loop3A_511 : vector<16xi32>
      %parallel_loop3A_513 = arith.constant 22 : i32
      %parallel_loop3A_514 = vector.broadcast %parallel_loop3A_513 : i32 to vector<16xi32>
      %parallel_loop3A_515 = arith.ori %parallel_loop3A_512, %parallel_loop3A_514 : vector<16xi32>
      %parallel_loop3A_516 = vector.bitcast %parallel_loop3A_515 : vector<16xi32> to vector<16xf32>
      %parallel_loop3A_517 = arith.constant 42 : i32
      %parallel_loop3A_518 = arith.index_cast %parallel_loop3A_517 : i32 to index
      %parallel_loop3A_519 = arith.index_cast %parallel_loop3A_9 : i32 to index
      %parallel_loop3A_520 = tpu.vector_load %arg5[%parallel_loop3A_518, %parallel_loop3A_519] {strides = array<i32>} : memref<64x512xf32, #tpu.memory_space<vmem>>, vector<16xf32>,
      %parallel_loop3A_521 = vector.bitcast %parallel_loop3A_520 : vector<16xf32> to vector<16xi32>
      %parallel_loop3A_522 = arith.constant -64 : i32
      %parallel_loop3A_523 = vector.broadcast %parallel_loop3A_522 : i32 to vector<16xi32>
      %parallel_loop3A_524 = arith.andi %parallel_loop3A_521, %parallel_loop3A_523 : vector<16xi32>
      %parallel_loop3A_525 = arith.constant 21 : i32
      %parallel_loop3A_526 = vector.broadcast %parallel_loop3A_525 : i32 to vector<16xi32>
      %parallel_loop3A_527 = arith.ori %parallel_loop3A_524, %parallel_loop3A_526 : vector<16xi32>
      %parallel_loop3A_528 = vector.bitcast %parallel_loop3A_527 : vector<16xi32> to vector<16xf32>
      %parallel_loop3A_529 = arith.constant 43 : i32
      %parallel_loop3A_530 = arith.index_cast %parallel_loop3A_529 : i32 to index
      %parallel_loop3A_531 = arith.index_cast %parallel_loop3A_9 : i32 to index
      %parallel_loop3A_532 = tpu.vector_load %arg5[%parallel_loop3A_530, %parallel_loop3A_531] {strides = array<i32>} : memref<64x512xf32, #tpu.memory_space<vmem>>, vector<16xf32>,
      %parallel_loop3A_533 = vector.bitcast %parallel_loop3A_532 : vector<16xf32> to vector<16xi32>
      %parallel_loop3A_534 = arith.constant -64 : i32
      %parallel_loop3A_535 = vector.broadcast %parallel_loop3A_534 : i32 to vector<16xi32>
      %parallel_loop3A_536 = arith.andi %parallel_loop3A_533, %parallel_loop3A_535 : vector<16xi32>
      %parallel_loop3A_537 = arith.constant 20 : i32
      %parallel_loop3A_538 = vector.broadcast %parallel_loop3A_537 : i32 to vector<16xi32>
      %parallel_loop3A_539 = arith.ori %parallel_loop3A_536, %parallel_loop3A_538 : vector<16xi32>
      %parallel_loop3A_540 = vector.bitcast %parallel_loop3A_539 : vector<16xi32> to vector<16xf32>
      %parallel_loop3A_541 = arith.constant 44 : i32
      %parallel_loop3A_542 = arith.index_cast %parallel_loop3A_541 : i32 to index
      %parallel_loop3A_543 = arith.index_cast %parallel_loop3A_9 : i32 to index
      %parallel_loop3A_544 = tpu.vector_load %arg5[%parallel_loop3A_542, %parallel_loop3A_543] {strides = array<i32>} : memref<64x512xf32, #tpu.memory_space<vmem>>, vector<16xf32>,
      %parallel_loop3A_545 = vector.bitcast %parallel_loop3A_544 : vector<16xf32> to vector<16xi32>
      %parallel_loop3A_546 = arith.constant -64 : i32
      %parallel_loop3A_547 = vector.broadcast %parallel_loop3A_546 : i32 to vector<16xi32>
      %parallel_loop3A_548 = arith.andi %parallel_loop3A_545, %parallel_loop3A_547 : vector<16xi32>
      %parallel_loop3A_549 = arith.constant 19 : i32
      %parallel_loop3A_550 = vector.broadcast %parallel_loop3A_549 : i32 to vector<16xi32>
      %parallel_loop3A_551 = arith.ori %parallel_loop3A_548, %parallel_loop3A_550 : vector<16xi32>
      %parallel_loop3A_552 = vector.bitcast %parallel_loop3A_551 : vector<16xi32> to vector<16xf32>
      %parallel_loop3A_553 = arith.constant 45 : i32
      %parallel_loop3A_554 = arith.index_cast %parallel_loop3A_553 : i32 to index
      %parallel_loop3A_555 = arith.index_cast %parallel_loop3A_9 : i32 to index
      %parallel_loop3A_556 = tpu.vector_load %arg5[%parallel_loop3A_554, %parallel_loop3A_555] {strides = array<i32>} : memref<64x512xf32, #tpu.memory_space<vmem>>, vector<16xf32>,
      %parallel_loop3A_557 = vector.bitcast %parallel_loop3A_556 : vector<16xf32> to vector<16xi32>
      %parallel_loop3A_558 = arith.constant -64 : i32
      %parallel_loop3A_559 = vector.broadcast %parallel_loop3A_558 : i32 to vector<16xi32>
      %parallel_loop3A_560 = arith.andi %parallel_loop3A_557, %parallel_loop3A_559 : vector<16xi32>
      %parallel_loop3A_561 = arith.constant 18 : i32
      %parallel_loop3A_562 = vector.broadcast %parallel_loop3A_561 : i32 to vector<16xi32>
      %parallel_loop3A_563 = arith.ori %parallel_loop3A_560, %parallel_loop3A_562 : vector<16xi32>
      %parallel_loop3A_564 = vector.bitcast %parallel_loop3A_563 : vector<16xi32> to vector<16xf32>
      %parallel_loop3A_565 = arith.constant 46 : i32
      %parallel_loop3A_566 = arith.index_cast %parallel_loop3A_565 : i32 to index
      %parallel_loop3A_567 = arith.index_cast %parallel_loop3A_9 : i32 to index
      %parallel_loop3A_568 = tpu.vector_load %arg5[%parallel_loop3A_566, %parallel_loop3A_567] {strides = array<i32>} : memref<64x512xf32, #tpu.memory_space<vmem>>, vector<16xf32>,
      %parallel_loop3A_569 = vector.bitcast %parallel_loop3A_568 : vector<16xf32> to vector<16xi32>
      %parallel_loop3A_570 = arith.constant -64 : i32
      %parallel_loop3A_571 = vector.broadcast %parallel_loop3A_570 : i32 to vector<16xi32>
      %parallel_loop3A_572 = arith.andi %parallel_loop3A_569, %parallel_loop3A_571 : vector<16xi32>
      %parallel_loop3A_573 = arith.constant 17 : i32
      %parallel_loop3A_574 = vector.broadcast %parallel_loop3A_573 : i32 to vector<16xi32>
      %parallel_loop3A_575 = arith.ori %parallel_loop3A_572, %parallel_loop3A_574 : vector<16xi32>
      %parallel_loop3A_576 = vector.bitcast %parallel_loop3A_575 : vector<16xi32> to vector<16xf32>
      %parallel_loop3A_577 = arith.constant 47 : i32
      %parallel_loop3A_578 = arith.index_cast %parallel_loop3A_577 : i32 to index
      %parallel_loop3A_579 = arith.index_cast %parallel_loop3A_9 : i32 to index
      %parallel_loop3A_580 = tpu.vector_load %arg5[%parallel_loop3A_578, %parallel_loop3A_579] {strides = array<i32>} : memref<64x512xf32, #tpu.memory_space<vmem>>, vector<16xf32>,
      %parallel_loop3A_581 = vector.bitcast %parallel_loop3A_580 : vector<16xf32> to vector<16xi32>
      %parallel_loop3A_582 = arith.constant -64 : i32
      %parallel_loop3A_583 = vector.broadcast %parallel_loop3A_582 : i32 to vector<16xi32>
      %parallel_loop3A_584 = arith.andi %parallel_loop3A_581, %parallel_loop3A_583 : vector<16xi32>
      %parallel_loop3A_585 = arith.constant 16 : i32
      %parallel_loop3A_586 = vector.broadcast %parallel_loop3A_585 : i32 to vector<16xi32>
      %parallel_loop3A_587 = arith.ori %parallel_loop3A_584, %parallel_loop3A_586 : vector<16xi32>
      %parallel_loop3A_588 = vector.bitcast %parallel_loop3A_587 : vector<16xi32> to vector<16xf32>
      %parallel_loop3A_589 = arith.constant 48 : i32
      %parallel_loop3A_590 = arith.index_cast %parallel_loop3A_589 : i32 to index
      %parallel_loop3A_591 = arith.index_cast %parallel_loop3A_9 : i32 to index
      %parallel_loop3A_592 = tpu.vector_load %arg5[%parallel_loop3A_590, %parallel_loop3A_591] {strides = array<i32>} : memref<64x512xf32, #tpu.memory_space<vmem>>, vector<16xf32>,
      %parallel_loop3A_593 = vector.bitcast %parallel_loop3A_592 : vector<16xf32> to vector<16xi32>
      %parallel_loop3A_594 = arith.constant -64 : i32
      %parallel_loop3A_595 = vector.broadcast %parallel_loop3A_594 : i32 to vector<16xi32>
      %parallel_loop3A_596 = arith.andi %parallel_loop3A_593, %parallel_loop3A_595 : vector<16xi32>
      %parallel_loop3A_597 = arith.constant 15 : i32
      %parallel_loop3A_598 = vector.broadcast %parallel_loop3A_597 : i32 to vector<16xi32>
      %parallel_loop3A_599 = arith.ori %parallel_loop3A_596, %parallel_loop3A_598 : vector<16xi32>
      %parallel_loop3A_600 = vector.bitcast %parallel_loop3A_599 : vector<16xi32> to vector<16xf32>
      %parallel_loop3A_601 = arith.constant 49 : i32
      %parallel_loop3A_602 = arith.index_cast %parallel_loop3A_601 : i32 to index
      %parallel_loop3A_603 = arith.index_cast %parallel_loop3A_9 : i32 to index
      %parallel_loop3A_604 = tpu.vector_load %arg5[%parallel_loop3A_602, %parallel_loop3A_603] {strides = array<i32>} : memref<64x512xf32, #tpu.memory_space<vmem>>, vector<16xf32>,
      %parallel_loop3A_605 = vector.bitcast %parallel_loop3A_604 : vector<16xf32> to vector<16xi32>
      %parallel_loop3A_606 = arith.constant -64 : i32
      %parallel_loop3A_607 = vector.broadcast %parallel_loop3A_606 : i32 to vector<16xi32>
      %parallel_loop3A_608 = arith.andi %parallel_loop3A_605, %parallel_loop3A_607 : vector<16xi32>
      %parallel_loop3A_609 = arith.constant 14 : i32
      %parallel_loop3A_610 = vector.broadcast %parallel_loop3A_609 : i32 to vector<16xi32>
      %parallel_loop3A_611 = arith.ori %parallel_loop3A_608, %parallel_loop3A_610 : vector<16xi32>
      %parallel_loop3A_612 = vector.bitcast %parallel_loop3A_611 : vector<16xi32> to vector<16xf32>
      %parallel_loop3A_613 = arith.constant 50 : i32
      %parallel_loop3A_614 = arith.index_cast %parallel_loop3A_613 : i32 to index
      %parallel_loop3A_615 = arith.index_cast %parallel_loop3A_9 : i32 to index
      %parallel_loop3A_616 = tpu.vector_load %arg5[%parallel_loop3A_614, %parallel_loop3A_615] {strides = array<i32>} : memref<64x512xf32, #tpu.memory_space<vmem>>, vector<16xf32>,
      %parallel_loop3A_617 = vector.bitcast %parallel_loop3A_616 : vector<16xf32> to vector<16xi32>
      %parallel_loop3A_618 = arith.constant -64 : i32
      %parallel_loop3A_619 = vector.broadcast %parallel_loop3A_618 : i32 to vector<16xi32>
      %parallel_loop3A_620 = arith.andi %parallel_loop3A_617, %parallel_loop3A_619 : vector<16xi32>
      %parallel_loop3A_621 = arith.constant 13 : i32
      %parallel_loop3A_622 = vector.broadcast %parallel_loop3A_621 : i32 to vector<16xi32>
      %parallel_loop3A_623 = arith.ori %parallel_loop3A_620, %parallel_loop3A_622 : vector<16xi32>
      %parallel_loop3A_624 = vector.bitcast %parallel_loop3A_623 : vector<16xi32> to vector<16xf32>
      %parallel_loop3A_625 = arith.constant 51 : i32
      %parallel_loop3A_626 = arith.index_cast %parallel_loop3A_625 : i32 to index
      %parallel_loop3A_627 = arith.index_cast %parallel_loop3A_9 : i32 to index
      %parallel_loop3A_628 = tpu.vector_load %arg5[%parallel_loop3A_626, %parallel_loop3A_627] {strides = array<i32>} : memref<64x512xf32, #tpu.memory_space<vmem>>, vector<16xf32>,
      %parallel_loop3A_629 = vector.bitcast %parallel_loop3A_628 : vector<16xf32> to vector<16xi32>
      %parallel_loop3A_630 = arith.constant -64 : i32
      %parallel_loop3A_631 = vector.broadcast %parallel_loop3A_630 : i32 to vector<16xi32>
      %parallel_loop3A_632 = arith.andi %parallel_loop3A_629, %parallel_loop3A_631 : vector<16xi32>
      %parallel_loop3A_633 = arith.constant 12 : i32
      %parallel_loop3A_634 = vector.broadcast %parallel_loop3A_633 : i32 to vector<16xi32>
      %parallel_loop3A_635 = arith.ori %parallel_loop3A_632, %parallel_loop3A_634 : vector<16xi32>
      %parallel_loop3A_636 = vector.bitcast %parallel_loop3A_635 : vector<16xi32> to vector<16xf32>
      %parallel_loop3A_637 = arith.constant 52 : i32
      %parallel_loop3A_638 = arith.index_cast %parallel_loop3A_637 : i32 to index
      %parallel_loop3A_639 = arith.index_cast %parallel_loop3A_9 : i32 to index
      %parallel_loop3A_640 = tpu.vector_load %arg5[%parallel_loop3A_638, %parallel_loop3A_639] {strides = array<i32>} : memref<64x512xf32, #tpu.memory_space<vmem>>, vector<16xf32>,
      %parallel_loop3A_641 = vector.bitcast %parallel_loop3A_640 : vector<16xf32> to vector<16xi32>
      %parallel_loop3A_642 = arith.constant -64 : i32
      %parallel_loop3A_643 = vector.broadcast %parallel_loop3A_642 : i32 to vector<16xi32>
      %parallel_loop3A_644 = arith.andi %parallel_loop3A_641, %parallel_loop3A_643 : vector<16xi32>
      %parallel_loop3A_645 = arith.constant 11 : i32
      %parallel_loop3A_646 = vector.broadcast %parallel_loop3A_645 : i32 to vector<16xi32>
      %parallel_loop3A_647 = arith.ori %parallel_loop3A_644, %parallel_loop3A_646 : vector<16xi32>
      %parallel_loop3A_648 = vector.bitcast %parallel_loop3A_647 : vector<16xi32> to vector<16xf32>
      %parallel_loop3A_649 = arith.constant 53 : i32
      %parallel_loop3A_650 = arith.index_cast %parallel_loop3A_649 : i32 to index
      %parallel_loop3A_651 = arith.index_cast %parallel_loop3A_9 : i32 to index
      %parallel_loop3A_652 = tpu.vector_load %arg5[%parallel_loop3A_650, %parallel_loop3A_651] {strides = array<i32>} : memref<64x512xf32, #tpu.memory_space<vmem>>, vector<16xf32>,
      %parallel_loop3A_653 = vector.bitcast %parallel_loop3A_652 : vector<16xf32> to vector<16xi32>
      %parallel_loop3A_654 = arith.constant -64 : i32
      %parallel_loop3A_655 = vector.broadcast %parallel_loop3A_654 : i32 to vector<16xi32>
      %parallel_loop3A_656 = arith.andi %parallel_loop3A_653, %parallel_loop3A_655 : vector<16xi32>
      %parallel_loop3A_657 = arith.constant 10 : i32
      %parallel_loop3A_658 = vector.broadcast %parallel_loop3A_657 : i32 to vector<16xi32>
      %parallel_loop3A_659 = arith.ori %parallel_loop3A_656, %parallel_loop3A_658 : vector<16xi32>
      %parallel_loop3A_660 = vector.bitcast %parallel_loop3A_659 : vector<16xi32> to vector<16xf32>
      %parallel_loop3A_661 = arith.constant 54 : i32
      %parallel_loop3A_662 = arith.index_cast %parallel_loop3A_661 : i32 to index
      %parallel_loop3A_663 = arith.index_cast %parallel_loop3A_9 : i32 to index
      %parallel_loop3A_664 = tpu.vector_load %arg5[%parallel_loop3A_662, %parallel_loop3A_663] {strides = array<i32>} : memref<64x512xf32, #tpu.memory_space<vmem>>, vector<16xf32>,
      %parallel_loop3A_665 = vector.bitcast %parallel_loop3A_664 : vector<16xf32> to vector<16xi32>
      %parallel_loop3A_666 = arith.constant -64 : i32
      %parallel_loop3A_667 = vector.broadcast %parallel_loop3A_666 : i32 to vector<16xi32>
      %parallel_loop3A_668 = arith.andi %parallel_loop3A_665, %parallel_loop3A_667 : vector<16xi32>
      %parallel_loop3A_669 = arith.constant 9 : i32
      %parallel_loop3A_670 = vector.broadcast %parallel_loop3A_669 : i32 to vector<16xi32>
      %parallel_loop3A_671 = arith.ori %parallel_loop3A_668, %parallel_loop3A_670 : vector<16xi32>
      %parallel_loop3A_672 = vector.bitcast %parallel_loop3A_671 : vector<16xi32> to vector<16xf32>
      %parallel_loop3A_673 = arith.constant 55 : i32
      %parallel_loop3A_674 = arith.index_cast %parallel_loop3A_673 : i32 to index
      %parallel_loop3A_675 = arith.index_cast %parallel_loop3A_9 : i32 to index
      %parallel_loop3A_676 = tpu.vector_load %arg5[%parallel_loop3A_674, %parallel_loop3A_675] {strides = array<i32>} : memref<64x512xf32, #tpu.memory_space<vmem>>, vector<16xf32>,
      %parallel_loop3A_677 = vector.bitcast %parallel_loop3A_676 : vector<16xf32> to vector<16xi32>
      %parallel_loop3A_678 = arith.constant -64 : i32
      %parallel_loop3A_679 = vector.broadcast %parallel_loop3A_678 : i32 to vector<16xi32>
      %parallel_loop3A_680 = arith.andi %parallel_loop3A_677, %parallel_loop3A_679 : vector<16xi32>
      %parallel_loop3A_681 = arith.constant 8 : i32
      %parallel_loop3A_682 = vector.broadcast %parallel_loop3A_681 : i32 to vector<16xi32>
      %parallel_loop3A_683 = arith.ori %parallel_loop3A_680, %parallel_loop3A_682 : vector<16xi32>
      %parallel_loop3A_684 = vector.bitcast %parallel_loop3A_683 : vector<16xi32> to vector<16xf32>
      %parallel_loop3A_685 = arith.constant 56 : i32
      %parallel_loop3A_686 = arith.index_cast %parallel_loop3A_685 : i32 to index
      %parallel_loop3A_687 = arith.index_cast %parallel_loop3A_9 : i32 to index
      %parallel_loop3A_688 = tpu.vector_load %arg5[%parallel_loop3A_686, %parallel_loop3A_687] {strides = array<i32>} : memref<64x512xf32, #tpu.memory_space<vmem>>, vector<16xf32>,
      %parallel_loop3A_689 = vector.bitcast %parallel_loop3A_688 : vector<16xf32> to vector<16xi32>
      %parallel_loop3A_690 = arith.constant -64 : i32
      %parallel_loop3A_691 = vector.broadcast %parallel_loop3A_690 : i32 to vector<16xi32>
      %parallel_loop3A_692 = arith.andi %parallel_loop3A_689, %parallel_loop3A_691 : vector<16xi32>
      %parallel_loop3A_693 = arith.constant 7 : i32
      %parallel_loop3A_694 = vector.broadcast %parallel_loop3A_693 : i32 to vector<16xi32>
      %parallel_loop3A_695 = arith.ori %parallel_loop3A_692, %parallel_loop3A_694 : vector<16xi32>
      %parallel_loop3A_696 = vector.bitcast %parallel_loop3A_695 : vector<16xi32> to vector<16xf32>
      %parallel_loop3A_697 = arith.constant 57 : i32
      %parallel_loop3A_698 = arith.index_cast %parallel_loop3A_697 : i32 to index
      %parallel_loop3A_699 = arith.index_cast %parallel_loop3A_9 : i32 to index
      %parallel_loop3A_700 = tpu.vector_load %arg5[%parallel_loop3A_698, %parallel_loop3A_699] {strides = array<i32>} : memref<64x512xf32, #tpu.memory_space<vmem>>, vector<16xf32>,
      %parallel_loop3A_701 = vector.bitcast %parallel_loop3A_700 : vector<16xf32> to vector<16xi32>
      %parallel_loop3A_702 = arith.constant -64 : i32
      %parallel_loop3A_703 = vector.broadcast %parallel_loop3A_702 : i32 to vector<16xi32>
      %parallel_loop3A_704 = arith.andi %parallel_loop3A_701, %parallel_loop3A_703 : vector<16xi32>
      %parallel_loop3A_705 = arith.constant 6 : i32
      %parallel_loop3A_706 = vector.broadcast %parallel_loop3A_705 : i32 to vector<16xi32>
      %parallel_loop3A_707 = arith.ori %parallel_loop3A_704, %parallel_loop3A_706 : vector<16xi32>
      %parallel_loop3A_708 = vector.bitcast %parallel_loop3A_707 : vector<16xi32> to vector<16xf32>
      %parallel_loop3A_709 = arith.constant 58 : i32
      %parallel_loop3A_710 = arith.index_cast %parallel_loop3A_709 : i32 to index
      %parallel_loop3A_711 = arith.index_cast %parallel_loop3A_9 : i32 to index
      %parallel_loop3A_712 = tpu.vector_load %arg5[%parallel_loop3A_710, %parallel_loop3A_711] {strides = array<i32>} : memref<64x512xf32, #tpu.memory_space<vmem>>, vector<16xf32>,
      %parallel_loop3A_713 = vector.bitcast %parallel_loop3A_712 : vector<16xf32> to vector<16xi32>
      %parallel_loop3A_714 = arith.constant -64 : i32
      %parallel_loop3A_715 = vector.broadcast %parallel_loop3A_714 : i32 to vector<16xi32>
      %parallel_loop3A_716 = arith.andi %parallel_loop3A_713, %parallel_loop3A_715 : vector<16xi32>
      %parallel_loop3A_717 = arith.constant 5 : i32
      %parallel_loop3A_718 = vector.broadcast %parallel_loop3A_717 : i32 to vector<16xi32>
      %parallel_loop3A_719 = arith.ori %parallel_loop3A_716, %parallel_loop3A_718 : vector<16xi32>
      %parallel_loop3A_720 = vector.bitcast %parallel_loop3A_719 : vector<16xi32> to vector<16xf32>
      %parallel_loop3A_721 = arith.constant 59 : i32
      %parallel_loop3A_722 = arith.index_cast %parallel_loop3A_721 : i32 to index
      %parallel_loop3A_723 = arith.index_cast %parallel_loop3A_9 : i32 to index
      %parallel_loop3A_724 = tpu.vector_load %arg5[%parallel_loop3A_722, %parallel_loop3A_723] {strides = array<i32>} : memref<64x512xf32, #tpu.memory_space<vmem>>, vector<16xf32>,
      %parallel_loop3A_725 = vector.bitcast %parallel_loop3A_724 : vector<16xf32> to vector<16xi32>
      %parallel_loop3A_726 = arith.constant -64 : i32
      %parallel_loop3A_727 = vector.broadcast %parallel_loop3A_726 : i32 to vector<16xi32>
      %parallel_loop3A_728 = arith.andi %parallel_loop3A_725, %parallel_loop3A_727 : vector<16xi32>
      %parallel_loop3A_729 = arith.constant 4 : i32
      %parallel_loop3A_730 = vector.broadcast %parallel_loop3A_729 : i32 to vector<16xi32>
      %parallel_loop3A_731 = arith.ori %parallel_loop3A_728, %parallel_loop3A_730 : vector<16xi32>
      %parallel_loop3A_732 = vector.bitcast %parallel_loop3A_731 : vector<16xi32> to vector<16xf32>
      %parallel_loop3A_733 = arith.constant 60 : i32
      %parallel_loop3A_734 = arith.index_cast %parallel_loop3A_733 : i32 to index
      %parallel_loop3A_735 = arith.index_cast %parallel_loop3A_9 : i32 to index
      %parallel_loop3A_736 = tpu.vector_load %arg5[%parallel_loop3A_734, %parallel_loop3A_735] {strides = array<i32>} : memref<64x512xf32, #tpu.memory_space<vmem>>, vector<16xf32>,
      %parallel_loop3A_737 = vector.bitcast %parallel_loop3A_736 : vector<16xf32> to vector<16xi32>
      %parallel_loop3A_738 = arith.constant -64 : i32
      %parallel_loop3A_739 = vector.broadcast %parallel_loop3A_738 : i32 to vector<16xi32>
      %parallel_loop3A_740 = arith.andi %parallel_loop3A_737, %parallel_loop3A_739 : vector<16xi32>
      %parallel_loop3A_741 = arith.constant 3 : i32
      %parallel_loop3A_742 = vector.broadcast %parallel_loop3A_741 : i32 to vector<16xi32>
      %parallel_loop3A_743 = arith.ori %parallel_loop3A_740, %parallel_loop3A_742 : vector<16xi32>
      %parallel_loop3A_744 = vector.bitcast %parallel_loop3A_743 : vector<16xi32> to vector<16xf32>
      %parallel_loop3A_745 = arith.constant 61 : i32
      %parallel_loop3A_746 = arith.index_cast %parallel_loop3A_745 : i32 to index
      %parallel_loop3A_747 = arith.index_cast %parallel_loop3A_9 : i32 to index
      %parallel_loop3A_748 = tpu.vector_load %arg5[%parallel_loop3A_746, %parallel_loop3A_747] {strides = array<i32>} : memref<64x512xf32, #tpu.memory_space<vmem>>, vector<16xf32>,
      %parallel_loop3A_749 = vector.bitcast %parallel_loop3A_748 : vector<16xf32> to vector<16xi32>
      %parallel_loop3A_750 = arith.constant -64 : i32
      %parallel_loop3A_751 = vector.broadcast %parallel_loop3A_750 : i32 to vector<16xi32>
      %parallel_loop3A_752 = arith.andi %parallel_loop3A_749, %parallel_loop3A_751 : vector<16xi32>
      %parallel_loop3A_753 = arith.constant 2 : i32
      %parallel_loop3A_754 = vector.broadcast %parallel_loop3A_753 : i32 to vector<16xi32>
      %parallel_loop3A_755 = arith.ori %parallel_loop3A_752, %parallel_loop3A_754 : vector<16xi32>
      %parallel_loop3A_756 = vector.bitcast %parallel_loop3A_755 : vector<16xi32> to vector<16xf32>
      %parallel_loop3A_757 = arith.constant 62 : i32
      %parallel_loop3A_758 = arith.index_cast %parallel_loop3A_757 : i32 to index
      %parallel_loop3A_759 = arith.index_cast %parallel_loop3A_9 : i32 to index
      %parallel_loop3A_760 = tpu.vector_load %arg5[%parallel_loop3A_758, %parallel_loop3A_759] {strides = array<i32>} : memref<64x512xf32, #tpu.memory_space<vmem>>, vector<16xf32>,
      %parallel_loop3A_761 = vector.bitcast %parallel_loop3A_760 : vector<16xf32> to vector<16xi32>
      %parallel_loop3A_762 = arith.constant -64 : i32
      %parallel_loop3A_763 = vector.broadcast %parallel_loop3A_762 : i32 to vector<16xi32>
      %parallel_loop3A_764 = arith.andi %parallel_loop3A_761, %parallel_loop3A_763 : vector<16xi32>
      %parallel_loop3A_765 = arith.constant 1 : i32
      %parallel_loop3A_766 = vector.broadcast %parallel_loop3A_765 : i32 to vector<16xi32>
      %parallel_loop3A_767 = arith.ori %parallel_loop3A_764, %parallel_loop3A_766 : vector<16xi32>
      %parallel_loop3A_768 = vector.bitcast %parallel_loop3A_767 : vector<16xi32> to vector<16xf32>
      %parallel_loop3A_769 = arith.constant 63 : i32
      %parallel_loop3A_770 = arith.index_cast %parallel_loop3A_769 : i32 to index
      %parallel_loop3A_771 = arith.index_cast %parallel_loop3A_9 : i32 to index
      %parallel_loop3A_772 = tpu.vector_load %arg5[%parallel_loop3A_770, %parallel_loop3A_771] {strides = array<i32>} : memref<64x512xf32, #tpu.memory_space<vmem>>, vector<16xf32>,
      %parallel_loop3A_773 = vector.bitcast %parallel_loop3A_772 : vector<16xf32> to vector<16xi32>
      %parallel_loop3A_774 = arith.constant -64 : i32
      %parallel_loop3A_775 = vector.broadcast %parallel_loop3A_774 : i32 to vector<16xi32>
      %parallel_loop3A_776 = arith.andi %parallel_loop3A_773, %parallel_loop3A_775 : vector<16xi32>
      %parallel_loop3A_777 = arith.constant 0 : i32
      %parallel_loop3A_778 = vector.broadcast %parallel_loop3A_777 : i32 to vector<16xi32>
      %parallel_loop3A_779 = arith.ori %parallel_loop3A_776, %parallel_loop3A_778 : vector<16xi32>
      %parallel_loop3A_780 = vector.bitcast %parallel_loop3A_779 : vector<16xi32> to vector<16xf32>
      %parallel_loop3A_781 = arith.maximumf %parallel_loop3A_24, %parallel_loop3A_36 : vector<16xf32>
      %parallel_loop3A_782 = arith.minimumf %parallel_loop3A_24, %parallel_loop3A_36 : vector<16xf32>
      %parallel_loop3A_783 = arith.maximumf %parallel_loop3A_48, %parallel_loop3A_60 : vector<16xf32>
      %parallel_loop3A_784 = arith.minimumf %parallel_loop3A_48, %parallel_loop3A_60 : vector<16xf32>
      %parallel_loop3A_785 = arith.maximumf %parallel_loop3A_72, %parallel_loop3A_84 : vector<16xf32>
      %parallel_loop3A_786 = arith.minimumf %parallel_loop3A_72, %parallel_loop3A_84 : vector<16xf32>
      %parallel_loop3A_787 = arith.maximumf %parallel_loop3A_96, %parallel_loop3A_108 : vector<16xf32>
      %parallel_loop3A_788 = arith.minimumf %parallel_loop3A_96, %parallel_loop3A_108 : vector<16xf32>
      %parallel_loop3A_789 = arith.maximumf %parallel_loop3A_781, %parallel_loop3A_783 : vector<16xf32>
      %parallel_loop3A_790 = arith.minimumf %parallel_loop3A_781, %parallel_loop3A_783 : vector<16xf32>
      %parallel_loop3A_791 = arith.maximumf %parallel_loop3A_782, %parallel_loop3A_784 : vector<16xf32>
      %parallel_loop3A_792 = arith.minimumf %parallel_loop3A_782, %parallel_loop3A_784 : vector<16xf32>
      %parallel_loop3A_793 = arith.maximumf %parallel_loop3A_785, %parallel_loop3A_787 : vector<16xf32>
      %parallel_loop3A_794 = arith.minimumf %parallel_loop3A_785, %parallel_loop3A_787 : vector<16xf32>
      %parallel_loop3A_795 = arith.maximumf %parallel_loop3A_786, %parallel_loop3A_788 : vector<16xf32>
      %parallel_loop3A_796 = arith.minimumf %parallel_loop3A_786, %parallel_loop3A_788 : vector<16xf32>
      %parallel_loop3A_797 = arith.maximumf %parallel_loop3A_791, %parallel_loop3A_790 : vector<16xf32>
      %parallel_loop3A_798 = arith.minimumf %parallel_loop3A_791, %parallel_loop3A_790 : vector<16xf32>
      %parallel_loop3A_799 = arith.maximumf %parallel_loop3A_795, %parallel_loop3A_794 : vector<16xf32>
      %parallel_loop3A_800 = arith.minimumf %parallel_loop3A_795, %parallel_loop3A_794 : vector<16xf32>
      %parallel_loop3A_801 = arith.maximumf %parallel_loop3A_789, %parallel_loop3A_793 : vector<16xf32>
      %parallel_loop3A_802 = arith.minimumf %parallel_loop3A_789, %parallel_loop3A_793 : vector<16xf32>
      %parallel_loop3A_803 = arith.maximumf %parallel_loop3A_797, %parallel_loop3A_799 : vector<16xf32>
      %parallel_loop3A_804 = arith.minimumf %parallel_loop3A_797, %parallel_loop3A_799 : vector<16xf32>
      %parallel_loop3A_805 = arith.maximumf %parallel_loop3A_798, %parallel_loop3A_800 : vector<16xf32>
      %parallel_loop3A_806 = arith.minimumf %parallel_loop3A_798, %parallel_loop3A_800 : vector<16xf32>
      %parallel_loop3A_807 = arith.maximumf %parallel_loop3A_792, %parallel_loop3A_796 : vector<16xf32>
      %parallel_loop3A_808 = arith.minimumf %parallel_loop3A_792, %parallel_loop3A_796 : vector<16xf32>
      %parallel_loop3A_809 = arith.maximumf %parallel_loop3A_805, %parallel_loop3A_802 : vector<16xf32>
      %parallel_loop3A_810 = arith.minimumf %parallel_loop3A_805, %parallel_loop3A_802 : vector<16xf32>
      %parallel_loop3A_811 = arith.maximumf %parallel_loop3A_807, %parallel_loop3A_804 : vector<16xf32>
      %parallel_loop3A_812 = arith.minimumf %parallel_loop3A_807, %parallel_loop3A_804 : vector<16xf32>
      %parallel_loop3A_813 = arith.maximumf %parallel_loop3A_803, %parallel_loop3A_809 : vector<16xf32>
      %parallel_loop3A_814 = arith.minimumf %parallel_loop3A_803, %parallel_loop3A_809 : vector<16xf32>
      %parallel_loop3A_815 = arith.maximumf %parallel_loop3A_811, %parallel_loop3A_810 : vector<16xf32>
      %parallel_loop3A_816 = arith.minimumf %parallel_loop3A_811, %parallel_loop3A_810 : vector<16xf32>
      %parallel_loop3A_817 = arith.maximumf %parallel_loop3A_812, %parallel_loop3A_806 : vector<16xf32>
      %parallel_loop3A_818 = arith.minimumf %parallel_loop3A_812, %parallel_loop3A_806 : vector<16xf32>
      %parallel_loop3A_819 = arith.maximumf %parallel_loop3A_120, %parallel_loop3A_132 : vector<16xf32>
      %parallel_loop3A_820 = arith.minimumf %parallel_loop3A_120, %parallel_loop3A_132 : vector<16xf32>
      %parallel_loop3A_821 = arith.maximumf %parallel_loop3A_144, %parallel_loop3A_156 : vector<16xf32>
      %parallel_loop3A_822 = arith.minimumf %parallel_loop3A_144, %parallel_loop3A_156 : vector<16xf32>
      %parallel_loop3A_823 = arith.maximumf %parallel_loop3A_168, %parallel_loop3A_180 : vector<16xf32>
      %parallel_loop3A_824 = arith.minimumf %parallel_loop3A_168, %parallel_loop3A_180 : vector<16xf32>
      %parallel_loop3A_825 = arith.maximumf %parallel_loop3A_192, %parallel_loop3A_204 : vector<16xf32>
      %parallel_loop3A_826 = arith.minimumf %parallel_loop3A_192, %parallel_loop3A_204 : vector<16xf32>
      %parallel_loop3A_827 = arith.maximumf %parallel_loop3A_819, %parallel_loop3A_821 : vector<16xf32>
      %parallel_loop3A_828 = arith.minimumf %parallel_loop3A_819, %parallel_loop3A_821 : vector<16xf32>
      %parallel_loop3A_829 = arith.maximumf %parallel_loop3A_820, %parallel_loop3A_822 : vector<16xf32>
      %parallel_loop3A_830 = arith.minimumf %parallel_loop3A_820, %parallel_loop3A_822 : vector<16xf32>
      %parallel_loop3A_831 = arith.maximumf %parallel_loop3A_823, %parallel_loop3A_825 : vector<16xf32>
      %parallel_loop3A_832 = arith.minimumf %parallel_loop3A_823, %parallel_loop3A_825 : vector<16xf32>
      %parallel_loop3A_833 = arith.maximumf %parallel_loop3A_824, %parallel_loop3A_826 : vector<16xf32>
      %parallel_loop3A_834 = arith.minimumf %parallel_loop3A_824, %parallel_loop3A_826 : vector<16xf32>
      %parallel_loop3A_835 = arith.maximumf %parallel_loop3A_829, %parallel_loop3A_828 : vector<16xf32>
      %parallel_loop3A_836 = arith.minimumf %parallel_loop3A_829, %parallel_loop3A_828 : vector<16xf32>
      %parallel_loop3A_837 = arith.maximumf %parallel_loop3A_833, %parallel_loop3A_832 : vector<16xf32>
      %parallel_loop3A_838 = arith.minimumf %parallel_loop3A_833, %parallel_loop3A_832 : vector<16xf32>
      %parallel_loop3A_839 = arith.maximumf %parallel_loop3A_827, %parallel_loop3A_831 : vector<16xf32>
      %parallel_loop3A_840 = arith.minimumf %parallel_loop3A_827, %parallel_loop3A_831 : vector<16xf32>
      %parallel_loop3A_841 = arith.maximumf %parallel_loop3A_835, %parallel_loop3A_837 : vector<16xf32>
      %parallel_loop3A_842 = arith.minimumf %parallel_loop3A_835, %parallel_loop3A_837 : vector<16xf32>
      %parallel_loop3A_843 = arith.maximumf %parallel_loop3A_836, %parallel_loop3A_838 : vector<16xf32>
      %parallel_loop3A_844 = arith.minimumf %parallel_loop3A_836, %parallel_loop3A_838 : vector<16xf32>
      %parallel_loop3A_845 = arith.maximumf %parallel_loop3A_830, %parallel_loop3A_834 : vector<16xf32>
      %parallel_loop3A_846 = arith.minimumf %parallel_loop3A_830, %parallel_loop3A_834 : vector<16xf32>
      %parallel_loop3A_847 = arith.maximumf %parallel_loop3A_843, %parallel_loop3A_840 : vector<16xf32>
      %parallel_loop3A_848 = arith.minimumf %parallel_loop3A_843, %parallel_loop3A_840 : vector<16xf32>
      %parallel_loop3A_849 = arith.maximumf %parallel_loop3A_845, %parallel_loop3A_842 : vector<16xf32>
      %parallel_loop3A_850 = arith.minimumf %parallel_loop3A_845, %parallel_loop3A_842 : vector<16xf32>
      %parallel_loop3A_851 = arith.maximumf %parallel_loop3A_841, %parallel_loop3A_847 : vector<16xf32>
      %parallel_loop3A_852 = arith.minimumf %parallel_loop3A_841, %parallel_loop3A_847 : vector<16xf32>
      %parallel_loop3A_853 = arith.maximumf %parallel_loop3A_849, %parallel_loop3A_848 : vector<16xf32>
      %parallel_loop3A_854 = arith.minimumf %parallel_loop3A_849, %parallel_loop3A_848 : vector<16xf32>
      %parallel_loop3A_855 = arith.maximumf %parallel_loop3A_850, %parallel_loop3A_844 : vector<16xf32>
      %parallel_loop3A_856 = arith.minimumf %parallel_loop3A_850, %parallel_loop3A_844 : vector<16xf32>
      %parallel_loop3A_857 = arith.maximumf %parallel_loop3A_216, %parallel_loop3A_228 : vector<16xf32>
      %parallel_loop3A_858 = arith.minimumf %parallel_loop3A_216, %parallel_loop3A_228 : vector<16xf32>
      %parallel_loop3A_859 = arith.maximumf %parallel_loop3A_240, %parallel_loop3A_252 : vector<16xf32>
      %parallel_loop3A_860 = arith.minimumf %parallel_loop3A_240, %parallel_loop3A_252 : vector<16xf32>
      %parallel_loop3A_861 = arith.maximumf %parallel_loop3A_264, %parallel_loop3A_276 : vector<16xf32>
      %parallel_loop3A_862 = arith.minimumf %parallel_loop3A_264, %parallel_loop3A_276 : vector<16xf32>
      %parallel_loop3A_863 = arith.maximumf %parallel_loop3A_288, %parallel_loop3A_300 : vector<16xf32>
      %parallel_loop3A_864 = arith.minimumf %parallel_loop3A_288, %parallel_loop3A_300 : vector<16xf32>
      %parallel_loop3A_865 = arith.maximumf %parallel_loop3A_857, %parallel_loop3A_859 : vector<16xf32>
      %parallel_loop3A_866 = arith.minimumf %parallel_loop3A_857, %parallel_loop3A_859 : vector<16xf32>
      %parallel_loop3A_867 = arith.maximumf %parallel_loop3A_858, %parallel_loop3A_860 : vector<16xf32>
      %parallel_loop3A_868 = arith.minimumf %parallel_loop3A_858, %parallel_loop3A_860 : vector<16xf32>
      %parallel_loop3A_869 = arith.maximumf %parallel_loop3A_861, %parallel_loop3A_863 : vector<16xf32>
      %parallel_loop3A_870 = arith.minimumf %parallel_loop3A_861, %parallel_loop3A_863 : vector<16xf32>
      %parallel_loop3A_871 = arith.maximumf %parallel_loop3A_862, %parallel_loop3A_864 : vector<16xf32>
      %parallel_loop3A_872 = arith.minimumf %parallel_loop3A_862, %parallel_loop3A_864 : vector<16xf32>
      %parallel_loop3A_873 = arith.maximumf %parallel_loop3A_867, %parallel_loop3A_866 : vector<16xf32>
      %parallel_loop3A_874 = arith.minimumf %parallel_loop3A_867, %parallel_loop3A_866 : vector<16xf32>
      %parallel_loop3A_875 = arith.maximumf %parallel_loop3A_871, %parallel_loop3A_870 : vector<16xf32>
      %parallel_loop3A_876 = arith.minimumf %parallel_loop3A_871, %parallel_loop3A_870 : vector<16xf32>
      %parallel_loop3A_877 = arith.maximumf %parallel_loop3A_865, %parallel_loop3A_869 : vector<16xf32>
      %parallel_loop3A_878 = arith.minimumf %parallel_loop3A_865, %parallel_loop3A_869 : vector<16xf32>
      %parallel_loop3A_879 = arith.maximumf %parallel_loop3A_873, %parallel_loop3A_875 : vector<16xf32>
      %parallel_loop3A_880 = arith.minimumf %parallel_loop3A_873, %parallel_loop3A_875 : vector<16xf32>
      %parallel_loop3A_881 = arith.maximumf %parallel_loop3A_874, %parallel_loop3A_876 : vector<16xf32>
      %parallel_loop3A_882 = arith.minimumf %parallel_loop3A_874, %parallel_loop3A_876 : vector<16xf32>
      %parallel_loop3A_883 = arith.maximumf %parallel_loop3A_868, %parallel_loop3A_872 : vector<16xf32>
      %parallel_loop3A_884 = arith.minimumf %parallel_loop3A_868, %parallel_loop3A_872 : vector<16xf32>
      %parallel_loop3A_885 = arith.maximumf %parallel_loop3A_881, %parallel_loop3A_878 : vector<16xf32>
      %parallel_loop3A_886 = arith.minimumf %parallel_loop3A_881, %parallel_loop3A_878 : vector<16xf32>
      %parallel_loop3A_887 = arith.maximumf %parallel_loop3A_883, %parallel_loop3A_880 : vector<16xf32>
      %parallel_loop3A_888 = arith.minimumf %parallel_loop3A_883, %parallel_loop3A_880 : vector<16xf32>
      %parallel_loop3A_889 = arith.maximumf %parallel_loop3A_879, %parallel_loop3A_885 : vector<16xf32>
      %parallel_loop3A_890 = arith.minimumf %parallel_loop3A_879, %parallel_loop3A_885 : vector<16xf32>
      %parallel_loop3A_891 = arith.maximumf %parallel_loop3A_887, %parallel_loop3A_886 : vector<16xf32>
      %parallel_loop3A_892 = arith.minimumf %parallel_loop3A_887, %parallel_loop3A_886 : vector<16xf32>
      %parallel_loop3A_893 = arith.maximumf %parallel_loop3A_888, %parallel_loop3A_882 : vector<16xf32>
      %parallel_loop3A_894 = arith.minimumf %parallel_loop3A_888, %parallel_loop3A_882 : vector<16xf32>
      %parallel_loop3A_895 = arith.maximumf %parallel_loop3A_312, %parallel_loop3A_324 : vector<16xf32>
      %parallel_loop3A_896 = arith.minimumf %parallel_loop3A_312, %parallel_loop3A_324 : vector<16xf32>
      %parallel_loop3A_897 = arith.maximumf %parallel_loop3A_336, %parallel_loop3A_348 : vector<16xf32>
      %parallel_loop3A_898 = arith.minimumf %parallel_loop3A_336, %parallel_loop3A_348 : vector<16xf32>
      %parallel_loop3A_899 = arith.maximumf %parallel_loop3A_360, %parallel_loop3A_372 : vector<16xf32>
      %parallel_loop3A_900 = arith.minimumf %parallel_loop3A_360, %parallel_loop3A_372 : vector<16xf32>
      %parallel_loop3A_901 = arith.maximumf %parallel_loop3A_384, %parallel_loop3A_396 : vector<16xf32>
      %parallel_loop3A_902 = arith.minimumf %parallel_loop3A_384, %parallel_loop3A_396 : vector<16xf32>
      %parallel_loop3A_903 = arith.maximumf %parallel_loop3A_895, %parallel_loop3A_897 : vector<16xf32>
      %parallel_loop3A_904 = arith.minimumf %parallel_loop3A_895, %parallel_loop3A_897 : vector<16xf32>
      %parallel_loop3A_905 = arith.maximumf %parallel_loop3A_896, %parallel_loop3A_898 : vector<16xf32>
      %parallel_loop3A_906 = arith.minimumf %parallel_loop3A_896, %parallel_loop3A_898 : vector<16xf32>
      %parallel_loop3A_907 = arith.maximumf %parallel_loop3A_899, %parallel_loop3A_901 : vector<16xf32>
      %parallel_loop3A_908 = arith.minimumf %parallel_loop3A_899, %parallel_loop3A_901 : vector<16xf32>
      %parallel_loop3A_909 = arith.maximumf %parallel_loop3A_900, %parallel_loop3A_902 : vector<16xf32>
      %parallel_loop3A_910 = arith.minimumf %parallel_loop3A_900, %parallel_loop3A_902 : vector<16xf32>
      %parallel_loop3A_911 = arith.maximumf %parallel_loop3A_905, %parallel_loop3A_904 : vector<16xf32>
      %parallel_loop3A_912 = arith.minimumf %parallel_loop3A_905, %parallel_loop3A_904 : vector<16xf32>
      %parallel_loop3A_913 = arith.maximumf %parallel_loop3A_909, %parallel_loop3A_908 : vector<16xf32>
      %parallel_loop3A_914 = arith.minimumf %parallel_loop3A_909, %parallel_loop3A_908 : vector<16xf32>
      %parallel_loop3A_915 = arith.maximumf %parallel_loop3A_903, %parallel_loop3A_907 : vector<16xf32>
      %parallel_loop3A_916 = arith.minimumf %parallel_loop3A_903, %parallel_loop3A_907 : vector<16xf32>
      %parallel_loop3A_917 = arith.maximumf %parallel_loop3A_911, %parallel_loop3A_913 : vector<16xf32>
      %parallel_loop3A_918 = arith.minimumf %parallel_loop3A_911, %parallel_loop3A_913 : vector<16xf32>
      %parallel_loop3A_919 = arith.maximumf %parallel_loop3A_912, %parallel_loop3A_914 : vector<16xf32>
      %parallel_loop3A_920 = arith.minimumf %parallel_loop3A_912, %parallel_loop3A_914 : vector<16xf32>
      %parallel_loop3A_921 = arith.maximumf %parallel_loop3A_906, %parallel_loop3A_910 : vector<16xf32>
      %parallel_loop3A_922 = arith.minimumf %parallel_loop3A_906, %parallel_loop3A_910 : vector<16xf32>
      %parallel_loop3A_923 = arith.maximumf %parallel_loop3A_919, %parallel_loop3A_916 : vector<16xf32>
      %parallel_loop3A_924 = arith.minimumf %parallel_loop3A_919, %parallel_loop3A_916 : vector<16xf32>
      %parallel_loop3A_925 = arith.maximumf %parallel_loop3A_921, %parallel_loop3A_918 : vector<16xf32>
      %parallel_loop3A_926 = arith.minimumf %parallel_loop3A_921, %parallel_loop3A_918 : vector<16xf32>
      %parallel_loop3A_927 = arith.maximumf %parallel_loop3A_917, %parallel_loop3A_923 : vector<16xf32>
      %parallel_loop3A_928 = arith.minimumf %parallel_loop3A_917, %parallel_loop3A_923 : vector<16xf32>
      %parallel_loop3A_929 = arith.maximumf %parallel_loop3A_925, %parallel_loop3A_924 : vector<16xf32>
      %parallel_loop3A_930 = arith.minimumf %parallel_loop3A_925, %parallel_loop3A_924 : vector<16xf32>
      %parallel_loop3A_931 = arith.maximumf %parallel_loop3A_926, %parallel_loop3A_920 : vector<16xf32>
      %parallel_loop3A_932 = arith.minimumf %parallel_loop3A_926, %parallel_loop3A_920 : vector<16xf32>
      %parallel_loop3A_933 = arith.maximumf %parallel_loop3A_408, %parallel_loop3A_420 : vector<16xf32>
      %parallel_loop3A_934 = arith.minimumf %parallel_loop3A_408, %parallel_loop3A_420 : vector<16xf32>
      %parallel_loop3A_935 = arith.maximumf %parallel_loop3A_432, %parallel_loop3A_444 : vector<16xf32>
      %parallel_loop3A_936 = arith.minimumf %parallel_loop3A_432, %parallel_loop3A_444 : vector<16xf32>
      %parallel_loop3A_937 = arith.maximumf %parallel_loop3A_456, %parallel_loop3A_468 : vector<16xf32>
      %parallel_loop3A_938 = arith.minimumf %parallel_loop3A_456, %parallel_loop3A_468 : vector<16xf32>
      %parallel_loop3A_939 = arith.maximumf %parallel_loop3A_480, %parallel_loop3A_492 : vector<16xf32>
      %parallel_loop3A_940 = arith.minimumf %parallel_loop3A_480, %parallel_loop3A_492 : vector<16xf32>
      %parallel_loop3A_941 = arith.maximumf %parallel_loop3A_933, %parallel_loop3A_935 : vector<16xf32>
      %parallel_loop3A_942 = arith.minimumf %parallel_loop3A_933, %parallel_loop3A_935 : vector<16xf32>
      %parallel_loop3A_943 = arith.maximumf %parallel_loop3A_934, %parallel_loop3A_936 : vector<16xf32>
      %parallel_loop3A_944 = arith.minimumf %parallel_loop3A_934, %parallel_loop3A_936 : vector<16xf32>
      %parallel_loop3A_945 = arith.maximumf %parallel_loop3A_937, %parallel_loop3A_939 : vector<16xf32>
      %parallel_loop3A_946 = arith.minimumf %parallel_loop3A_937, %parallel_loop3A_939 : vector<16xf32>
      %parallel_loop3A_947 = arith.maximumf %parallel_loop3A_938, %parallel_loop3A_940 : vector<16xf32>
      %parallel_loop3A_948 = arith.minimumf %parallel_loop3A_938, %parallel_loop3A_940 : vector<16xf32>
      %parallel_loop3A_949 = arith.maximumf %parallel_loop3A_943, %parallel_loop3A_942 : vector<16xf32>
      %parallel_loop3A_950 = arith.minimumf %parallel_loop3A_943, %parallel_loop3A_942 : vector<16xf32>
      %parallel_loop3A_951 = arith.maximumf %parallel_loop3A_947, %parallel_loop3A_946 : vector<16xf32>
      %parallel_loop3A_952 = arith.minimumf %parallel_loop3A_947, %parallel_loop3A_946 : vector<16xf32>
      %parallel_loop3A_953 = arith.maximumf %parallel_loop3A_941, %parallel_loop3A_945 : vector<16xf32>
      %parallel_loop3A_954 = arith.minimumf %parallel_loop3A_941, %parallel_loop3A_945 : vector<16xf32>
      %parallel_loop3A_955 = arith.maximumf %parallel_loop3A_949, %parallel_loop3A_951 : vector<16xf32>
      %parallel_loop3A_956 = arith.minimumf %parallel_loop3A_949, %parallel_loop3A_951 : vector<16xf32>
      %parallel_loop3A_957 = arith.maximumf %parallel_loop3A_950, %parallel_loop3A_952 : vector<16xf32>
      %parallel_loop3A_958 = arith.minimumf %parallel_loop3A_950, %parallel_loop3A_952 : vector<16xf32>
      %parallel_loop3A_959 = arith.maximumf %parallel_loop3A_944, %parallel_loop3A_948 : vector<16xf32>
      %parallel_loop3A_960 = arith.minimumf %parallel_loop3A_944, %parallel_loop3A_948 : vector<16xf32>
      %parallel_loop3A_961 = arith.maximumf %parallel_loop3A_957, %parallel_loop3A_954 : vector<16xf32>
      %parallel_loop3A_962 = arith.minimumf %parallel_loop3A_957, %parallel_loop3A_954 : vector<16xf32>
      %parallel_loop3A_963 = arith.maximumf %parallel_loop3A_959, %parallel_loop3A_956 : vector<16xf32>
      %parallel_loop3A_964 = arith.minimumf %parallel_loop3A_959, %parallel_loop3A_956 : vector<16xf32>
      %parallel_loop3A_965 = arith.maximumf %parallel_loop3A_955, %parallel_loop3A_961 : vector<16xf32>
      %parallel_loop3A_966 = arith.minimumf %parallel_loop3A_955, %parallel_loop3A_961 : vector<16xf32>
      %parallel_loop3A_967 = arith.maximumf %parallel_loop3A_963, %parallel_loop3A_962 : vector<16xf32>
      %parallel_loop3A_968 = arith.minimumf %parallel_loop3A_963, %parallel_loop3A_962 : vector<16xf32>
      %parallel_loop3A_969 = arith.maximumf %parallel_loop3A_964, %parallel_loop3A_958 : vector<16xf32>
      %parallel_loop3A_970 = arith.minimumf %parallel_loop3A_964, %parallel_loop3A_958 : vector<16xf32>
      %parallel_loop3A_971 = arith.maximumf %parallel_loop3A_504, %parallel_loop3A_516 : vector<16xf32>
      %parallel_loop3A_972 = arith.minimumf %parallel_loop3A_504, %parallel_loop3A_516 : vector<16xf32>
      %parallel_loop3A_973 = arith.maximumf %parallel_loop3A_528, %parallel_loop3A_540 : vector<16xf32>
      %parallel_loop3A_974 = arith.minimumf %parallel_loop3A_528, %parallel_loop3A_540 : vector<16xf32>
      %parallel_loop3A_975 = arith.maximumf %parallel_loop3A_552, %parallel_loop3A_564 : vector<16xf32>
      %parallel_loop3A_976 = arith.minimumf %parallel_loop3A_552, %parallel_loop3A_564 : vector<16xf32>
      %parallel_loop3A_977 = arith.maximumf %parallel_loop3A_576, %parallel_loop3A_588 : vector<16xf32>
      %parallel_loop3A_978 = arith.minimumf %parallel_loop3A_576, %parallel_loop3A_588 : vector<16xf32>
      %parallel_loop3A_979 = arith.maximumf %parallel_loop3A_971, %parallel_loop3A_973 : vector<16xf32>
      %parallel_loop3A_980 = arith.minimumf %parallel_loop3A_971, %parallel_loop3A_973 : vector<16xf32>
      %parallel_loop3A_981 = arith.maximumf %parallel_loop3A_972, %parallel_loop3A_974 : vector<16xf32>
      %parallel_loop3A_982 = arith.minimumf %parallel_loop3A_972, %parallel_loop3A_974 : vector<16xf32>
      %parallel_loop3A_983 = arith.maximumf %parallel_loop3A_975, %parallel_loop3A_977 : vector<16xf32>
      %parallel_loop3A_984 = arith.minimumf %parallel_loop3A_975, %parallel_loop3A_977 : vector<16xf32>
      %parallel_loop3A_985 = arith.maximumf %parallel_loop3A_976, %parallel_loop3A_978 : vector<16xf32>
      %parallel_loop3A_986 = arith.minimumf %parallel_loop3A_976, %parallel_loop3A_978 : vector<16xf32>
      %parallel_loop3A_987 = arith.maximumf %parallel_loop3A_981, %parallel_loop3A_980 : vector<16xf32>
      %parallel_loop3A_988 = arith.minimumf %parallel_loop3A_981, %parallel_loop3A_980 : vector<16xf32>
      %parallel_loop3A_989 = arith.maximumf %parallel_loop3A_985, %parallel_loop3A_984 : vector<16xf32>
      %parallel_loop3A_990 = arith.minimumf %parallel_loop3A_985, %parallel_loop3A_984 : vector<16xf32>
      %parallel_loop3A_991 = arith.maximumf %parallel_loop3A_979, %parallel_loop3A_983 : vector<16xf32>
      %parallel_loop3A_992 = arith.minimumf %parallel_loop3A_979, %parallel_loop3A_983 : vector<16xf32>
      %parallel_loop3A_993 = arith.maximumf %parallel_loop3A_987, %parallel_loop3A_989 : vector<16xf32>
      %parallel_loop3A_994 = arith.minimumf %parallel_loop3A_987, %parallel_loop3A_989 : vector<16xf32>
      %parallel_loop3A_995 = arith.maximumf %parallel_loop3A_988, %parallel_loop3A_990 : vector<16xf32>
      %parallel_loop3A_996 = arith.minimumf %parallel_loop3A_988, %parallel_loop3A_990 : vector<16xf32>
      %parallel_loop3A_997 = arith.maximumf %parallel_loop3A_982, %parallel_loop3A_986 : vector<16xf32>
      %parallel_loop3A_998 = arith.minimumf %parallel_loop3A_982, %parallel_loop3A_986 : vector<16xf32>
      %parallel_loop3A_999 = arith.maximumf %parallel_loop3A_995, %parallel_loop3A_992 : vector<16xf32>
      %parallel_loop3A_1000 = arith.minimumf %parallel_loop3A_995, %parallel_loop3A_992 : vector<16xf32>
      %parallel_loop3A_1001 = arith.maximumf %parallel_loop3A_997, %parallel_loop3A_994 : vector<16xf32>
      %parallel_loop3A_1002 = arith.minimumf %parallel_loop3A_997, %parallel_loop3A_994 : vector<16xf32>
      %parallel_loop3A_1003 = arith.maximumf %parallel_loop3A_993, %parallel_loop3A_999 : vector<16xf32>
      %parallel_loop3A_1004 = arith.minimumf %parallel_loop3A_993, %parallel_loop3A_999 : vector<16xf32>
      %parallel_loop3A_1005 = arith.maximumf %parallel_loop3A_1001, %parallel_loop3A_1000 : vector<16xf32>
      %parallel_loop3A_1006 = arith.minimumf %parallel_loop3A_1001, %parallel_loop3A_1000 : vector<16xf32>
      %parallel_loop3A_1007 = arith.maximumf %parallel_loop3A_1002, %parallel_loop3A_996 : vector<16xf32>
      %parallel_loop3A_1008 = arith.minimumf %parallel_loop3A_1002, %parallel_loop3A_996 : vector<16xf32>
      %parallel_loop3A_1009 = arith.maximumf %parallel_loop3A_600, %parallel_loop3A_612 : vector<16xf32>
      %parallel_loop3A_1010 = arith.minimumf %parallel_loop3A_600, %parallel_loop3A_612 : vector<16xf32>
      %parallel_loop3A_1011 = arith.maximumf %parallel_loop3A_624, %parallel_loop3A_636 : vector<16xf32>
      %parallel_loop3A_1012 = arith.minimumf %parallel_loop3A_624, %parallel_loop3A_636 : vector<16xf32>
      %parallel_loop3A_1013 = arith.maximumf %parallel_loop3A_648, %parallel_loop3A_660 : vector<16xf32>
      %parallel_loop3A_1014 = arith.minimumf %parallel_loop3A_648, %parallel_loop3A_660 : vector<16xf32>
      %parallel_loop3A_1015 = arith.maximumf %parallel_loop3A_672, %parallel_loop3A_684 : vector<16xf32>
      %parallel_loop3A_1016 = arith.minimumf %parallel_loop3A_672, %parallel_loop3A_684 : vector<16xf32>
      %parallel_loop3A_1017 = arith.maximumf %parallel_loop3A_1009, %parallel_loop3A_1011 : vector<16xf32>
      %parallel_loop3A_1018 = arith.minimumf %parallel_loop3A_1009, %parallel_loop3A_1011 : vector<16xf32>
      %parallel_loop3A_1019 = arith.maximumf %parallel_loop3A_1010, %parallel_loop3A_1012 : vector<16xf32>
      %parallel_loop3A_1020 = arith.minimumf %parallel_loop3A_1010, %parallel_loop3A_1012 : vector<16xf32>
      %parallel_loop3A_1021 = arith.maximumf %parallel_loop3A_1013, %parallel_loop3A_1015 : vector<16xf32>
      %parallel_loop3A_1022 = arith.minimumf %parallel_loop3A_1013, %parallel_loop3A_1015 : vector<16xf32>
      %parallel_loop3A_1023 = arith.maximumf %parallel_loop3A_1014, %parallel_loop3A_1016 : vector<16xf32>
      %parallel_loop3A_1024 = arith.minimumf %parallel_loop3A_1014, %parallel_loop3A_1016 : vector<16xf32>
      %parallel_loop3A_1025 = arith.maximumf %parallel_loop3A_1019, %parallel_loop3A_1018 : vector<16xf32>
      %parallel_loop3A_1026 = arith.minimumf %parallel_loop3A_1019, %parallel_loop3A_1018 : vector<16xf32>
      %parallel_loop3A_1027 = arith.maximumf %parallel_loop3A_1023, %parallel_loop3A_1022 : vector<16xf32>
      %parallel_loop3A_1028 = arith.minimumf %parallel_loop3A_1023, %parallel_loop3A_1022 : vector<16xf32>
      %parallel_loop3A_1029 = arith.maximumf %parallel_loop3A_1017, %parallel_loop3A_1021 : vector<16xf32>
      %parallel_loop3A_1030 = arith.minimumf %parallel_loop3A_1017, %parallel_loop3A_1021 : vector<16xf32>
      %parallel_loop3A_1031 = arith.maximumf %parallel_loop3A_1025, %parallel_loop3A_1027 : vector<16xf32>
      %parallel_loop3A_1032 = arith.minimumf %parallel_loop3A_1025, %parallel_loop3A_1027 : vector<16xf32>
      %parallel_loop3A_1033 = arith.maximumf %parallel_loop3A_1026, %parallel_loop3A_1028 : vector<16xf32>
      %parallel_loop3A_1034 = arith.minimumf %parallel_loop3A_1026, %parallel_loop3A_1028 : vector<16xf32>
      %parallel_loop3A_1035 = arith.maximumf %parallel_loop3A_1020, %parallel_loop3A_1024 : vector<16xf32>
      %parallel_loop3A_1036 = arith.minimumf %parallel_loop3A_1020, %parallel_loop3A_1024 : vector<16xf32>
      %parallel_loop3A_1037 = arith.maximumf %parallel_loop3A_1033, %parallel_loop3A_1030 : vector<16xf32>
      %parallel_loop3A_1038 = arith.minimumf %parallel_loop3A_1033, %parallel_loop3A_1030 : vector<16xf32>
      %parallel_loop3A_1039 = arith.maximumf %parallel_loop3A_1035, %parallel_loop3A_1032 : vector<16xf32>
      %parallel_loop3A_1040 = arith.minimumf %parallel_loop3A_1035, %parallel_loop3A_1032 : vector<16xf32>
      %parallel_loop3A_1041 = arith.maximumf %parallel_loop3A_1031, %parallel_loop3A_1037 : vector<16xf32>
      %parallel_loop3A_1042 = arith.minimumf %parallel_loop3A_1031, %parallel_loop3A_1037 : vector<16xf32>
      %parallel_loop3A_1043 = arith.maximumf %parallel_loop3A_1039, %parallel_loop3A_1038 : vector<16xf32>
      %parallel_loop3A_1044 = arith.minimumf %parallel_loop3A_1039, %parallel_loop3A_1038 : vector<16xf32>
      %parallel_loop3A_1045 = arith.maximumf %parallel_loop3A_1040, %parallel_loop3A_1034 : vector<16xf32>
      %parallel_loop3A_1046 = arith.minimumf %parallel_loop3A_1040, %parallel_loop3A_1034 : vector<16xf32>
      %parallel_loop3A_1047 = arith.maximumf %parallel_loop3A_696, %parallel_loop3A_708 : vector<16xf32>
      %parallel_loop3A_1048 = arith.minimumf %parallel_loop3A_696, %parallel_loop3A_708 : vector<16xf32>
      %parallel_loop3A_1049 = arith.maximumf %parallel_loop3A_720, %parallel_loop3A_732 : vector<16xf32>
      %parallel_loop3A_1050 = arith.minimumf %parallel_loop3A_720, %parallel_loop3A_732 : vector<16xf32>
      %parallel_loop3A_1051 = arith.maximumf %parallel_loop3A_744, %parallel_loop3A_756 : vector<16xf32>
      %parallel_loop3A_1052 = arith.minimumf %parallel_loop3A_744, %parallel_loop3A_756 : vector<16xf32>
      %parallel_loop3A_1053 = arith.maximumf %parallel_loop3A_768, %parallel_loop3A_780 : vector<16xf32>
      %parallel_loop3A_1054 = arith.minimumf %parallel_loop3A_768, %parallel_loop3A_780 : vector<16xf32>
      %parallel_loop3A_1055 = arith.maximumf %parallel_loop3A_1047, %parallel_loop3A_1049 : vector<16xf32>
      %parallel_loop3A_1056 = arith.minimumf %parallel_loop3A_1047, %parallel_loop3A_1049 : vector<16xf32>
      %parallel_loop3A_1057 = arith.maximumf %parallel_loop3A_1048, %parallel_loop3A_1050 : vector<16xf32>
      %parallel_loop3A_1058 = arith.minimumf %parallel_loop3A_1048, %parallel_loop3A_1050 : vector<16xf32>
      %parallel_loop3A_1059 = arith.maximumf %parallel_loop3A_1051, %parallel_loop3A_1053 : vector<16xf32>
      %parallel_loop3A_1060 = arith.minimumf %parallel_loop3A_1051, %parallel_loop3A_1053 : vector<16xf32>
      %parallel_loop3A_1061 = arith.maximumf %parallel_loop3A_1052, %parallel_loop3A_1054 : vector<16xf32>
      %parallel_loop3A_1062 = arith.minimumf %parallel_loop3A_1052, %parallel_loop3A_1054 : vector<16xf32>
      %parallel_loop3A_1063 = arith.maximumf %parallel_loop3A_1057, %parallel_loop3A_1056 : vector<16xf32>
      %parallel_loop3A_1064 = arith.minimumf %parallel_loop3A_1057, %parallel_loop3A_1056 : vector<16xf32>
      %parallel_loop3A_1065 = arith.maximumf %parallel_loop3A_1061, %parallel_loop3A_1060 : vector<16xf32>
      %parallel_loop3A_1066 = arith.minimumf %parallel_loop3A_1061, %parallel_loop3A_1060 : vector<16xf32>
      %parallel_loop3A_1067 = arith.maximumf %parallel_loop3A_1055, %parallel_loop3A_1059 : vector<16xf32>
      %parallel_loop3A_1068 = arith.minimumf %parallel_loop3A_1055, %parallel_loop3A_1059 : vector<16xf32>
      %parallel_loop3A_1069 = arith.maximumf %parallel_loop3A_1063, %parallel_loop3A_1065 : vector<16xf32>
      %parallel_loop3A_1070 = arith.minimumf %parallel_loop3A_1063, %parallel_loop3A_1065 : vector<16xf32>
      %parallel_loop3A_1071 = arith.maximumf %parallel_loop3A_1064, %parallel_loop3A_1066 : vector<16xf32>
      %parallel_loop3A_1072 = arith.minimumf %parallel_loop3A_1064, %parallel_loop3A_1066 : vector<16xf32>
      %parallel_loop3A_1073 = arith.maximumf %parallel_loop3A_1058, %parallel_loop3A_1062 : vector<16xf32>
      %parallel_loop3A_1074 = arith.minimumf %parallel_loop3A_1058, %parallel_loop3A_1062 : vector<16xf32>
      %parallel_loop3A_1075 = arith.maximumf %parallel_loop3A_1071, %parallel_loop3A_1068 : vector<16xf32>
      %parallel_loop3A_1076 = arith.minimumf %parallel_loop3A_1071, %parallel_loop3A_1068 : vector<16xf32>
      %parallel_loop3A_1077 = arith.maximumf %parallel_loop3A_1073, %parallel_loop3A_1070 : vector<16xf32>
      %parallel_loop3A_1078 = arith.minimumf %parallel_loop3A_1073, %parallel_loop3A_1070 : vector<16xf32>
      %parallel_loop3A_1079 = arith.maximumf %parallel_loop3A_1069, %parallel_loop3A_1075 : vector<16xf32>
      %parallel_loop3A_1080 = arith.minimumf %parallel_loop3A_1069, %parallel_loop3A_1075 : vector<16xf32>
      %parallel_loop3A_1081 = arith.maximumf %parallel_loop3A_1077, %parallel_loop3A_1076 : vector<16xf32>
      %parallel_loop3A_1082 = arith.minimumf %parallel_loop3A_1077, %parallel_loop3A_1076 : vector<16xf32>
      %parallel_loop3A_1083 = arith.maximumf %parallel_loop3A_1078, %parallel_loop3A_1072 : vector<16xf32>
      %parallel_loop3A_1084 = arith.minimumf %parallel_loop3A_1078, %parallel_loop3A_1072 : vector<16xf32>
      %parallel_loop3A_1085 = arith.maximumf %parallel_loop3A_801, %parallel_loop3A_846 : vector<16xf32>
      %parallel_loop3A_1086 = arith.maximumf %parallel_loop3A_813, %parallel_loop3A_856 : vector<16xf32>
      %parallel_loop3A_1087 = arith.maximumf %parallel_loop3A_814, %parallel_loop3A_855 : vector<16xf32>
      %parallel_loop3A_1088 = arith.maximumf %parallel_loop3A_815, %parallel_loop3A_854 : vector<16xf32>
      %parallel_loop3A_1089 = arith.maximumf %parallel_loop3A_816, %parallel_loop3A_853 : vector<16xf32>
      %parallel_loop3A_1090 = arith.maximumf %parallel_loop3A_817, %parallel_loop3A_852 : vector<16xf32>
      %parallel_loop3A_1091 = arith.maximumf %parallel_loop3A_818, %parallel_loop3A_851 : vector<16xf32>
      %parallel_loop3A_1092 = arith.maximumf %parallel_loop3A_808, %parallel_loop3A_839 : vector<16xf32>
      %parallel_loop3A_1093 = arith.maximumf %parallel_loop3A_1085, %parallel_loop3A_1089 : vector<16xf32>
      %parallel_loop3A_1094 = arith.minimumf %parallel_loop3A_1085, %parallel_loop3A_1089 : vector<16xf32>
      %parallel_loop3A_1095 = arith.maximumf %parallel_loop3A_1086, %parallel_loop3A_1090 : vector<16xf32>
      %parallel_loop3A_1096 = arith.minimumf %parallel_loop3A_1086, %parallel_loop3A_1090 : vector<16xf32>
      %parallel_loop3A_1097 = arith.maximumf %parallel_loop3A_1087, %parallel_loop3A_1091 : vector<16xf32>
      %parallel_loop3A_1098 = arith.minimumf %parallel_loop3A_1087, %parallel_loop3A_1091 : vector<16xf32>
      %parallel_loop3A_1099 = arith.maximumf %parallel_loop3A_1088, %parallel_loop3A_1092 : vector<16xf32>
      %parallel_loop3A_1100 = arith.minimumf %parallel_loop3A_1088, %parallel_loop3A_1092 : vector<16xf32>
      %parallel_loop3A_1101 = arith.maximumf %parallel_loop3A_1093, %parallel_loop3A_1097 : vector<16xf32>
      %parallel_loop3A_1102 = arith.minimumf %parallel_loop3A_1093, %parallel_loop3A_1097 : vector<16xf32>
      %parallel_loop3A_1103 = arith.maximumf %parallel_loop3A_1095, %parallel_loop3A_1099 : vector<16xf32>
      %parallel_loop3A_1104 = arith.minimumf %parallel_loop3A_1095, %parallel_loop3A_1099 : vector<16xf32>
      %parallel_loop3A_1105 = arith.maximumf %parallel_loop3A_1094, %parallel_loop3A_1098 : vector<16xf32>
      %parallel_loop3A_1106 = arith.minimumf %parallel_loop3A_1094, %parallel_loop3A_1098 : vector<16xf32>
      %parallel_loop3A_1107 = arith.maximumf %parallel_loop3A_1096, %parallel_loop3A_1100 : vector<16xf32>
      %parallel_loop3A_1108 = arith.minimumf %parallel_loop3A_1096, %parallel_loop3A_1100 : vector<16xf32>
      %parallel_loop3A_1109 = arith.maximumf %parallel_loop3A_1101, %parallel_loop3A_1103 : vector<16xf32>
      %parallel_loop3A_1110 = arith.minimumf %parallel_loop3A_1101, %parallel_loop3A_1103 : vector<16xf32>
      %parallel_loop3A_1111 = arith.maximumf %parallel_loop3A_1102, %parallel_loop3A_1104 : vector<16xf32>
      %parallel_loop3A_1112 = arith.minimumf %parallel_loop3A_1102, %parallel_loop3A_1104 : vector<16xf32>
      %parallel_loop3A_1113 = arith.maximumf %parallel_loop3A_1105, %parallel_loop3A_1107 : vector<16xf32>
      %parallel_loop3A_1114 = arith.minimumf %parallel_loop3A_1105, %parallel_loop3A_1107 : vector<16xf32>
      %parallel_loop3A_1115 = arith.maximumf %parallel_loop3A_1106, %parallel_loop3A_1108 : vector<16xf32>
      %parallel_loop3A_1116 = arith.minimumf %parallel_loop3A_1106, %parallel_loop3A_1108 : vector<16xf32>
      %parallel_loop3A_1117 = arith.maximumf %parallel_loop3A_877, %parallel_loop3A_922 : vector<16xf32>
      %parallel_loop3A_1118 = arith.maximumf %parallel_loop3A_889, %parallel_loop3A_932 : vector<16xf32>
      %parallel_loop3A_1119 = arith.maximumf %parallel_loop3A_890, %parallel_loop3A_931 : vector<16xf32>
      %parallel_loop3A_1120 = arith.maximumf %parallel_loop3A_891, %parallel_loop3A_930 : vector<16xf32>
      %parallel_loop3A_1121 = arith.maximumf %parallel_loop3A_892, %parallel_loop3A_929 : vector<16xf32>
      %parallel_loop3A_1122 = arith.maximumf %parallel_loop3A_893, %parallel_loop3A_928 : vector<16xf32>
      %parallel_loop3A_1123 = arith.maximumf %parallel_loop3A_894, %parallel_loop3A_927 : vector<16xf32>
      %parallel_loop3A_1124 = arith.maximumf %parallel_loop3A_884, %parallel_loop3A_915 : vector<16xf32>
      %parallel_loop3A_1125 = arith.maximumf %parallel_loop3A_1117, %parallel_loop3A_1121 : vector<16xf32>
      %parallel_loop3A_1126 = arith.minimumf %parallel_loop3A_1117, %parallel_loop3A_1121 : vector<16xf32>
      %parallel_loop3A_1127 = arith.maximumf %parallel_loop3A_1118, %parallel_loop3A_1122 : vector<16xf32>
      %parallel_loop3A_1128 = arith.minimumf %parallel_loop3A_1118, %parallel_loop3A_1122 : vector<16xf32>
      %parallel_loop3A_1129 = arith.maximumf %parallel_loop3A_1119, %parallel_loop3A_1123 : vector<16xf32>
      %parallel_loop3A_1130 = arith.minimumf %parallel_loop3A_1119, %parallel_loop3A_1123 : vector<16xf32>
      %parallel_loop3A_1131 = arith.maximumf %parallel_loop3A_1120, %parallel_loop3A_1124 : vector<16xf32>
      %parallel_loop3A_1132 = arith.minimumf %parallel_loop3A_1120, %parallel_loop3A_1124 : vector<16xf32>
      %parallel_loop3A_1133 = arith.maximumf %parallel_loop3A_1125, %parallel_loop3A_1129 : vector<16xf32>
      %parallel_loop3A_1134 = arith.minimumf %parallel_loop3A_1125, %parallel_loop3A_1129 : vector<16xf32>
      %parallel_loop3A_1135 = arith.maximumf %parallel_loop3A_1127, %parallel_loop3A_1131 : vector<16xf32>
      %parallel_loop3A_1136 = arith.minimumf %parallel_loop3A_1127, %parallel_loop3A_1131 : vector<16xf32>
      %parallel_loop3A_1137 = arith.maximumf %parallel_loop3A_1126, %parallel_loop3A_1130 : vector<16xf32>
      %parallel_loop3A_1138 = arith.minimumf %parallel_loop3A_1126, %parallel_loop3A_1130 : vector<16xf32>
      %parallel_loop3A_1139 = arith.maximumf %parallel_loop3A_1128, %parallel_loop3A_1132 : vector<16xf32>
      %parallel_loop3A_1140 = arith.minimumf %parallel_loop3A_1128, %parallel_loop3A_1132 : vector<16xf32>
      %parallel_loop3A_1141 = arith.maximumf %parallel_loop3A_1133, %parallel_loop3A_1135 : vector<16xf32>
      %parallel_loop3A_1142 = arith.minimumf %parallel_loop3A_1133, %parallel_loop3A_1135 : vector<16xf32>
      %parallel_loop3A_1143 = arith.maximumf %parallel_loop3A_1134, %parallel_loop3A_1136 : vector<16xf32>
      %parallel_loop3A_1144 = arith.minimumf %parallel_loop3A_1134, %parallel_loop3A_1136 : vector<16xf32>
      %parallel_loop3A_1145 = arith.maximumf %parallel_loop3A_1137, %parallel_loop3A_1139 : vector<16xf32>
      %parallel_loop3A_1146 = arith.minimumf %parallel_loop3A_1137, %parallel_loop3A_1139 : vector<16xf32>
      %parallel_loop3A_1147 = arith.maximumf %parallel_loop3A_1138, %parallel_loop3A_1140 : vector<16xf32>
      %parallel_loop3A_1148 = arith.minimumf %parallel_loop3A_1138, %parallel_loop3A_1140 : vector<16xf32>
      %parallel_loop3A_1149 = arith.maximumf %parallel_loop3A_953, %parallel_loop3A_998 : vector<16xf32>
      %parallel_loop3A_1150 = arith.maximumf %parallel_loop3A_965, %parallel_loop3A_1008 : vector<16xf32>
      %parallel_loop3A_1151 = arith.maximumf %parallel_loop3A_966, %parallel_loop3A_1007 : vector<16xf32>
      %parallel_loop3A_1152 = arith.maximumf %parallel_loop3A_967, %parallel_loop3A_1006 : vector<16xf32>
      %parallel_loop3A_1153 = arith.maximumf %parallel_loop3A_968, %parallel_loop3A_1005 : vector<16xf32>
      %parallel_loop3A_1154 = arith.maximumf %parallel_loop3A_969, %parallel_loop3A_1004 : vector<16xf32>
      %parallel_loop3A_1155 = arith.maximumf %parallel_loop3A_970, %parallel_loop3A_1003 : vector<16xf32>
      %parallel_loop3A_1156 = arith.maximumf %parallel_loop3A_960, %parallel_loop3A_991 : vector<16xf32>
      %parallel_loop3A_1157 = arith.maximumf %parallel_loop3A_1149, %parallel_loop3A_1153 : vector<16xf32>
      %parallel_loop3A_1158 = arith.minimumf %parallel_loop3A_1149, %parallel_loop3A_1153 : vector<16xf32>
      %parallel_loop3A_1159 = arith.maximumf %parallel_loop3A_1150, %parallel_loop3A_1154 : vector<16xf32>
      %parallel_loop3A_1160 = arith.minimumf %parallel_loop3A_1150, %parallel_loop3A_1154 : vector<16xf32>
      %parallel_loop3A_1161 = arith.maximumf %parallel_loop3A_1151, %parallel_loop3A_1155 : vector<16xf32>
      %parallel_loop3A_1162 = arith.minimumf %parallel_loop3A_1151, %parallel_loop3A_1155 : vector<16xf32>
      %parallel_loop3A_1163 = arith.maximumf %parallel_loop3A_1152, %parallel_loop3A_1156 : vector<16xf32>
      %parallel_loop3A_1164 = arith.minimumf %parallel_loop3A_1152, %parallel_loop3A_1156 : vector<16xf32>
      %parallel_loop3A_1165 = arith.maximumf %parallel_loop3A_1157, %parallel_loop3A_1161 : vector<16xf32>
      %parallel_loop3A_1166 = arith.minimumf %parallel_loop3A_1157, %parallel_loop3A_1161 : vector<16xf32>
      %parallel_loop3A_1167 = arith.maximumf %parallel_loop3A_1159, %parallel_loop3A_1163 : vector<16xf32>
      %parallel_loop3A_1168 = arith.minimumf %parallel_loop3A_1159, %parallel_loop3A_1163 : vector<16xf32>
      %parallel_loop3A_1169 = arith.maximumf %parallel_loop3A_1158, %parallel_loop3A_1162 : vector<16xf32>
      %parallel_loop3A_1170 = arith.minimumf %parallel_loop3A_1158, %parallel_loop3A_1162 : vector<16xf32>
      %parallel_loop3A_1171 = arith.maximumf %parallel_loop3A_1160, %parallel_loop3A_1164 : vector<16xf32>
      %parallel_loop3A_1172 = arith.minimumf %parallel_loop3A_1160, %parallel_loop3A_1164 : vector<16xf32>
      %parallel_loop3A_1173 = arith.maximumf %parallel_loop3A_1165, %parallel_loop3A_1167 : vector<16xf32>
      %parallel_loop3A_1174 = arith.minimumf %parallel_loop3A_1165, %parallel_loop3A_1167 : vector<16xf32>
      %parallel_loop3A_1175 = arith.maximumf %parallel_loop3A_1166, %parallel_loop3A_1168 : vector<16xf32>
      %parallel_loop3A_1176 = arith.minimumf %parallel_loop3A_1166, %parallel_loop3A_1168 : vector<16xf32>
      %parallel_loop3A_1177 = arith.maximumf %parallel_loop3A_1169, %parallel_loop3A_1171 : vector<16xf32>
      %parallel_loop3A_1178 = arith.minimumf %parallel_loop3A_1169, %parallel_loop3A_1171 : vector<16xf32>
      %parallel_loop3A_1179 = arith.maximumf %parallel_loop3A_1170, %parallel_loop3A_1172 : vector<16xf32>
      %parallel_loop3A_1180 = arith.minimumf %parallel_loop3A_1170, %parallel_loop3A_1172 : vector<16xf32>
      %parallel_loop3A_1181 = arith.maximumf %parallel_loop3A_1029, %parallel_loop3A_1074 : vector<16xf32>
      %parallel_loop3A_1182 = arith.maximumf %parallel_loop3A_1041, %parallel_loop3A_1084 : vector<16xf32>
      %parallel_loop3A_1183 = arith.maximumf %parallel_loop3A_1042, %parallel_loop3A_1083 : vector<16xf32>
      %parallel_loop3A_1184 = arith.maximumf %parallel_loop3A_1043, %parallel_loop3A_1082 : vector<16xf32>
      %parallel_loop3A_1185 = arith.maximumf %parallel_loop3A_1044, %parallel_loop3A_1081 : vector<16xf32>
      %parallel_loop3A_1186 = arith.maximumf %parallel_loop3A_1045, %parallel_loop3A_1080 : vector<16xf32>
      %parallel_loop3A_1187 = arith.maximumf %parallel_loop3A_1046, %parallel_loop3A_1079 : vector<16xf32>
      %parallel_loop3A_1188 = arith.maximumf %parallel_loop3A_1036, %parallel_loop3A_1067 : vector<16xf32>
      %parallel_loop3A_1189 = arith.maximumf %parallel_loop3A_1181, %parallel_loop3A_1185 : vector<16xf32>
      %parallel_loop3A_1190 = arith.minimumf %parallel_loop3A_1181, %parallel_loop3A_1185 : vector<16xf32>
      %parallel_loop3A_1191 = arith.maximumf %parallel_loop3A_1182, %parallel_loop3A_1186 : vector<16xf32>
      %parallel_loop3A_1192 = arith.minimumf %parallel_loop3A_1182, %parallel_loop3A_1186 : vector<16xf32>
      %parallel_loop3A_1193 = arith.maximumf %parallel_loop3A_1183, %parallel_loop3A_1187 : vector<16xf32>
      %parallel_loop3A_1194 = arith.minimumf %parallel_loop3A_1183, %parallel_loop3A_1187 : vector<16xf32>
      %parallel_loop3A_1195 = arith.maximumf %parallel_loop3A_1184, %parallel_loop3A_1188 : vector<16xf32>
      %parallel_loop3A_1196 = arith.minimumf %parallel_loop3A_1184, %parallel_loop3A_1188 : vector<16xf32>
      %parallel_loop3A_1197 = arith.maximumf %parallel_loop3A_1189, %parallel_loop3A_1193 : vector<16xf32>
      %parallel_loop3A_1198 = arith.minimumf %parallel_loop3A_1189, %parallel_loop3A_1193 : vector<16xf32>
      %parallel_loop3A_1199 = arith.maximumf %parallel_loop3A_1191, %parallel_loop3A_1195 : vector<16xf32>
      %parallel_loop3A_1200 = arith.minimumf %parallel_loop3A_1191, %parallel_loop3A_1195 : vector<16xf32>
      %parallel_loop3A_1201 = arith.maximumf %parallel_loop3A_1190, %parallel_loop3A_1194 : vector<16xf32>
      %parallel_loop3A_1202 = arith.minimumf %parallel_loop3A_1190, %parallel_loop3A_1194 : vector<16xf32>
      %parallel_loop3A_1203 = arith.maximumf %parallel_loop3A_1192, %parallel_loop3A_1196 : vector<16xf32>
      %parallel_loop3A_1204 = arith.minimumf %parallel_loop3A_1192, %parallel_loop3A_1196 : vector<16xf32>
      %parallel_loop3A_1205 = arith.maximumf %parallel_loop3A_1197, %parallel_loop3A_1199 : vector<16xf32>
      %parallel_loop3A_1206 = arith.minimumf %parallel_loop3A_1197, %parallel_loop3A_1199 : vector<16xf32>
      %parallel_loop3A_1207 = arith.maximumf %parallel_loop3A_1198, %parallel_loop3A_1200 : vector<16xf32>
      %parallel_loop3A_1208 = arith.minimumf %parallel_loop3A_1198, %parallel_loop3A_1200 : vector<16xf32>
      %parallel_loop3A_1209 = arith.maximumf %parallel_loop3A_1201, %parallel_loop3A_1203 : vector<16xf32>
      %parallel_loop3A_1210 = arith.minimumf %parallel_loop3A_1201, %parallel_loop3A_1203 : vector<16xf32>
      %parallel_loop3A_1211 = arith.maximumf %parallel_loop3A_1202, %parallel_loop3A_1204 : vector<16xf32>
      %parallel_loop3A_1212 = arith.minimumf %parallel_loop3A_1202, %parallel_loop3A_1204 : vector<16xf32>
      %parallel_loop3A_1213 = arith.maximumf %parallel_loop3A_1109, %parallel_loop3A_1148 : vector<16xf32>
      %parallel_loop3A_1214 = arith.maximumf %parallel_loop3A_1110, %parallel_loop3A_1147 : vector<16xf32>
      %parallel_loop3A_1215 = arith.maximumf %parallel_loop3A_1111, %parallel_loop3A_1146 : vector<16xf32>
      %parallel_loop3A_1216 = arith.maximumf %parallel_loop3A_1112, %parallel_loop3A_1145 : vector<16xf32>
      %parallel_loop3A_1217 = arith.maximumf %parallel_loop3A_1113, %parallel_loop3A_1144 : vector<16xf32>
      %parallel_loop3A_1218 = arith.maximumf %parallel_loop3A_1114, %parallel_loop3A_1143 : vector<16xf32>
      %parallel_loop3A_1219 = arith.maximumf %parallel_loop3A_1115, %parallel_loop3A_1142 : vector<16xf32>
      %parallel_loop3A_1220 = arith.maximumf %parallel_loop3A_1116, %parallel_loop3A_1141 : vector<16xf32>
      %parallel_loop3A_1221 = arith.maximumf %parallel_loop3A_1213, %parallel_loop3A_1217 : vector<16xf32>
      %parallel_loop3A_1222 = arith.minimumf %parallel_loop3A_1213, %parallel_loop3A_1217 : vector<16xf32>
      %parallel_loop3A_1223 = arith.maximumf %parallel_loop3A_1214, %parallel_loop3A_1218 : vector<16xf32>
      %parallel_loop3A_1224 = arith.minimumf %parallel_loop3A_1214, %parallel_loop3A_1218 : vector<16xf32>
      %parallel_loop3A_1225 = arith.maximumf %parallel_loop3A_1215, %parallel_loop3A_1219 : vector<16xf32>
      %parallel_loop3A_1226 = arith.minimumf %parallel_loop3A_1215, %parallel_loop3A_1219 : vector<16xf32>
      %parallel_loop3A_1227 = arith.maximumf %parallel_loop3A_1216, %parallel_loop3A_1220 : vector<16xf32>
      %parallel_loop3A_1228 = arith.minimumf %parallel_loop3A_1216, %parallel_loop3A_1220 : vector<16xf32>
      %parallel_loop3A_1229 = arith.maximumf %parallel_loop3A_1221, %parallel_loop3A_1225 : vector<16xf32>
      %parallel_loop3A_1230 = arith.minimumf %parallel_loop3A_1221, %parallel_loop3A_1225 : vector<16xf32>
      %parallel_loop3A_1231 = arith.maximumf %parallel_loop3A_1223, %parallel_loop3A_1227 : vector<16xf32>
      %parallel_loop3A_1232 = arith.minimumf %parallel_loop3A_1223, %parallel_loop3A_1227 : vector<16xf32>
      %parallel_loop3A_1233 = arith.maximumf %parallel_loop3A_1222, %parallel_loop3A_1226 : vector<16xf32>
      %parallel_loop3A_1234 = arith.minimumf %parallel_loop3A_1222, %parallel_loop3A_1226 : vector<16xf32>
      %parallel_loop3A_1235 = arith.maximumf %parallel_loop3A_1224, %parallel_loop3A_1228 : vector<16xf32>
      %parallel_loop3A_1236 = arith.minimumf %parallel_loop3A_1224, %parallel_loop3A_1228 : vector<16xf32>
      %parallel_loop3A_1237 = arith.maximumf %parallel_loop3A_1229, %parallel_loop3A_1231 : vector<16xf32>
      %parallel_loop3A_1238 = arith.minimumf %parallel_loop3A_1229, %parallel_loop3A_1231 : vector<16xf32>
      %parallel_loop3A_1239 = arith.maximumf %parallel_loop3A_1230, %parallel_loop3A_1232 : vector<16xf32>
      %parallel_loop3A_1240 = arith.minimumf %parallel_loop3A_1230, %parallel_loop3A_1232 : vector<16xf32>
      %parallel_loop3A_1241 = arith.maximumf %parallel_loop3A_1233, %parallel_loop3A_1235 : vector<16xf32>
      %parallel_loop3A_1242 = arith.minimumf %parallel_loop3A_1233, %parallel_loop3A_1235 : vector<16xf32>
      %parallel_loop3A_1243 = arith.maximumf %parallel_loop3A_1234, %parallel_loop3A_1236 : vector<16xf32>
      %parallel_loop3A_1244 = arith.minimumf %parallel_loop3A_1234, %parallel_loop3A_1236 : vector<16xf32>
      %parallel_loop3A_1245 = arith.maximumf %parallel_loop3A_1173, %parallel_loop3A_1212 : vector<16xf32>
      %parallel_loop3A_1246 = arith.maximumf %parallel_loop3A_1174, %parallel_loop3A_1211 : vector<16xf32>
      %parallel_loop3A_1247 = arith.maximumf %parallel_loop3A_1175, %parallel_loop3A_1210 : vector<16xf32>
      %parallel_loop3A_1248 = arith.maximumf %parallel_loop3A_1176, %parallel_loop3A_1209 : vector<16xf32>
      %parallel_loop3A_1249 = arith.maximumf %parallel_loop3A_1177, %parallel_loop3A_1208 : vector<16xf32>
      %parallel_loop3A_1250 = arith.maximumf %parallel_loop3A_1178, %parallel_loop3A_1207 : vector<16xf32>
      %parallel_loop3A_1251 = arith.maximumf %parallel_loop3A_1179, %parallel_loop3A_1206 : vector<16xf32>
      %parallel_loop3A_1252 = arith.maximumf %parallel_loop3A_1180, %parallel_loop3A_1205 : vector<16xf32>
      %parallel_loop3A_1253 = arith.maximumf %parallel_loop3A_1245, %parallel_loop3A_1249 : vector<16xf32>
      %parallel_loop3A_1254 = arith.minimumf %parallel_loop3A_1245, %parallel_loop3A_1249 : vector<16xf32>
      %parallel_loop3A_1255 = arith.maximumf %parallel_loop3A_1246, %parallel_loop3A_1250 : vector<16xf32>
      %parallel_loop3A_1256 = arith.minimumf %parallel_loop3A_1246, %parallel_loop3A_1250 : vector<16xf32>
      %parallel_loop3A_1257 = arith.maximumf %parallel_loop3A_1247, %parallel_loop3A_1251 : vector<16xf32>
      %parallel_loop3A_1258 = arith.minimumf %parallel_loop3A_1247, %parallel_loop3A_1251 : vector<16xf32>
      %parallel_loop3A_1259 = arith.maximumf %parallel_loop3A_1248, %parallel_loop3A_1252 : vector<16xf32>
      %parallel_loop3A_1260 = arith.minimumf %parallel_loop3A_1248, %parallel_loop3A_1252 : vector<16xf32>
      %parallel_loop3A_1261 = arith.maximumf %parallel_loop3A_1253, %parallel_loop3A_1257 : vector<16xf32>
      %parallel_loop3A_1262 = arith.minimumf %parallel_loop3A_1253, %parallel_loop3A_1257 : vector<16xf32>
      %parallel_loop3A_1263 = arith.maximumf %parallel_loop3A_1255, %parallel_loop3A_1259 : vector<16xf32>
      %parallel_loop3A_1264 = arith.minimumf %parallel_loop3A_1255, %parallel_loop3A_1259 : vector<16xf32>
      %parallel_loop3A_1265 = arith.maximumf %parallel_loop3A_1254, %parallel_loop3A_1258 : vector<16xf32>
      %parallel_loop3A_1266 = arith.minimumf %parallel_loop3A_1254, %parallel_loop3A_1258 : vector<16xf32>
      %parallel_loop3A_1267 = arith.maximumf %parallel_loop3A_1256, %parallel_loop3A_1260 : vector<16xf32>
      %parallel_loop3A_1268 = arith.minimumf %parallel_loop3A_1256, %parallel_loop3A_1260 : vector<16xf32>
      %parallel_loop3A_1269 = arith.maximumf %parallel_loop3A_1261, %parallel_loop3A_1263 : vector<16xf32>
      %parallel_loop3A_1270 = arith.minimumf %parallel_loop3A_1261, %parallel_loop3A_1263 : vector<16xf32>
      %parallel_loop3A_1271 = arith.maximumf %parallel_loop3A_1262, %parallel_loop3A_1264 : vector<16xf32>
      %parallel_loop3A_1272 = arith.minimumf %parallel_loop3A_1262, %parallel_loop3A_1264 : vector<16xf32>
      %parallel_loop3A_1273 = arith.maximumf %parallel_loop3A_1265, %parallel_loop3A_1267 : vector<16xf32>
      %parallel_loop3A_1274 = arith.minimumf %parallel_loop3A_1265, %parallel_loop3A_1267 : vector<16xf32>
      %parallel_loop3A_1275 = arith.maximumf %parallel_loop3A_1266, %parallel_loop3A_1268 : vector<16xf32>
      %parallel_loop3A_1276 = arith.minimumf %parallel_loop3A_1266, %parallel_loop3A_1268 : vector<16xf32>
      %parallel_loop3A_1277 = arith.maximumf %parallel_loop3A_1237, %parallel_loop3A_1276 : vector<16xf32>
      %parallel_loop3A_1278 = arith.maximumf %parallel_loop3A_1238, %parallel_loop3A_1275 : vector<16xf32>
      %parallel_loop3A_1279 = arith.maximumf %parallel_loop3A_1239, %parallel_loop3A_1274 : vector<16xf32>
      %parallel_loop3A_1280 = arith.maximumf %parallel_loop3A_1240, %parallel_loop3A_1273 : vector<16xf32>
      %parallel_loop3A_1281 = arith.maximumf %parallel_loop3A_1241, %parallel_loop3A_1272 : vector<16xf32>
      %parallel_loop3A_1282 = arith.maximumf %parallel_loop3A_1242, %parallel_loop3A_1271 : vector<16xf32>
      %parallel_loop3A_1283 = arith.maximumf %parallel_loop3A_1243, %parallel_loop3A_1270 : vector<16xf32>
      %parallel_loop3A_1284 = arith.maximumf %parallel_loop3A_1244, %parallel_loop3A_1269 : vector<16xf32>
      %parallel_loop3A_1285 = arith.maximumf %parallel_loop3A_1277, %parallel_loop3A_1281 : vector<16xf32>
      %parallel_loop3A_1286 = arith.minimumf %parallel_loop3A_1277, %parallel_loop3A_1281 : vector<16xf32>
      %parallel_loop3A_1287 = arith.maximumf %parallel_loop3A_1278, %parallel_loop3A_1282 : vector<16xf32>
      %parallel_loop3A_1288 = arith.minimumf %parallel_loop3A_1278, %parallel_loop3A_1282 : vector<16xf32>
      %parallel_loop3A_1289 = arith.maximumf %parallel_loop3A_1279, %parallel_loop3A_1283 : vector<16xf32>
      %parallel_loop3A_1290 = arith.minimumf %parallel_loop3A_1279, %parallel_loop3A_1283 : vector<16xf32>
      %parallel_loop3A_1291 = arith.maximumf %parallel_loop3A_1280, %parallel_loop3A_1284 : vector<16xf32>
      %parallel_loop3A_1292 = arith.minimumf %parallel_loop3A_1280, %parallel_loop3A_1284 : vector<16xf32>
      %parallel_loop3A_1293 = arith.maximumf %parallel_loop3A_1285, %parallel_loop3A_1289 : vector<16xf32>
      %parallel_loop3A_1294 = arith.minimumf %parallel_loop3A_1285, %parallel_loop3A_1289 : vector<16xf32>
      %parallel_loop3A_1295 = arith.maximumf %parallel_loop3A_1287, %parallel_loop3A_1291 : vector<16xf32>
      %parallel_loop3A_1296 = arith.minimumf %parallel_loop3A_1287, %parallel_loop3A_1291 : vector<16xf32>
      %parallel_loop3A_1297 = arith.maximumf %parallel_loop3A_1286, %parallel_loop3A_1290 : vector<16xf32>
      %parallel_loop3A_1298 = arith.minimumf %parallel_loop3A_1286, %parallel_loop3A_1290 : vector<16xf32>
      %parallel_loop3A_1299 = arith.maximumf %parallel_loop3A_1288, %parallel_loop3A_1292 : vector<16xf32>
      %parallel_loop3A_1300 = arith.minimumf %parallel_loop3A_1288, %parallel_loop3A_1292 : vector<16xf32>
      %parallel_loop3A_1301 = arith.maximumf %parallel_loop3A_1293, %parallel_loop3A_1295 : vector<16xf32>
      %parallel_loop3A_1302 = arith.minimumf %parallel_loop3A_1293, %parallel_loop3A_1295 : vector<16xf32>
      %parallel_loop3A_1303 = arith.maximumf %parallel_loop3A_1294, %parallel_loop3A_1296 : vector<16xf32>
      %parallel_loop3A_1304 = arith.minimumf %parallel_loop3A_1294, %parallel_loop3A_1296 : vector<16xf32>
      %parallel_loop3A_1305 = arith.maximumf %parallel_loop3A_1297, %parallel_loop3A_1299 : vector<16xf32>
      %parallel_loop3A_1306 = arith.minimumf %parallel_loop3A_1297, %parallel_loop3A_1299 : vector<16xf32>
      %parallel_loop3A_1307 = arith.maximumf %parallel_loop3A_1298, %parallel_loop3A_1300 : vector<16xf32>
      %parallel_loop3A_1308 = arith.minimumf %parallel_loop3A_1298, %parallel_loop3A_1300 : vector<16xf32>
      %parallel_loop3A_1309 = vector.bitcast %parallel_loop3A_1301 : vector<16xf32> to vector<16xi32>
      %parallel_loop3A_1310 = arith.constant 63 : i32
      %parallel_loop3A_1311 = vector.broadcast %parallel_loop3A_1310 : i32 to vector<16xi32>
      %parallel_loop3A_1312 = arith.andi %parallel_loop3A_1309, %parallel_loop3A_1311 : vector<16xi32>
      %parallel_loop3A_1313 = arith.constant 63 : i32
      %parallel_loop3A_1314 = vector.broadcast %parallel_loop3A_1313 : i32 to vector<16xi32>
      %parallel_loop3A_1315 = arith.subi %parallel_loop3A_1314, %parallel_loop3A_1312 : vector<16xi32>
      %parallel_loop3A_1316 = tpu.vector_load_idx %arg5[%parallel_loop3A_1315, %parallel_loop3A_12] : memref<64x512xf32, #tpu.memory_space<vmem>>[vector<16xi32>, vector<16xi32>], vector<16xf32>,
      %parallel_loop3A_1317 = vector.bitcast %parallel_loop3A_1302 : vector<16xf32> to vector<16xi32>
      %parallel_loop3A_1318 = arith.constant 63 : i32
      %parallel_loop3A_1319 = vector.broadcast %parallel_loop3A_1318 : i32 to vector<16xi32>
      %parallel_loop3A_1320 = arith.andi %parallel_loop3A_1317, %parallel_loop3A_1319 : vector<16xi32>
      %parallel_loop3A_1321 = arith.constant 63 : i32
      %parallel_loop3A_1322 = vector.broadcast %parallel_loop3A_1321 : i32 to vector<16xi32>
      %parallel_loop3A_1323 = arith.subi %parallel_loop3A_1322, %parallel_loop3A_1320 : vector<16xi32>
      %parallel_loop3A_1324 = tpu.vector_load_idx %arg5[%parallel_loop3A_1323, %parallel_loop3A_12] : memref<64x512xf32, #tpu.memory_space<vmem>>[vector<16xi32>, vector<16xi32>], vector<16xf32>,
      %parallel_loop3A_1325 = vector.bitcast %parallel_loop3A_1303 : vector<16xf32> to vector<16xi32>
      %parallel_loop3A_1326 = arith.constant 63 : i32
      %parallel_loop3A_1327 = vector.broadcast %parallel_loop3A_1326 : i32 to vector<16xi32>
      %parallel_loop3A_1328 = arith.andi %parallel_loop3A_1325, %parallel_loop3A_1327 : vector<16xi32>
      %parallel_loop3A_1329 = arith.constant 63 : i32
      %parallel_loop3A_1330 = vector.broadcast %parallel_loop3A_1329 : i32 to vector<16xi32>
      %parallel_loop3A_1331 = arith.subi %parallel_loop3A_1330, %parallel_loop3A_1328 : vector<16xi32>
      %parallel_loop3A_1332 = tpu.vector_load_idx %arg5[%parallel_loop3A_1331, %parallel_loop3A_12] : memref<64x512xf32, #tpu.memory_space<vmem>>[vector<16xi32>, vector<16xi32>], vector<16xf32>,
      %parallel_loop3A_1333 = vector.bitcast %parallel_loop3A_1304 : vector<16xf32> to vector<16xi32>
      %parallel_loop3A_1334 = arith.constant 63 : i32
      %parallel_loop3A_1335 = vector.broadcast %parallel_loop3A_1334 : i32 to vector<16xi32>
      %parallel_loop3A_1336 = arith.andi %parallel_loop3A_1333, %parallel_loop3A_1335 : vector<16xi32>
      %parallel_loop3A_1337 = arith.constant 63 : i32
      %parallel_loop3A_1338 = vector.broadcast %parallel_loop3A_1337 : i32 to vector<16xi32>
      %parallel_loop3A_1339 = arith.subi %parallel_loop3A_1338, %parallel_loop3A_1336 : vector<16xi32>
      %parallel_loop3A_1340 = tpu.vector_load_idx %arg5[%parallel_loop3A_1339, %parallel_loop3A_12] : memref<64x512xf32, #tpu.memory_space<vmem>>[vector<16xi32>, vector<16xi32>], vector<16xf32>,
      %parallel_loop3A_1341 = vector.bitcast %parallel_loop3A_1305 : vector<16xf32> to vector<16xi32>
      %parallel_loop3A_1342 = arith.constant 63 : i32
      %parallel_loop3A_1343 = vector.broadcast %parallel_loop3A_1342 : i32 to vector<16xi32>
      %parallel_loop3A_1344 = arith.andi %parallel_loop3A_1341, %parallel_loop3A_1343 : vector<16xi32>
      %parallel_loop3A_1345 = arith.constant 63 : i32
      %parallel_loop3A_1346 = vector.broadcast %parallel_loop3A_1345 : i32 to vector<16xi32>
      %parallel_loop3A_1347 = arith.subi %parallel_loop3A_1346, %parallel_loop3A_1344 : vector<16xi32>
      %parallel_loop3A_1348 = tpu.vector_load_idx %arg5[%parallel_loop3A_1347, %parallel_loop3A_12] : memref<64x512xf32, #tpu.memory_space<vmem>>[vector<16xi32>, vector<16xi32>], vector<16xf32>,
      %parallel_loop3A_1349 = vector.bitcast %parallel_loop3A_1306 : vector<16xf32> to vector<16xi32>
      %parallel_loop3A_1350 = arith.constant 63 : i32
      %parallel_loop3A_1351 = vector.broadcast %parallel_loop3A_1350 : i32 to vector<16xi32>
      %parallel_loop3A_1352 = arith.andi %parallel_loop3A_1349, %parallel_loop3A_1351 : vector<16xi32>
      %parallel_loop3A_1353 = arith.constant 63 : i32
      %parallel_loop3A_1354 = vector.broadcast %parallel_loop3A_1353 : i32 to vector<16xi32>
      %parallel_loop3A_1355 = arith.subi %parallel_loop3A_1354, %parallel_loop3A_1352 : vector<16xi32>
      %parallel_loop3A_1356 = tpu.vector_load_idx %arg5[%parallel_loop3A_1355, %parallel_loop3A_12] : memref<64x512xf32, #tpu.memory_space<vmem>>[vector<16xi32>, vector<16xi32>], vector<16xf32>,
      %parallel_loop3A_1357 = vector.bitcast %parallel_loop3A_1307 : vector<16xf32> to vector<16xi32>
      %parallel_loop3A_1358 = arith.constant 63 : i32
      %parallel_loop3A_1359 = vector.broadcast %parallel_loop3A_1358 : i32 to vector<16xi32>
      %parallel_loop3A_1360 = arith.andi %parallel_loop3A_1357, %parallel_loop3A_1359 : vector<16xi32>
      %parallel_loop3A_1361 = arith.constant 63 : i32
      %parallel_loop3A_1362 = vector.broadcast %parallel_loop3A_1361 : i32 to vector<16xi32>
      %parallel_loop3A_1363 = arith.subi %parallel_loop3A_1362, %parallel_loop3A_1360 : vector<16xi32>
      %parallel_loop3A_1364 = tpu.vector_load_idx %arg5[%parallel_loop3A_1363, %parallel_loop3A_12] : memref<64x512xf32, #tpu.memory_space<vmem>>[vector<16xi32>, vector<16xi32>], vector<16xf32>,
      %parallel_loop3A_1365 = vector.bitcast %parallel_loop3A_1308 : vector<16xf32> to vector<16xi32>
      %parallel_loop3A_1366 = arith.constant 63 : i32
      %parallel_loop3A_1367 = vector.broadcast %parallel_loop3A_1366 : i32 to vector<16xi32>
      %parallel_loop3A_1368 = arith.andi %parallel_loop3A_1365, %parallel_loop3A_1367 : vector<16xi32>
      %parallel_loop3A_1369 = arith.constant 63 : i32
      %parallel_loop3A_1370 = vector.broadcast %parallel_loop3A_1369 : i32 to vector<16xi32>
      %parallel_loop3A_1371 = arith.subi %parallel_loop3A_1370, %parallel_loop3A_1368 : vector<16xi32>
      %parallel_loop3A_1372 = tpu.vector_load_idx %arg5[%parallel_loop3A_1371, %parallel_loop3A_12] : memref<64x512xf32, #tpu.memory_space<vmem>>[vector<16xi32>, vector<16xi32>], vector<16xf32>,
      %parallel_loop3A_1373 = arith.subf %parallel_loop3A_1316, %parallel_loop3A_1316 : vector<16xf32>
      %parallel_loop3A_1374 = math.exp %parallel_loop3A_1373 : vector<16xf32>
      %parallel_loop3A_1375 = arith.subf %parallel_loop3A_1324, %parallel_loop3A_1316 : vector<16xf32>
      %parallel_loop3A_1376 = math.exp %parallel_loop3A_1375 : vector<16xf32>
      %parallel_loop3A_1377 = arith.subf %parallel_loop3A_1332, %parallel_loop3A_1316 : vector<16xf32>
      %parallel_loop3A_1378 = math.exp %parallel_loop3A_1377 : vector<16xf32>
      %parallel_loop3A_1379 = arith.subf %parallel_loop3A_1340, %parallel_loop3A_1316 : vector<16xf32>
      %parallel_loop3A_1380 = math.exp %parallel_loop3A_1379 : vector<16xf32>
      %parallel_loop3A_1381 = arith.subf %parallel_loop3A_1348, %parallel_loop3A_1316 : vector<16xf32>
      %parallel_loop3A_1382 = math.exp %parallel_loop3A_1381 : vector<16xf32>
      %parallel_loop3A_1383 = arith.subf %parallel_loop3A_1356, %parallel_loop3A_1316 : vector<16xf32>
      %parallel_loop3A_1384 = math.exp %parallel_loop3A_1383 : vector<16xf32>
      %parallel_loop3A_1385 = arith.subf %parallel_loop3A_1364, %parallel_loop3A_1316 : vector<16xf32>
      %parallel_loop3A_1386 = math.exp %parallel_loop3A_1385 : vector<16xf32>
      %parallel_loop3A_1387 = arith.subf %parallel_loop3A_1372, %parallel_loop3A_1316 : vector<16xf32>
      %parallel_loop3A_1388 = math.exp %parallel_loop3A_1387 : vector<16xf32>
      %parallel_loop3A_1389 = arith.addf %parallel_loop3A_1374, %parallel_loop3A_1376 : vector<16xf32>
      %parallel_loop3A_1390 = arith.addf %parallel_loop3A_1389, %parallel_loop3A_1378 : vector<16xf32>
      %parallel_loop3A_1391 = arith.addf %parallel_loop3A_1390, %parallel_loop3A_1380 : vector<16xf32>
      %parallel_loop3A_1392 = arith.addf %parallel_loop3A_1391, %parallel_loop3A_1382 : vector<16xf32>
      %parallel_loop3A_1393 = arith.addf %parallel_loop3A_1392, %parallel_loop3A_1384 : vector<16xf32>
      %parallel_loop3A_1394 = arith.addf %parallel_loop3A_1393, %parallel_loop3A_1386 : vector<16xf32>
      %parallel_loop3A_1395 = arith.addf %parallel_loop3A_1394, %parallel_loop3A_1388 : vector<16xf32>
      %parallel_loop3A_1396 = arith.constant 8 : i32
      %parallel_loop3A_1397 = vector.broadcast %parallel_loop3A_1396 : i32 to vector<16xi32>
      %parallel_loop3A_1398 = arith.muli %parallel_loop3A_12, %parallel_loop3A_1397 : vector<16xi32>
      %parallel_loop3A_1399 = arith.constant 0 : i32
      %parallel_loop3A_1400 = vector.broadcast %parallel_loop3A_1399 : i32 to vector<16xi32>
      %parallel_loop3A_1401 = arith.addi %parallel_loop3A_1398, %parallel_loop3A_1400 : vector<16xi32>
      %parallel_loop3A_1402 = arith.divf %parallel_loop3A_1374, %parallel_loop3A_1395 : vector<16xf32>
      tpu.vector_store_idx %arg6[%parallel_loop3A_1401], %parallel_loop3A_1402 : memref<4096xf32, #tpu.memory_space<vmem>>[vector<16xi32>], vector<16xf32>,
      tpu.vector_store_idx %arg7[%parallel_loop3A_1401], %parallel_loop3A_1315 : memref<4096xi32, #tpu.memory_space<vmem>>[vector<16xi32>], vector<16xi32>,
      %parallel_loop3A_1403 = arith.constant 8 : i32
      %parallel_loop3A_1404 = vector.broadcast %parallel_loop3A_1403 : i32 to vector<16xi32>
      %parallel_loop3A_1405 = arith.muli %parallel_loop3A_12, %parallel_loop3A_1404 : vector<16xi32>
      %parallel_loop3A_1406 = arith.constant 1 : i32
      %parallel_loop3A_1407 = vector.broadcast %parallel_loop3A_1406 : i32 to vector<16xi32>
      %parallel_loop3A_1408 = arith.addi %parallel_loop3A_1405, %parallel_loop3A_1407 : vector<16xi32>
      %parallel_loop3A_1409 = arith.divf %parallel_loop3A_1376, %parallel_loop3A_1395 : vector<16xf32>
      tpu.vector_store_idx %arg6[%parallel_loop3A_1408], %parallel_loop3A_1409 : memref<4096xf32, #tpu.memory_space<vmem>>[vector<16xi32>], vector<16xf32>,
      tpu.vector_store_idx %arg7[%parallel_loop3A_1408], %parallel_loop3A_1323 : memref<4096xi32, #tpu.memory_space<vmem>>[vector<16xi32>], vector<16xi32>,
      %parallel_loop3A_1410 = arith.constant 8 : i32
      %parallel_loop3A_1411 = vector.broadcast %parallel_loop3A_1410 : i32 to vector<16xi32>
      %parallel_loop3A_1412 = arith.muli %parallel_loop3A_12, %parallel_loop3A_1411 : vector<16xi32>
      %parallel_loop3A_1413 = arith.constant 2 : i32
      %parallel_loop3A_1414 = vector.broadcast %parallel_loop3A_1413 : i32 to vector<16xi32>
      %parallel_loop3A_1415 = arith.addi %parallel_loop3A_1412, %parallel_loop3A_1414 : vector<16xi32>
      %parallel_loop3A_1416 = arith.divf %parallel_loop3A_1378, %parallel_loop3A_1395 : vector<16xf32>
      tpu.vector_store_idx %arg6[%parallel_loop3A_1415], %parallel_loop3A_1416 : memref<4096xf32, #tpu.memory_space<vmem>>[vector<16xi32>], vector<16xf32>,
      tpu.vector_store_idx %arg7[%parallel_loop3A_1415], %parallel_loop3A_1331 : memref<4096xi32, #tpu.memory_space<vmem>>[vector<16xi32>], vector<16xi32>,
      %parallel_loop3A_1417 = arith.constant 8 : i32
      %parallel_loop3A_1418 = vector.broadcast %parallel_loop3A_1417 : i32 to vector<16xi32>
      %parallel_loop3A_1419 = arith.muli %parallel_loop3A_12, %parallel_loop3A_1418 : vector<16xi32>
      %parallel_loop3A_1420 = arith.constant 3 : i32
      %parallel_loop3A_1421 = vector.broadcast %parallel_loop3A_1420 : i32 to vector<16xi32>
      %parallel_loop3A_1422 = arith.addi %parallel_loop3A_1419, %parallel_loop3A_1421 : vector<16xi32>
      %parallel_loop3A_1423 = arith.divf %parallel_loop3A_1380, %parallel_loop3A_1395 : vector<16xf32>
      tpu.vector_store_idx %arg6[%parallel_loop3A_1422], %parallel_loop3A_1423 : memref<4096xf32, #tpu.memory_space<vmem>>[vector<16xi32>], vector<16xf32>,
      tpu.vector_store_idx %arg7[%parallel_loop3A_1422], %parallel_loop3A_1339 : memref<4096xi32, #tpu.memory_space<vmem>>[vector<16xi32>], vector<16xi32>,
      %parallel_loop3A_1424 = arith.constant 8 : i32
      %parallel_loop3A_1425 = vector.broadcast %parallel_loop3A_1424 : i32 to vector<16xi32>
      %parallel_loop3A_1426 = arith.muli %parallel_loop3A_12, %parallel_loop3A_1425 : vector<16xi32>
      %parallel_loop3A_1427 = arith.constant 4 : i32
      %parallel_loop3A_1428 = vector.broadcast %parallel_loop3A_1427 : i32 to vector<16xi32>
      %parallel_loop3A_1429 = arith.addi %parallel_loop3A_1426, %parallel_loop3A_1428 : vector<16xi32>
      %parallel_loop3A_1430 = arith.divf %parallel_loop3A_1382, %parallel_loop3A_1395 : vector<16xf32>
      tpu.vector_store_idx %arg6[%parallel_loop3A_1429], %parallel_loop3A_1430 : memref<4096xf32, #tpu.memory_space<vmem>>[vector<16xi32>], vector<16xf32>,
      tpu.vector_store_idx %arg7[%parallel_loop3A_1429], %parallel_loop3A_1347 : memref<4096xi32, #tpu.memory_space<vmem>>[vector<16xi32>], vector<16xi32>,
      %parallel_loop3A_1431 = arith.constant 8 : i32
      %parallel_loop3A_1432 = vector.broadcast %parallel_loop3A_1431 : i32 to vector<16xi32>
      %parallel_loop3A_1433 = arith.muli %parallel_loop3A_12, %parallel_loop3A_1432 : vector<16xi32>
      %parallel_loop3A_1434 = arith.constant 5 : i32
      %parallel_loop3A_1435 = vector.broadcast %parallel_loop3A_1434 : i32 to vector<16xi32>
      %parallel_loop3A_1436 = arith.addi %parallel_loop3A_1433, %parallel_loop3A_1435 : vector<16xi32>
      %parallel_loop3A_1437 = arith.divf %parallel_loop3A_1384, %parallel_loop3A_1395 : vector<16xf32>
      tpu.vector_store_idx %arg6[%parallel_loop3A_1436], %parallel_loop3A_1437 : memref<4096xf32, #tpu.memory_space<vmem>>[vector<16xi32>], vector<16xf32>,
      tpu.vector_store_idx %arg7[%parallel_loop3A_1436], %parallel_loop3A_1355 : memref<4096xi32, #tpu.memory_space<vmem>>[vector<16xi32>], vector<16xi32>,
      %parallel_loop3A_1438 = arith.constant 8 : i32
      %parallel_loop3A_1439 = vector.broadcast %parallel_loop3A_1438 : i32 to vector<16xi32>
      %parallel_loop3A_1440 = arith.muli %parallel_loop3A_12, %parallel_loop3A_1439 : vector<16xi32>
      %parallel_loop3A_1441 = arith.constant 6 : i32
      %parallel_loop3A_1442 = vector.broadcast %parallel_loop3A_1441 : i32 to vector<16xi32>
      %parallel_loop3A_1443 = arith.addi %parallel_loop3A_1440, %parallel_loop3A_1442 : vector<16xi32>
      %parallel_loop3A_1444 = arith.divf %parallel_loop3A_1386, %parallel_loop3A_1395 : vector<16xf32>
      tpu.vector_store_idx %arg6[%parallel_loop3A_1443], %parallel_loop3A_1444 : memref<4096xf32, #tpu.memory_space<vmem>>[vector<16xi32>], vector<16xf32>,
      tpu.vector_store_idx %arg7[%parallel_loop3A_1443], %parallel_loop3A_1363 : memref<4096xi32, #tpu.memory_space<vmem>>[vector<16xi32>], vector<16xi32>,
      %parallel_loop3A_1445 = arith.constant 8 : i32
      %parallel_loop3A_1446 = vector.broadcast %parallel_loop3A_1445 : i32 to vector<16xi32>
      %parallel_loop3A_1447 = arith.muli %parallel_loop3A_12, %parallel_loop3A_1446 : vector<16xi32>
      %parallel_loop3A_1448 = arith.constant 7 : i32
      %parallel_loop3A_1449 = vector.broadcast %parallel_loop3A_1448 : i32 to vector<16xi32>
      %parallel_loop3A_1450 = arith.addi %parallel_loop3A_1447, %parallel_loop3A_1449 : vector<16xi32>
      %parallel_loop3A_1451 = arith.divf %parallel_loop3A_1388, %parallel_loop3A_1395 : vector<16xf32>
      tpu.vector_store_idx %arg6[%parallel_loop3A_1450], %parallel_loop3A_1451 : memref<4096xf32, #tpu.memory_space<vmem>>[vector<16xi32>], vector<16xf32>,
      tpu.vector_store_idx %arg7[%parallel_loop3A_1450], %parallel_loop3A_1371 : memref<4096xi32, #tpu.memory_space<vmem>>[vector<16xi32>], vector<16xi32>,
    } {sc.loop_unroll_factor = 2 : i64, sc.parallel_access}
    "tpu.region"() ({
      %run_scoped3A = tpu.sem_alloc : memref<!tpu.dma_semaphore, #tpu.memory_space<semaphore_mem>>
      %dma_start3A = tpu.memref_slice %arg3[%mul3A_4] : memref<131072xf32, #tpu.memory_space<hbm>> -> memref<4096xf32, #tpu.memory_space<hbm>>
      %dma_start3A_7 = tpu.memref_slice %arg3[%mul3A_4] : memref<131072xf32, #tpu.memory_space<hbm>> -> memref<4096xf32, #tpu.memory_space<hbm>>
      tpu.enqueue_dma source(%arg6 : memref<4096xf32, #tpu.memory_space<vmem>>) target(%dma_start3A_7 : memref<4096xf32, #tpu.memory_space<hbm>>) target_semaphore(%run_scoped3A : memref<!tpu.dma_semaphore, #tpu.memory_space<semaphore_mem>>)
      %dma_wait3A = tpu.memref_slice %arg3[%mul3A_4] : memref<131072xf32, #tpu.memory_space<hbm>> -> memref<4096xf32, #tpu.memory_space<hbm>>
      %dma_wait3A_8 = tpu.memref_slice %arg3[%mul3A_4] : memref<131072xf32, #tpu.memory_space<hbm>> -> memref<4096xf32, #tpu.memory_space<hbm>>
      tpu.wait_dma2 semaphore(%run_scoped3A : memref<!tpu.dma_semaphore, #tpu.memory_space<semaphore_mem>>) src(%arg6 : memref<4096xf32, #tpu.memory_space<vmem>>) dst(%dma_wait3A_8 : memref<4096xf32, #tpu.memory_space<hbm>>)
      tpu.yield
    }) : () -> ()
    "tpu.region"() ({
      %run_scoped3A = tpu.sem_alloc : memref<!tpu.dma_semaphore, #tpu.memory_space<semaphore_mem>>
      %dma_start3A = tpu.memref_slice %arg4[%mul3A_4] : memref<131072xi32, #tpu.memory_space<hbm>> -> memref<4096xi32, #tpu.memory_space<hbm>>
      %dma_start3A_7 = tpu.memref_slice %arg4[%mul3A_4] : memref<131072xi32, #tpu.memory_space<hbm>> -> memref<4096xi32, #tpu.memory_space<hbm>>
      tpu.enqueue_dma source(%arg7 : memref<4096xi32, #tpu.memory_space<vmem>>) target(%dma_start3A_7 : memref<4096xi32, #tpu.memory_space<hbm>>) target_semaphore(%run_scoped3A : memref<!tpu.dma_semaphore, #tpu.memory_space<semaphore_mem>>)
      %dma_wait3A = tpu.memref_slice %arg4[%mul3A_4] : memref<131072xi32, #tpu.memory_space<hbm>> -> memref<4096xi32, #tpu.memory_space<hbm>>
      %dma_wait3A_8 = tpu.memref_slice %arg4[%mul3A_4] : memref<131072xi32, #tpu.memory_space<hbm>> -> memref<4096xi32, #tpu.memory_space<hbm>>
      tpu.wait_dma2 semaphore(%run_scoped3A : memref<!tpu.dma_semaphore, #tpu.memory_space<semaphore_mem>>) src(%arg7 : memref<4096xi32, #tpu.memory_space<vmem>>) dst(%dma_wait3A_8 : memref<4096xi32, #tpu.memory_space<hbm>>)
      tpu.yield
    }) : () -> ()
    return
  }
}

#map = affine_map<(d0, d1) -> (0, 0)>
#map1 = affine_map<(d0, d1) -> (0)>
module attributes {stable_mosaic.version = 14 : i64} {
  func.func @_topk_sc_body(%arg0: i32, %arg1: i32, %arg2: memref<64x16384xf32, #tpu.memory_space<hbm>>, %arg3: memref<131072xf32, #tpu.memory_space<hbm>>, %arg4: memref<131072xi32, #tpu.memory_space<hbm>>, %arg5: memref<64x512xf32, #tpu.memory_space<vmem>>, %arg6: memref<4096xf32, #tpu.memory_space<vmem>>, %arg7: memref<4096xi32, #tpu.memory_space<vmem>>) attributes {dimension_semantics = [#tpu.dimension_semantics<core_parallel>, #tpu.dimension_semantics<subcore_parallel>], iteration_bounds = array<i64: 2, 16>, scalar_prefetch = 0 : i64, scratch_operands = 3 : i64, tpu.core_type = #tpu.core_type<sc_vector_subcore>, window_params = [{transform_indices = #map}, {transform_indices = #map1}, {transform_indices = #map1}]} {
    %mul3A = arith.constant 2 : i32
    %mul3A_0 = arith.muli %arg1, %mul3A : i32
    %add3A = arith.addi %mul3A_0, %arg0 : i32
    %mul3A_1 = arith.constant 512 : i32
    %mul3A_2 = arith.muli %add3A, %mul3A_1 : i32
    %mul3A_3 = arith.constant 8 : i32
    %mul3A_4 = arith.muli %mul3A_2, %mul3A_3 : i32
    "tpu.region"() ({
      %run_scoped3A = tpu.sem_alloc : memref<!tpu.dma_semaphore, #tpu.memory_space<semaphore_mem>>
      %dma_start3A = arith.constant 0 : i32
      %dma_start3A_7 = tpu.memref_slice %arg2[%dma_start3A, %mul3A_2] : memref<64x16384xf32, #tpu.memory_space<hbm>> -> memref<64x512xf32, #tpu.memory_space<hbm>>
      %dma_start3A_8 = arith.constant 0 : i32
      %dma_start3A_9 = tpu.memref_slice %arg2[%dma_start3A_8, %mul3A_2] : memref<64x16384xf32, #tpu.memory_space<hbm>> -> memref<64x512xf32, #tpu.memory_space<hbm>>
      tpu.enqueue_dma source(%dma_start3A_9 : memref<64x512xf32, #tpu.memory_space<hbm>>) target(%arg5 : memref<64x512xf32, #tpu.memory_space<vmem>>) target_semaphore(%run_scoped3A : memref<!tpu.dma_semaphore, #tpu.memory_space<semaphore_mem>>)
      %dma_wait3A = arith.constant 0 : i32
      %dma_wait3A_10 = tpu.memref_slice %arg2[%dma_wait3A, %mul3A_2] : memref<64x16384xf32, #tpu.memory_space<hbm>> -> memref<64x512xf32, #tpu.memory_space<hbm>>
      %dma_wait3A_11 = arith.constant 0 : i32
      %dma_wait3A_12 = tpu.memref_slice %arg2[%dma_wait3A_11, %mul3A_2] : memref<64x16384xf32, #tpu.memory_space<hbm>> -> memref<64x512xf32, #tpu.memory_space<hbm>>
      tpu.wait_dma2 semaphore(%run_scoped3A : memref<!tpu.dma_semaphore, #tpu.memory_space<semaphore_mem>>) src(%dma_wait3A_12 : memref<64x512xf32, #tpu.memory_space<hbm>>) dst(%arg5 : memref<64x512xf32, #tpu.memory_space<vmem>>)
      tpu.yield
    }) : () -> ()
    %parallel_loop3A = arith.constant 0 : i32
    %parallel_loop3A_5 = arith.constant 32 : i32
    %parallel_loop3A_6 = arith.constant 1 : i32
    scf.for %parallel_loop3A_7 = %parallel_loop3A to %parallel_loop3A_5 step %parallel_loop3A_6  : i32 {
      %parallel_loop3A_8 = arith.constant 16 : i32
      %parallel_loop3A_9 = arith.muli %parallel_loop3A_7, %parallel_loop3A_8 : i32
      %parallel_loop3A_10 = tpu.iota {dimensions = array<i32: 0>} : vector<16xi32>
      %parallel_loop3A_11 = vector.broadcast %parallel_loop3A_9 : i32 to vector<16xi32>
      %parallel_loop3A_12 = arith.addi %parallel_loop3A_11, %parallel_loop3A_10 : vector<16xi32>
      %parallel_loop3A_13 = arith.constant 0 : i32
      %parallel_loop3A_14 = arith.index_cast %parallel_loop3A_13 : i32 to index
      %parallel_loop3A_15 = arith.index_cast %parallel_loop3A_9 : i32 to index
      %parallel_loop3A_16 = tpu.vector_load %arg5[%parallel_loop3A_14, %parallel_loop3A_15] {strides = array<i32>} : memref<64x512xf32, #tpu.memory_space<vmem>>, vector<16xf32>,
      %parallel_loop3A_17 = vector.bitcast %parallel_loop3A_16 : vector<16xf32> to vector<16xi32>
      %parallel_loop3A_18 = arith.constant -64 : i32
      %parallel_loop3A_19 = vector.broadcast %parallel_loop3A_18 : i32 to vector<16xi32>
      %parallel_loop3A_20 = arith.andi %parallel_loop3A_17, %parallel_loop3A_19 : vector<16xi32>
      %parallel_loop3A_21 = arith.constant 63 : i32
      %parallel_loop3A_22 = vector.broadcast %parallel_loop3A_21 : i32 to vector<16xi32>
      %parallel_loop3A_23 = arith.ori %parallel_loop3A_20, %parallel_loop3A_22 : vector<16xi32>
      %parallel_loop3A_24 = vector.bitcast %parallel_loop3A_23 : vector<16xi32> to vector<16xf32>
      %parallel_loop3A_25 = arith.constant 1 : i32
      %parallel_loop3A_26 = arith.index_cast %parallel_loop3A_25 : i32 to index
      %parallel_loop3A_27 = arith.index_cast %parallel_loop3A_9 : i32 to index
      %parallel_loop3A_28 = tpu.vector_load %arg5[%parallel_loop3A_26, %parallel_loop3A_27] {strides = array<i32>} : memref<64x512xf32, #tpu.memory_space<vmem>>, vector<16xf32>,
      %parallel_loop3A_29 = vector.bitcast %parallel_loop3A_28 : vector<16xf32> to vector<16xi32>
      %parallel_loop3A_30 = arith.constant -64 : i32
      %parallel_loop3A_31 = vector.broadcast %parallel_loop3A_30 : i32 to vector<16xi32>
      %parallel_loop3A_32 = arith.andi %parallel_loop3A_29, %parallel_loop3A_31 : vector<16xi32>
      %parallel_loop3A_33 = arith.constant 62 : i32
      %parallel_loop3A_34 = vector.broadcast %parallel_loop3A_33 : i32 to vector<16xi32>
      %parallel_loop3A_35 = arith.ori %parallel_loop3A_32, %parallel_loop3A_34 : vector<16xi32>
      %parallel_loop3A_36 = vector.bitcast %parallel_loop3A_35 : vector<16xi32> to vector<16xf32>
      %parallel_loop3A_37 = arith.constant 2 : i32
      %parallel_loop3A_38 = arith.index_cast %parallel_loop3A_37 : i32 to index
      %parallel_loop3A_39 = arith.index_cast %parallel_loop3A_9 : i32 to index
      %parallel_loop3A_40 = tpu.vector_load %arg5[%parallel_loop3A_38, %parallel_loop3A_39] {strides = array<i32>} : memref<64x512xf32, #tpu.memory_space<vmem>>, vector<16xf32>,
      %parallel_loop3A_41 = vector.bitcast %parallel_loop3A_40 : vector<16xf32> to vector<16xi32>
      %parallel_loop3A_42 = arith.constant -64 : i32
      %parallel_loop3A_43 = vector.broadcast %parallel_loop3A_42 : i32 to vector<16xi32>
      %parallel_loop3A_44 = arith.andi %parallel_loop3A_41, %parallel_loop3A_43 : vector<16xi32>
      %parallel_loop3A_45 = arith.constant 61 : i32
      %parallel_loop3A_46 = vector.broadcast %parallel_loop3A_45 : i32 to vector<16xi32>
      %parallel_loop3A_47 = arith.ori %parallel_loop3A_44, %parallel_loop3A_46 : vector<16xi32>
      %parallel_loop3A_48 = vector.bitcast %parallel_loop3A_47 : vector<16xi32> to vector<16xf32>
      %parallel_loop3A_49 = arith.constant 3 : i32
      %parallel_loop3A_50 = arith.index_cast %parallel_loop3A_49 : i32 to index
      %parallel_loop3A_51 = arith.index_cast %parallel_loop3A_9 : i32 to index
      %parallel_loop3A_52 = tpu.vector_load %arg5[%parallel_loop3A_50, %parallel_loop3A_51] {strides = array<i32>} : memref<64x512xf32, #tpu.memory_space<vmem>>, vector<16xf32>,
      %parallel_loop3A_53 = vector.bitcast %parallel_loop3A_52 : vector<16xf32> to vector<16xi32>
      %parallel_loop3A_54 = arith.constant -64 : i32
      %parallel_loop3A_55 = vector.broadcast %parallel_loop3A_54 : i32 to vector<16xi32>
      %parallel_loop3A_56 = arith.andi %parallel_loop3A_53, %parallel_loop3A_55 : vector<16xi32>
      %parallel_loop3A_57 = arith.constant 60 : i32
      %parallel_loop3A_58 = vector.broadcast %parallel_loop3A_57 : i32 to vector<16xi32>
      %parallel_loop3A_59 = arith.ori %parallel_loop3A_56, %parallel_loop3A_58 : vector<16xi32>
      %parallel_loop3A_60 = vector.bitcast %parallel_loop3A_59 : vector<16xi32> to vector<16xf32>
      %parallel_loop3A_61 = arith.constant 4 : i32
      %parallel_loop3A_62 = arith.index_cast %parallel_loop3A_61 : i32 to index
      %parallel_loop3A_63 = arith.index_cast %parallel_loop3A_9 : i32 to index
      %parallel_loop3A_64 = tpu.vector_load %arg5[%parallel_loop3A_62, %parallel_loop3A_63] {strides = array<i32>} : memref<64x512xf32, #tpu.memory_space<vmem>>, vector<16xf32>,
      %parallel_loop3A_65 = vector.bitcast %parallel_loop3A_64 : vector<16xf32> to vector<16xi32>
      %parallel_loop3A_66 = arith.constant -64 : i32
      %parallel_loop3A_67 = vector.broadcast %parallel_loop3A_66 : i32 to vector<16xi32>
      %parallel_loop3A_68 = arith.andi %parallel_loop3A_65, %parallel_loop3A_67 : vector<16xi32>
      %parallel_loop3A_69 = arith.constant 59 : i32
      %parallel_loop3A_70 = vector.broadcast %parallel_loop3A_69 : i32 to vector<16xi32>
      %parallel_loop3A_71 = arith.ori %parallel_loop3A_68, %parallel_loop3A_70 : vector<16xi32>
      %parallel_loop3A_72 = vector.bitcast %parallel_loop3A_71 : vector<16xi32> to vector<16xf32>
      %parallel_loop3A_73 = arith.constant 5 : i32
      %parallel_loop3A_74 = arith.index_cast %parallel_loop3A_73 : i32 to index
      %parallel_loop3A_75 = arith.index_cast %parallel_loop3A_9 : i32 to index
      %parallel_loop3A_76 = tpu.vector_load %arg5[%parallel_loop3A_74, %parallel_loop3A_75] {strides = array<i32>} : memref<64x512xf32, #tpu.memory_space<vmem>>, vector<16xf32>,
      %parallel_loop3A_77 = vector.bitcast %parallel_loop3A_76 : vector<16xf32> to vector<16xi32>
      %parallel_loop3A_78 = arith.constant -64 : i32
      %parallel_loop3A_79 = vector.broadcast %parallel_loop3A_78 : i32 to vector<16xi32>
      %parallel_loop3A_80 = arith.andi %parallel_loop3A_77, %parallel_loop3A_79 : vector<16xi32>
      %parallel_loop3A_81 = arith.constant 58 : i32
      %parallel_loop3A_82 = vector.broadcast %parallel_loop3A_81 : i32 to vector<16xi32>
      %parallel_loop3A_83 = arith.ori %parallel_loop3A_80, %parallel_loop3A_82 : vector<16xi32>
      %parallel_loop3A_84 = vector.bitcast %parallel_loop3A_83 : vector<16xi32> to vector<16xf32>
      %parallel_loop3A_85 = arith.constant 6 : i32
      %parallel_loop3A_86 = arith.index_cast %parallel_loop3A_85 : i32 to index
      %parallel_loop3A_87 = arith.index_cast %parallel_loop3A_9 : i32 to index
      %parallel_loop3A_88 = tpu.vector_load %arg5[%parallel_loop3A_86, %parallel_loop3A_87] {strides = array<i32>} : memref<64x512xf32, #tpu.memory_space<vmem>>, vector<16xf32>,
      %parallel_loop3A_89 = vector.bitcast %parallel_loop3A_88 : vector<16xf32> to vector<16xi32>
      %parallel_loop3A_90 = arith.constant -64 : i32
      %parallel_loop3A_91 = vector.broadcast %parallel_loop3A_90 : i32 to vector<16xi32>
      %parallel_loop3A_92 = arith.andi %parallel_loop3A_89, %parallel_loop3A_91 : vector<16xi32>
      %parallel_loop3A_93 = arith.constant 57 : i32
      %parallel_loop3A_94 = vector.broadcast %parallel_loop3A_93 : i32 to vector<16xi32>
      %parallel_loop3A_95 = arith.ori %parallel_loop3A_92, %parallel_loop3A_94 : vector<16xi32>
      %parallel_loop3A_96 = vector.bitcast %parallel_loop3A_95 : vector<16xi32> to vector<16xf32>
      %parallel_loop3A_97 = arith.constant 7 : i32
      %parallel_loop3A_98 = arith.index_cast %parallel_loop3A_97 : i32 to index
      %parallel_loop3A_99 = arith.index_cast %parallel_loop3A_9 : i32 to index
      %parallel_loop3A_100 = tpu.vector_load %arg5[%parallel_loop3A_98, %parallel_loop3A_99] {strides = array<i32>} : memref<64x512xf32, #tpu.memory_space<vmem>>, vector<16xf32>,
      %parallel_loop3A_101 = vector.bitcast %parallel_loop3A_100 : vector<16xf32> to vector<16xi32>
      %parallel_loop3A_102 = arith.constant -64 : i32
      %parallel_loop3A_103 = vector.broadcast %parallel_loop3A_102 : i32 to vector<16xi32>
      %parallel_loop3A_104 = arith.andi %parallel_loop3A_101, %parallel_loop3A_103 : vector<16xi32>
      %parallel_loop3A_105 = arith.constant 56 : i32
      %parallel_loop3A_106 = vector.broadcast %parallel_loop3A_105 : i32 to vector<16xi32>
      %parallel_loop3A_107 = arith.ori %parallel_loop3A_104, %parallel_loop3A_106 : vector<16xi32>
      %parallel_loop3A_108 = vector.bitcast %parallel_loop3A_107 : vector<16xi32> to vector<16xf32>
      %parallel_loop3A_109 = arith.constant 8 : i32
      %parallel_loop3A_110 = arith.index_cast %parallel_loop3A_109 : i32 to index
      %parallel_loop3A_111 = arith.index_cast %parallel_loop3A_9 : i32 to index
      %parallel_loop3A_112 = tpu.vector_load %arg5[%parallel_loop3A_110, %parallel_loop3A_111] {strides = array<i32>} : memref<64x512xf32, #tpu.memory_space<vmem>>, vector<16xf32>,
      %parallel_loop3A_113 = vector.bitcast %parallel_loop3A_112 : vector<16xf32> to vector<16xi32>
      %parallel_loop3A_114 = arith.constant -64 : i32
      %parallel_loop3A_115 = vector.broadcast %parallel_loop3A_114 : i32 to vector<16xi32>
      %parallel_loop3A_116 = arith.andi %parallel_loop3A_113, %parallel_loop3A_115 : vector<16xi32>
      %parallel_loop3A_117 = arith.constant 55 : i32
      %parallel_loop3A_118 = vector.broadcast %parallel_loop3A_117 : i32 to vector<16xi32>
      %parallel_loop3A_119 = arith.ori %parallel_loop3A_116, %parallel_loop3A_118 : vector<16xi32>
      %parallel_loop3A_120 = vector.bitcast %parallel_loop3A_119 : vector<16xi32> to vector<16xf32>
      %parallel_loop3A_121 = arith.constant 9 : i32
      %parallel_loop3A_122 = arith.index_cast %parallel_loop3A_121 : i32 to index
      %parallel_loop3A_123 = arith.index_cast %parallel_loop3A_9 : i32 to index
      %parallel_loop3A_124 = tpu.vector_load %arg5[%parallel_loop3A_122, %parallel_loop3A_123] {strides = array<i32>} : memref<64x512xf32, #tpu.memory_space<vmem>>, vector<16xf32>,
      %parallel_loop3A_125 = vector.bitcast %parallel_loop3A_124 : vector<16xf32> to vector<16xi32>
      %parallel_loop3A_126 = arith.constant -64 : i32
      %parallel_loop3A_127 = vector.broadcast %parallel_loop3A_126 : i32 to vector<16xi32>
      %parallel_loop3A_128 = arith.andi %parallel_loop3A_125, %parallel_loop3A_127 : vector<16xi32>
      %parallel_loop3A_129 = arith.constant 54 : i32
      %parallel_loop3A_130 = vector.broadcast %parallel_loop3A_129 : i32 to vector<16xi32>
      %parallel_loop3A_131 = arith.ori %parallel_loop3A_128, %parallel_loop3A_130 : vector<16xi32>
      %parallel_loop3A_132 = vector.bitcast %parallel_loop3A_131 : vector<16xi32> to vector<16xf32>
      %parallel_loop3A_133 = arith.constant 10 : i32
      %parallel_loop3A_134 = arith.index_cast %parallel_loop3A_133 : i32 to index
      %parallel_loop3A_135 = arith.index_cast %parallel_loop3A_9 : i32 to index
      %parallel_loop3A_136 = tpu.vector_load %arg5[%parallel_loop3A_134, %parallel_loop3A_135] {strides = array<i32>} : memref<64x512xf32, #tpu.memory_space<vmem>>, vector<16xf32>,
      %parallel_loop3A_137 = vector.bitcast %parallel_loop3A_136 : vector<16xf32> to vector<16xi32>
      %parallel_loop3A_138 = arith.constant -64 : i32
      %parallel_loop3A_139 = vector.broadcast %parallel_loop3A_138 : i32 to vector<16xi32>
      %parallel_loop3A_140 = arith.andi %parallel_loop3A_137, %parallel_loop3A_139 : vector<16xi32>
      %parallel_loop3A_141 = arith.constant 53 : i32
      %parallel_loop3A_142 = vector.broadcast %parallel_loop3A_141 : i32 to vector<16xi32>
      %parallel_loop3A_143 = arith.ori %parallel_loop3A_140, %parallel_loop3A_142 : vector<16xi32>
      %parallel_loop3A_144 = vector.bitcast %parallel_loop3A_143 : vector<16xi32> to vector<16xf32>
      %parallel_loop3A_145 = arith.constant 11 : i32
      %parallel_loop3A_146 = arith.index_cast %parallel_loop3A_145 : i32 to index
      %parallel_loop3A_147 = arith.index_cast %parallel_loop3A_9 : i32 to index
      %parallel_loop3A_148 = tpu.vector_load %arg5[%parallel_loop3A_146, %parallel_loop3A_147] {strides = array<i32>} : memref<64x512xf32, #tpu.memory_space<vmem>>, vector<16xf32>,
      %parallel_loop3A_149 = vector.bitcast %parallel_loop3A_148 : vector<16xf32> to vector<16xi32>
      %parallel_loop3A_150 = arith.constant -64 : i32
      %parallel_loop3A_151 = vector.broadcast %parallel_loop3A_150 : i32 to vector<16xi32>
      %parallel_loop3A_152 = arith.andi %parallel_loop3A_149, %parallel_loop3A_151 : vector<16xi32>
      %parallel_loop3A_153 = arith.constant 52 : i32
      %parallel_loop3A_154 = vector.broadcast %parallel_loop3A_153 : i32 to vector<16xi32>
      %parallel_loop3A_155 = arith.ori %parallel_loop3A_152, %parallel_loop3A_154 : vector<16xi32>
      %parallel_loop3A_156 = vector.bitcast %parallel_loop3A_155 : vector<16xi32> to vector<16xf32>
      %parallel_loop3A_157 = arith.constant 12 : i32
      %parallel_loop3A_158 = arith.index_cast %parallel_loop3A_157 : i32 to index
      %parallel_loop3A_159 = arith.index_cast %parallel_loop3A_9 : i32 to index
      %parallel_loop3A_160 = tpu.vector_load %arg5[%parallel_loop3A_158, %parallel_loop3A_159] {strides = array<i32>} : memref<64x512xf32, #tpu.memory_space<vmem>>, vector<16xf32>,
      %parallel_loop3A_161 = vector.bitcast %parallel_loop3A_160 : vector<16xf32> to vector<16xi32>
      %parallel_loop3A_162 = arith.constant -64 : i32
      %parallel_loop3A_163 = vector.broadcast %parallel_loop3A_162 : i32 to vector<16xi32>
      %parallel_loop3A_164 = arith.andi %parallel_loop3A_161, %parallel_loop3A_163 : vector<16xi32>
      %parallel_loop3A_165 = arith.constant 51 : i32
      %parallel_loop3A_166 = vector.broadcast %parallel_loop3A_165 : i32 to vector<16xi32>
      %parallel_loop3A_167 = arith.ori %parallel_loop3A_164, %parallel_loop3A_166 : vector<16xi32>
      %parallel_loop3A_168 = vector.bitcast %parallel_loop3A_167 : vector<16xi32> to vector<16xf32>
      %parallel_loop3A_169 = arith.constant 13 : i32
      %parallel_loop3A_170 = arith.index_cast %parallel_loop3A_169 : i32 to index
      %parallel_loop3A_171 = arith.index_cast %parallel_loop3A_9 : i32 to index
      %parallel_loop3A_172 = tpu.vector_load %arg5[%parallel_loop3A_170, %parallel_loop3A_171] {strides = array<i32>} : memref<64x512xf32, #tpu.memory_space<vmem>>, vector<16xf32>,
      %parallel_loop3A_173 = vector.bitcast %parallel_loop3A_172 : vector<16xf32> to vector<16xi32>
      %parallel_loop3A_174 = arith.constant -64 : i32
      %parallel_loop3A_175 = vector.broadcast %parallel_loop3A_174 : i32 to vector<16xi32>
      %parallel_loop3A_176 = arith.andi %parallel_loop3A_173, %parallel_loop3A_175 : vector<16xi32>
      %parallel_loop3A_177 = arith.constant 50 : i32
      %parallel_loop3A_178 = vector.broadcast %parallel_loop3A_177 : i32 to vector<16xi32>
      %parallel_loop3A_179 = arith.ori %parallel_loop3A_176, %parallel_loop3A_178 : vector<16xi32>
      %parallel_loop3A_180 = vector.bitcast %parallel_loop3A_179 : vector<16xi32> to vector<16xf32>
      %parallel_loop3A_181 = arith.constant 14 : i32
      %parallel_loop3A_182 = arith.index_cast %parallel_loop3A_181 : i32 to index
      %parallel_loop3A_183 = arith.index_cast %parallel_loop3A_9 : i32 to index
      %parallel_loop3A_184 = tpu.vector_load %arg5[%parallel_loop3A_182, %parallel_loop3A_183] {strides = array<i32>} : memref<64x512xf32, #tpu.memory_space<vmem>>, vector<16xf32>,
      %parallel_loop3A_185 = vector.bitcast %parallel_loop3A_184 : vector<16xf32> to vector<16xi32>
      %parallel_loop3A_186 = arith.constant -64 : i32
      %parallel_loop3A_187 = vector.broadcast %parallel_loop3A_186 : i32 to vector<16xi32>
      %parallel_loop3A_188 = arith.andi %parallel_loop3A_185, %parallel_loop3A_187 : vector<16xi32>
      %parallel_loop3A_189 = arith.constant 49 : i32
      %parallel_loop3A_190 = vector.broadcast %parallel_loop3A_189 : i32 to vector<16xi32>
      %parallel_loop3A_191 = arith.ori %parallel_loop3A_188, %parallel_loop3A_190 : vector<16xi32>
      %parallel_loop3A_192 = vector.bitcast %parallel_loop3A_191 : vector<16xi32> to vector<16xf32>
      %parallel_loop3A_193 = arith.constant 15 : i32
      %parallel_loop3A_194 = arith.index_cast %parallel_loop3A_193 : i32 to index
      %parallel_loop3A_195 = arith.index_cast %parallel_loop3A_9 : i32 to index
      %parallel_loop3A_196 = tpu.vector_load %arg5[%parallel_loop3A_194, %parallel_loop3A_195] {strides = array<i32>} : memref<64x512xf32, #tpu.memory_space<vmem>>, vector<16xf32>,
      %parallel_loop3A_197 = vector.bitcast %parallel_loop3A_196 : vector<16xf32> to vector<16xi32>
      %parallel_loop3A_198 = arith.constant -64 : i32
      %parallel_loop3A_199 = vector.broadcast %parallel_loop3A_198 : i32 to vector<16xi32>
      %parallel_loop3A_200 = arith.andi %parallel_loop3A_197, %parallel_loop3A_199 : vector<16xi32>
      %parallel_loop3A_201 = arith.constant 48 : i32
      %parallel_loop3A_202 = vector.broadcast %parallel_loop3A_201 : i32 to vector<16xi32>
      %parallel_loop3A_203 = arith.ori %parallel_loop3A_200, %parallel_loop3A_202 : vector<16xi32>
      %parallel_loop3A_204 = vector.bitcast %parallel_loop3A_203 : vector<16xi32> to vector<16xf32>
      %parallel_loop3A_205 = arith.constant 16 : i32
      %parallel_loop3A_206 = arith.index_cast %parallel_loop3A_205 : i32 to index
      %parallel_loop3A_207 = arith.index_cast %parallel_loop3A_9 : i32 to index
      %parallel_loop3A_208 = tpu.vector_load %arg5[%parallel_loop3A_206, %parallel_loop3A_207] {strides = array<i32>} : memref<64x512xf32, #tpu.memory_space<vmem>>, vector<16xf32>,
      %parallel_loop3A_209 = vector.bitcast %parallel_loop3A_208 : vector<16xf32> to vector<16xi32>
      %parallel_loop3A_210 = arith.constant -64 : i32
      %parallel_loop3A_211 = vector.broadcast %parallel_loop3A_210 : i32 to vector<16xi32>
      %parallel_loop3A_212 = arith.andi %parallel_loop3A_209, %parallel_loop3A_211 : vector<16xi32>
      %parallel_loop3A_213 = arith.constant 47 : i32
      %parallel_loop3A_214 = vector.broadcast %parallel_loop3A_213 : i32 to vector<16xi32>
      %parallel_loop3A_215 = arith.ori %parallel_loop3A_212, %parallel_loop3A_214 : vector<16xi32>
      %parallel_loop3A_216 = vector.bitcast %parallel_loop3A_215 : vector<16xi32> to vector<16xf32>
      %parallel_loop3A_217 = arith.constant 17 : i32
      %parallel_loop3A_218 = arith.index_cast %parallel_loop3A_217 : i32 to index
      %parallel_loop3A_219 = arith.index_cast %parallel_loop3A_9 : i32 to index
      %parallel_loop3A_220 = tpu.vector_load %arg5[%parallel_loop3A_218, %parallel_loop3A_219] {strides = array<i32>} : memref<64x512xf32, #tpu.memory_space<vmem>>, vector<16xf32>,
      %parallel_loop3A_221 = vector.bitcast %parallel_loop3A_220 : vector<16xf32> to vector<16xi32>
      %parallel_loop3A_222 = arith.constant -64 : i32
      %parallel_loop3A_223 = vector.broadcast %parallel_loop3A_222 : i32 to vector<16xi32>
      %parallel_loop3A_224 = arith.andi %parallel_loop3A_221, %parallel_loop3A_223 : vector<16xi32>
      %parallel_loop3A_225 = arith.constant 46 : i32
      %parallel_loop3A_226 = vector.broadcast %parallel_loop3A_225 : i32 to vector<16xi32>
      %parallel_loop3A_227 = arith.ori %parallel_loop3A_224, %parallel_loop3A_226 : vector<16xi32>
      %parallel_loop3A_228 = vector.bitcast %parallel_loop3A_227 : vector<16xi32> to vector<16xf32>
      %parallel_loop3A_229 = arith.constant 18 : i32
      %parallel_loop3A_230 = arith.index_cast %parallel_loop3A_229 : i32 to index
      %parallel_loop3A_231 = arith.index_cast %parallel_loop3A_9 : i32 to index
      %parallel_loop3A_232 = tpu.vector_load %arg5[%parallel_loop3A_230, %parallel_loop3A_231] {strides = array<i32>} : memref<64x512xf32, #tpu.memory_space<vmem>>, vector<16xf32>,
      %parallel_loop3A_233 = vector.bitcast %parallel_loop3A_232 : vector<16xf32> to vector<16xi32>
      %parallel_loop3A_234 = arith.constant -64 : i32
      %parallel_loop3A_235 = vector.broadcast %parallel_loop3A_234 : i32 to vector<16xi32>
      %parallel_loop3A_236 = arith.andi %parallel_loop3A_233, %parallel_loop3A_235 : vector<16xi32>
      %parallel_loop3A_237 = arith.constant 45 : i32
      %parallel_loop3A_238 = vector.broadcast %parallel_loop3A_237 : i32 to vector<16xi32>
      %parallel_loop3A_239 = arith.ori %parallel_loop3A_236, %parallel_loop3A_238 : vector<16xi32>
      %parallel_loop3A_240 = vector.bitcast %parallel_loop3A_239 : vector<16xi32> to vector<16xf32>
      %parallel_loop3A_241 = arith.constant 19 : i32
      %parallel_loop3A_242 = arith.index_cast %parallel_loop3A_241 : i32 to index
      %parallel_loop3A_243 = arith.index_cast %parallel_loop3A_9 : i32 to index
      %parallel_loop3A_244 = tpu.vector_load %arg5[%parallel_loop3A_242, %parallel_loop3A_243] {strides = array<i32>} : memref<64x512xf32, #tpu.memory_space<vmem>>, vector<16xf32>,
      %parallel_loop3A_245 = vector.bitcast %parallel_loop3A_244 : vector<16xf32> to vector<16xi32>
      %parallel_loop3A_246 = arith.constant -64 : i32
      %parallel_loop3A_247 = vector.broadcast %parallel_loop3A_246 : i32 to vector<16xi32>
      %parallel_loop3A_248 = arith.andi %parallel_loop3A_245, %parallel_loop3A_247 : vector<16xi32>
      %parallel_loop3A_249 = arith.constant 44 : i32
      %parallel_loop3A_250 = vector.broadcast %parallel_loop3A_249 : i32 to vector<16xi32>
      %parallel_loop3A_251 = arith.ori %parallel_loop3A_248, %parallel_loop3A_250 : vector<16xi32>
      %parallel_loop3A_252 = vector.bitcast %parallel_loop3A_251 : vector<16xi32> to vector<16xf32>
      %parallel_loop3A_253 = arith.constant 20 : i32
      %parallel_loop3A_254 = arith.index_cast %parallel_loop3A_253 : i32 to index
      %parallel_loop3A_255 = arith.index_cast %parallel_loop3A_9 : i32 to index
      %parallel_loop3A_256 = tpu.vector_load %arg5[%parallel_loop3A_254, %parallel_loop3A_255] {strides = array<i32>} : memref<64x512xf32, #tpu.memory_space<vmem>>, vector<16xf32>,
      %parallel_loop3A_257 = vector.bitcast %parallel_loop3A_256 : vector<16xf32> to vector<16xi32>
      %parallel_loop3A_258 = arith.constant -64 : i32
      %parallel_loop3A_259 = vector.broadcast %parallel_loop3A_258 : i32 to vector<16xi32>
      %parallel_loop3A_260 = arith.andi %parallel_loop3A_257, %parallel_loop3A_259 : vector<16xi32>
      %parallel_loop3A_261 = arith.constant 43 : i32
      %parallel_loop3A_262 = vector.broadcast %parallel_loop3A_261 : i32 to vector<16xi32>
      %parallel_loop3A_263 = arith.ori %parallel_loop3A_260, %parallel_loop3A_262 : vector<16xi32>
      %parallel_loop3A_264 = vector.bitcast %parallel_loop3A_263 : vector<16xi32> to vector<16xf32>
      %parallel_loop3A_265 = arith.constant 21 : i32
      %parallel_loop3A_266 = arith.index_cast %parallel_loop3A_265 : i32 to index
      %parallel_loop3A_267 = arith.index_cast %parallel_loop3A_9 : i32 to index
      %parallel_loop3A_268 = tpu.vector_load %arg5[%parallel_loop3A_266, %parallel_loop3A_267] {strides = array<i32>} : memref<64x512xf32, #tpu.memory_space<vmem>>, vector<16xf32>,
      %parallel_loop3A_269 = vector.bitcast %parallel_loop3A_268 : vector<16xf32> to vector<16xi32>
      %parallel_loop3A_270 = arith.constant -64 : i32
      %parallel_loop3A_271 = vector.broadcast %parallel_loop3A_270 : i32 to vector<16xi32>
      %parallel_loop3A_272 = arith.andi %parallel_loop3A_269, %parallel_loop3A_271 : vector<16xi32>
      %parallel_loop3A_273 = arith.constant 42 : i32
      %parallel_loop3A_274 = vector.broadcast %parallel_loop3A_273 : i32 to vector<16xi32>
      %parallel_loop3A_275 = arith.ori %parallel_loop3A_272, %parallel_loop3A_274 : vector<16xi32>
      %parallel_loop3A_276 = vector.bitcast %parallel_loop3A_275 : vector<16xi32> to vector<16xf32>
      %parallel_loop3A_277 = arith.constant 22 : i32
      %parallel_loop3A_278 = arith.index_cast %parallel_loop3A_277 : i32 to index
      %parallel_loop3A_279 = arith.index_cast %parallel_loop3A_9 : i32 to index
      %parallel_loop3A_280 = tpu.vector_load %arg5[%parallel_loop3A_278, %parallel_loop3A_279] {strides = array<i32>} : memref<64x512xf32, #tpu.memory_space<vmem>>, vector<16xf32>,
      %parallel_loop3A_281 = vector.bitcast %parallel_loop3A_280 : vector<16xf32> to vector<16xi32>
      %parallel_loop3A_282 = arith.constant -64 : i32
      %parallel_loop3A_283 = vector.broadcast %parallel_loop3A_282 : i32 to vector<16xi32>
      %parallel_loop3A_284 = arith.andi %parallel_loop3A_281, %parallel_loop3A_283 : vector<16xi32>
      %parallel_loop3A_285 = arith.constant 41 : i32
      %parallel_loop3A_286 = vector.broadcast %parallel_loop3A_285 : i32 to vector<16xi32>
      %parallel_loop3A_287 = arith.ori %parallel_loop3A_284, %parallel_loop3A_286 : vector<16xi32>
      %parallel_loop3A_288 = vector.bitcast %parallel_loop3A_287 : vector<16xi32> to vector<16xf32>
      %parallel_loop3A_289 = arith.constant 23 : i32
      %parallel_loop3A_290 = arith.index_cast %parallel_loop3A_289 : i32 to index
      %parallel_loop3A_291 = arith.index_cast %parallel_loop3A_9 : i32 to index
      %parallel_loop3A_292 = tpu.vector_load %arg5[%parallel_loop3A_290, %parallel_loop3A_291] {strides = array<i32>} : memref<64x512xf32, #tpu.memory_space<vmem>>, vector<16xf32>,
      %parallel_loop3A_293 = vector.bitcast %parallel_loop3A_292 : vector<16xf32> to vector<16xi32>
      %parallel_loop3A_294 = arith.constant -64 : i32
      %parallel_loop3A_295 = vector.broadcast %parallel_loop3A_294 : i32 to vector<16xi32>
      %parallel_loop3A_296 = arith.andi %parallel_loop3A_293, %parallel_loop3A_295 : vector<16xi32>
      %parallel_loop3A_297 = arith.constant 40 : i32
      %parallel_loop3A_298 = vector.broadcast %parallel_loop3A_297 : i32 to vector<16xi32>
      %parallel_loop3A_299 = arith.ori %parallel_loop3A_296, %parallel_loop3A_298 : vector<16xi32>
      %parallel_loop3A_300 = vector.bitcast %parallel_loop3A_299 : vector<16xi32> to vector<16xf32>
      %parallel_loop3A_301 = arith.constant 24 : i32
      %parallel_loop3A_302 = arith.index_cast %parallel_loop3A_301 : i32 to index
      %parallel_loop3A_303 = arith.index_cast %parallel_loop3A_9 : i32 to index
      %parallel_loop3A_304 = tpu.vector_load %arg5[%parallel_loop3A_302, %parallel_loop3A_303] {strides = array<i32>} : memref<64x512xf32, #tpu.memory_space<vmem>>, vector<16xf32>,
      %parallel_loop3A_305 = vector.bitcast %parallel_loop3A_304 : vector<16xf32> to vector<16xi32>
      %parallel_loop3A_306 = arith.constant -64 : i32
      %parallel_loop3A_307 = vector.broadcast %parallel_loop3A_306 : i32 to vector<16xi32>
      %parallel_loop3A_308 = arith.andi %parallel_loop3A_305, %parallel_loop3A_307 : vector<16xi32>
      %parallel_loop3A_309 = arith.constant 39 : i32
      %parallel_loop3A_310 = vector.broadcast %parallel_loop3A_309 : i32 to vector<16xi32>
      %parallel_loop3A_311 = arith.ori %parallel_loop3A_308, %parallel_loop3A_310 : vector<16xi32>
      %parallel_loop3A_312 = vector.bitcast %parallel_loop3A_311 : vector<16xi32> to vector<16xf32>
      %parallel_loop3A_313 = arith.constant 25 : i32
      %parallel_loop3A_314 = arith.index_cast %parallel_loop3A_313 : i32 to index
      %parallel_loop3A_315 = arith.index_cast %parallel_loop3A_9 : i32 to index
      %parallel_loop3A_316 = tpu.vector_load %arg5[%parallel_loop3A_314, %parallel_loop3A_315] {strides = array<i32>} : memref<64x512xf32, #tpu.memory_space<vmem>>, vector<16xf32>,
      %parallel_loop3A_317 = vector.bitcast %parallel_loop3A_316 : vector<16xf32> to vector<16xi32>
      %parallel_loop3A_318 = arith.constant -64 : i32
      %parallel_loop3A_319 = vector.broadcast %parallel_loop3A_318 : i32 to vector<16xi32>
      %parallel_loop3A_320 = arith.andi %parallel_loop3A_317, %parallel_loop3A_319 : vector<16xi32>
      %parallel_loop3A_321 = arith.constant 38 : i32
      %parallel_loop3A_322 = vector.broadcast %parallel_loop3A_321 : i32 to vector<16xi32>
      %parallel_loop3A_323 = arith.ori %parallel_loop3A_320, %parallel_loop3A_322 : vector<16xi32>
      %parallel_loop3A_324 = vector.bitcast %parallel_loop3A_323 : vector<16xi32> to vector<16xf32>
      %parallel_loop3A_325 = arith.constant 26 : i32
      %parallel_loop3A_326 = arith.index_cast %parallel_loop3A_325 : i32 to index
      %parallel_loop3A_327 = arith.index_cast %parallel_loop3A_9 : i32 to index
      %parallel_loop3A_328 = tpu.vector_load %arg5[%parallel_loop3A_326, %parallel_loop3A_327] {strides = array<i32>} : memref<64x512xf32, #tpu.memory_space<vmem>>, vector<16xf32>,
      %parallel_loop3A_329 = vector.bitcast %parallel_loop3A_328 : vector<16xf32> to vector<16xi32>
      %parallel_loop3A_330 = arith.constant -64 : i32
      %parallel_loop3A_331 = vector.broadcast %parallel_loop3A_330 : i32 to vector<16xi32>
      %parallel_loop3A_332 = arith.andi %parallel_loop3A_329, %parallel_loop3A_331 : vector<16xi32>
      %parallel_loop3A_333 = arith.constant 37 : i32
      %parallel_loop3A_334 = vector.broadcast %parallel_loop3A_333 : i32 to vector<16xi32>
      %parallel_loop3A_335 = arith.ori %parallel_loop3A_332, %parallel_loop3A_334 : vector<16xi32>
      %parallel_loop3A_336 = vector.bitcast %parallel_loop3A_335 : vector<16xi32> to vector<16xf32>
      %parallel_loop3A_337 = arith.constant 27 : i32
      %parallel_loop3A_338 = arith.index_cast %parallel_loop3A_337 : i32 to index
      %parallel_loop3A_339 = arith.index_cast %parallel_loop3A_9 : i32 to index
      %parallel_loop3A_340 = tpu.vector_load %arg5[%parallel_loop3A_338, %parallel_loop3A_339] {strides = array<i32>} : memref<64x512xf32, #tpu.memory_space<vmem>>, vector<16xf32>,
      %parallel_loop3A_341 = vector.bitcast %parallel_loop3A_340 : vector<16xf32> to vector<16xi32>
      %parallel_loop3A_342 = arith.constant -64 : i32
      %parallel_loop3A_343 = vector.broadcast %parallel_loop3A_342 : i32 to vector<16xi32>
      %parallel_loop3A_344 = arith.andi %parallel_loop3A_341, %parallel_loop3A_343 : vector<16xi32>
      %parallel_loop3A_345 = arith.constant 36 : i32
      %parallel_loop3A_346 = vector.broadcast %parallel_loop3A_345 : i32 to vector<16xi32>
      %parallel_loop3A_347 = arith.ori %parallel_loop3A_344, %parallel_loop3A_346 : vector<16xi32>
      %parallel_loop3A_348 = vector.bitcast %parallel_loop3A_347 : vector<16xi32> to vector<16xf32>
      %parallel_loop3A_349 = arith.constant 28 : i32
      %parallel_loop3A_350 = arith.index_cast %parallel_loop3A_349 : i32 to index
      %parallel_loop3A_351 = arith.index_cast %parallel_loop3A_9 : i32 to index
      %parallel_loop3A_352 = tpu.vector_load %arg5[%parallel_loop3A_350, %parallel_loop3A_351] {strides = array<i32>} : memref<64x512xf32, #tpu.memory_space<vmem>>, vector<16xf32>,
      %parallel_loop3A_353 = vector.bitcast %parallel_loop3A_352 : vector<16xf32> to vector<16xi32>
      %parallel_loop3A_354 = arith.constant -64 : i32
      %parallel_loop3A_355 = vector.broadcast %parallel_loop3A_354 : i32 to vector<16xi32>
      %parallel_loop3A_356 = arith.andi %parallel_loop3A_353, %parallel_loop3A_355 : vector<16xi32>
      %parallel_loop3A_357 = arith.constant 35 : i32
      %parallel_loop3A_358 = vector.broadcast %parallel_loop3A_357 : i32 to vector<16xi32>
      %parallel_loop3A_359 = arith.ori %parallel_loop3A_356, %parallel_loop3A_358 : vector<16xi32>
      %parallel_loop3A_360 = vector.bitcast %parallel_loop3A_359 : vector<16xi32> to vector<16xf32>
      %parallel_loop3A_361 = arith.constant 29 : i32
      %parallel_loop3A_362 = arith.index_cast %parallel_loop3A_361 : i32 to index
      %parallel_loop3A_363 = arith.index_cast %parallel_loop3A_9 : i32 to index
      %parallel_loop3A_364 = tpu.vector_load %arg5[%parallel_loop3A_362, %parallel_loop3A_363] {strides = array<i32>} : memref<64x512xf32, #tpu.memory_space<vmem>>, vector<16xf32>,
      %parallel_loop3A_365 = vector.bitcast %parallel_loop3A_364 : vector<16xf32> to vector<16xi32>
      %parallel_loop3A_366 = arith.constant -64 : i32
      %parallel_loop3A_367 = vector.broadcast %parallel_loop3A_366 : i32 to vector<16xi32>
      %parallel_loop3A_368 = arith.andi %parallel_loop3A_365, %parallel_loop3A_367 : vector<16xi32>
      %parallel_loop3A_369 = arith.constant 34 : i32
      %parallel_loop3A_370 = vector.broadcast %parallel_loop3A_369 : i32 to vector<16xi32>
      %parallel_loop3A_371 = arith.ori %parallel_loop3A_368, %parallel_loop3A_370 : vector<16xi32>
      %parallel_loop3A_372 = vector.bitcast %parallel_loop3A_371 : vector<16xi32> to vector<16xf32>
      %parallel_loop3A_373 = arith.constant 30 : i32
      %parallel_loop3A_374 = arith.index_cast %parallel_loop3A_373 : i32 to index
      %parallel_loop3A_375 = arith.index_cast %parallel_loop3A_9 : i32 to index
      %parallel_loop3A_376 = tpu.vector_load %arg5[%parallel_loop3A_374, %parallel_loop3A_375] {strides = array<i32>} : memref<64x512xf32, #tpu.memory_space<vmem>>, vector<16xf32>,
      %parallel_loop3A_377 = vector.bitcast %parallel_loop3A_376 : vector<16xf32> to vector<16xi32>
      %parallel_loop3A_378 = arith.constant -64 : i32
      %parallel_loop3A_379 = vector.broadcast %parallel_loop3A_378 : i32 to vector<16xi32>
      %parallel_loop3A_380 = arith.andi %parallel_loop3A_377, %parallel_loop3A_379 : vector<16xi32>
      %parallel_loop3A_381 = arith.constant 33 : i32
      %parallel_loop3A_382 = vector.broadcast %parallel_loop3A_381 : i32 to vector<16xi32>
      %parallel_loop3A_383 = arith.ori %parallel_loop3A_380, %parallel_loop3A_382 : vector<16xi32>
      %parallel_loop3A_384 = vector.bitcast %parallel_loop3A_383 : vector<16xi32> to vector<16xf32>
      %parallel_loop3A_385 = arith.constant 31 : i32
      %parallel_loop3A_386 = arith.index_cast %parallel_loop3A_385 : i32 to index
      %parallel_loop3A_387 = arith.index_cast %parallel_loop3A_9 : i32 to index
      %parallel_loop3A_388 = tpu.vector_load %arg5[%parallel_loop3A_386, %parallel_loop3A_387] {strides = array<i32>} : memref<64x512xf32, #tpu.memory_space<vmem>>, vector<16xf32>,
      %parallel_loop3A_389 = vector.bitcast %parallel_loop3A_388 : vector<16xf32> to vector<16xi32>
      %parallel_loop3A_390 = arith.constant -64 : i32
      %parallel_loop3A_391 = vector.broadcast %parallel_loop3A_390 : i32 to vector<16xi32>
      %parallel_loop3A_392 = arith.andi %parallel_loop3A_389, %parallel_loop3A_391 : vector<16xi32>
      %parallel_loop3A_393 = arith.constant 32 : i32
      %parallel_loop3A_394 = vector.broadcast %parallel_loop3A_393 : i32 to vector<16xi32>
      %parallel_loop3A_395 = arith.ori %parallel_loop3A_392, %parallel_loop3A_394 : vector<16xi32>
      %parallel_loop3A_396 = vector.bitcast %parallel_loop3A_395 : vector<16xi32> to vector<16xf32>
      %parallel_loop3A_397 = arith.constant 32 : i32
      %parallel_loop3A_398 = arith.index_cast %parallel_loop3A_397 : i32 to index
      %parallel_loop3A_399 = arith.index_cast %parallel_loop3A_9 : i32 to index
      %parallel_loop3A_400 = tpu.vector_load %arg5[%parallel_loop3A_398, %parallel_loop3A_399] {strides = array<i32>} : memref<64x512xf32, #tpu.memory_space<vmem>>, vector<16xf32>,
      %parallel_loop3A_401 = vector.bitcast %parallel_loop3A_400 : vector<16xf32> to vector<16xi32>
      %parallel_loop3A_402 = arith.constant -64 : i32
      %parallel_loop3A_403 = vector.broadcast %parallel_loop3A_402 : i32 to vector<16xi32>
      %parallel_loop3A_404 = arith.andi %parallel_loop3A_401, %parallel_loop3A_403 : vector<16xi32>
      %parallel_loop3A_405 = arith.constant 31 : i32
      %parallel_loop3A_406 = vector.broadcast %parallel_loop3A_405 : i32 to vector<16xi32>
      %parallel_loop3A_407 = arith.ori %parallel_loop3A_404, %parallel_loop3A_406 : vector<16xi32>
      %parallel_loop3A_408 = vector.bitcast %parallel_loop3A_407 : vector<16xi32> to vector<16xf32>
      %parallel_loop3A_409 = arith.constant 33 : i32
      %parallel_loop3A_410 = arith.index_cast %parallel_loop3A_409 : i32 to index
      %parallel_loop3A_411 = arith.index_cast %parallel_loop3A_9 : i32 to index
      %parallel_loop3A_412 = tpu.vector_load %arg5[%parallel_loop3A_410, %parallel_loop3A_411] {strides = array<i32>} : memref<64x512xf32, #tpu.memory_space<vmem>>, vector<16xf32>,
      %parallel_loop3A_413 = vector.bitcast %parallel_loop3A_412 : vector<16xf32> to vector<16xi32>
      %parallel_loop3A_414 = arith.constant -64 : i32
      %parallel_loop3A_415 = vector.broadcast %parallel_loop3A_414 : i32 to vector<16xi32>
      %parallel_loop3A_416 = arith.andi %parallel_loop3A_413, %parallel_loop3A_415 : vector<16xi32>
      %parallel_loop3A_417 = arith.constant 30 : i32
      %parallel_loop3A_418 = vector.broadcast %parallel_loop3A_417 : i32 to vector<16xi32>
      %parallel_loop3A_419 = arith.ori %parallel_loop3A_416, %parallel_loop3A_418 : vector<16xi32>
      %parallel_loop3A_420 = vector.bitcast %parallel_loop3A_419 : vector<16xi32> to vector<16xf32>
      %parallel_loop3A_421 = arith.constant 34 : i32
      %parallel_loop3A_422 = arith.index_cast %parallel_loop3A_421 : i32 to index
      %parallel_loop3A_423 = arith.index_cast %parallel_loop3A_9 : i32 to index
      %parallel_loop3A_424 = tpu.vector_load %arg5[%parallel_loop3A_422, %parallel_loop3A_423] {strides = array<i32>} : memref<64x512xf32, #tpu.memory_space<vmem>>, vector<16xf32>,
      %parallel_loop3A_425 = vector.bitcast %parallel_loop3A_424 : vector<16xf32> to vector<16xi32>
      %parallel_loop3A_426 = arith.constant -64 : i32
      %parallel_loop3A_427 = vector.broadcast %parallel_loop3A_426 : i32 to vector<16xi32>
      %parallel_loop3A_428 = arith.andi %parallel_loop3A_425, %parallel_loop3A_427 : vector<16xi32>
      %parallel_loop3A_429 = arith.constant 29 : i32
      %parallel_loop3A_430 = vector.broadcast %parallel_loop3A_429 : i32 to vector<16xi32>
      %parallel_loop3A_431 = arith.ori %parallel_loop3A_428, %parallel_loop3A_430 : vector<16xi32>
      %parallel_loop3A_432 = vector.bitcast %parallel_loop3A_431 : vector<16xi32> to vector<16xf32>
      %parallel_loop3A_433 = arith.constant 35 : i32
      %parallel_loop3A_434 = arith.index_cast %parallel_loop3A_433 : i32 to index
      %parallel_loop3A_435 = arith.index_cast %parallel_loop3A_9 : i32 to index
      %parallel_loop3A_436 = tpu.vector_load %arg5[%parallel_loop3A_434, %parallel_loop3A_435] {strides = array<i32>} : memref<64x512xf32, #tpu.memory_space<vmem>>, vector<16xf32>,
      %parallel_loop3A_437 = vector.bitcast %parallel_loop3A_436 : vector<16xf32> to vector<16xi32>
      %parallel_loop3A_438 = arith.constant -64 : i32
      %parallel_loop3A_439 = vector.broadcast %parallel_loop3A_438 : i32 to vector<16xi32>
      %parallel_loop3A_440 = arith.andi %parallel_loop3A_437, %parallel_loop3A_439 : vector<16xi32>
      %parallel_loop3A_441 = arith.constant 28 : i32
      %parallel_loop3A_442 = vector.broadcast %parallel_loop3A_441 : i32 to vector<16xi32>
      %parallel_loop3A_443 = arith.ori %parallel_loop3A_440, %parallel_loop3A_442 : vector<16xi32>
      %parallel_loop3A_444 = vector.bitcast %parallel_loop3A_443 : vector<16xi32> to vector<16xf32>
      %parallel_loop3A_445 = arith.constant 36 : i32
      %parallel_loop3A_446 = arith.index_cast %parallel_loop3A_445 : i32 to index
      %parallel_loop3A_447 = arith.index_cast %parallel_loop3A_9 : i32 to index
      %parallel_loop3A_448 = tpu.vector_load %arg5[%parallel_loop3A_446, %parallel_loop3A_447] {strides = array<i32>} : memref<64x512xf32, #tpu.memory_space<vmem>>, vector<16xf32>,
      %parallel_loop3A_449 = vector.bitcast %parallel_loop3A_448 : vector<16xf32> to vector<16xi32>
      %parallel_loop3A_450 = arith.constant -64 : i32
      %parallel_loop3A_451 = vector.broadcast %parallel_loop3A_450 : i32 to vector<16xi32>
      %parallel_loop3A_452 = arith.andi %parallel_loop3A_449, %parallel_loop3A_451 : vector<16xi32>
      %parallel_loop3A_453 = arith.constant 27 : i32
      %parallel_loop3A_454 = vector.broadcast %parallel_loop3A_453 : i32 to vector<16xi32>
      %parallel_loop3A_455 = arith.ori %parallel_loop3A_452, %parallel_loop3A_454 : vector<16xi32>
      %parallel_loop3A_456 = vector.bitcast %parallel_loop3A_455 : vector<16xi32> to vector<16xf32>
      %parallel_loop3A_457 = arith.constant 37 : i32
      %parallel_loop3A_458 = arith.index_cast %parallel_loop3A_457 : i32 to index
      %parallel_loop3A_459 = arith.index_cast %parallel_loop3A_9 : i32 to index
      %parallel_loop3A_460 = tpu.vector_load %arg5[%parallel_loop3A_458, %parallel_loop3A_459] {strides = array<i32>} : memref<64x512xf32, #tpu.memory_space<vmem>>, vector<16xf32>,
      %parallel_loop3A_461 = vector.bitcast %parallel_loop3A_460 : vector<16xf32> to vector<16xi32>
      %parallel_loop3A_462 = arith.constant -64 : i32
      %parallel_loop3A_463 = vector.broadcast %parallel_loop3A_462 : i32 to vector<16xi32>
      %parallel_loop3A_464 = arith.andi %parallel_loop3A_461, %parallel_loop3A_463 : vector<16xi32>
      %parallel_loop3A_465 = arith.constant 26 : i32
      %parallel_loop3A_466 = vector.broadcast %parallel_loop3A_465 : i32 to vector<16xi32>
      %parallel_loop3A_467 = arith.ori %parallel_loop3A_464, %parallel_loop3A_466 : vector<16xi32>
      %parallel_loop3A_468 = vector.bitcast %parallel_loop3A_467 : vector<16xi32> to vector<16xf32>
      %parallel_loop3A_469 = arith.constant 38 : i32
      %parallel_loop3A_470 = arith.index_cast %parallel_loop3A_469 : i32 to index
      %parallel_loop3A_471 = arith.index_cast %parallel_loop3A_9 : i32 to index
      %parallel_loop3A_472 = tpu.vector_load %arg5[%parallel_loop3A_470, %parallel_loop3A_471] {strides = array<i32>} : memref<64x512xf32, #tpu.memory_space<vmem>>, vector<16xf32>,
      %parallel_loop3A_473 = vector.bitcast %parallel_loop3A_472 : vector<16xf32> to vector<16xi32>
      %parallel_loop3A_474 = arith.constant -64 : i32
      %parallel_loop3A_475 = vector.broadcast %parallel_loop3A_474 : i32 to vector<16xi32>
      %parallel_loop3A_476 = arith.andi %parallel_loop3A_473, %parallel_loop3A_475 : vector<16xi32>
      %parallel_loop3A_477 = arith.constant 25 : i32
      %parallel_loop3A_478 = vector.broadcast %parallel_loop3A_477 : i32 to vector<16xi32>
      %parallel_loop3A_479 = arith.ori %parallel_loop3A_476, %parallel_loop3A_478 : vector<16xi32>
      %parallel_loop3A_480 = vector.bitcast %parallel_loop3A_479 : vector<16xi32> to vector<16xf32>
      %parallel_loop3A_481 = arith.constant 39 : i32
      %parallel_loop3A_482 = arith.index_cast %parallel_loop3A_481 : i32 to index
      %parallel_loop3A_483 = arith.index_cast %parallel_loop3A_9 : i32 to index
      %parallel_loop3A_484 = tpu.vector_load %arg5[%parallel_loop3A_482, %parallel_loop3A_483] {strides = array<i32>} : memref<64x512xf32, #tpu.memory_space<vmem>>, vector<16xf32>,
      %parallel_loop3A_485 = vector.bitcast %parallel_loop3A_484 : vector<16xf32> to vector<16xi32>
      %parallel_loop3A_486 = arith.constant -64 : i32
      %parallel_loop3A_487 = vector.broadcast %parallel_loop3A_486 : i32 to vector<16xi32>
      %parallel_loop3A_488 = arith.andi %parallel_loop3A_485, %parallel_loop3A_487 : vector<16xi32>
      %parallel_loop3A_489 = arith.constant 24 : i32
      %parallel_loop3A_490 = vector.broadcast %parallel_loop3A_489 : i32 to vector<16xi32>
      %parallel_loop3A_491 = arith.ori %parallel_loop3A_488, %parallel_loop3A_490 : vector<16xi32>
      %parallel_loop3A_492 = vector.bitcast %parallel_loop3A_491 : vector<16xi32> to vector<16xf32>
      %parallel_loop3A_493 = arith.constant 40 : i32
      %parallel_loop3A_494 = arith.index_cast %parallel_loop3A_493 : i32 to index
      %parallel_loop3A_495 = arith.index_cast %parallel_loop3A_9 : i32 to index
      %parallel_loop3A_496 = tpu.vector_load %arg5[%parallel_loop3A_494, %parallel_loop3A_495] {strides = array<i32>} : memref<64x512xf32, #tpu.memory_space<vmem>>, vector<16xf32>,
      %parallel_loop3A_497 = vector.bitcast %parallel_loop3A_496 : vector<16xf32> to vector<16xi32>
      %parallel_loop3A_498 = arith.constant -64 : i32
      %parallel_loop3A_499 = vector.broadcast %parallel_loop3A_498 : i32 to vector<16xi32>
      %parallel_loop3A_500 = arith.andi %parallel_loop3A_497, %parallel_loop3A_499 : vector<16xi32>
      %parallel_loop3A_501 = arith.constant 23 : i32
      %parallel_loop3A_502 = vector.broadcast %parallel_loop3A_501 : i32 to vector<16xi32>
      %parallel_loop3A_503 = arith.ori %parallel_loop3A_500, %parallel_loop3A_502 : vector<16xi32>
      %parallel_loop3A_504 = vector.bitcast %parallel_loop3A_503 : vector<16xi32> to vector<16xf32>
      %parallel_loop3A_505 = arith.constant 41 : i32
      %parallel_loop3A_506 = arith.index_cast %parallel_loop3A_505 : i32 to index
      %parallel_loop3A_507 = arith.index_cast %parallel_loop3A_9 : i32 to index
      %parallel_loop3A_508 = tpu.vector_load %arg5[%parallel_loop3A_506, %parallel_loop3A_507] {strides = array<i32>} : memref<64x512xf32, #tpu.memory_space<vmem>>, vector<16xf32>,
      %parallel_loop3A_509 = vector.bitcast %parallel_loop3A_508 : vector<16xf32> to vector<16xi32>
      %parallel_loop3A_510 = arith.constant -64 : i32
      %parallel_loop3A_511 = vector.broadcast %parallel_loop3A_510 : i32 to vector<16xi32>
      %parallel_loop3A_512 = arith.andi %parallel_loop3A_509, %parallel_loop3A_511 : vector<16xi32>
      %parallel_loop3A_513 = arith.constant 22 : i32
      %parallel_loop3A_514 = vector.broadcast %parallel_loop3A_513 : i32 to vector<16xi32>
      %parallel_loop3A_515 = arith.ori %parallel_loop3A_512, %parallel_loop3A_514 : vector<16xi32>
      %parallel_loop3A_516 = vector.bitcast %parallel_loop3A_515 : vector<16xi32> to vector<16xf32>
      %parallel_loop3A_517 = arith.constant 42 : i32
      %parallel_loop3A_518 = arith.index_cast %parallel_loop3A_517 : i32 to index
      %parallel_loop3A_519 = arith.index_cast %parallel_loop3A_9 : i32 to index
      %parallel_loop3A_520 = tpu.vector_load %arg5[%parallel_loop3A_518, %parallel_loop3A_519] {strides = array<i32>} : memref<64x512xf32, #tpu.memory_space<vmem>>, vector<16xf32>,
      %parallel_loop3A_521 = vector.bitcast %parallel_loop3A_520 : vector<16xf32> to vector<16xi32>
      %parallel_loop3A_522 = arith.constant -64 : i32
      %parallel_loop3A_523 = vector.broadcast %parallel_loop3A_522 : i32 to vector<16xi32>
      %parallel_loop3A_524 = arith.andi %parallel_loop3A_521, %parallel_loop3A_523 : vector<16xi32>
      %parallel_loop3A_525 = arith.constant 21 : i32
      %parallel_loop3A_526 = vector.broadcast %parallel_loop3A_525 : i32 to vector<16xi32>
      %parallel_loop3A_527 = arith.ori %parallel_loop3A_524, %parallel_loop3A_526 : vector<16xi32>
      %parallel_loop3A_528 = vector.bitcast %parallel_loop3A_527 : vector<16xi32> to vector<16xf32>
      %parallel_loop3A_529 = arith.constant 43 : i32
      %parallel_loop3A_530 = arith.index_cast %parallel_loop3A_529 : i32 to index
      %parallel_loop3A_531 = arith.index_cast %parallel_loop3A_9 : i32 to index
      %parallel_loop3A_532 = tpu.vector_load %arg5[%parallel_loop3A_530, %parallel_loop3A_531] {strides = array<i32>} : memref<64x512xf32, #tpu.memory_space<vmem>>, vector<16xf32>,
      %parallel_loop3A_533 = vector.bitcast %parallel_loop3A_532 : vector<16xf32> to vector<16xi32>
      %parallel_loop3A_534 = arith.constant -64 : i32
      %parallel_loop3A_535 = vector.broadcast %parallel_loop3A_534 : i32 to vector<16xi32>
      %parallel_loop3A_536 = arith.andi %parallel_loop3A_533, %parallel_loop3A_535 : vector<16xi32>
      %parallel_loop3A_537 = arith.constant 20 : i32
      %parallel_loop3A_538 = vector.broadcast %parallel_loop3A_537 : i32 to vector<16xi32>
      %parallel_loop3A_539 = arith.ori %parallel_loop3A_536, %parallel_loop3A_538 : vector<16xi32>
      %parallel_loop3A_540 = vector.bitcast %parallel_loop3A_539 : vector<16xi32> to vector<16xf32>
      %parallel_loop3A_541 = arith.constant 44 : i32
      %parallel_loop3A_542 = arith.index_cast %parallel_loop3A_541 : i32 to index
      %parallel_loop3A_543 = arith.index_cast %parallel_loop3A_9 : i32 to index
      %parallel_loop3A_544 = tpu.vector_load %arg5[%parallel_loop3A_542, %parallel_loop3A_543] {strides = array<i32>} : memref<64x512xf32, #tpu.memory_space<vmem>>, vector<16xf32>,
      %parallel_loop3A_545 = vector.bitcast %parallel_loop3A_544 : vector<16xf32> to vector<16xi32>
      %parallel_loop3A_546 = arith.constant -64 : i32
      %parallel_loop3A_547 = vector.broadcast %parallel_loop3A_546 : i32 to vector<16xi32>
      %parallel_loop3A_548 = arith.andi %parallel_loop3A_545, %parallel_loop3A_547 : vector<16xi32>
      %parallel_loop3A_549 = arith.constant 19 : i32
      %parallel_loop3A_550 = vector.broadcast %parallel_loop3A_549 : i32 to vector<16xi32>
      %parallel_loop3A_551 = arith.ori %parallel_loop3A_548, %parallel_loop3A_550 : vector<16xi32>
      %parallel_loop3A_552 = vector.bitcast %parallel_loop3A_551 : vector<16xi32> to vector<16xf32>
      %parallel_loop3A_553 = arith.constant 45 : i32
      %parallel_loop3A_554 = arith.index_cast %parallel_loop3A_553 : i32 to index
      %parallel_loop3A_555 = arith.index_cast %parallel_loop3A_9 : i32 to index
      %parallel_loop3A_556 = tpu.vector_load %arg5[%parallel_loop3A_554, %parallel_loop3A_555] {strides = array<i32>} : memref<64x512xf32, #tpu.memory_space<vmem>>, vector<16xf32>,
      %parallel_loop3A_557 = vector.bitcast %parallel_loop3A_556 : vector<16xf32> to vector<16xi32>
      %parallel_loop3A_558 = arith.constant -64 : i32
      %parallel_loop3A_559 = vector.broadcast %parallel_loop3A_558 : i32 to vector<16xi32>
      %parallel_loop3A_560 = arith.andi %parallel_loop3A_557, %parallel_loop3A_559 : vector<16xi32>
      %parallel_loop3A_561 = arith.constant 18 : i32
      %parallel_loop3A_562 = vector.broadcast %parallel_loop3A_561 : i32 to vector<16xi32>
      %parallel_loop3A_563 = arith.ori %parallel_loop3A_560, %parallel_loop3A_562 : vector<16xi32>
      %parallel_loop3A_564 = vector.bitcast %parallel_loop3A_563 : vector<16xi32> to vector<16xf32>
      %parallel_loop3A_565 = arith.constant 46 : i32
      %parallel_loop3A_566 = arith.index_cast %parallel_loop3A_565 : i32 to index
      %parallel_loop3A_567 = arith.index_cast %parallel_loop3A_9 : i32 to index
      %parallel_loop3A_568 = tpu.vector_load %arg5[%parallel_loop3A_566, %parallel_loop3A_567] {strides = array<i32>} : memref<64x512xf32, #tpu.memory_space<vmem>>, vector<16xf32>,
      %parallel_loop3A_569 = vector.bitcast %parallel_loop3A_568 : vector<16xf32> to vector<16xi32>
      %parallel_loop3A_570 = arith.constant -64 : i32
      %parallel_loop3A_571 = vector.broadcast %parallel_loop3A_570 : i32 to vector<16xi32>
      %parallel_loop3A_572 = arith.andi %parallel_loop3A_569, %parallel_loop3A_571 : vector<16xi32>
      %parallel_loop3A_573 = arith.constant 17 : i32
      %parallel_loop3A_574 = vector.broadcast %parallel_loop3A_573 : i32 to vector<16xi32>
      %parallel_loop3A_575 = arith.ori %parallel_loop3A_572, %parallel_loop3A_574 : vector<16xi32>
      %parallel_loop3A_576 = vector.bitcast %parallel_loop3A_575 : vector<16xi32> to vector<16xf32>
      %parallel_loop3A_577 = arith.constant 47 : i32
      %parallel_loop3A_578 = arith.index_cast %parallel_loop3A_577 : i32 to index
      %parallel_loop3A_579 = arith.index_cast %parallel_loop3A_9 : i32 to index
      %parallel_loop3A_580 = tpu.vector_load %arg5[%parallel_loop3A_578, %parallel_loop3A_579] {strides = array<i32>} : memref<64x512xf32, #tpu.memory_space<vmem>>, vector<16xf32>,
      %parallel_loop3A_581 = vector.bitcast %parallel_loop3A_580 : vector<16xf32> to vector<16xi32>
      %parallel_loop3A_582 = arith.constant -64 : i32
      %parallel_loop3A_583 = vector.broadcast %parallel_loop3A_582 : i32 to vector<16xi32>
      %parallel_loop3A_584 = arith.andi %parallel_loop3A_581, %parallel_loop3A_583 : vector<16xi32>
      %parallel_loop3A_585 = arith.constant 16 : i32
      %parallel_loop3A_586 = vector.broadcast %parallel_loop3A_585 : i32 to vector<16xi32>
      %parallel_loop3A_587 = arith.ori %parallel_loop3A_584, %parallel_loop3A_586 : vector<16xi32>
      %parallel_loop3A_588 = vector.bitcast %parallel_loop3A_587 : vector<16xi32> to vector<16xf32>
      %parallel_loop3A_589 = arith.constant 48 : i32
      %parallel_loop3A_590 = arith.index_cast %parallel_loop3A_589 : i32 to index
      %parallel_loop3A_591 = arith.index_cast %parallel_loop3A_9 : i32 to index
      %parallel_loop3A_592 = tpu.vector_load %arg5[%parallel_loop3A_590, %parallel_loop3A_591] {strides = array<i32>} : memref<64x512xf32, #tpu.memory_space<vmem>>, vector<16xf32>,
      %parallel_loop3A_593 = vector.bitcast %parallel_loop3A_592 : vector<16xf32> to vector<16xi32>
      %parallel_loop3A_594 = arith.constant -64 : i32
      %parallel_loop3A_595 = vector.broadcast %parallel_loop3A_594 : i32 to vector<16xi32>
      %parallel_loop3A_596 = arith.andi %parallel_loop3A_593, %parallel_loop3A_595 : vector<16xi32>
      %parallel_loop3A_597 = arith.constant 15 : i32
      %parallel_loop3A_598 = vector.broadcast %parallel_loop3A_597 : i32 to vector<16xi32>
      %parallel_loop3A_599 = arith.ori %parallel_loop3A_596, %parallel_loop3A_598 : vector<16xi32>
      %parallel_loop3A_600 = vector.bitcast %parallel_loop3A_599 : vector<16xi32> to vector<16xf32>
      %parallel_loop3A_601 = arith.constant 49 : i32
      %parallel_loop3A_602 = arith.index_cast %parallel_loop3A_601 : i32 to index
      %parallel_loop3A_603 = arith.index_cast %parallel_loop3A_9 : i32 to index
      %parallel_loop3A_604 = tpu.vector_load %arg5[%parallel_loop3A_602, %parallel_loop3A_603] {strides = array<i32>} : memref<64x512xf32, #tpu.memory_space<vmem>>, vector<16xf32>,
      %parallel_loop3A_605 = vector.bitcast %parallel_loop3A_604 : vector<16xf32> to vector<16xi32>
      %parallel_loop3A_606 = arith.constant -64 : i32
      %parallel_loop3A_607 = vector.broadcast %parallel_loop3A_606 : i32 to vector<16xi32>
      %parallel_loop3A_608 = arith.andi %parallel_loop3A_605, %parallel_loop3A_607 : vector<16xi32>
      %parallel_loop3A_609 = arith.constant 14 : i32
      %parallel_loop3A_610 = vector.broadcast %parallel_loop3A_609 : i32 to vector<16xi32>
      %parallel_loop3A_611 = arith.ori %parallel_loop3A_608, %parallel_loop3A_610 : vector<16xi32>
      %parallel_loop3A_612 = vector.bitcast %parallel_loop3A_611 : vector<16xi32> to vector<16xf32>
      %parallel_loop3A_613 = arith.constant 50 : i32
      %parallel_loop3A_614 = arith.index_cast %parallel_loop3A_613 : i32 to index
      %parallel_loop3A_615 = arith.index_cast %parallel_loop3A_9 : i32 to index
      %parallel_loop3A_616 = tpu.vector_load %arg5[%parallel_loop3A_614, %parallel_loop3A_615] {strides = array<i32>} : memref<64x512xf32, #tpu.memory_space<vmem>>, vector<16xf32>,
      %parallel_loop3A_617 = vector.bitcast %parallel_loop3A_616 : vector<16xf32> to vector<16xi32>
      %parallel_loop3A_618 = arith.constant -64 : i32
      %parallel_loop3A_619 = vector.broadcast %parallel_loop3A_618 : i32 to vector<16xi32>
      %parallel_loop3A_620 = arith.andi %parallel_loop3A_617, %parallel_loop3A_619 : vector<16xi32>
      %parallel_loop3A_621 = arith.constant 13 : i32
      %parallel_loop3A_622 = vector.broadcast %parallel_loop3A_621 : i32 to vector<16xi32>
      %parallel_loop3A_623 = arith.ori %parallel_loop3A_620, %parallel_loop3A_622 : vector<16xi32>
      %parallel_loop3A_624 = vector.bitcast %parallel_loop3A_623 : vector<16xi32> to vector<16xf32>
      %parallel_loop3A_625 = arith.constant 51 : i32
      %parallel_loop3A_626 = arith.index_cast %parallel_loop3A_625 : i32 to index
      %parallel_loop3A_627 = arith.index_cast %parallel_loop3A_9 : i32 to index
      %parallel_loop3A_628 = tpu.vector_load %arg5[%parallel_loop3A_626, %parallel_loop3A_627] {strides = array<i32>} : memref<64x512xf32, #tpu.memory_space<vmem>>, vector<16xf32>,
      %parallel_loop3A_629 = vector.bitcast %parallel_loop3A_628 : vector<16xf32> to vector<16xi32>
      %parallel_loop3A_630 = arith.constant -64 : i32
      %parallel_loop3A_631 = vector.broadcast %parallel_loop3A_630 : i32 to vector<16xi32>
      %parallel_loop3A_632 = arith.andi %parallel_loop3A_629, %parallel_loop3A_631 : vector<16xi32>
      %parallel_loop3A_633 = arith.constant 12 : i32
      %parallel_loop3A_634 = vector.broadcast %parallel_loop3A_633 : i32 to vector<16xi32>
      %parallel_loop3A_635 = arith.ori %parallel_loop3A_632, %parallel_loop3A_634 : vector<16xi32>
      %parallel_loop3A_636 = vector.bitcast %parallel_loop3A_635 : vector<16xi32> to vector<16xf32>
      %parallel_loop3A_637 = arith.constant 52 : i32
      %parallel_loop3A_638 = arith.index_cast %parallel_loop3A_637 : i32 to index
      %parallel_loop3A_639 = arith.index_cast %parallel_loop3A_9 : i32 to index
      %parallel_loop3A_640 = tpu.vector_load %arg5[%parallel_loop3A_638, %parallel_loop3A_639] {strides = array<i32>} : memref<64x512xf32, #tpu.memory_space<vmem>>, vector<16xf32>,
      %parallel_loop3A_641 = vector.bitcast %parallel_loop3A_640 : vector<16xf32> to vector<16xi32>
      %parallel_loop3A_642 = arith.constant -64 : i32
      %parallel_loop3A_643 = vector.broadcast %parallel_loop3A_642 : i32 to vector<16xi32>
      %parallel_loop3A_644 = arith.andi %parallel_loop3A_641, %parallel_loop3A_643 : vector<16xi32>
      %parallel_loop3A_645 = arith.constant 11 : i32
      %parallel_loop3A_646 = vector.broadcast %parallel_loop3A_645 : i32 to vector<16xi32>
      %parallel_loop3A_647 = arith.ori %parallel_loop3A_644, %parallel_loop3A_646 : vector<16xi32>
      %parallel_loop3A_648 = vector.bitcast %parallel_loop3A_647 : vector<16xi32> to vector<16xf32>
      %parallel_loop3A_649 = arith.constant 53 : i32
      %parallel_loop3A_650 = arith.index_cast %parallel_loop3A_649 : i32 to index
      %parallel_loop3A_651 = arith.index_cast %parallel_loop3A_9 : i32 to index
      %parallel_loop3A_652 = tpu.vector_load %arg5[%parallel_loop3A_650, %parallel_loop3A_651] {strides = array<i32>} : memref<64x512xf32, #tpu.memory_space<vmem>>, vector<16xf32>,
      %parallel_loop3A_653 = vector.bitcast %parallel_loop3A_652 : vector<16xf32> to vector<16xi32>
      %parallel_loop3A_654 = arith.constant -64 : i32
      %parallel_loop3A_655 = vector.broadcast %parallel_loop3A_654 : i32 to vector<16xi32>
      %parallel_loop3A_656 = arith.andi %parallel_loop3A_653, %parallel_loop3A_655 : vector<16xi32>
      %parallel_loop3A_657 = arith.constant 10 : i32
      %parallel_loop3A_658 = vector.broadcast %parallel_loop3A_657 : i32 to vector<16xi32>
      %parallel_loop3A_659 = arith.ori %parallel_loop3A_656, %parallel_loop3A_658 : vector<16xi32>
      %parallel_loop3A_660 = vector.bitcast %parallel_loop3A_659 : vector<16xi32> to vector<16xf32>
      %parallel_loop3A_661 = arith.constant 54 : i32
      %parallel_loop3A_662 = arith.index_cast %parallel_loop3A_661 : i32 to index
      %parallel_loop3A_663 = arith.index_cast %parallel_loop3A_9 : i32 to index
      %parallel_loop3A_664 = tpu.vector_load %arg5[%parallel_loop3A_662, %parallel_loop3A_663] {strides = array<i32>} : memref<64x512xf32, #tpu.memory_space<vmem>>, vector<16xf32>,
      %parallel_loop3A_665 = vector.bitcast %parallel_loop3A_664 : vector<16xf32> to vector<16xi32>
      %parallel_loop3A_666 = arith.constant -64 : i32
      %parallel_loop3A_667 = vector.broadcast %parallel_loop3A_666 : i32 to vector<16xi32>
      %parallel_loop3A_668 = arith.andi %parallel_loop3A_665, %parallel_loop3A_667 : vector<16xi32>
      %parallel_loop3A_669 = arith.constant 9 : i32
      %parallel_loop3A_670 = vector.broadcast %parallel_loop3A_669 : i32 to vector<16xi32>
      %parallel_loop3A_671 = arith.ori %parallel_loop3A_668, %parallel_loop3A_670 : vector<16xi32>
      %parallel_loop3A_672 = vector.bitcast %parallel_loop3A_671 : vector<16xi32> to vector<16xf32>
      %parallel_loop3A_673 = arith.constant 55 : i32
      %parallel_loop3A_674 = arith.index_cast %parallel_loop3A_673 : i32 to index
      %parallel_loop3A_675 = arith.index_cast %parallel_loop3A_9 : i32 to index
      %parallel_loop3A_676 = tpu.vector_load %arg5[%parallel_loop3A_674, %parallel_loop3A_675] {strides = array<i32>} : memref<64x512xf32, #tpu.memory_space<vmem>>, vector<16xf32>,
      %parallel_loop3A_677 = vector.bitcast %parallel_loop3A_676 : vector<16xf32> to vector<16xi32>
      %parallel_loop3A_678 = arith.constant -64 : i32
      %parallel_loop3A_679 = vector.broadcast %parallel_loop3A_678 : i32 to vector<16xi32>
      %parallel_loop3A_680 = arith.andi %parallel_loop3A_677, %parallel_loop3A_679 : vector<16xi32>
      %parallel_loop3A_681 = arith.constant 8 : i32
      %parallel_loop3A_682 = vector.broadcast %parallel_loop3A_681 : i32 to vector<16xi32>
      %parallel_loop3A_683 = arith.ori %parallel_loop3A_680, %parallel_loop3A_682 : vector<16xi32>
      %parallel_loop3A_684 = vector.bitcast %parallel_loop3A_683 : vector<16xi32> to vector<16xf32>
      %parallel_loop3A_685 = arith.constant 56 : i32
      %parallel_loop3A_686 = arith.index_cast %parallel_loop3A_685 : i32 to index
      %parallel_loop3A_687 = arith.index_cast %parallel_loop3A_9 : i32 to index
      %parallel_loop3A_688 = tpu.vector_load %arg5[%parallel_loop3A_686, %parallel_loop3A_687] {strides = array<i32>} : memref<64x512xf32, #tpu.memory_space<vmem>>, vector<16xf32>,
      %parallel_loop3A_689 = vector.bitcast %parallel_loop3A_688 : vector<16xf32> to vector<16xi32>
      %parallel_loop3A_690 = arith.constant -64 : i32
      %parallel_loop3A_691 = vector.broadcast %parallel_loop3A_690 : i32 to vector<16xi32>
      %parallel_loop3A_692 = arith.andi %parallel_loop3A_689, %parallel_loop3A_691 : vector<16xi32>
      %parallel_loop3A_693 = arith.constant 7 : i32
      %parallel_loop3A_694 = vector.broadcast %parallel_loop3A_693 : i32 to vector<16xi32>
      %parallel_loop3A_695 = arith.ori %parallel_loop3A_692, %parallel_loop3A_694 : vector<16xi32>
      %parallel_loop3A_696 = vector.bitcast %parallel_loop3A_695 : vector<16xi32> to vector<16xf32>
      %parallel_loop3A_697 = arith.constant 57 : i32
      %parallel_loop3A_698 = arith.index_cast %parallel_loop3A_697 : i32 to index
      %parallel_loop3A_699 = arith.index_cast %parallel_loop3A_9 : i32 to index
      %parallel_loop3A_700 = tpu.vector_load %arg5[%parallel_loop3A_698, %parallel_loop3A_699] {strides = array<i32>} : memref<64x512xf32, #tpu.memory_space<vmem>>, vector<16xf32>,
      %parallel_loop3A_701 = vector.bitcast %parallel_loop3A_700 : vector<16xf32> to vector<16xi32>
      %parallel_loop3A_702 = arith.constant -64 : i32
      %parallel_loop3A_703 = vector.broadcast %parallel_loop3A_702 : i32 to vector<16xi32>
      %parallel_loop3A_704 = arith.andi %parallel_loop3A_701, %parallel_loop3A_703 : vector<16xi32>
      %parallel_loop3A_705 = arith.constant 6 : i32
      %parallel_loop3A_706 = vector.broadcast %parallel_loop3A_705 : i32 to vector<16xi32>
      %parallel_loop3A_707 = arith.ori %parallel_loop3A_704, %parallel_loop3A_706 : vector<16xi32>
      %parallel_loop3A_708 = vector.bitcast %parallel_loop3A_707 : vector<16xi32> to vector<16xf32>
      %parallel_loop3A_709 = arith.constant 58 : i32
      %parallel_loop3A_710 = arith.index_cast %parallel_loop3A_709 : i32 to index
      %parallel_loop3A_711 = arith.index_cast %parallel_loop3A_9 : i32 to index
      %parallel_loop3A_712 = tpu.vector_load %arg5[%parallel_loop3A_710, %parallel_loop3A_711] {strides = array<i32>} : memref<64x512xf32, #tpu.memory_space<vmem>>, vector<16xf32>,
      %parallel_loop3A_713 = vector.bitcast %parallel_loop3A_712 : vector<16xf32> to vector<16xi32>
      %parallel_loop3A_714 = arith.constant -64 : i32
      %parallel_loop3A_715 = vector.broadcast %parallel_loop3A_714 : i32 to vector<16xi32>
      %parallel_loop3A_716 = arith.andi %parallel_loop3A_713, %parallel_loop3A_715 : vector<16xi32>
      %parallel_loop3A_717 = arith.constant 5 : i32
      %parallel_loop3A_718 = vector.broadcast %parallel_loop3A_717 : i32 to vector<16xi32>
      %parallel_loop3A_719 = arith.ori %parallel_loop3A_716, %parallel_loop3A_718 : vector<16xi32>
      %parallel_loop3A_720 = vector.bitcast %parallel_loop3A_719 : vector<16xi32> to vector<16xf32>
      %parallel_loop3A_721 = arith.constant 59 : i32
      %parallel_loop3A_722 = arith.index_cast %parallel_loop3A_721 : i32 to index
      %parallel_loop3A_723 = arith.index_cast %parallel_loop3A_9 : i32 to index
      %parallel_loop3A_724 = tpu.vector_load %arg5[%parallel_loop3A_722, %parallel_loop3A_723] {strides = array<i32>} : memref<64x512xf32, #tpu.memory_space<vmem>>, vector<16xf32>,
      %parallel_loop3A_725 = vector.bitcast %parallel_loop3A_724 : vector<16xf32> to vector<16xi32>
      %parallel_loop3A_726 = arith.constant -64 : i32
      %parallel_loop3A_727 = vector.broadcast %parallel_loop3A_726 : i32 to vector<16xi32>
      %parallel_loop3A_728 = arith.andi %parallel_loop3A_725, %parallel_loop3A_727 : vector<16xi32>
      %parallel_loop3A_729 = arith.constant 4 : i32
      %parallel_loop3A_730 = vector.broadcast %parallel_loop3A_729 : i32 to vector<16xi32>
      %parallel_loop3A_731 = arith.ori %parallel_loop3A_728, %parallel_loop3A_730 : vector<16xi32>
      %parallel_loop3A_732 = vector.bitcast %parallel_loop3A_731 : vector<16xi32> to vector<16xf32>
      %parallel_loop3A_733 = arith.constant 60 : i32
      %parallel_loop3A_734 = arith.index_cast %parallel_loop3A_733 : i32 to index
      %parallel_loop3A_735 = arith.index_cast %parallel_loop3A_9 : i32 to index
      %parallel_loop3A_736 = tpu.vector_load %arg5[%parallel_loop3A_734, %parallel_loop3A_735] {strides = array<i32>} : memref<64x512xf32, #tpu.memory_space<vmem>>, vector<16xf32>,
      %parallel_loop3A_737 = vector.bitcast %parallel_loop3A_736 : vector<16xf32> to vector<16xi32>
      %parallel_loop3A_738 = arith.constant -64 : i32
      %parallel_loop3A_739 = vector.broadcast %parallel_loop3A_738 : i32 to vector<16xi32>
      %parallel_loop3A_740 = arith.andi %parallel_loop3A_737, %parallel_loop3A_739 : vector<16xi32>
      %parallel_loop3A_741 = arith.constant 3 : i32
      %parallel_loop3A_742 = vector.broadcast %parallel_loop3A_741 : i32 to vector<16xi32>
      %parallel_loop3A_743 = arith.ori %parallel_loop3A_740, %parallel_loop3A_742 : vector<16xi32>
      %parallel_loop3A_744 = vector.bitcast %parallel_loop3A_743 : vector<16xi32> to vector<16xf32>
      %parallel_loop3A_745 = arith.constant 61 : i32
      %parallel_loop3A_746 = arith.index_cast %parallel_loop3A_745 : i32 to index
      %parallel_loop3A_747 = arith.index_cast %parallel_loop3A_9 : i32 to index
      %parallel_loop3A_748 = tpu.vector_load %arg5[%parallel_loop3A_746, %parallel_loop3A_747] {strides = array<i32>} : memref<64x512xf32, #tpu.memory_space<vmem>>, vector<16xf32>,
      %parallel_loop3A_749 = vector.bitcast %parallel_loop3A_748 : vector<16xf32> to vector<16xi32>
      %parallel_loop3A_750 = arith.constant -64 : i32
      %parallel_loop3A_751 = vector.broadcast %parallel_loop3A_750 : i32 to vector<16xi32>
      %parallel_loop3A_752 = arith.andi %parallel_loop3A_749, %parallel_loop3A_751 : vector<16xi32>
      %parallel_loop3A_753 = arith.constant 2 : i32
      %parallel_loop3A_754 = vector.broadcast %parallel_loop3A_753 : i32 to vector<16xi32>
      %parallel_loop3A_755 = arith.ori %parallel_loop3A_752, %parallel_loop3A_754 : vector<16xi32>
      %parallel_loop3A_756 = vector.bitcast %parallel_loop3A_755 : vector<16xi32> to vector<16xf32>
      %parallel_loop3A_757 = arith.constant 62 : i32
      %parallel_loop3A_758 = arith.index_cast %parallel_loop3A_757 : i32 to index
      %parallel_loop3A_759 = arith.index_cast %parallel_loop3A_9 : i32 to index
      %parallel_loop3A_760 = tpu.vector_load %arg5[%parallel_loop3A_758, %parallel_loop3A_759] {strides = array<i32>} : memref<64x512xf32, #tpu.memory_space<vmem>>, vector<16xf32>,
      %parallel_loop3A_761 = vector.bitcast %parallel_loop3A_760 : vector<16xf32> to vector<16xi32>
      %parallel_loop3A_762 = arith.constant -64 : i32
      %parallel_loop3A_763 = vector.broadcast %parallel_loop3A_762 : i32 to vector<16xi32>
      %parallel_loop3A_764 = arith.andi %parallel_loop3A_761, %parallel_loop3A_763 : vector<16xi32>
      %parallel_loop3A_765 = arith.constant 1 : i32
      %parallel_loop3A_766 = vector.broadcast %parallel_loop3A_765 : i32 to vector<16xi32>
      %parallel_loop3A_767 = arith.ori %parallel_loop3A_764, %parallel_loop3A_766 : vector<16xi32>
      %parallel_loop3A_768 = vector.bitcast %parallel_loop3A_767 : vector<16xi32> to vector<16xf32>
      %parallel_loop3A_769 = arith.constant 63 : i32
      %parallel_loop3A_770 = arith.index_cast %parallel_loop3A_769 : i32 to index
      %parallel_loop3A_771 = arith.index_cast %parallel_loop3A_9 : i32 to index
      %parallel_loop3A_772 = tpu.vector_load %arg5[%parallel_loop3A_770, %parallel_loop3A_771] {strides = array<i32>} : memref<64x512xf32, #tpu.memory_space<vmem>>, vector<16xf32>,
      %parallel_loop3A_773 = vector.bitcast %parallel_loop3A_772 : vector<16xf32> to vector<16xi32>
      %parallel_loop3A_774 = arith.constant -64 : i32
      %parallel_loop3A_775 = vector.broadcast %parallel_loop3A_774 : i32 to vector<16xi32>
      %parallel_loop3A_776 = arith.andi %parallel_loop3A_773, %parallel_loop3A_775 : vector<16xi32>
      %parallel_loop3A_777 = arith.constant 0 : i32
      %parallel_loop3A_778 = vector.broadcast %parallel_loop3A_777 : i32 to vector<16xi32>
      %parallel_loop3A_779 = arith.ori %parallel_loop3A_776, %parallel_loop3A_778 : vector<16xi32>
      %parallel_loop3A_780 = vector.bitcast %parallel_loop3A_779 : vector<16xi32> to vector<16xf32>
      %parallel_loop3A_781 = arith.maximumf %parallel_loop3A_24, %parallel_loop3A_36 : vector<16xf32>
      %parallel_loop3A_782 = arith.minimumf %parallel_loop3A_24, %parallel_loop3A_36 : vector<16xf32>
      %parallel_loop3A_783 = arith.maximumf %parallel_loop3A_48, %parallel_loop3A_60 : vector<16xf32>
      %parallel_loop3A_784 = arith.minimumf %parallel_loop3A_48, %parallel_loop3A_60 : vector<16xf32>
      %parallel_loop3A_785 = arith.maximumf %parallel_loop3A_72, %parallel_loop3A_84 : vector<16xf32>
      %parallel_loop3A_786 = arith.minimumf %parallel_loop3A_72, %parallel_loop3A_84 : vector<16xf32>
      %parallel_loop3A_787 = arith.maximumf %parallel_loop3A_96, %parallel_loop3A_108 : vector<16xf32>
      %parallel_loop3A_788 = arith.minimumf %parallel_loop3A_96, %parallel_loop3A_108 : vector<16xf32>
      %parallel_loop3A_789 = arith.maximumf %parallel_loop3A_781, %parallel_loop3A_783 : vector<16xf32>
      %parallel_loop3A_790 = arith.minimumf %parallel_loop3A_781, %parallel_loop3A_783 : vector<16xf32>
      %parallel_loop3A_791 = arith.maximumf %parallel_loop3A_782, %parallel_loop3A_784 : vector<16xf32>
      %parallel_loop3A_792 = arith.minimumf %parallel_loop3A_782, %parallel_loop3A_784 : vector<16xf32>
      %parallel_loop3A_793 = arith.maximumf %parallel_loop3A_785, %parallel_loop3A_787 : vector<16xf32>
      %parallel_loop3A_794 = arith.minimumf %parallel_loop3A_785, %parallel_loop3A_787 : vector<16xf32>
      %parallel_loop3A_795 = arith.maximumf %parallel_loop3A_786, %parallel_loop3A_788 : vector<16xf32>
      %parallel_loop3A_796 = arith.minimumf %parallel_loop3A_786, %parallel_loop3A_788 : vector<16xf32>
      %parallel_loop3A_797 = arith.maximumf %parallel_loop3A_791, %parallel_loop3A_790 : vector<16xf32>
      %parallel_loop3A_798 = arith.minimumf %parallel_loop3A_791, %parallel_loop3A_790 : vector<16xf32>
      %parallel_loop3A_799 = arith.maximumf %parallel_loop3A_795, %parallel_loop3A_794 : vector<16xf32>
      %parallel_loop3A_800 = arith.minimumf %parallel_loop3A_795, %parallel_loop3A_794 : vector<16xf32>
      %parallel_loop3A_801 = arith.maximumf %parallel_loop3A_789, %parallel_loop3A_793 : vector<16xf32>
      %parallel_loop3A_802 = arith.minimumf %parallel_loop3A_789, %parallel_loop3A_793 : vector<16xf32>
      %parallel_loop3A_803 = arith.maximumf %parallel_loop3A_797, %parallel_loop3A_799 : vector<16xf32>
      %parallel_loop3A_804 = arith.minimumf %parallel_loop3A_797, %parallel_loop3A_799 : vector<16xf32>
      %parallel_loop3A_805 = arith.maximumf %parallel_loop3A_798, %parallel_loop3A_800 : vector<16xf32>
      %parallel_loop3A_806 = arith.minimumf %parallel_loop3A_798, %parallel_loop3A_800 : vector<16xf32>
      %parallel_loop3A_807 = arith.maximumf %parallel_loop3A_792, %parallel_loop3A_796 : vector<16xf32>
      %parallel_loop3A_808 = arith.minimumf %parallel_loop3A_792, %parallel_loop3A_796 : vector<16xf32>
      %parallel_loop3A_809 = arith.maximumf %parallel_loop3A_805, %parallel_loop3A_802 : vector<16xf32>
      %parallel_loop3A_810 = arith.minimumf %parallel_loop3A_805, %parallel_loop3A_802 : vector<16xf32>
      %parallel_loop3A_811 = arith.maximumf %parallel_loop3A_807, %parallel_loop3A_804 : vector<16xf32>
      %parallel_loop3A_812 = arith.minimumf %parallel_loop3A_807, %parallel_loop3A_804 : vector<16xf32>
      %parallel_loop3A_813 = arith.maximumf %parallel_loop3A_803, %parallel_loop3A_809 : vector<16xf32>
      %parallel_loop3A_814 = arith.minimumf %parallel_loop3A_803, %parallel_loop3A_809 : vector<16xf32>
      %parallel_loop3A_815 = arith.maximumf %parallel_loop3A_811, %parallel_loop3A_810 : vector<16xf32>
      %parallel_loop3A_816 = arith.minimumf %parallel_loop3A_811, %parallel_loop3A_810 : vector<16xf32>
      %parallel_loop3A_817 = arith.maximumf %parallel_loop3A_812, %parallel_loop3A_806 : vector<16xf32>
      %parallel_loop3A_818 = arith.minimumf %parallel_loop3A_812, %parallel_loop3A_806 : vector<16xf32>
      %parallel_loop3A_819 = arith.maximumf %parallel_loop3A_120, %parallel_loop3A_132 : vector<16xf32>
      %parallel_loop3A_820 = arith.minimumf %parallel_loop3A_120, %parallel_loop3A_132 : vector<16xf32>
      %parallel_loop3A_821 = arith.maximumf %parallel_loop3A_144, %parallel_loop3A_156 : vector<16xf32>
      %parallel_loop3A_822 = arith.minimumf %parallel_loop3A_144, %parallel_loop3A_156 : vector<16xf32>
      %parallel_loop3A_823 = arith.maximumf %parallel_loop3A_168, %parallel_loop3A_180 : vector<16xf32>
      %parallel_loop3A_824 = arith.minimumf %parallel_loop3A_168, %parallel_loop3A_180 : vector<16xf32>
      %parallel_loop3A_825 = arith.maximumf %parallel_loop3A_192, %parallel_loop3A_204 : vector<16xf32>
      %parallel_loop3A_826 = arith.minimumf %parallel_loop3A_192, %parallel_loop3A_204 : vector<16xf32>
      %parallel_loop3A_827 = arith.maximumf %parallel_loop3A_819, %parallel_loop3A_821 : vector<16xf32>
      %parallel_loop3A_828 = arith.minimumf %parallel_loop3A_819, %parallel_loop3A_821 : vector<16xf32>
      %parallel_loop3A_829 = arith.maximumf %parallel_loop3A_820, %parallel_loop3A_822 : vector<16xf32>
      %parallel_loop3A_830 = arith.minimumf %parallel_loop3A_820, %parallel_loop3A_822 : vector<16xf32>
      %parallel_loop3A_831 = arith.maximumf %parallel_loop3A_823, %parallel_loop3A_825 : vector<16xf32>
      %parallel_loop3A_832 = arith.minimumf %parallel_loop3A_823, %parallel_loop3A_825 : vector<16xf32>
      %parallel_loop3A_833 = arith.maximumf %parallel_loop3A_824, %parallel_loop3A_826 : vector<16xf32>
      %parallel_loop3A_834 = arith.minimumf %parallel_loop3A_824, %parallel_loop3A_826 : vector<16xf32>
      %parallel_loop3A_835 = arith.maximumf %parallel_loop3A_829, %parallel_loop3A_828 : vector<16xf32>
      %parallel_loop3A_836 = arith.minimumf %parallel_loop3A_829, %parallel_loop3A_828 : vector<16xf32>
      %parallel_loop3A_837 = arith.maximumf %parallel_loop3A_833, %parallel_loop3A_832 : vector<16xf32>
      %parallel_loop3A_838 = arith.minimumf %parallel_loop3A_833, %parallel_loop3A_832 : vector<16xf32>
      %parallel_loop3A_839 = arith.maximumf %parallel_loop3A_827, %parallel_loop3A_831 : vector<16xf32>
      %parallel_loop3A_840 = arith.minimumf %parallel_loop3A_827, %parallel_loop3A_831 : vector<16xf32>
      %parallel_loop3A_841 = arith.maximumf %parallel_loop3A_835, %parallel_loop3A_837 : vector<16xf32>
      %parallel_loop3A_842 = arith.minimumf %parallel_loop3A_835, %parallel_loop3A_837 : vector<16xf32>
      %parallel_loop3A_843 = arith.maximumf %parallel_loop3A_836, %parallel_loop3A_838 : vector<16xf32>
      %parallel_loop3A_844 = arith.minimumf %parallel_loop3A_836, %parallel_loop3A_838 : vector<16xf32>
      %parallel_loop3A_845 = arith.maximumf %parallel_loop3A_830, %parallel_loop3A_834 : vector<16xf32>
      %parallel_loop3A_846 = arith.minimumf %parallel_loop3A_830, %parallel_loop3A_834 : vector<16xf32>
      %parallel_loop3A_847 = arith.maximumf %parallel_loop3A_843, %parallel_loop3A_840 : vector<16xf32>
      %parallel_loop3A_848 = arith.minimumf %parallel_loop3A_843, %parallel_loop3A_840 : vector<16xf32>
      %parallel_loop3A_849 = arith.maximumf %parallel_loop3A_845, %parallel_loop3A_842 : vector<16xf32>
      %parallel_loop3A_850 = arith.minimumf %parallel_loop3A_845, %parallel_loop3A_842 : vector<16xf32>
      %parallel_loop3A_851 = arith.maximumf %parallel_loop3A_841, %parallel_loop3A_847 : vector<16xf32>
      %parallel_loop3A_852 = arith.minimumf %parallel_loop3A_841, %parallel_loop3A_847 : vector<16xf32>
      %parallel_loop3A_853 = arith.maximumf %parallel_loop3A_849, %parallel_loop3A_848 : vector<16xf32>
      %parallel_loop3A_854 = arith.minimumf %parallel_loop3A_849, %parallel_loop3A_848 : vector<16xf32>
      %parallel_loop3A_855 = arith.maximumf %parallel_loop3A_850, %parallel_loop3A_844 : vector<16xf32>
      %parallel_loop3A_856 = arith.minimumf %parallel_loop3A_850, %parallel_loop3A_844 : vector<16xf32>
      %parallel_loop3A_857 = arith.maximumf %parallel_loop3A_216, %parallel_loop3A_228 : vector<16xf32>
      %parallel_loop3A_858 = arith.minimumf %parallel_loop3A_216, %parallel_loop3A_228 : vector<16xf32>
      %parallel_loop3A_859 = arith.maximumf %parallel_loop3A_240, %parallel_loop3A_252 : vector<16xf32>
      %parallel_loop3A_860 = arith.minimumf %parallel_loop3A_240, %parallel_loop3A_252 : vector<16xf32>
      %parallel_loop3A_861 = arith.maximumf %parallel_loop3A_264, %parallel_loop3A_276 : vector<16xf32>
      %parallel_loop3A_862 = arith.minimumf %parallel_loop3A_264, %parallel_loop3A_276 : vector<16xf32>
      %parallel_loop3A_863 = arith.maximumf %parallel_loop3A_288, %parallel_loop3A_300 : vector<16xf32>
      %parallel_loop3A_864 = arith.minimumf %parallel_loop3A_288, %parallel_loop3A_300 : vector<16xf32>
      %parallel_loop3A_865 = arith.maximumf %parallel_loop3A_857, %parallel_loop3A_859 : vector<16xf32>
      %parallel_loop3A_866 = arith.minimumf %parallel_loop3A_857, %parallel_loop3A_859 : vector<16xf32>
      %parallel_loop3A_867 = arith.maximumf %parallel_loop3A_858, %parallel_loop3A_860 : vector<16xf32>
      %parallel_loop3A_868 = arith.minimumf %parallel_loop3A_858, %parallel_loop3A_860 : vector<16xf32>
      %parallel_loop3A_869 = arith.maximumf %parallel_loop3A_861, %parallel_loop3A_863 : vector<16xf32>
      %parallel_loop3A_870 = arith.minimumf %parallel_loop3A_861, %parallel_loop3A_863 : vector<16xf32>
      %parallel_loop3A_871 = arith.maximumf %parallel_loop3A_862, %parallel_loop3A_864 : vector<16xf32>
      %parallel_loop3A_872 = arith.minimumf %parallel_loop3A_862, %parallel_loop3A_864 : vector<16xf32>
      %parallel_loop3A_873 = arith.maximumf %parallel_loop3A_867, %parallel_loop3A_866 : vector<16xf32>
      %parallel_loop3A_874 = arith.minimumf %parallel_loop3A_867, %parallel_loop3A_866 : vector<16xf32>
      %parallel_loop3A_875 = arith.maximumf %parallel_loop3A_871, %parallel_loop3A_870 : vector<16xf32>
      %parallel_loop3A_876 = arith.minimumf %parallel_loop3A_871, %parallel_loop3A_870 : vector<16xf32>
      %parallel_loop3A_877 = arith.maximumf %parallel_loop3A_865, %parallel_loop3A_869 : vector<16xf32>
      %parallel_loop3A_878 = arith.minimumf %parallel_loop3A_865, %parallel_loop3A_869 : vector<16xf32>
      %parallel_loop3A_879 = arith.maximumf %parallel_loop3A_873, %parallel_loop3A_875 : vector<16xf32>
      %parallel_loop3A_880 = arith.minimumf %parallel_loop3A_873, %parallel_loop3A_875 : vector<16xf32>
      %parallel_loop3A_881 = arith.maximumf %parallel_loop3A_874, %parallel_loop3A_876 : vector<16xf32>
      %parallel_loop3A_882 = arith.minimumf %parallel_loop3A_874, %parallel_loop3A_876 : vector<16xf32>
      %parallel_loop3A_883 = arith.maximumf %parallel_loop3A_868, %parallel_loop3A_872 : vector<16xf32>
      %parallel_loop3A_884 = arith.minimumf %parallel_loop3A_868, %parallel_loop3A_872 : vector<16xf32>
      %parallel_loop3A_885 = arith.maximumf %parallel_loop3A_881, %parallel_loop3A_878 : vector<16xf32>
      %parallel_loop3A_886 = arith.minimumf %parallel_loop3A_881, %parallel_loop3A_878 : vector<16xf32>
      %parallel_loop3A_887 = arith.maximumf %parallel_loop3A_883, %parallel_loop3A_880 : vector<16xf32>
      %parallel_loop3A_888 = arith.minimumf %parallel_loop3A_883, %parallel_loop3A_880 : vector<16xf32>
      %parallel_loop3A_889 = arith.maximumf %parallel_loop3A_879, %parallel_loop3A_885 : vector<16xf32>
      %parallel_loop3A_890 = arith.minimumf %parallel_loop3A_879, %parallel_loop3A_885 : vector<16xf32>
      %parallel_loop3A_891 = arith.maximumf %parallel_loop3A_887, %parallel_loop3A_886 : vector<16xf32>
      %parallel_loop3A_892 = arith.minimumf %parallel_loop3A_887, %parallel_loop3A_886 : vector<16xf32>
      %parallel_loop3A_893 = arith.maximumf %parallel_loop3A_888, %parallel_loop3A_882 : vector<16xf32>
      %parallel_loop3A_894 = arith.minimumf %parallel_loop3A_888, %parallel_loop3A_882 : vector<16xf32>
      %parallel_loop3A_895 = arith.maximumf %parallel_loop3A_312, %parallel_loop3A_324 : vector<16xf32>
      %parallel_loop3A_896 = arith.minimumf %parallel_loop3A_312, %parallel_loop3A_324 : vector<16xf32>
      %parallel_loop3A_897 = arith.maximumf %parallel_loop3A_336, %parallel_loop3A_348 : vector<16xf32>
      %parallel_loop3A_898 = arith.minimumf %parallel_loop3A_336, %parallel_loop3A_348 : vector<16xf32>
      %parallel_loop3A_899 = arith.maximumf %parallel_loop3A_360, %parallel_loop3A_372 : vector<16xf32>
      %parallel_loop3A_900 = arith.minimumf %parallel_loop3A_360, %parallel_loop3A_372 : vector<16xf32>
      %parallel_loop3A_901 = arith.maximumf %parallel_loop3A_384, %parallel_loop3A_396 : vector<16xf32>
      %parallel_loop3A_902 = arith.minimumf %parallel_loop3A_384, %parallel_loop3A_396 : vector<16xf32>
      %parallel_loop3A_903 = arith.maximumf %parallel_loop3A_895, %parallel_loop3A_897 : vector<16xf32>
      %parallel_loop3A_904 = arith.minimumf %parallel_loop3A_895, %parallel_loop3A_897 : vector<16xf32>
      %parallel_loop3A_905 = arith.maximumf %parallel_loop3A_896, %parallel_loop3A_898 : vector<16xf32>
      %parallel_loop3A_906 = arith.minimumf %parallel_loop3A_896, %parallel_loop3A_898 : vector<16xf32>
      %parallel_loop3A_907 = arith.maximumf %parallel_loop3A_899, %parallel_loop3A_901 : vector<16xf32>
      %parallel_loop3A_908 = arith.minimumf %parallel_loop3A_899, %parallel_loop3A_901 : vector<16xf32>
      %parallel_loop3A_909 = arith.maximumf %parallel_loop3A_900, %parallel_loop3A_902 : vector<16xf32>
      %parallel_loop3A_910 = arith.minimumf %parallel_loop3A_900, %parallel_loop3A_902 : vector<16xf32>
      %parallel_loop3A_911 = arith.maximumf %parallel_loop3A_905, %parallel_loop3A_904 : vector<16xf32>
      %parallel_loop3A_912 = arith.minimumf %parallel_loop3A_905, %parallel_loop3A_904 : vector<16xf32>
      %parallel_loop3A_913 = arith.maximumf %parallel_loop3A_909, %parallel_loop3A_908 : vector<16xf32>
      %parallel_loop3A_914 = arith.minimumf %parallel_loop3A_909, %parallel_loop3A_908 : vector<16xf32>
      %parallel_loop3A_915 = arith.maximumf %parallel_loop3A_903, %parallel_loop3A_907 : vector<16xf32>
      %parallel_loop3A_916 = arith.minimumf %parallel_loop3A_903, %parallel_loop3A_907 : vector<16xf32>
      %parallel_loop3A_917 = arith.maximumf %parallel_loop3A_911, %parallel_loop3A_913 : vector<16xf32>
      %parallel_loop3A_918 = arith.minimumf %parallel_loop3A_911, %parallel_loop3A_913 : vector<16xf32>
      %parallel_loop3A_919 = arith.maximumf %parallel_loop3A_912, %parallel_loop3A_914 : vector<16xf32>
      %parallel_loop3A_920 = arith.minimumf %parallel_loop3A_912, %parallel_loop3A_914 : vector<16xf32>
      %parallel_loop3A_921 = arith.maximumf %parallel_loop3A_906, %parallel_loop3A_910 : vector<16xf32>
      %parallel_loop3A_922 = arith.minimumf %parallel_loop3A_906, %parallel_loop3A_910 : vector<16xf32>
      %parallel_loop3A_923 = arith.maximumf %parallel_loop3A_919, %parallel_loop3A_916 : vector<16xf32>
      %parallel_loop3A_924 = arith.minimumf %parallel_loop3A_919, %parallel_loop3A_916 : vector<16xf32>
      %parallel_loop3A_925 = arith.maximumf %parallel_loop3A_921, %parallel_loop3A_918 : vector<16xf32>
      %parallel_loop3A_926 = arith.minimumf %parallel_loop3A_921, %parallel_loop3A_918 : vector<16xf32>
      %parallel_loop3A_927 = arith.maximumf %parallel_loop3A_917, %parallel_loop3A_923 : vector<16xf32>
      %parallel_loop3A_928 = arith.minimumf %parallel_loop3A_917, %parallel_loop3A_923 : vector<16xf32>
      %parallel_loop3A_929 = arith.maximumf %parallel_loop3A_925, %parallel_loop3A_924 : vector<16xf32>
      %parallel_loop3A_930 = arith.minimumf %parallel_loop3A_925, %parallel_loop3A_924 : vector<16xf32>
      %parallel_loop3A_931 = arith.maximumf %parallel_loop3A_926, %parallel_loop3A_920 : vector<16xf32>
      %parallel_loop3A_932 = arith.minimumf %parallel_loop3A_926, %parallel_loop3A_920 : vector<16xf32>
      %parallel_loop3A_933 = arith.maximumf %parallel_loop3A_408, %parallel_loop3A_420 : vector<16xf32>
      %parallel_loop3A_934 = arith.minimumf %parallel_loop3A_408, %parallel_loop3A_420 : vector<16xf32>
      %parallel_loop3A_935 = arith.maximumf %parallel_loop3A_432, %parallel_loop3A_444 : vector<16xf32>
      %parallel_loop3A_936 = arith.minimumf %parallel_loop3A_432, %parallel_loop3A_444 : vector<16xf32>
      %parallel_loop3A_937 = arith.maximumf %parallel_loop3A_456, %parallel_loop3A_468 : vector<16xf32>
      %parallel_loop3A_938 = arith.minimumf %parallel_loop3A_456, %parallel_loop3A_468 : vector<16xf32>
      %parallel_loop3A_939 = arith.maximumf %parallel_loop3A_480, %parallel_loop3A_492 : vector<16xf32>
      %parallel_loop3A_940 = arith.minimumf %parallel_loop3A_480, %parallel_loop3A_492 : vector<16xf32>
      %parallel_loop3A_941 = arith.maximumf %parallel_loop3A_933, %parallel_loop3A_935 : vector<16xf32>
      %parallel_loop3A_942 = arith.minimumf %parallel_loop3A_933, %parallel_loop3A_935 : vector<16xf32>
      %parallel_loop3A_943 = arith.maximumf %parallel_loop3A_934, %parallel_loop3A_936 : vector<16xf32>
      %parallel_loop3A_944 = arith.minimumf %parallel_loop3A_934, %parallel_loop3A_936 : vector<16xf32>
      %parallel_loop3A_945 = arith.maximumf %parallel_loop3A_937, %parallel_loop3A_939 : vector<16xf32>
      %parallel_loop3A_946 = arith.minimumf %parallel_loop3A_937, %parallel_loop3A_939 : vector<16xf32>
      %parallel_loop3A_947 = arith.maximumf %parallel_loop3A_938, %parallel_loop3A_940 : vector<16xf32>
      %parallel_loop3A_948 = arith.minimumf %parallel_loop3A_938, %parallel_loop3A_940 : vector<16xf32>
      %parallel_loop3A_949 = arith.maximumf %parallel_loop3A_943, %parallel_loop3A_942 : vector<16xf32>
      %parallel_loop3A_950 = arith.minimumf %parallel_loop3A_943, %parallel_loop3A_942 : vector<16xf32>
      %parallel_loop3A_951 = arith.maximumf %parallel_loop3A_947, %parallel_loop3A_946 : vector<16xf32>
      %parallel_loop3A_952 = arith.minimumf %parallel_loop3A_947, %parallel_loop3A_946 : vector<16xf32>
      %parallel_loop3A_953 = arith.maximumf %parallel_loop3A_941, %parallel_loop3A_945 : vector<16xf32>
      %parallel_loop3A_954 = arith.minimumf %parallel_loop3A_941, %parallel_loop3A_945 : vector<16xf32>
      %parallel_loop3A_955 = arith.maximumf %parallel_loop3A_949, %parallel_loop3A_951 : vector<16xf32>
      %parallel_loop3A_956 = arith.minimumf %parallel_loop3A_949, %parallel_loop3A_951 : vector<16xf32>
      %parallel_loop3A_957 = arith.maximumf %parallel_loop3A_950, %parallel_loop3A_952 : vector<16xf32>
      %parallel_loop3A_958 = arith.minimumf %parallel_loop3A_950, %parallel_loop3A_952 : vector<16xf32>
      %parallel_loop3A_959 = arith.maximumf %parallel_loop3A_944, %parallel_loop3A_948 : vector<16xf32>
      %parallel_loop3A_960 = arith.minimumf %parallel_loop3A_944, %parallel_loop3A_948 : vector<16xf32>
      %parallel_loop3A_961 = arith.maximumf %parallel_loop3A_957, %parallel_loop3A_954 : vector<16xf32>
      %parallel_loop3A_962 = arith.minimumf %parallel_loop3A_957, %parallel_loop3A_954 : vector<16xf32>
      %parallel_loop3A_963 = arith.maximumf %parallel_loop3A_959, %parallel_loop3A_956 : vector<16xf32>
      %parallel_loop3A_964 = arith.minimumf %parallel_loop3A_959, %parallel_loop3A_956 : vector<16xf32>
      %parallel_loop3A_965 = arith.maximumf %parallel_loop3A_955, %parallel_loop3A_961 : vector<16xf32>
      %parallel_loop3A_966 = arith.minimumf %parallel_loop3A_955, %parallel_loop3A_961 : vector<16xf32>
      %parallel_loop3A_967 = arith.maximumf %parallel_loop3A_963, %parallel_loop3A_962 : vector<16xf32>
      %parallel_loop3A_968 = arith.minimumf %parallel_loop3A_963, %parallel_loop3A_962 : vector<16xf32>
      %parallel_loop3A_969 = arith.maximumf %parallel_loop3A_964, %parallel_loop3A_958 : vector<16xf32>
      %parallel_loop3A_970 = arith.minimumf %parallel_loop3A_964, %parallel_loop3A_958 : vector<16xf32>
      %parallel_loop3A_971 = arith.maximumf %parallel_loop3A_504, %parallel_loop3A_516 : vector<16xf32>
      %parallel_loop3A_972 = arith.minimumf %parallel_loop3A_504, %parallel_loop3A_516 : vector<16xf32>
      %parallel_loop3A_973 = arith.maximumf %parallel_loop3A_528, %parallel_loop3A_540 : vector<16xf32>
      %parallel_loop3A_974 = arith.minimumf %parallel_loop3A_528, %parallel_loop3A_540 : vector<16xf32>
      %parallel_loop3A_975 = arith.maximumf %parallel_loop3A_552, %parallel_loop3A_564 : vector<16xf32>
      %parallel_loop3A_976 = arith.minimumf %parallel_loop3A_552, %parallel_loop3A_564 : vector<16xf32>
      %parallel_loop3A_977 = arith.maximumf %parallel_loop3A_576, %parallel_loop3A_588 : vector<16xf32>
      %parallel_loop3A_978 = arith.minimumf %parallel_loop3A_576, %parallel_loop3A_588 : vector<16xf32>
      %parallel_loop3A_979 = arith.maximumf %parallel_loop3A_971, %parallel_loop3A_973 : vector<16xf32>
      %parallel_loop3A_980 = arith.minimumf %parallel_loop3A_971, %parallel_loop3A_973 : vector<16xf32>
      %parallel_loop3A_981 = arith.maximumf %parallel_loop3A_972, %parallel_loop3A_974 : vector<16xf32>
      %parallel_loop3A_982 = arith.minimumf %parallel_loop3A_972, %parallel_loop3A_974 : vector<16xf32>
      %parallel_loop3A_983 = arith.maximumf %parallel_loop3A_975, %parallel_loop3A_977 : vector<16xf32>
      %parallel_loop3A_984 = arith.minimumf %parallel_loop3A_975, %parallel_loop3A_977 : vector<16xf32>
      %parallel_loop3A_985 = arith.maximumf %parallel_loop3A_976, %parallel_loop3A_978 : vector<16xf32>
      %parallel_loop3A_986 = arith.minimumf %parallel_loop3A_976, %parallel_loop3A_978 : vector<16xf32>
      %parallel_loop3A_987 = arith.maximumf %parallel_loop3A_981, %parallel_loop3A_980 : vector<16xf32>
      %parallel_loop3A_988 = arith.minimumf %parallel_loop3A_981, %parallel_loop3A_980 : vector<16xf32>
      %parallel_loop3A_989 = arith.maximumf %parallel_loop3A_985, %parallel_loop3A_984 : vector<16xf32>
      %parallel_loop3A_990 = arith.minimumf %parallel_loop3A_985, %parallel_loop3A_984 : vector<16xf32>
      %parallel_loop3A_991 = arith.maximumf %parallel_loop3A_979, %parallel_loop3A_983 : vector<16xf32>
      %parallel_loop3A_992 = arith.minimumf %parallel_loop3A_979, %parallel_loop3A_983 : vector<16xf32>
      %parallel_loop3A_993 = arith.maximumf %parallel_loop3A_987, %parallel_loop3A_989 : vector<16xf32>
      %parallel_loop3A_994 = arith.minimumf %parallel_loop3A_987, %parallel_loop3A_989 : vector<16xf32>
      %parallel_loop3A_995 = arith.maximumf %parallel_loop3A_988, %parallel_loop3A_990 : vector<16xf32>
      %parallel_loop3A_996 = arith.minimumf %parallel_loop3A_988, %parallel_loop3A_990 : vector<16xf32>
      %parallel_loop3A_997 = arith.maximumf %parallel_loop3A_982, %parallel_loop3A_986 : vector<16xf32>
      %parallel_loop3A_998 = arith.minimumf %parallel_loop3A_982, %parallel_loop3A_986 : vector<16xf32>
      %parallel_loop3A_999 = arith.maximumf %parallel_loop3A_995, %parallel_loop3A_992 : vector<16xf32>
      %parallel_loop3A_1000 = arith.minimumf %parallel_loop3A_995, %parallel_loop3A_992 : vector<16xf32>
      %parallel_loop3A_1001 = arith.maximumf %parallel_loop3A_997, %parallel_loop3A_994 : vector<16xf32>
      %parallel_loop3A_1002 = arith.minimumf %parallel_loop3A_997, %parallel_loop3A_994 : vector<16xf32>
      %parallel_loop3A_1003 = arith.maximumf %parallel_loop3A_993, %parallel_loop3A_999 : vector<16xf32>
      %parallel_loop3A_1004 = arith.minimumf %parallel_loop3A_993, %parallel_loop3A_999 : vector<16xf32>
      %parallel_loop3A_1005 = arith.maximumf %parallel_loop3A_1001, %parallel_loop3A_1000 : vector<16xf32>
      %parallel_loop3A_1006 = arith.minimumf %parallel_loop3A_1001, %parallel_loop3A_1000 : vector<16xf32>
      %parallel_loop3A_1007 = arith.maximumf %parallel_loop3A_1002, %parallel_loop3A_996 : vector<16xf32>
      %parallel_loop3A_1008 = arith.minimumf %parallel_loop3A_1002, %parallel_loop3A_996 : vector<16xf32>
      %parallel_loop3A_1009 = arith.maximumf %parallel_loop3A_600, %parallel_loop3A_612 : vector<16xf32>
      %parallel_loop3A_1010 = arith.minimumf %parallel_loop3A_600, %parallel_loop3A_612 : vector<16xf32>
      %parallel_loop3A_1011 = arith.maximumf %parallel_loop3A_624, %parallel_loop3A_636 : vector<16xf32>
      %parallel_loop3A_1012 = arith.minimumf %parallel_loop3A_624, %parallel_loop3A_636 : vector<16xf32>
      %parallel_loop3A_1013 = arith.maximumf %parallel_loop3A_648, %parallel_loop3A_660 : vector<16xf32>
      %parallel_loop3A_1014 = arith.minimumf %parallel_loop3A_648, %parallel_loop3A_660 : vector<16xf32>
      %parallel_loop3A_1015 = arith.maximumf %parallel_loop3A_672, %parallel_loop3A_684 : vector<16xf32>
      %parallel_loop3A_1016 = arith.minimumf %parallel_loop3A_672, %parallel_loop3A_684 : vector<16xf32>
      %parallel_loop3A_1017 = arith.maximumf %parallel_loop3A_1009, %parallel_loop3A_1011 : vector<16xf32>
      %parallel_loop3A_1018 = arith.minimumf %parallel_loop3A_1009, %parallel_loop3A_1011 : vector<16xf32>
      %parallel_loop3A_1019 = arith.maximumf %parallel_loop3A_1010, %parallel_loop3A_1012 : vector<16xf32>
      %parallel_loop3A_1020 = arith.minimumf %parallel_loop3A_1010, %parallel_loop3A_1012 : vector<16xf32>
      %parallel_loop3A_1021 = arith.maximumf %parallel_loop3A_1013, %parallel_loop3A_1015 : vector<16xf32>
      %parallel_loop3A_1022 = arith.minimumf %parallel_loop3A_1013, %parallel_loop3A_1015 : vector<16xf32>
      %parallel_loop3A_1023 = arith.maximumf %parallel_loop3A_1014, %parallel_loop3A_1016 : vector<16xf32>
      %parallel_loop3A_1024 = arith.minimumf %parallel_loop3A_1014, %parallel_loop3A_1016 : vector<16xf32>
      %parallel_loop3A_1025 = arith.maximumf %parallel_loop3A_1019, %parallel_loop3A_1018 : vector<16xf32>
      %parallel_loop3A_1026 = arith.minimumf %parallel_loop3A_1019, %parallel_loop3A_1018 : vector<16xf32>
      %parallel_loop3A_1027 = arith.maximumf %parallel_loop3A_1023, %parallel_loop3A_1022 : vector<16xf32>
      %parallel_loop3A_1028 = arith.minimumf %parallel_loop3A_1023, %parallel_loop3A_1022 : vector<16xf32>
      %parallel_loop3A_1029 = arith.maximumf %parallel_loop3A_1017, %parallel_loop3A_1021 : vector<16xf32>
      %parallel_loop3A_1030 = arith.minimumf %parallel_loop3A_1017, %parallel_loop3A_1021 : vector<16xf32>
      %parallel_loop3A_1031 = arith.maximumf %parallel_loop3A_1025, %parallel_loop3A_1027 : vector<16xf32>
      %parallel_loop3A_1032 = arith.minimumf %parallel_loop3A_1025, %parallel_loop3A_1027 : vector<16xf32>
      %parallel_loop3A_1033 = arith.maximumf %parallel_loop3A_1026, %parallel_loop3A_1028 : vector<16xf32>
      %parallel_loop3A_1034 = arith.minimumf %parallel_loop3A_1026, %parallel_loop3A_1028 : vector<16xf32>
      %parallel_loop3A_1035 = arith.maximumf %parallel_loop3A_1020, %parallel_loop3A_1024 : vector<16xf32>
      %parallel_loop3A_1036 = arith.minimumf %parallel_loop3A_1020, %parallel_loop3A_1024 : vector<16xf32>
      %parallel_loop3A_1037 = arith.maximumf %parallel_loop3A_1033, %parallel_loop3A_1030 : vector<16xf32>
      %parallel_loop3A_1038 = arith.minimumf %parallel_loop3A_1033, %parallel_loop3A_1030 : vector<16xf32>
      %parallel_loop3A_1039 = arith.maximumf %parallel_loop3A_1035, %parallel_loop3A_1032 : vector<16xf32>
      %parallel_loop3A_1040 = arith.minimumf %parallel_loop3A_1035, %parallel_loop3A_1032 : vector<16xf32>
      %parallel_loop3A_1041 = arith.maximumf %parallel_loop3A_1031, %parallel_loop3A_1037 : vector<16xf32>
      %parallel_loop3A_1042 = arith.minimumf %parallel_loop3A_1031, %parallel_loop3A_1037 : vector<16xf32>
      %parallel_loop3A_1043 = arith.maximumf %parallel_loop3A_1039, %parallel_loop3A_1038 : vector<16xf32>
      %parallel_loop3A_1044 = arith.minimumf %parallel_loop3A_1039, %parallel_loop3A_1038 : vector<16xf32>
      %parallel_loop3A_1045 = arith.maximumf %parallel_loop3A_1040, %parallel_loop3A_1034 : vector<16xf32>
      %parallel_loop3A_1046 = arith.minimumf %parallel_loop3A_1040, %parallel_loop3A_1034 : vector<16xf32>
      %parallel_loop3A_1047 = arith.maximumf %parallel_loop3A_696, %parallel_loop3A_708 : vector<16xf32>
      %parallel_loop3A_1048 = arith.minimumf %parallel_loop3A_696, %parallel_loop3A_708 : vector<16xf32>
      %parallel_loop3A_1049 = arith.maximumf %parallel_loop3A_720, %parallel_loop3A_732 : vector<16xf32>
      %parallel_loop3A_1050 = arith.minimumf %parallel_loop3A_720, %parallel_loop3A_732 : vector<16xf32>
      %parallel_loop3A_1051 = arith.maximumf %parallel_loop3A_744, %parallel_loop3A_756 : vector<16xf32>
      %parallel_loop3A_1052 = arith.minimumf %parallel_loop3A_744, %parallel_loop3A_756 : vector<16xf32>
      %parallel_loop3A_1053 = arith.maximumf %parallel_loop3A_768, %parallel_loop3A_780 : vector<16xf32>
      %parallel_loop3A_1054 = arith.minimumf %parallel_loop3A_768, %parallel_loop3A_780 : vector<16xf32>
      %parallel_loop3A_1055 = arith.maximumf %parallel_loop3A_1047, %parallel_loop3A_1049 : vector<16xf32>
      %parallel_loop3A_1056 = arith.minimumf %parallel_loop3A_1047, %parallel_loop3A_1049 : vector<16xf32>
      %parallel_loop3A_1057 = arith.maximumf %parallel_loop3A_1048, %parallel_loop3A_1050 : vector<16xf32>
      %parallel_loop3A_1058 = arith.minimumf %parallel_loop3A_1048, %parallel_loop3A_1050 : vector<16xf32>
      %parallel_loop3A_1059 = arith.maximumf %parallel_loop3A_1051, %parallel_loop3A_1053 : vector<16xf32>
      %parallel_loop3A_1060 = arith.minimumf %parallel_loop3A_1051, %parallel_loop3A_1053 : vector<16xf32>
      %parallel_loop3A_1061 = arith.maximumf %parallel_loop3A_1052, %parallel_loop3A_1054 : vector<16xf32>
      %parallel_loop3A_1062 = arith.minimumf %parallel_loop3A_1052, %parallel_loop3A_1054 : vector<16xf32>
      %parallel_loop3A_1063 = arith.maximumf %parallel_loop3A_1057, %parallel_loop3A_1056 : vector<16xf32>
      %parallel_loop3A_1064 = arith.minimumf %parallel_loop3A_1057, %parallel_loop3A_1056 : vector<16xf32>
      %parallel_loop3A_1065 = arith.maximumf %parallel_loop3A_1061, %parallel_loop3A_1060 : vector<16xf32>
      %parallel_loop3A_1066 = arith.minimumf %parallel_loop3A_1061, %parallel_loop3A_1060 : vector<16xf32>
      %parallel_loop3A_1067 = arith.maximumf %parallel_loop3A_1055, %parallel_loop3A_1059 : vector<16xf32>
      %parallel_loop3A_1068 = arith.minimumf %parallel_loop3A_1055, %parallel_loop3A_1059 : vector<16xf32>
      %parallel_loop3A_1069 = arith.maximumf %parallel_loop3A_1063, %parallel_loop3A_1065 : vector<16xf32>
      %parallel_loop3A_1070 = arith.minimumf %parallel_loop3A_1063, %parallel_loop3A_1065 : vector<16xf32>
      %parallel_loop3A_1071 = arith.maximumf %parallel_loop3A_1064, %parallel_loop3A_1066 : vector<16xf32>
      %parallel_loop3A_1072 = arith.minimumf %parallel_loop3A_1064, %parallel_loop3A_1066 : vector<16xf32>
      %parallel_loop3A_1073 = arith.maximumf %parallel_loop3A_1058, %parallel_loop3A_1062 : vector<16xf32>
      %parallel_loop3A_1074 = arith.minimumf %parallel_loop3A_1058, %parallel_loop3A_1062 : vector<16xf32>
      %parallel_loop3A_1075 = arith.maximumf %parallel_loop3A_1071, %parallel_loop3A_1068 : vector<16xf32>
      %parallel_loop3A_1076 = arith.minimumf %parallel_loop3A_1071, %parallel_loop3A_1068 : vector<16xf32>
      %parallel_loop3A_1077 = arith.maximumf %parallel_loop3A_1073, %parallel_loop3A_1070 : vector<16xf32>
      %parallel_loop3A_1078 = arith.minimumf %parallel_loop3A_1073, %parallel_loop3A_1070 : vector<16xf32>
      %parallel_loop3A_1079 = arith.maximumf %parallel_loop3A_1069, %parallel_loop3A_1075 : vector<16xf32>
      %parallel_loop3A_1080 = arith.minimumf %parallel_loop3A_1069, %parallel_loop3A_1075 : vector<16xf32>
      %parallel_loop3A_1081 = arith.maximumf %parallel_loop3A_1077, %parallel_loop3A_1076 : vector<16xf32>
      %parallel_loop3A_1082 = arith.minimumf %parallel_loop3A_1077, %parallel_loop3A_1076 : vector<16xf32>
      %parallel_loop3A_1083 = arith.maximumf %parallel_loop3A_1078, %parallel_loop3A_1072 : vector<16xf32>
      %parallel_loop3A_1084 = arith.minimumf %parallel_loop3A_1078, %parallel_loop3A_1072 : vector<16xf32>
      %parallel_loop3A_1085 = arith.maximumf %parallel_loop3A_801, %parallel_loop3A_846 : vector<16xf32>
      %parallel_loop3A_1086 = arith.maximumf %parallel_loop3A_813, %parallel_loop3A_856 : vector<16xf32>
      %parallel_loop3A_1087 = arith.maximumf %parallel_loop3A_814, %parallel_loop3A_855 : vector<16xf32>
      %parallel_loop3A_1088 = arith.maximumf %parallel_loop3A_815, %parallel_loop3A_854 : vector<16xf32>
      %parallel_loop3A_1089 = arith.maximumf %parallel_loop3A_816, %parallel_loop3A_853 : vector<16xf32>
      %parallel_loop3A_1090 = arith.maximumf %parallel_loop3A_817, %parallel_loop3A_852 : vector<16xf32>
      %parallel_loop3A_1091 = arith.maximumf %parallel_loop3A_818, %parallel_loop3A_851 : vector<16xf32>
      %parallel_loop3A_1092 = arith.maximumf %parallel_loop3A_808, %parallel_loop3A_839 : vector<16xf32>
      %parallel_loop3A_1093 = arith.maximumf %parallel_loop3A_1085, %parallel_loop3A_1089 : vector<16xf32>
      %parallel_loop3A_1094 = arith.minimumf %parallel_loop3A_1085, %parallel_loop3A_1089 : vector<16xf32>
      %parallel_loop3A_1095 = arith.maximumf %parallel_loop3A_1086, %parallel_loop3A_1090 : vector<16xf32>
      %parallel_loop3A_1096 = arith.minimumf %parallel_loop3A_1086, %parallel_loop3A_1090 : vector<16xf32>
      %parallel_loop3A_1097 = arith.maximumf %parallel_loop3A_1087, %parallel_loop3A_1091 : vector<16xf32>
      %parallel_loop3A_1098 = arith.minimumf %parallel_loop3A_1087, %parallel_loop3A_1091 : vector<16xf32>
      %parallel_loop3A_1099 = arith.maximumf %parallel_loop3A_1088, %parallel_loop3A_1092 : vector<16xf32>
      %parallel_loop3A_1100 = arith.minimumf %parallel_loop3A_1088, %parallel_loop3A_1092 : vector<16xf32>
      %parallel_loop3A_1101 = arith.maximumf %parallel_loop3A_1093, %parallel_loop3A_1097 : vector<16xf32>
      %parallel_loop3A_1102 = arith.minimumf %parallel_loop3A_1093, %parallel_loop3A_1097 : vector<16xf32>
      %parallel_loop3A_1103 = arith.maximumf %parallel_loop3A_1095, %parallel_loop3A_1099 : vector<16xf32>
      %parallel_loop3A_1104 = arith.minimumf %parallel_loop3A_1095, %parallel_loop3A_1099 : vector<16xf32>
      %parallel_loop3A_1105 = arith.maximumf %parallel_loop3A_1094, %parallel_loop3A_1098 : vector<16xf32>
      %parallel_loop3A_1106 = arith.minimumf %parallel_loop3A_1094, %parallel_loop3A_1098 : vector<16xf32>
      %parallel_loop3A_1107 = arith.maximumf %parallel_loop3A_1096, %parallel_loop3A_1100 : vector<16xf32>
      %parallel_loop3A_1108 = arith.minimumf %parallel_loop3A_1096, %parallel_loop3A_1100 : vector<16xf32>
      %parallel_loop3A_1109 = arith.maximumf %parallel_loop3A_1101, %parallel_loop3A_1103 : vector<16xf32>
      %parallel_loop3A_1110 = arith.minimumf %parallel_loop3A_1101, %parallel_loop3A_1103 : vector<16xf32>
      %parallel_loop3A_1111 = arith.maximumf %parallel_loop3A_1102, %parallel_loop3A_1104 : vector<16xf32>
      %parallel_loop3A_1112 = arith.minimumf %parallel_loop3A_1102, %parallel_loop3A_1104 : vector<16xf32>
      %parallel_loop3A_1113 = arith.maximumf %parallel_loop3A_1105, %parallel_loop3A_1107 : vector<16xf32>
      %parallel_loop3A_1114 = arith.minimumf %parallel_loop3A_1105, %parallel_loop3A_1107 : vector<16xf32>
      %parallel_loop3A_1115 = arith.maximumf %parallel_loop3A_1106, %parallel_loop3A_1108 : vector<16xf32>
      %parallel_loop3A_1116 = arith.minimumf %parallel_loop3A_1106, %parallel_loop3A_1108 : vector<16xf32>
      %parallel_loop3A_1117 = arith.maximumf %parallel_loop3A_877, %parallel_loop3A_922 : vector<16xf32>
      %parallel_loop3A_1118 = arith.maximumf %parallel_loop3A_889, %parallel_loop3A_932 : vector<16xf32>
      %parallel_loop3A_1119 = arith.maximumf %parallel_loop3A_890, %parallel_loop3A_931 : vector<16xf32>
      %parallel_loop3A_1120 = arith.maximumf %parallel_loop3A_891, %parallel_loop3A_930 : vector<16xf32>
      %parallel_loop3A_1121 = arith.maximumf %parallel_loop3A_892, %parallel_loop3A_929 : vector<16xf32>
      %parallel_loop3A_1122 = arith.maximumf %parallel_loop3A_893, %parallel_loop3A_928 : vector<16xf32>
      %parallel_loop3A_1123 = arith.maximumf %parallel_loop3A_894, %parallel_loop3A_927 : vector<16xf32>
      %parallel_loop3A_1124 = arith.maximumf %parallel_loop3A_884, %parallel_loop3A_915 : vector<16xf32>
      %parallel_loop3A_1125 = arith.maximumf %parallel_loop3A_1117, %parallel_loop3A_1121 : vector<16xf32>
      %parallel_loop3A_1126 = arith.minimumf %parallel_loop3A_1117, %parallel_loop3A_1121 : vector<16xf32>
      %parallel_loop3A_1127 = arith.maximumf %parallel_loop3A_1118, %parallel_loop3A_1122 : vector<16xf32>
      %parallel_loop3A_1128 = arith.minimumf %parallel_loop3A_1118, %parallel_loop3A_1122 : vector<16xf32>
      %parallel_loop3A_1129 = arith.maximumf %parallel_loop3A_1119, %parallel_loop3A_1123 : vector<16xf32>
      %parallel_loop3A_1130 = arith.minimumf %parallel_loop3A_1119, %parallel_loop3A_1123 : vector<16xf32>
      %parallel_loop3A_1131 = arith.maximumf %parallel_loop3A_1120, %parallel_loop3A_1124 : vector<16xf32>
      %parallel_loop3A_1132 = arith.minimumf %parallel_loop3A_1120, %parallel_loop3A_1124 : vector<16xf32>
      %parallel_loop3A_1133 = arith.maximumf %parallel_loop3A_1125, %parallel_loop3A_1129 : vector<16xf32>
      %parallel_loop3A_1134 = arith.minimumf %parallel_loop3A_1125, %parallel_loop3A_1129 : vector<16xf32>
      %parallel_loop3A_1135 = arith.maximumf %parallel_loop3A_1127, %parallel_loop3A_1131 : vector<16xf32>
      %parallel_loop3A_1136 = arith.minimumf %parallel_loop3A_1127, %parallel_loop3A_1131 : vector<16xf32>
      %parallel_loop3A_1137 = arith.maximumf %parallel_loop3A_1126, %parallel_loop3A_1130 : vector<16xf32>
      %parallel_loop3A_1138 = arith.minimumf %parallel_loop3A_1126, %parallel_loop3A_1130 : vector<16xf32>
      %parallel_loop3A_1139 = arith.maximumf %parallel_loop3A_1128, %parallel_loop3A_1132 : vector<16xf32>
      %parallel_loop3A_1140 = arith.minimumf %parallel_loop3A_1128, %parallel_loop3A_1132 : vector<16xf32>
      %parallel_loop3A_1141 = arith.maximumf %parallel_loop3A_1133, %parallel_loop3A_1135 : vector<16xf32>
      %parallel_loop3A_1142 = arith.minimumf %parallel_loop3A_1133, %parallel_loop3A_1135 : vector<16xf32>
      %parallel_loop3A_1143 = arith.maximumf %parallel_loop3A_1134, %parallel_loop3A_1136 : vector<16xf32>
      %parallel_loop3A_1144 = arith.minimumf %parallel_loop3A_1134, %parallel_loop3A_1136 : vector<16xf32>
      %parallel_loop3A_1145 = arith.maximumf %parallel_loop3A_1137, %parallel_loop3A_1139 : vector<16xf32>
      %parallel_loop3A_1146 = arith.minimumf %parallel_loop3A_1137, %parallel_loop3A_1139 : vector<16xf32>
      %parallel_loop3A_1147 = arith.maximumf %parallel_loop3A_1138, %parallel_loop3A_1140 : vector<16xf32>
      %parallel_loop3A_1148 = arith.minimumf %parallel_loop3A_1138, %parallel_loop3A_1140 : vector<16xf32>
      %parallel_loop3A_1149 = arith.maximumf %parallel_loop3A_953, %parallel_loop3A_998 : vector<16xf32>
      %parallel_loop3A_1150 = arith.maximumf %parallel_loop3A_965, %parallel_loop3A_1008 : vector<16xf32>
      %parallel_loop3A_1151 = arith.maximumf %parallel_loop3A_966, %parallel_loop3A_1007 : vector<16xf32>
      %parallel_loop3A_1152 = arith.maximumf %parallel_loop3A_967, %parallel_loop3A_1006 : vector<16xf32>
      %parallel_loop3A_1153 = arith.maximumf %parallel_loop3A_968, %parallel_loop3A_1005 : vector<16xf32>
      %parallel_loop3A_1154 = arith.maximumf %parallel_loop3A_969, %parallel_loop3A_1004 : vector<16xf32>
      %parallel_loop3A_1155 = arith.maximumf %parallel_loop3A_970, %parallel_loop3A_1003 : vector<16xf32>
      %parallel_loop3A_1156 = arith.maximumf %parallel_loop3A_960, %parallel_loop3A_991 : vector<16xf32>
      %parallel_loop3A_1157 = arith.maximumf %parallel_loop3A_1149, %parallel_loop3A_1153 : vector<16xf32>
      %parallel_loop3A_1158 = arith.minimumf %parallel_loop3A_1149, %parallel_loop3A_1153 : vector<16xf32>
      %parallel_loop3A_1159 = arith.maximumf %parallel_loop3A_1150, %parallel_loop3A_1154 : vector<16xf32>
      %parallel_loop3A_1160 = arith.minimumf %parallel_loop3A_1150, %parallel_loop3A_1154 : vector<16xf32>
      %parallel_loop3A_1161 = arith.maximumf %parallel_loop3A_1151, %parallel_loop3A_1155 : vector<16xf32>
      %parallel_loop3A_1162 = arith.minimumf %parallel_loop3A_1151, %parallel_loop3A_1155 : vector<16xf32>
      %parallel_loop3A_1163 = arith.maximumf %parallel_loop3A_1152, %parallel_loop3A_1156 : vector<16xf32>
      %parallel_loop3A_1164 = arith.minimumf %parallel_loop3A_1152, %parallel_loop3A_1156 : vector<16xf32>
      %parallel_loop3A_1165 = arith.maximumf %parallel_loop3A_1157, %parallel_loop3A_1161 : vector<16xf32>
      %parallel_loop3A_1166 = arith.minimumf %parallel_loop3A_1157, %parallel_loop3A_1161 : vector<16xf32>
      %parallel_loop3A_1167 = arith.maximumf %parallel_loop3A_1159, %parallel_loop3A_1163 : vector<16xf32>
      %parallel_loop3A_1168 = arith.minimumf %parallel_loop3A_1159, %parallel_loop3A_1163 : vector<16xf32>
      %parallel_loop3A_1169 = arith.maximumf %parallel_loop3A_1158, %parallel_loop3A_1162 : vector<16xf32>
      %parallel_loop3A_1170 = arith.minimumf %parallel_loop3A_1158, %parallel_loop3A_1162 : vector<16xf32>
      %parallel_loop3A_1171 = arith.maximumf %parallel_loop3A_1160, %parallel_loop3A_1164 : vector<16xf32>
      %parallel_loop3A_1172 = arith.minimumf %parallel_loop3A_1160, %parallel_loop3A_1164 : vector<16xf32>
      %parallel_loop3A_1173 = arith.maximumf %parallel_loop3A_1165, %parallel_loop3A_1167 : vector<16xf32>
      %parallel_loop3A_1174 = arith.minimumf %parallel_loop3A_1165, %parallel_loop3A_1167 : vector<16xf32>
      %parallel_loop3A_1175 = arith.maximumf %parallel_loop3A_1166, %parallel_loop3A_1168 : vector<16xf32>
      %parallel_loop3A_1176 = arith.minimumf %parallel_loop3A_1166, %parallel_loop3A_1168 : vector<16xf32>
      %parallel_loop3A_1177 = arith.maximumf %parallel_loop3A_1169, %parallel_loop3A_1171 : vector<16xf32>
      %parallel_loop3A_1178 = arith.minimumf %parallel_loop3A_1169, %parallel_loop3A_1171 : vector<16xf32>
      %parallel_loop3A_1179 = arith.maximumf %parallel_loop3A_1170, %parallel_loop3A_1172 : vector<16xf32>
      %parallel_loop3A_1180 = arith.minimumf %parallel_loop3A_1170, %parallel_loop3A_1172 : vector<16xf32>
      %parallel_loop3A_1181 = arith.maximumf %parallel_loop3A_1029, %parallel_loop3A_1074 : vector<16xf32>
      %parallel_loop3A_1182 = arith.maximumf %parallel_loop3A_1041, %parallel_loop3A_1084 : vector<16xf32>
      %parallel_loop3A_1183 = arith.maximumf %parallel_loop3A_1042, %parallel_loop3A_1083 : vector<16xf32>
      %parallel_loop3A_1184 = arith.maximumf %parallel_loop3A_1043, %parallel_loop3A_1082 : vector<16xf32>
      %parallel_loop3A_1185 = arith.maximumf %parallel_loop3A_1044, %parallel_loop3A_1081 : vector<16xf32>
      %parallel_loop3A_1186 = arith.maximumf %parallel_loop3A_1045, %parallel_loop3A_1080 : vector<16xf32>
      %parallel_loop3A_1187 = arith.maximumf %parallel_loop3A_1046, %parallel_loop3A_1079 : vector<16xf32>
      %parallel_loop3A_1188 = arith.maximumf %parallel_loop3A_1036, %parallel_loop3A_1067 : vector<16xf32>
      %parallel_loop3A_1189 = arith.maximumf %parallel_loop3A_1181, %parallel_loop3A_1185 : vector<16xf32>
      %parallel_loop3A_1190 = arith.minimumf %parallel_loop3A_1181, %parallel_loop3A_1185 : vector<16xf32>
      %parallel_loop3A_1191 = arith.maximumf %parallel_loop3A_1182, %parallel_loop3A_1186 : vector<16xf32>
      %parallel_loop3A_1192 = arith.minimumf %parallel_loop3A_1182, %parallel_loop3A_1186 : vector<16xf32>
      %parallel_loop3A_1193 = arith.maximumf %parallel_loop3A_1183, %parallel_loop3A_1187 : vector<16xf32>
      %parallel_loop3A_1194 = arith.minimumf %parallel_loop3A_1183, %parallel_loop3A_1187 : vector<16xf32>
      %parallel_loop3A_1195 = arith.maximumf %parallel_loop3A_1184, %parallel_loop3A_1188 : vector<16xf32>
      %parallel_loop3A_1196 = arith.minimumf %parallel_loop3A_1184, %parallel_loop3A_1188 : vector<16xf32>
      %parallel_loop3A_1197 = arith.maximumf %parallel_loop3A_1189, %parallel_loop3A_1193 : vector<16xf32>
      %parallel_loop3A_1198 = arith.minimumf %parallel_loop3A_1189, %parallel_loop3A_1193 : vector<16xf32>
      %parallel_loop3A_1199 = arith.maximumf %parallel_loop3A_1191, %parallel_loop3A_1195 : vector<16xf32>
      %parallel_loop3A_1200 = arith.minimumf %parallel_loop3A_1191, %parallel_loop3A_1195 : vector<16xf32>
      %parallel_loop3A_1201 = arith.maximumf %parallel_loop3A_1190, %parallel_loop3A_1194 : vector<16xf32>
      %parallel_loop3A_1202 = arith.minimumf %parallel_loop3A_1190, %parallel_loop3A_1194 : vector<16xf32>
      %parallel_loop3A_1203 = arith.maximumf %parallel_loop3A_1192, %parallel_loop3A_1196 : vector<16xf32>
      %parallel_loop3A_1204 = arith.minimumf %parallel_loop3A_1192, %parallel_loop3A_1196 : vector<16xf32>
      %parallel_loop3A_1205 = arith.maximumf %parallel_loop3A_1197, %parallel_loop3A_1199 : vector<16xf32>
      %parallel_loop3A_1206 = arith.minimumf %parallel_loop3A_1197, %parallel_loop3A_1199 : vector<16xf32>
      %parallel_loop3A_1207 = arith.maximumf %parallel_loop3A_1198, %parallel_loop3A_1200 : vector<16xf32>
      %parallel_loop3A_1208 = arith.minimumf %parallel_loop3A_1198, %parallel_loop3A_1200 : vector<16xf32>
      %parallel_loop3A_1209 = arith.maximumf %parallel_loop3A_1201, %parallel_loop3A_1203 : vector<16xf32>
      %parallel_loop3A_1210 = arith.minimumf %parallel_loop3A_1201, %parallel_loop3A_1203 : vector<16xf32>
      %parallel_loop3A_1211 = arith.maximumf %parallel_loop3A_1202, %parallel_loop3A_1204 : vector<16xf32>
      %parallel_loop3A_1212 = arith.minimumf %parallel_loop3A_1202, %parallel_loop3A_1204 : vector<16xf32>
      %parallel_loop3A_1213 = arith.maximumf %parallel_loop3A_1109, %parallel_loop3A_1148 : vector<16xf32>
      %parallel_loop3A_1214 = arith.maximumf %parallel_loop3A_1110, %parallel_loop3A_1147 : vector<16xf32>
      %parallel_loop3A_1215 = arith.maximumf %parallel_loop3A_1111, %parallel_loop3A_1146 : vector<16xf32>
      %parallel_loop3A_1216 = arith.maximumf %parallel_loop3A_1112, %parallel_loop3A_1145 : vector<16xf32>
      %parallel_loop3A_1217 = arith.maximumf %parallel_loop3A_1113, %parallel_loop3A_1144 : vector<16xf32>
      %parallel_loop3A_1218 = arith.maximumf %parallel_loop3A_1114, %parallel_loop3A_1143 : vector<16xf32>
      %parallel_loop3A_1219 = arith.maximumf %parallel_loop3A_1115, %parallel_loop3A_1142 : vector<16xf32>
      %parallel_loop3A_1220 = arith.maximumf %parallel_loop3A_1116, %parallel_loop3A_1141 : vector<16xf32>
      %parallel_loop3A_1221 = arith.maximumf %parallel_loop3A_1213, %parallel_loop3A_1217 : vector<16xf32>
      %parallel_loop3A_1222 = arith.minimumf %parallel_loop3A_1213, %parallel_loop3A_1217 : vector<16xf32>
      %parallel_loop3A_1223 = arith.maximumf %parallel_loop3A_1214, %parallel_loop3A_1218 : vector<16xf32>
      %parallel_loop3A_1224 = arith.minimumf %parallel_loop3A_1214, %parallel_loop3A_1218 : vector<16xf32>
      %parallel_loop3A_1225 = arith.maximumf %parallel_loop3A_1215, %parallel_loop3A_1219 : vector<16xf32>
      %parallel_loop3A_1226 = arith.minimumf %parallel_loop3A_1215, %parallel_loop3A_1219 : vector<16xf32>
      %parallel_loop3A_1227 = arith.maximumf %parallel_loop3A_1216, %parallel_loop3A_1220 : vector<16xf32>
      %parallel_loop3A_1228 = arith.minimumf %parallel_loop3A_1216, %parallel_loop3A_1220 : vector<16xf32>
      %parallel_loop3A_1229 = arith.maximumf %parallel_loop3A_1221, %parallel_loop3A_1225 : vector<16xf32>
      %parallel_loop3A_1230 = arith.minimumf %parallel_loop3A_1221, %parallel_loop3A_1225 : vector<16xf32>
      %parallel_loop3A_1231 = arith.maximumf %parallel_loop3A_1223, %parallel_loop3A_1227 : vector<16xf32>
      %parallel_loop3A_1232 = arith.minimumf %parallel_loop3A_1223, %parallel_loop3A_1227 : vector<16xf32>
      %parallel_loop3A_1233 = arith.maximumf %parallel_loop3A_1222, %parallel_loop3A_1226 : vector<16xf32>
      %parallel_loop3A_1234 = arith.minimumf %parallel_loop3A_1222, %parallel_loop3A_1226 : vector<16xf32>
      %parallel_loop3A_1235 = arith.maximumf %parallel_loop3A_1224, %parallel_loop3A_1228 : vector<16xf32>
      %parallel_loop3A_1236 = arith.minimumf %parallel_loop3A_1224, %parallel_loop3A_1228 : vector<16xf32>
      %parallel_loop3A_1237 = arith.maximumf %parallel_loop3A_1229, %parallel_loop3A_1231 : vector<16xf32>
      %parallel_loop3A_1238 = arith.minimumf %parallel_loop3A_1229, %parallel_loop3A_1231 : vector<16xf32>
      %parallel_loop3A_1239 = arith.maximumf %parallel_loop3A_1230, %parallel_loop3A_1232 : vector<16xf32>
      %parallel_loop3A_1240 = arith.minimumf %parallel_loop3A_1230, %parallel_loop3A_1232 : vector<16xf32>
      %parallel_loop3A_1241 = arith.maximumf %parallel_loop3A_1233, %parallel_loop3A_1235 : vector<16xf32>
      %parallel_loop3A_1242 = arith.minimumf %parallel_loop3A_1233, %parallel_loop3A_1235 : vector<16xf32>
      %parallel_loop3A_1243 = arith.maximumf %parallel_loop3A_1234, %parallel_loop3A_1236 : vector<16xf32>
      %parallel_loop3A_1244 = arith.minimumf %parallel_loop3A_1234, %parallel_loop3A_1236 : vector<16xf32>
      %parallel_loop3A_1245 = arith.maximumf %parallel_loop3A_1173, %parallel_loop3A_1212 : vector<16xf32>
      %parallel_loop3A_1246 = arith.maximumf %parallel_loop3A_1174, %parallel_loop3A_1211 : vector<16xf32>
      %parallel_loop3A_1247 = arith.maximumf %parallel_loop3A_1175, %parallel_loop3A_1210 : vector<16xf32>
      %parallel_loop3A_1248 = arith.maximumf %parallel_loop3A_1176, %parallel_loop3A_1209 : vector<16xf32>
      %parallel_loop3A_1249 = arith.maximumf %parallel_loop3A_1177, %parallel_loop3A_1208 : vector<16xf32>
      %parallel_loop3A_1250 = arith.maximumf %parallel_loop3A_1178, %parallel_loop3A_1207 : vector<16xf32>
      %parallel_loop3A_1251 = arith.maximumf %parallel_loop3A_1179, %parallel_loop3A_1206 : vector<16xf32>
      %parallel_loop3A_1252 = arith.maximumf %parallel_loop3A_1180, %parallel_loop3A_1205 : vector<16xf32>
      %parallel_loop3A_1253 = arith.maximumf %parallel_loop3A_1245, %parallel_loop3A_1249 : vector<16xf32>
      %parallel_loop3A_1254 = arith.minimumf %parallel_loop3A_1245, %parallel_loop3A_1249 : vector<16xf32>
      %parallel_loop3A_1255 = arith.maximumf %parallel_loop3A_1246, %parallel_loop3A_1250 : vector<16xf32>
      %parallel_loop3A_1256 = arith.minimumf %parallel_loop3A_1246, %parallel_loop3A_1250 : vector<16xf32>
      %parallel_loop3A_1257 = arith.maximumf %parallel_loop3A_1247, %parallel_loop3A_1251 : vector<16xf32>
      %parallel_loop3A_1258 = arith.minimumf %parallel_loop3A_1247, %parallel_loop3A_1251 : vector<16xf32>
      %parallel_loop3A_1259 = arith.maximumf %parallel_loop3A_1248, %parallel_loop3A_1252 : vector<16xf32>
      %parallel_loop3A_1260 = arith.minimumf %parallel_loop3A_1248, %parallel_loop3A_1252 : vector<16xf32>
      %parallel_loop3A_1261 = arith.maximumf %parallel_loop3A_1253, %parallel_loop3A_1257 : vector<16xf32>
      %parallel_loop3A_1262 = arith.minimumf %parallel_loop3A_1253, %parallel_loop3A_1257 : vector<16xf32>
      %parallel_loop3A_1263 = arith.maximumf %parallel_loop3A_1255, %parallel_loop3A_1259 : vector<16xf32>
      %parallel_loop3A_1264 = arith.minimumf %parallel_loop3A_1255, %parallel_loop3A_1259 : vector<16xf32>
      %parallel_loop3A_1265 = arith.maximumf %parallel_loop3A_1254, %parallel_loop3A_1258 : vector<16xf32>
      %parallel_loop3A_1266 = arith.minimumf %parallel_loop3A_1254, %parallel_loop3A_1258 : vector<16xf32>
      %parallel_loop3A_1267 = arith.maximumf %parallel_loop3A_1256, %parallel_loop3A_1260 : vector<16xf32>
      %parallel_loop3A_1268 = arith.minimumf %parallel_loop3A_1256, %parallel_loop3A_1260 : vector<16xf32>
      %parallel_loop3A_1269 = arith.maximumf %parallel_loop3A_1261, %parallel_loop3A_1263 : vector<16xf32>
      %parallel_loop3A_1270 = arith.minimumf %parallel_loop3A_1261, %parallel_loop3A_1263 : vector<16xf32>
      %parallel_loop3A_1271 = arith.maximumf %parallel_loop3A_1262, %parallel_loop3A_1264 : vector<16xf32>
      %parallel_loop3A_1272 = arith.minimumf %parallel_loop3A_1262, %parallel_loop3A_1264 : vector<16xf32>
      %parallel_loop3A_1273 = arith.maximumf %parallel_loop3A_1265, %parallel_loop3A_1267 : vector<16xf32>
      %parallel_loop3A_1274 = arith.minimumf %parallel_loop3A_1265, %parallel_loop3A_1267 : vector<16xf32>
      %parallel_loop3A_1275 = arith.maximumf %parallel_loop3A_1266, %parallel_loop3A_1268 : vector<16xf32>
      %parallel_loop3A_1276 = arith.minimumf %parallel_loop3A_1266, %parallel_loop3A_1268 : vector<16xf32>
      %parallel_loop3A_1277 = arith.maximumf %parallel_loop3A_1237, %parallel_loop3A_1276 : vector<16xf32>
      %parallel_loop3A_1278 = arith.maximumf %parallel_loop3A_1238, %parallel_loop3A_1275 : vector<16xf32>
      %parallel_loop3A_1279 = arith.maximumf %parallel_loop3A_1239, %parallel_loop3A_1274 : vector<16xf32>
      %parallel_loop3A_1280 = arith.maximumf %parallel_loop3A_1240, %parallel_loop3A_1273 : vector<16xf32>
      %parallel_loop3A_1281 = arith.maximumf %parallel_loop3A_1241, %parallel_loop3A_1272 : vector<16xf32>
      %parallel_loop3A_1282 = arith.maximumf %parallel_loop3A_1242, %parallel_loop3A_1271 : vector<16xf32>
      %parallel_loop3A_1283 = arith.maximumf %parallel_loop3A_1243, %parallel_loop3A_1270 : vector<16xf32>
      %parallel_loop3A_1284 = arith.maximumf %parallel_loop3A_1244, %parallel_loop3A_1269 : vector<16xf32>
      %parallel_loop3A_1285 = arith.maximumf %parallel_loop3A_1277, %parallel_loop3A_1281 : vector<16xf32>
      %parallel_loop3A_1286 = arith.minimumf %parallel_loop3A_1277, %parallel_loop3A_1281 : vector<16xf32>
      %parallel_loop3A_1287 = arith.maximumf %parallel_loop3A_1278, %parallel_loop3A_1282 : vector<16xf32>
      %parallel_loop3A_1288 = arith.minimumf %parallel_loop3A_1278, %parallel_loop3A_1282 : vector<16xf32>
      %parallel_loop3A_1289 = arith.maximumf %parallel_loop3A_1279, %parallel_loop3A_1283 : vector<16xf32>
      %parallel_loop3A_1290 = arith.minimumf %parallel_loop3A_1279, %parallel_loop3A_1283 : vector<16xf32>
      %parallel_loop3A_1291 = arith.maximumf %parallel_loop3A_1280, %parallel_loop3A_1284 : vector<16xf32>
      %parallel_loop3A_1292 = arith.minimumf %parallel_loop3A_1280, %parallel_loop3A_1284 : vector<16xf32>
      %parallel_loop3A_1293 = arith.maximumf %parallel_loop3A_1285, %parallel_loop3A_1289 : vector<16xf32>
      %parallel_loop3A_1294 = arith.minimumf %parallel_loop3A_1285, %parallel_loop3A_1289 : vector<16xf32>
      %parallel_loop3A_1295 = arith.maximumf %parallel_loop3A_1287, %parallel_loop3A_1291 : vector<16xf32>
      %parallel_loop3A_1296 = arith.minimumf %parallel_loop3A_1287, %parallel_loop3A_1291 : vector<16xf32>
      %parallel_loop3A_1297 = arith.maximumf %parallel_loop3A_1286, %parallel_loop3A_1290 : vector<16xf32>
      %parallel_loop3A_1298 = arith.minimumf %parallel_loop3A_1286, %parallel_loop3A_1290 : vector<16xf32>
      %parallel_loop3A_1299 = arith.maximumf %parallel_loop3A_1288, %parallel_loop3A_1292 : vector<16xf32>
      %parallel_loop3A_1300 = arith.minimumf %parallel_loop3A_1288, %parallel_loop3A_1292 : vector<16xf32>
      %parallel_loop3A_1301 = arith.maximumf %parallel_loop3A_1293, %parallel_loop3A_1295 : vector<16xf32>
      %parallel_loop3A_1302 = arith.minimumf %parallel_loop3A_1293, %parallel_loop3A_1295 : vector<16xf32>
      %parallel_loop3A_1303 = arith.maximumf %parallel_loop3A_1294, %parallel_loop3A_1296 : vector<16xf32>
      %parallel_loop3A_1304 = arith.minimumf %parallel_loop3A_1294, %parallel_loop3A_1296 : vector<16xf32>
      %parallel_loop3A_1305 = arith.maximumf %parallel_loop3A_1297, %parallel_loop3A_1299 : vector<16xf32>
      %parallel_loop3A_1306 = arith.minimumf %parallel_loop3A_1297, %parallel_loop3A_1299 : vector<16xf32>
      %parallel_loop3A_1307 = arith.maximumf %parallel_loop3A_1298, %parallel_loop3A_1300 : vector<16xf32>
      %parallel_loop3A_1308 = arith.minimumf %parallel_loop3A_1298, %parallel_loop3A_1300 : vector<16xf32>
      %parallel_loop3A_1309 = vector.bitcast %parallel_loop3A_1301 : vector<16xf32> to vector<16xi32>
      %parallel_loop3A_1310 = arith.constant 63 : i32
      %parallel_loop3A_1311 = vector.broadcast %parallel_loop3A_1310 : i32 to vector<16xi32>
      %parallel_loop3A_1312 = arith.andi %parallel_loop3A_1309, %parallel_loop3A_1311 : vector<16xi32>
      %parallel_loop3A_1313 = arith.constant 63 : i32
      %parallel_loop3A_1314 = vector.broadcast %parallel_loop3A_1313 : i32 to vector<16xi32>
      %parallel_loop3A_1315 = arith.subi %parallel_loop3A_1314, %parallel_loop3A_1312 : vector<16xi32>
      %parallel_loop3A_1316 = tpu.vector_load_idx %arg5[%parallel_loop3A_1315, %parallel_loop3A_12] : memref<64x512xf32, #tpu.memory_space<vmem>>[vector<16xi32>, vector<16xi32>], vector<16xf32>,
      %parallel_loop3A_1317 = vector.bitcast %parallel_loop3A_1302 : vector<16xf32> to vector<16xi32>
      %parallel_loop3A_1318 = arith.constant 63 : i32
      %parallel_loop3A_1319 = vector.broadcast %parallel_loop3A_1318 : i32 to vector<16xi32>
      %parallel_loop3A_1320 = arith.andi %parallel_loop3A_1317, %parallel_loop3A_1319 : vector<16xi32>
      %parallel_loop3A_1321 = arith.constant 63 : i32
      %parallel_loop3A_1322 = vector.broadcast %parallel_loop3A_1321 : i32 to vector<16xi32>
      %parallel_loop3A_1323 = arith.subi %parallel_loop3A_1322, %parallel_loop3A_1320 : vector<16xi32>
      %parallel_loop3A_1324 = tpu.vector_load_idx %arg5[%parallel_loop3A_1323, %parallel_loop3A_12] : memref<64x512xf32, #tpu.memory_space<vmem>>[vector<16xi32>, vector<16xi32>], vector<16xf32>,
      %parallel_loop3A_1325 = vector.bitcast %parallel_loop3A_1303 : vector<16xf32> to vector<16xi32>
      %parallel_loop3A_1326 = arith.constant 63 : i32
      %parallel_loop3A_1327 = vector.broadcast %parallel_loop3A_1326 : i32 to vector<16xi32>
      %parallel_loop3A_1328 = arith.andi %parallel_loop3A_1325, %parallel_loop3A_1327 : vector<16xi32>
      %parallel_loop3A_1329 = arith.constant 63 : i32
      %parallel_loop3A_1330 = vector.broadcast %parallel_loop3A_1329 : i32 to vector<16xi32>
      %parallel_loop3A_1331 = arith.subi %parallel_loop3A_1330, %parallel_loop3A_1328 : vector<16xi32>
      %parallel_loop3A_1332 = tpu.vector_load_idx %arg5[%parallel_loop3A_1331, %parallel_loop3A_12] : memref<64x512xf32, #tpu.memory_space<vmem>>[vector<16xi32>, vector<16xi32>], vector<16xf32>,
      %parallel_loop3A_1333 = vector.bitcast %parallel_loop3A_1304 : vector<16xf32> to vector<16xi32>
      %parallel_loop3A_1334 = arith.constant 63 : i32
      %parallel_loop3A_1335 = vector.broadcast %parallel_loop3A_1334 : i32 to vector<16xi32>
      %parallel_loop3A_1336 = arith.andi %parallel_loop3A_1333, %parallel_loop3A_1335 : vector<16xi32>
      %parallel_loop3A_1337 = arith.constant 63 : i32
      %parallel_loop3A_1338 = vector.broadcast %parallel_loop3A_1337 : i32 to vector<16xi32>
      %parallel_loop3A_1339 = arith.subi %parallel_loop3A_1338, %parallel_loop3A_1336 : vector<16xi32>
      %parallel_loop3A_1340 = tpu.vector_load_idx %arg5[%parallel_loop3A_1339, %parallel_loop3A_12] : memref<64x512xf32, #tpu.memory_space<vmem>>[vector<16xi32>, vector<16xi32>], vector<16xf32>,
      %parallel_loop3A_1341 = vector.bitcast %parallel_loop3A_1305 : vector<16xf32> to vector<16xi32>
      %parallel_loop3A_1342 = arith.constant 63 : i32
      %parallel_loop3A_1343 = vector.broadcast %parallel_loop3A_1342 : i32 to vector<16xi32>
      %parallel_loop3A_1344 = arith.andi %parallel_loop3A_1341, %parallel_loop3A_1343 : vector<16xi32>
      %parallel_loop3A_1345 = arith.constant 63 : i32
      %parallel_loop3A_1346 = vector.broadcast %parallel_loop3A_1345 : i32 to vector<16xi32>
      %parallel_loop3A_1347 = arith.subi %parallel_loop3A_1346, %parallel_loop3A_1344 : vector<16xi32>
      %parallel_loop3A_1348 = tpu.vector_load_idx %arg5[%parallel_loop3A_1347, %parallel_loop3A_12] : memref<64x512xf32, #tpu.memory_space<vmem>>[vector<16xi32>, vector<16xi32>], vector<16xf32>,
      %parallel_loop3A_1349 = vector.bitcast %parallel_loop3A_1306 : vector<16xf32> to vector<16xi32>
      %parallel_loop3A_1350 = arith.constant 63 : i32
      %parallel_loop3A_1351 = vector.broadcast %parallel_loop3A_1350 : i32 to vector<16xi32>
      %parallel_loop3A_1352 = arith.andi %parallel_loop3A_1349, %parallel_loop3A_1351 : vector<16xi32>
      %parallel_loop3A_1353 = arith.constant 63 : i32
      %parallel_loop3A_1354 = vector.broadcast %parallel_loop3A_1353 : i32 to vector<16xi32>
      %parallel_loop3A_1355 = arith.subi %parallel_loop3A_1354, %parallel_loop3A_1352 : vector<16xi32>
      %parallel_loop3A_1356 = tpu.vector_load_idx %arg5[%parallel_loop3A_1355, %parallel_loop3A_12] : memref<64x512xf32, #tpu.memory_space<vmem>>[vector<16xi32>, vector<16xi32>], vector<16xf32>,
      %parallel_loop3A_1357 = vector.bitcast %parallel_loop3A_1307 : vector<16xf32> to vector<16xi32>
      %parallel_loop3A_1358 = arith.constant 63 : i32
      %parallel_loop3A_1359 = vector.broadcast %parallel_loop3A_1358 : i32 to vector<16xi32>
      %parallel_loop3A_1360 = arith.andi %parallel_loop3A_1357, %parallel_loop3A_1359 : vector<16xi32>
      %parallel_loop3A_1361 = arith.constant 63 : i32
      %parallel_loop3A_1362 = vector.broadcast %parallel_loop3A_1361 : i32 to vector<16xi32>
      %parallel_loop3A_1363 = arith.subi %parallel_loop3A_1362, %parallel_loop3A_1360 : vector<16xi32>
      %parallel_loop3A_1364 = tpu.vector_load_idx %arg5[%parallel_loop3A_1363, %parallel_loop3A_12] : memref<64x512xf32, #tpu.memory_space<vmem>>[vector<16xi32>, vector<16xi32>], vector<16xf32>,
      %parallel_loop3A_1365 = vector.bitcast %parallel_loop3A_1308 : vector<16xf32> to vector<16xi32>
      %parallel_loop3A_1366 = arith.constant 63 : i32
      %parallel_loop3A_1367 = vector.broadcast %parallel_loop3A_1366 : i32 to vector<16xi32>
      %parallel_loop3A_1368 = arith.andi %parallel_loop3A_1365, %parallel_loop3A_1367 : vector<16xi32>
      %parallel_loop3A_1369 = arith.constant 63 : i32
      %parallel_loop3A_1370 = vector.broadcast %parallel_loop3A_1369 : i32 to vector<16xi32>
      %parallel_loop3A_1371 = arith.subi %parallel_loop3A_1370, %parallel_loop3A_1368 : vector<16xi32>
      %parallel_loop3A_1372 = tpu.vector_load_idx %arg5[%parallel_loop3A_1371, %parallel_loop3A_12] : memref<64x512xf32, #tpu.memory_space<vmem>>[vector<16xi32>, vector<16xi32>], vector<16xf32>,
      %parallel_loop3A_1373 = arith.subf %parallel_loop3A_1316, %parallel_loop3A_1316 : vector<16xf32>
      %parallel_loop3A_1374 = math.exp %parallel_loop3A_1373 : vector<16xf32>
      %parallel_loop3A_1375 = arith.subf %parallel_loop3A_1324, %parallel_loop3A_1316 : vector<16xf32>
      %parallel_loop3A_1376 = math.exp %parallel_loop3A_1375 : vector<16xf32>
      %parallel_loop3A_1377 = arith.subf %parallel_loop3A_1332, %parallel_loop3A_1316 : vector<16xf32>
      %parallel_loop3A_1378 = math.exp %parallel_loop3A_1377 : vector<16xf32>
      %parallel_loop3A_1379 = arith.subf %parallel_loop3A_1340, %parallel_loop3A_1316 : vector<16xf32>
      %parallel_loop3A_1380 = math.exp %parallel_loop3A_1379 : vector<16xf32>
      %parallel_loop3A_1381 = arith.subf %parallel_loop3A_1348, %parallel_loop3A_1316 : vector<16xf32>
      %parallel_loop3A_1382 = math.exp %parallel_loop3A_1381 : vector<16xf32>
      %parallel_loop3A_1383 = arith.subf %parallel_loop3A_1356, %parallel_loop3A_1316 : vector<16xf32>
      %parallel_loop3A_1384 = math.exp %parallel_loop3A_1383 : vector<16xf32>
      %parallel_loop3A_1385 = arith.subf %parallel_loop3A_1364, %parallel_loop3A_1316 : vector<16xf32>
      %parallel_loop3A_1386 = math.exp %parallel_loop3A_1385 : vector<16xf32>
      %parallel_loop3A_1387 = arith.subf %parallel_loop3A_1372, %parallel_loop3A_1316 : vector<16xf32>
      %parallel_loop3A_1388 = math.exp %parallel_loop3A_1387 : vector<16xf32>
      %parallel_loop3A_1389 = arith.addf %parallel_loop3A_1374, %parallel_loop3A_1376 : vector<16xf32>
      %parallel_loop3A_1390 = arith.addf %parallel_loop3A_1389, %parallel_loop3A_1378 : vector<16xf32>
      %parallel_loop3A_1391 = arith.addf %parallel_loop3A_1390, %parallel_loop3A_1380 : vector<16xf32>
      %parallel_loop3A_1392 = arith.addf %parallel_loop3A_1391, %parallel_loop3A_1382 : vector<16xf32>
      %parallel_loop3A_1393 = arith.addf %parallel_loop3A_1392, %parallel_loop3A_1384 : vector<16xf32>
      %parallel_loop3A_1394 = arith.addf %parallel_loop3A_1393, %parallel_loop3A_1386 : vector<16xf32>
      %parallel_loop3A_1395 = arith.addf %parallel_loop3A_1394, %parallel_loop3A_1388 : vector<16xf32>
      %parallel_loop3A_1396 = arith.constant 8 : i32
      %parallel_loop3A_1397 = vector.broadcast %parallel_loop3A_1396 : i32 to vector<16xi32>
      %parallel_loop3A_1398 = arith.muli %parallel_loop3A_12, %parallel_loop3A_1397 : vector<16xi32>
      %parallel_loop3A_1399 = arith.constant 0 : i32
      %parallel_loop3A_1400 = vector.broadcast %parallel_loop3A_1399 : i32 to vector<16xi32>
      %parallel_loop3A_1401 = arith.addi %parallel_loop3A_1398, %parallel_loop3A_1400 : vector<16xi32>
      %parallel_loop3A_1402 = arith.divf %parallel_loop3A_1374, %parallel_loop3A_1395 : vector<16xf32>
      tpu.vector_store_idx %arg6[%parallel_loop3A_1401], %parallel_loop3A_1402 : memref<4096xf32, #tpu.memory_space<vmem>>[vector<16xi32>], vector<16xf32>,
      tpu.vector_store_idx %arg7[%parallel_loop3A_1401], %parallel_loop3A_1315 : memref<4096xi32, #tpu.memory_space<vmem>>[vector<16xi32>], vector<16xi32>,
      %parallel_loop3A_1403 = arith.constant 8 : i32
      %parallel_loop3A_1404 = vector.broadcast %parallel_loop3A_1403 : i32 to vector<16xi32>
      %parallel_loop3A_1405 = arith.muli %parallel_loop3A_12, %parallel_loop3A_1404 : vector<16xi32>
      %parallel_loop3A_1406 = arith.constant 1 : i32
      %parallel_loop3A_1407 = vector.broadcast %parallel_loop3A_1406 : i32 to vector<16xi32>
      %parallel_loop3A_1408 = arith.addi %parallel_loop3A_1405, %parallel_loop3A_1407 : vector<16xi32>
      %parallel_loop3A_1409 = arith.divf %parallel_loop3A_1376, %parallel_loop3A_1395 : vector<16xf32>
      tpu.vector_store_idx %arg6[%parallel_loop3A_1408], %parallel_loop3A_1409 : memref<4096xf32, #tpu.memory_space<vmem>>[vector<16xi32>], vector<16xf32>,
      tpu.vector_store_idx %arg7[%parallel_loop3A_1408], %parallel_loop3A_1323 : memref<4096xi32, #tpu.memory_space<vmem>>[vector<16xi32>], vector<16xi32>,
      %parallel_loop3A_1410 = arith.constant 8 : i32
      %parallel_loop3A_1411 = vector.broadcast %parallel_loop3A_1410 : i32 to vector<16xi32>
      %parallel_loop3A_1412 = arith.muli %parallel_loop3A_12, %parallel_loop3A_1411 : vector<16xi32>
      %parallel_loop3A_1413 = arith.constant 2 : i32
      %parallel_loop3A_1414 = vector.broadcast %parallel_loop3A_1413 : i32 to vector<16xi32>
      %parallel_loop3A_1415 = arith.addi %parallel_loop3A_1412, %parallel_loop3A_1414 : vector<16xi32>
      %parallel_loop3A_1416 = arith.divf %parallel_loop3A_1378, %parallel_loop3A_1395 : vector<16xf32>
      tpu.vector_store_idx %arg6[%parallel_loop3A_1415], %parallel_loop3A_1416 : memref<4096xf32, #tpu.memory_space<vmem>>[vector<16xi32>], vector<16xf32>,
      tpu.vector_store_idx %arg7[%parallel_loop3A_1415], %parallel_loop3A_1331 : memref<4096xi32, #tpu.memory_space<vmem>>[vector<16xi32>], vector<16xi32>,
      %parallel_loop3A_1417 = arith.constant 8 : i32
      %parallel_loop3A_1418 = vector.broadcast %parallel_loop3A_1417 : i32 to vector<16xi32>
      %parallel_loop3A_1419 = arith.muli %parallel_loop3A_12, %parallel_loop3A_1418 : vector<16xi32>
      %parallel_loop3A_1420 = arith.constant 3 : i32
      %parallel_loop3A_1421 = vector.broadcast %parallel_loop3A_1420 : i32 to vector<16xi32>
      %parallel_loop3A_1422 = arith.addi %parallel_loop3A_1419, %parallel_loop3A_1421 : vector<16xi32>
      %parallel_loop3A_1423 = arith.divf %parallel_loop3A_1380, %parallel_loop3A_1395 : vector<16xf32>
      tpu.vector_store_idx %arg6[%parallel_loop3A_1422], %parallel_loop3A_1423 : memref<4096xf32, #tpu.memory_space<vmem>>[vector<16xi32>], vector<16xf32>,
      tpu.vector_store_idx %arg7[%parallel_loop3A_1422], %parallel_loop3A_1339 : memref<4096xi32, #tpu.memory_space<vmem>>[vector<16xi32>], vector<16xi32>,
      %parallel_loop3A_1424 = arith.constant 8 : i32
      %parallel_loop3A_1425 = vector.broadcast %parallel_loop3A_1424 : i32 to vector<16xi32>
      %parallel_loop3A_1426 = arith.muli %parallel_loop3A_12, %parallel_loop3A_1425 : vector<16xi32>
      %parallel_loop3A_1427 = arith.constant 4 : i32
      %parallel_loop3A_1428 = vector.broadcast %parallel_loop3A_1427 : i32 to vector<16xi32>
      %parallel_loop3A_1429 = arith.addi %parallel_loop3A_1426, %parallel_loop3A_1428 : vector<16xi32>
      %parallel_loop3A_1430 = arith.divf %parallel_loop3A_1382, %parallel_loop3A_1395 : vector<16xf32>
      tpu.vector_store_idx %arg6[%parallel_loop3A_1429], %parallel_loop3A_1430 : memref<4096xf32, #tpu.memory_space<vmem>>[vector<16xi32>], vector<16xf32>,
      tpu.vector_store_idx %arg7[%parallel_loop3A_1429], %parallel_loop3A_1347 : memref<4096xi32, #tpu.memory_space<vmem>>[vector<16xi32>], vector<16xi32>,
      %parallel_loop3A_1431 = arith.constant 8 : i32
      %parallel_loop3A_1432 = vector.broadcast %parallel_loop3A_1431 : i32 to vector<16xi32>
      %parallel_loop3A_1433 = arith.muli %parallel_loop3A_12, %parallel_loop3A_1432 : vector<16xi32>
      %parallel_loop3A_1434 = arith.constant 5 : i32
      %parallel_loop3A_1435 = vector.broadcast %parallel_loop3A_1434 : i32 to vector<16xi32>
      %parallel_loop3A_1436 = arith.addi %parallel_loop3A_1433, %parallel_loop3A_1435 : vector<16xi32>
      %parallel_loop3A_1437 = arith.divf %parallel_loop3A_1384, %parallel_loop3A_1395 : vector<16xf32>
      tpu.vector_store_idx %arg6[%parallel_loop3A_1436], %parallel_loop3A_1437 : memref<4096xf32, #tpu.memory_space<vmem>>[vector<16xi32>], vector<16xf32>,
      tpu.vector_store_idx %arg7[%parallel_loop3A_1436], %parallel_loop3A_1355 : memref<4096xi32, #tpu.memory_space<vmem>>[vector<16xi32>], vector<16xi32>,
      %parallel_loop3A_1438 = arith.constant 8 : i32
      %parallel_loop3A_1439 = vector.broadcast %parallel_loop3A_1438 : i32 to vector<16xi32>
      %parallel_loop3A_1440 = arith.muli %parallel_loop3A_12, %parallel_loop3A_1439 : vector<16xi32>
      %parallel_loop3A_1441 = arith.constant 6 : i32
      %parallel_loop3A_1442 = vector.broadcast %parallel_loop3A_1441 : i32 to vector<16xi32>
      %parallel_loop3A_1443 = arith.addi %parallel_loop3A_1440, %parallel_loop3A_1442 : vector<16xi32>
      %parallel_loop3A_1444 = arith.divf %parallel_loop3A_1386, %parallel_loop3A_1395 : vector<16xf32>
      tpu.vector_store_idx %arg6[%parallel_loop3A_1443], %parallel_loop3A_1444 : memref<4096xf32, #tpu.memory_space<vmem>>[vector<16xi32>], vector<16xf32>,
      tpu.vector_store_idx %arg7[%parallel_loop3A_1443], %parallel_loop3A_1363 : memref<4096xi32, #tpu.memory_space<vmem>>[vector<16xi32>], vector<16xi32>,
      %parallel_loop3A_1445 = arith.constant 8 : i32
      %parallel_loop3A_1446 = vector.broadcast %parallel_loop3A_1445 : i32 to vector<16xi32>
      %parallel_loop3A_1447 = arith.muli %parallel_loop3A_12, %parallel_loop3A_1446 : vector<16xi32>
      %parallel_loop3A_1448 = arith.constant 7 : i32
      %parallel_loop3A_1449 = vector.broadcast %parallel_loop3A_1448 : i32 to vector<16xi32>
      %parallel_loop3A_1450 = arith.addi %parallel_loop3A_1447, %parallel_loop3A_1449 : vector<16xi32>
      %parallel_loop3A_1451 = arith.divf %parallel_loop3A_1388, %parallel_loop3A_1395 : vector<16xf32>
      tpu.vector_store_idx %arg6[%parallel_loop3A_1450], %parallel_loop3A_1451 : memref<4096xf32, #tpu.memory_space<vmem>>[vector<16xi32>], vector<16xf32>,
      tpu.vector_store_idx %arg7[%parallel_loop3A_1450], %parallel_loop3A_1371 : memref<4096xi32, #tpu.memory_space<vmem>>[vector<16xi32>], vector<16xi32>,
    } {sc.loop_unroll_factor = 2 : i64, sc.parallel_access}
    "tpu.region"() ({
      %run_scoped3A = tpu.sem_alloc : memref<!tpu.dma_semaphore, #tpu.memory_space<semaphore_mem>>
      %dma_start3A = tpu.memref_slice %arg3[%mul3A_4] : memref<131072xf32, #tpu.memory_space<hbm>> -> memref<4096xf32, #tpu.memory_space<hbm>>
      %dma_start3A_7 = tpu.memref_slice %arg3[%mul3A_4] : memref<131072xf32, #tpu.memory_space<hbm>> -> memref<4096xf32, #tpu.memory_space<hbm>>
      tpu.enqueue_dma source(%arg6 : memref<4096xf32, #tpu.memory_space<vmem>>) target(%dma_start3A_7 : memref<4096xf32, #tpu.memory_space<hbm>>) target_semaphore(%run_scoped3A : memref<!tpu.dma_semaphore, #tpu.memory_space<semaphore_mem>>)
      %dma_wait3A = tpu.memref_slice %arg3[%mul3A_4] : memref<131072xf32, #tpu.memory_space<hbm>> -> memref<4096xf32, #tpu.memory_space<hbm>>
      %dma_wait3A_8 = tpu.memref_slice %arg3[%mul3A_4] : memref<131072xf32, #tpu.memory_space<hbm>> -> memref<4096xf32, #tpu.memory_space<hbm>>
      tpu.wait_dma2 semaphore(%run_scoped3A : memref<!tpu.dma_semaphore, #tpu.memory_space<semaphore_mem>>) src(%arg6 : memref<4096xf32, #tpu.memory_space<vmem>>) dst(%dma_wait3A_8 : memref<4096xf32, #tpu.memory_space<hbm>>)
      tpu.yield
    }) : () -> ()
    "tpu.region"() ({
      %run_scoped3A = tpu.sem_alloc : memref<!tpu.dma_semaphore, #tpu.memory_space<semaphore_mem>>
      %dma_start3A = tpu.memref_slice %arg4[%mul3A_4] : memref<131072xi32, #tpu.memory_space<hbm>> -> memref<4096xi32, #tpu.memory_space<hbm>>
      %dma_start3A_7 = tpu.memref_slice %arg4[%mul3A_4] : memref<131072xi32, #tpu.memory_space<hbm>> -> memref<4096xi32, #tpu.memory_space<hbm>>
      tpu.enqueue_dma source(%arg7 : memref<4096xi32, #tpu.memory_space<vmem>>) target(%dma_start3A_7 : memref<4096xi32, #tpu.memory_space<hbm>>) target_semaphore(%run_scoped3A : memref<!tpu.dma_semaphore, #tpu.memory_space<semaphore_mem>>)
      %dma_wait3A = tpu.memref_slice %arg4[%mul3A_4] : memref<131072xi32, #tpu.memory_space<hbm>> -> memref<4096xi32, #tpu.memory_space<hbm>>
      %dma_wait3A_8 = tpu.memref_slice %arg4[%mul3A_4] : memref<131072xi32, #tpu.memory_space<hbm>> -> memref<4096xi32, #tpu.memory_space<hbm>>
      tpu.wait_dma2 semaphore(%run_scoped3A : memref<!tpu.dma_semaphore, #tpu.memory_space<semaphore_mem>>) src(%arg7 : memref<4096xi32, #tpu.memory_space<vmem>>) dst(%dma_wait3A_8 : memref<4096xi32, #tpu.memory_space<hbm>>)
      tpu.yield
    }) : () -> ()
    return
  }
}

module attributes {stable_mosaic.version = 14 : i64} {
  func.func @_probs_body(%arg0: i32, %arg1: memref<4096x768xf32, #tpu.memory_space<vmem>>, %arg2: memref<64x768xf32, #tpu.memory_space<vmem>>, %arg3: memref<64x1xf32, #tpu.memory_space<vmem>>, %arg4: memref<64x4096xf32, #tpu.memory_space<vmem>>) attributes {dimension_semantics = [#tpu.dimension_semantics<arbitrary>], iteration_bounds = array<i64: 4>, scalar_prefetch = 0 : i64, scratch_operands = 0 : i64, tpu.core_type = #tpu.core_type<tc>, window_params = [{transform_indices = @transform_0, window_bounds = array<i64: 4096, 768>}, {pipeline_mode = #tpu.pipeline_mode<synchronous>, transform_indices = @transform_1, window_bounds = array<i64: 64, 768>}, {pipeline_mode = #tpu.pipeline_mode<synchronous>, transform_indices = @transform_2, window_bounds = array<i64: 64, 1>}, {transform_indices = @transform_3, window_bounds = array<i64: 64, 4096>}]} {
    %get3A = arith.constant 0 : index
    %get3A_0 = arith.constant 0 : index
    %get3A_1 = vector.load %arg2[%get3A, %get3A_0] : memref<64x768xf32, #tpu.memory_space<vmem>>, vector<64x768xf32>
    %get3A_2 = arith.constant 0 : index
    %get3A_3 = arith.constant 0 : index
    %get3A_4 = vector.load %arg1[%get3A_2, %get3A_3] : memref<4096x768xf32, #tpu.memory_space<vmem>>, vector<4096x768xf32>
    %dot_general3A = arith.constant dense<0.000000e+00> : vector<64x4096xf32>
    %dot_general3A_5 = tpu.matmul %get3A_1, %get3A_4, %dot_general3A {dimension_numbers = #tpu.dot_dimension_numbers<[1], [1], [0], [0], [0, 0, 1, 0], [], []>, transpose_lhs_hint = false} : vector<64x768xf32>, vector<4096x768xf32>, vector<64x4096xf32> -> vector<64x4096xf32>
    %get3A_6 = arith.constant 0 : index
    %get3A_7 = arith.constant 0 : index
    %get3A_8 = vector.load %arg3[%get3A_6, %get3A_7] : memref<64x1xf32, #tpu.memory_space<vmem>>, vector<64x1xf32>
    %add3A = vector.broadcast %get3A_8 : vector<64x1xf32> to vector<64x4096xf32>
    %add3A_9 = arith.addf %dot_general3A_5, %add3A : vector<64x4096xf32>
    %reduce_max3A = arith.constant dense<0xFF800000> : vector<4096xf32>
    %reduce_max3A_10 = vector.multi_reduction <maximumf>, %add3A_9, %reduce_max3A [0] : vector<64x4096xf32> to vector<4096xf32>
    %broadcast_in_dim3A = vector.shape_cast %reduce_max3A_10 : vector<4096xf32> to vector<1x4096xf32>
    %sub3A = vector.broadcast %broadcast_in_dim3A : vector<1x4096xf32> to vector<64x4096xf32>
    %sub3A_11 = arith.subf %add3A_9, %sub3A : vector<64x4096xf32>
    %exp3A = math.exp %sub3A_11 : vector<64x4096xf32>
    %reduce_sum3A = arith.constant dense<0.000000e+00> : vector<4096xf32>
    %reduce_sum3A_12 = vector.multi_reduction <add>, %exp3A, %reduce_sum3A [0] : vector<64x4096xf32> to vector<4096xf32>
    %broadcast_in_dim3A_13 = vector.shape_cast %reduce_sum3A_12 : vector<4096xf32> to vector<1x4096xf32>
    %div3A = vector.broadcast %broadcast_in_dim3A_13 : vector<1x4096xf32> to vector<64x4096xf32>
    %div3A_14 = arith.divf %exp3A, %div3A : vector<64x4096xf32>
    %swap3A = arith.constant 0 : index
    %swap3A_15 = arith.constant 0 : index
    %swap3A_16 = vector.load %arg4[%swap3A, %swap3A_15] : memref<64x4096xf32, #tpu.memory_space<vmem>>, vector<64x4096xf32>
    tpu.vector_store %arg4[%swap3A, %swap3A_15], %div3A_14 {strides = array<i32>} : memref<64x4096xf32, #tpu.memory_space<vmem>>, vector<64x4096xf32>,
    return
  }
  func.func @transform_0(%arg0: i32) -> (i32, i32) {
    %add3A = arith.constant 4 : i32
    %add3A_0 = arith.addi %add3A, %arg0 : i32
    %c0_i32 = arith.constant 0 : i32
    %c0_i32_1 = arith.constant 0 : i32
    return %add3A_0, %c0_i32 : i32, i32
  }
  func.func @transform_1(%arg0: i32) -> (i32, i32) {
    %c0_i32 = arith.constant 0 : i32
    %c0_i32_0 = arith.constant 0 : i32
    %c0_i32_1 = arith.constant 0 : i32
    return %c0_i32, %c0_i32_0 : i32, i32
  }
  func.func @transform_2(%arg0: i32) -> (i32, i32) {
    %c0_i32 = arith.constant 0 : i32
    %c0_i32_0 = arith.constant 0 : i32
    %c0_i32_1 = arith.constant 0 : i32
    return %c0_i32, %c0_i32_0 : i32, i32
  }
  func.func @transform_3(%arg0: i32) -> (i32, i32) {
    %c0_i32 = arith.constant 0 : i32
    %c0_i32_0 = arith.constant 0 : i32
    return %c0_i32, %arg0 : i32, i32
  }
}

module attributes {stable_mosaic.version = 14 : i64} {
  func.func @_probs_body(%arg0: i32, %arg1: memref<4096x768xf32, #tpu.memory_space<vmem>>, %arg2: memref<64x768xf32, #tpu.memory_space<vmem>>, %arg3: memref<64x1xf32, #tpu.memory_space<vmem>>, %arg4: memref<64x4096xf32, #tpu.memory_space<vmem>>) attributes {dimension_semantics = [#tpu.dimension_semantics<arbitrary>], iteration_bounds = array<i64: 4>, scalar_prefetch = 0 : i64, scratch_operands = 0 : i64, tpu.core_type = #tpu.core_type<tc>, window_params = [{transform_indices = @transform_0, window_bounds = array<i64: 4096, 768>}, {pipeline_mode = #tpu.pipeline_mode<synchronous>, transform_indices = @transform_1, window_bounds = array<i64: 64, 768>}, {pipeline_mode = #tpu.pipeline_mode<synchronous>, transform_indices = @transform_2, window_bounds = array<i64: 64, 1>}, {transform_indices = @transform_3, window_bounds = array<i64: 64, 4096>}]} {
    %get3A = arith.constant 0 : index
    %get3A_0 = arith.constant 0 : index
    %get3A_1 = vector.load %arg2[%get3A, %get3A_0] : memref<64x768xf32, #tpu.memory_space<vmem>>, vector<64x768xf32>
    %get3A_2 = arith.constant 0 : index
    %get3A_3 = arith.constant 0 : index
    %get3A_4 = vector.load %arg1[%get3A_2, %get3A_3] : memref<4096x768xf32, #tpu.memory_space<vmem>>, vector<4096x768xf32>
    %dot_general3A = arith.constant dense<0.000000e+00> : vector<64x4096xf32>
    %dot_general3A_5 = tpu.matmul %get3A_1, %get3A_4, %dot_general3A {dimension_numbers = #tpu.dot_dimension_numbers<[1], [1], [0], [0], [0, 0, 1, 0], [], []>, transpose_lhs_hint = false} : vector<64x768xf32>, vector<4096x768xf32>, vector<64x4096xf32> -> vector<64x4096xf32>
    %get3A_6 = arith.constant 0 : index
    %get3A_7 = arith.constant 0 : index
    %get3A_8 = vector.load %arg3[%get3A_6, %get3A_7] : memref<64x1xf32, #tpu.memory_space<vmem>>, vector<64x1xf32>
    %add3A = vector.broadcast %get3A_8 : vector<64x1xf32> to vector<64x4096xf32>
    %add3A_9 = arith.addf %dot_general3A_5, %add3A : vector<64x4096xf32>
    %reduce_max3A = arith.constant dense<0xFF800000> : vector<4096xf32>
    %reduce_max3A_10 = vector.multi_reduction <maximumf>, %add3A_9, %reduce_max3A [0] : vector<64x4096xf32> to vector<4096xf32>
    %broadcast_in_dim3A = vector.shape_cast %reduce_max3A_10 : vector<4096xf32> to vector<1x4096xf32>
    %sub3A = vector.broadcast %broadcast_in_dim3A : vector<1x4096xf32> to vector<64x4096xf32>
    %sub3A_11 = arith.subf %add3A_9, %sub3A : vector<64x4096xf32>
    %exp3A = math.exp %sub3A_11 : vector<64x4096xf32>
    %reduce_sum3A = arith.constant dense<0.000000e+00> : vector<4096xf32>
    %reduce_sum3A_12 = vector.multi_reduction <add>, %exp3A, %reduce_sum3A [0] : vector<64x4096xf32> to vector<4096xf32>
    %broadcast_in_dim3A_13 = vector.shape_cast %reduce_sum3A_12 : vector<4096xf32> to vector<1x4096xf32>
    %div3A = vector.broadcast %broadcast_in_dim3A_13 : vector<1x4096xf32> to vector<64x4096xf32>
    %div3A_14 = arith.divf %exp3A, %div3A : vector<64x4096xf32>
    %swap3A = arith.constant 0 : index
    %swap3A_15 = arith.constant 0 : index
    %swap3A_16 = vector.load %arg4[%swap3A, %swap3A_15] : memref<64x4096xf32, #tpu.memory_space<vmem>>, vector<64x4096xf32>
    tpu.vector_store %arg4[%swap3A, %swap3A_15], %div3A_14 {strides = array<i32>} : memref<64x4096xf32, #tpu.memory_space<vmem>>, vector<64x4096xf32>,
    return
  }
  func.func @transform_0(%arg0: i32) -> (i32, i32) {
    %add3A = arith.constant 0 : i32
    %add3A_0 = arith.addi %add3A, %arg0 : i32
    %c0_i32 = arith.constant 0 : i32
    %c0_i32_1 = arith.constant 0 : i32
    return %add3A_0, %c0_i32 : i32, i32
  }
  func.func @transform_1(%arg0: i32) -> (i32, i32) {
    %c0_i32 = arith.constant 0 : i32
    %c0_i32_0 = arith.constant 0 : i32
    %c0_i32_1 = arith.constant 0 : i32
    return %c0_i32, %c0_i32_0 : i32, i32
  }
  func.func @transform_2(%arg0: i32) -> (i32, i32) {
    %c0_i32 = arith.constant 0 : i32
    %c0_i32_0 = arith.constant 0 : i32
    %c0_i32_1 = arith.constant 0 : i32
    return %c0_i32, %c0_i32_0 : i32, i32
  }
  func.func @transform_3(%arg0: i32) -> (i32, i32) {
    %c0_i32 = arith.constant 0 : i32
    %c0_i32_0 = arith.constant 0 : i32
    return %c0_i32, %arg0 : i32, i32
  }
}

</mosaic_0001>

<sc_bundles>
// kernel: kernel.6.cloned.1.call-start
scs
__scs_entry_jumppad:
0x0: {  	(pc) =	sbr.rel $0x88, $3  }
0x1: {  	(tag) =	ssettag $0x0;
	lr =	simm.s32 $0x1  }
0x2: {  	[smem:$0x3F9E] =	sst lr;
	_ =	strace $0xD0000000  }
0x3: {  	_ = 	snop  }
0x4: {  	_ = 	snop  }
0x5: {  	_ = 	snop  }
0x6: {  	_ = 	snop  }
0x7: {  	_ = 	snop  }
__scs_overlays_trampoline_lowered:
0x8: {  	[smem:$0x3FAD] =	sst s0  }
0x9: {  	[smem:$0x3FAE] =	sst s1  }
0xa: {  	[smem:$0x3FAF] =	sst s2  }
0xb: {  	[smem:$0x3FB0] =	sst s3  }
0xc: {  	[smem:$0x3FB1] =	sst s4  }
0xd: {  	[smem:$0x3FB2] =	sst s5  }
0xe: {  	[smem:$0x3FB3] =	sst s6  }
0xf: {  	[smem:$0x3FB4] =	sst s7  }
0x10: {  	[smem:$0x3FB5] =	sst s8  }
0x11: {  	[smem:$0x3FB6] =	sst s9;
	s0 =	simm.s32 @!p0 $0x0  }
0x12: {  	s1 =	sld [smem:$0x3F9C];
	s0 =	simm.s32 @p0 $0x1  }
0x13: {  	[smem:$0x3FB7] =	sst s0;
	s0 =	simm.s32 @!p1 $0x0  }
0x14: {  	s2 =	sld [smem:$0x3F9B];
	s0 =	simm.s32 @p1 $0x1  }
0x15: {  	[smem:$0x3FB8] =	sst s0;
	s0 =	simm.s32 @!p2 $0x0  }
0x16: {  	s3 =	sld [smem:$0x3FDB];
	s0 =	simm.s32 @p2 $0x1  }
0x17: {  	s4 =	simm.s32 $0x1BF5;
	[smem:$0x3FBA] =	sst s0  }
0x18: {  	s0 =	sld [smem:$0x3F9D];
	_ =	swait.ge [sflag:s4], $0x0  }
0x19: {  	s7 =	sld [smem:$0x3F9E]  }
0x1a: {  	s8 =	sadd.s32 $0xFFFFE003, lr  }
0x1b: {  	s9 =	sadd.s32 $0xFFFFFEF7, lr;
	s5 =	simm.s32 $0xFFFFFFFF;
	p2 =	slt.u32 s8, $0xFFFFF086  }
0x1c: {  	p1 =	slt.u32 s9, $0xF7A;
	s5 =	simm.s32 @!p2 $0x0  }
0x1d: {  	s5 =	simm.s32 @p1 $0x1;
	p0 =	seq.s32 s7, s2  }
0x1e: {  	s7 =	smul.u32 @!p0 $0xF7A, s2;
	p2 =	seq.s32 @!p0 s5, $0x0  }
0x1f: {  	s9 =	smul.u32 $0xF7A, s1;
	s8 =	simm.s32 @!p0 $0x1BF5;
	p2 =	por !p2, p0  }
0x20: {  	[sflag:s8] =	ssyncset.s32 @!p0 $0xFFFFF086;
	s6 =	sadd.s32 @!p0 s3, s7;
	s7 =	simm.s32 @!p0 $0x108  }
0x21: {  	s3 =	sadd.s32 s3, s9;
	s6 =	sadd.s32 @!p0 $0x88, s6;
	s7 =	simm.s32 @p2 $0x1082  }
0x22: {  	[simem:s7], [sflag:s8] =	dma.local @!p0 [hbm:s6], $0xF7A  }
0x23: {  	s9 =	sor.u32 $0xD0000000, s2;
	s6 =	simm.s32 $0x108;
	_ =	swait.ge @!p0 [sflag:s8], $0x0  }
0x24: {  	s3 =	sadd.s32 $0x88, s3;
	s6 =	simm.s32 @!p1 $0x1082;
	[sflag:s4] =	ssyncset.s32 $0xFFFFF086  }
0x25: {  	[simem:s6], [sflag:s4] =	dma.local [hbm:s3], $0xF7A  }
0x26: {  	[smem:$0x3F9E] =	sst s1;
	(tag) =	ssettag s2;
	_ =	strace s9  }
0x27: {  	s1 =	sld [smem:$0x3FAE]  }
0x28: {  	s2 =	sld [smem:$0x3FAF]  }
0x29: {  	s4 =	sld [smem:$0x3FB1]  }
0x2a: {  	p0 =	seq.s32 s5, $0x0;
	s5 =	sld [smem:$0x3FB2]  }
0x2b: {  	s6 =	sld [smem:$0x3FB3]  }
0x2c: {  	s7 =	sld [smem:$0x3FB4]  }
0x2d: {  	s3 =	simm.s32 $0x108;
	s8 =	sld [smem:$0x3FB5]  }
0x2e: {  	s3 =	simm.s32 @!p0 $0x1082;
	s9 =	sld [smem:$0x3FB6]  }
0x2f: {  	lr =	sadd.s32 s0, s3;
	s0 =	sld [smem:$0x3FAD]  }
0x30: {  	s3 =	sld [smem:$0x3FB0]  }
0x31: {  	[smem:$0x3FB9] =	sst s10  }
0x32: {  	s10 =	sld [smem:$0x3FB7];
	_ =	sdelay $0x3  }
0x33: {  	p0 =	seq.s32 s10, $0x1;
	s10 =	sld [smem:$0x3FB9];
	_ =	sdelay $0x3  }
0x34: {  	[smem:$0x3FB9] =	sst s10  }
0x35: {  	s10 =	sld [smem:$0x3FB8];
	_ =	sdelay $0x3  }
0x36: {  	p1 =	seq.s32 s10, $0x1;
	s10 =	sld [smem:$0x3FB9];
	_ =	sdelay $0x3  }
0x37: {  	[smem:$0x3FB9] =	sst s10  }
0x38: {  	s10 =	sld [smem:$0x3FBA]  }
0x39: {  	_ = 	snop;
	(pc) =	sbr.ind lr, $3  }
0x3a: {  	_ = 	snop  }
0x3b: {  	_ = 	snop  }
0x3c: {  	p2 =	seq.s32 s10, $0x1;
	s10 =	sld [smem:$0x3FB9]  }
0x3d: {  	_ =	shalt  }
0x3e: {  	_ =	shalt  }
0x3f: {  	_ =	shalt  }
0x40: {  	_ =	shalt  }
0x41: {  	_ =	shalt  }
0x42: {  	_ =	shalt  }
0x43: {  	_ =	shalt  }
0x44: {  	_ =	shalt  }
0x45: {  	_ =	shalt  }
0x46: {  	_ =	shalt  }
0x47: {  	_ =	shalt  }
0x48: {  	_ =	shalt  }
0x49: {  	_ =	shalt  }
0x4a: {  	_ =	shalt  }
0x4b: {  	_ =	shalt  }
0x4c: {  	_ =	shalt  }
0x4d: {  	_ =	shalt  }
0x4e: {  	_ =	shalt  }
0x4f: {  	_ =	shalt  }
0x50: {  	_ =	shalt  }
0x51: {  	_ =	shalt  }
0x52: {  	_ =	shalt  }
0x53: {  	_ =	shalt  }
0x54: {  	_ =	shalt  }
0x55: {  	_ =	shalt  }
0x56: {  	_ =	shalt  }
0x57: {  	_ =	shalt  }
0x58: {  	_ =	shalt  }
0x59: {  	_ =	shalt  }
0x5a: {  	_ =	shalt  }
0x5b: {  	_ =	shalt  }
0x5c: {  	_ =	shalt  }
0x5d: {  	_ =	shalt  }
0x5e: {  	_ =	shalt  }
0x5f: {  	_ =	shalt  }
0x60: {  	_ =	shalt  }
0x61: {  	_ =	shalt  }
0x62: {  	_ =	shalt  }
0x63: {  	_ =	shalt  }
0x64: {  	_ =	shalt  }
0x65: {  	_ =	shalt  }
0x66: {  	_ =	shalt  }
0x67: {  	_ =	shalt  }
0x68: {  	_ =	shalt  }
0x69: {  	_ =	shalt  }
0x6a: {  	_ =	shalt  }
0x6b: {  	_ =	shalt  }
0x6c: {  	_ =	shalt  }
0x6d: {  	_ =	shalt  }
0x6e: {  	_ =	shalt  }
0x6f: {  	_ =	shalt  }
0x70: {  	_ =	shalt  }
0x71: {  	_ =	shalt  }
0x72: {  	_ =	shalt  }
0x73: {  	_ =	shalt  }
0x74: {  	_ =	shalt  }
0x75: {  	_ =	shalt  }
0x76: {  	_ =	shalt  }
0x77: {  	_ =	shalt  }
0x78: {  	_ =	shalt  }
0x79: {  	_ =	shalt  }
0x7a: {  	_ =	shalt  }
0x7b: {  	_ =	shalt  }
0x7c: {  	_ =	shalt  }
0x7d: {  	_ =	shalt  }
0x7e: {  	_ =	shalt  }
0x7f: {  	_ =	shalt  }
0x80: {  	_ =	shalt  }
0x81: {  	_ =	shalt  }
0x82: {  	_ =	shalt  }
0x83: {  	_ =	shalt  }
0x84: {  	_ =	shalt  }
0x85: {  	_ =	shalt  }
0x86: {  	_ =	shalt  }
0x87: {  	_ =	shalt  }
.Lfunc_end0:
.L_simem_size_0:
called_computation_lowered:
.L_overlay_start_0:
0x88: {  	s2 =	sld [smem:$0x3FD9]  }
0x89: {  	s3 =	sld [smem:$0x3FFE];
	_ =	sdelay $0x1  }
0x8a: {  	s1 =	srdreg.scid  }
0x8b: {  	s0 =	sand.u32 $0x1, s1  }
0x8c: {  	s16 =	sshll.u32 s0, $0xA;
	s2 =	sadd.s32 s3, s2  }
0x8d: {  	s2 =	sadd.s32 s2, s16  }
0x8e: {  	[smem:$0x3FC5] =	sst s2  }
0x8f: {  	_ = 	snop  }
0x90: {  	(tm) =	ssettm $0x1  }
0x91: {  	s17 =	sld [smem:$0x3FFB];
	_ =	sdelay $0x3  }
0x92: {  	_ =	strace s17  }
0x93: {  	s2 =	sld [smem:$0x3FFC];
	_ =	sdelay $0x3  }
0x94: {  	_ =	strace s2  }
0x95: {  	s2 =	sld [smem:$0x3FFD];
	_ =	sdelay $0x3  }
0x96: {  	_ =	strace s2  }
0x97: {  	_ =	strace $0x8FFFFFFF  }
0x98: {  	s18 =	sld [smem:$0x3FDB];
	_ =	sdelay $0x1  }
0x99: {  	s19 =	simm.s32 $_scs_section_size  }
0x9a: {  	s4 =	simm.s32 $_size__tile_overlayer_lowered;
	s5 =	simm.s32 $_tile_overlayer_lowered  }
0x9b: {  	s22 =	simm.s32 $0x1BFF;
	s21 =	sshll.u32 s5, $0x1;
	s2 =	sadd.s32 s19, s18  }
0x9c: {  	s6 =	simm.s32 $0x0;
	s20 =	sshll.u32 s4, $0x1;
	s4 =	sadd.s32 s21, s2  }
0x9d: {  	[timem:s6], [sflag:s22] =	dma.local [hbm:s4], s20  }
0x9e: {  	_ =	swait.ge [sflag:s22], s20  }
0x9f: {  	s3 =	ssub.s32 $0x0, s20;
	[sflag:s22] =	ssyncset.done $0x0  }
0xa0: {  	[sflag:s22] =	ssyncadd.s32 s3;
	_ =	sdelay $0x1  }
0xa1: {  	s23 =	simm.s32 $0x1B8B  }
0xa2: {  	_ =	swait.ge [sflag:s23], $0x1  }
0xa3: {  	[sflag:s23] =	ssyncset.done $0x0  }
0xa4: {  	s25 =	simm.s32 $0x1B8E;
	s24 =	sld [smem:$0x3FFE];
	[sflag:s23] =	ssyncadd.s32 $0xFFFFFFFF  }
0xa5: {  	s26 =	simm.s32 $execute0_lowered;
	[smem:$0x3FD2] =	sst s25  }
0xa6: {  	s4 =	sshll.u32 s26, $0x1;
	_ =	strace $0x80000046;
	[dreg:$0x1] =	wrdreg $0xFFFFFFFF  }
0xa7: {  	s28 =	simm.s32 $_size_execute0_lowered;
	s2 =	sadd.s32 s2, s4;
	[dreg:$0x0] =	wrdreg $0x0  }
0xa8: {  	s4 =	sshll.u32 s28, $0x1;
	[dreg:$0x2] =	wrdreg s2  }
0xa9: {  	[dreg:$0x3] =	wrdreg s4  }
0xaa: {  	[dreg:$0x4] =	wrdreg $0xC0  }
0xab: {  	_ =	task [dreg:s6], $0x5FFFF  }
0xac: {  	[dreg:$0x1] =	wrdreg $0xFFFFFFFF  }
0xad: {  	[dreg:$0x0] =	wrdreg $0x60  }
0xae: {  	[dreg:$0x2] =	wrdreg s24  }
0xaf: {  	[dreg:$0x3] =	wrdreg $0x9  }
0xb0: {  	_ =	task.clear_ibuf [dreg:s6], $0x4FFFF;
	_ =	strace $0x90000046  }
0xb1: {  	s29 =	simm.s32 $0x9;
	_ =	strace $0x80000048  }
0xb2: {  	_ =	swait.ge [sflag:s29], $0x1  }
0xb3: {  	[sflag:s29] =	ssyncadd.s32 $0xFFFFFFFF  }
0xb4: {  	_ =	strace $0x90000048  }
0xb5: {  	_ =	sfence  }
0xb6: {  	s30 =	sld [smem:$0x0];
	_ =	sdelay $0x2  }
0xb7: {  	s31 =	sshll.u32 s1, $0xD;
	s1 =	sshrl.u32 s1, $0x2  }
0xb8: {  	s3 =	sand.u32 $0x4000, s31;
	s1 =	sadd.s32 s1, s30  }
0xb9: {  	s0 =	sor.u32 s3, s0;
	s1 =	sshll.u32 s1, $0x11  }
0xba: {  	s0 =	sor.u32 s1, s0  }
0xbb: {  	s0 =	sadd.s32 $0x8F2B, s0  }
0xbc: {  	[sflag:s0] =	ssyncadd.remote.s32 $0x1  }
0xbd: {  	_ =	sfence.sel $0xFFFF  }
0xbe: {  	[dreg:$0x0] =	wrdreg $0xFFFFFFFF;
	(pc) =	sbr.abs _section_cstart, $3  }
0xbf: {  	[dreg:$0x1] =	wrdreg $0xFFFFFFFF  }
0xc0: {  	_ =	task.clear_ibuf [dreg:s6], $0x2FFFF;
	_ =	strace $0x9FFFFFFF  }
0xc1: {  	(tm) =	ssettm $0x7FFFFFFF  }
tec
execute0_lowered:
.L_overlay_start_1:
0x0: {  	(tag) =	ssettag $0x1  }
0x1: {  	s3 =	rddreg [dreg:$0x0]  }
0x2: {  	s0 =	rddreg [dreg:$0x1];
	s4 =	srdreg.scid  }
0x3: {  	s1 =	stileid.u32;
	s2 =	simm.s32 $0x0;
	s8 =	simm.s32 $0x4000  }
0x4: {  	s9 =	simm.s32 $0x1;
	s10 =	simm.s32 $0x8000;
	s11 =	simm.s32 $0x9000  }
0x5: {  	s4 =	sand.u32 $0x1, s4;
	s5 =	sshll.u32 s1, $0x1;
	[smem:$0x7FF] =	sst s2  }
0x6: {  	s12 =	simm.s32 $0x0;
	s5 =	sor.u32 s4, s5;
	_ =	strace $0x80000047  }
0x7: {  	s4 =	ssub.s32 $0x2, s4;
	s6 =	sshll.u32 s5, $0x6;
	s5 =	sshll.u32 s5, $0x9  }
0x8: {  	v0 =	vlaneseq.u32;
	s7 =	sshrl.u32 s4, $0x1;
	s6 =	sadd.s32 s6, s3;
	s5 =	sadd.s32 s5, s3  }
0x9: {  	v30 =	vand.u32 $0x7, v0;
	s7 =	ssub.s32 s4, s7;
	s3 =	sadd.s32 $0x1600, s6;
	s4 =	sadd.s32 $0x25600, s5  }
0xa: {  	[tilespmem:$0x1FFF0] =	vst v30;
	s5 =	sadd.s32 $0x21600, s5;
	s6 =	smax.u32 s7, $0x1;
	s7 =	simm.s32 $0x200  }
.LBB2_1:
0xb: {  	[tilespmem:s2], [sflag:$0x1] =	stream.strided.gather [hbm4b:s3+s7], $0x8000, s8, s7, $0x38;
	[tilespmem:$0xA000] =	vst v63  }
0xc: {  	_ =	swait.ge [sflag:s9], $0x8000  }
0xd: {  	s13 =	simm.s32 $0xFFFFFFFE;
	[sflag:s9] =	ssyncset.done $0x0  }
0xe: {  	s14 =	simm.s32 $0x7E10;
	s15 =	simm.s32 $0x0;
	[sflag:s9] =	ssyncadd.s32 $0xFFFF8000  }
.LBB2_2:
0xf: {  	v0 =	vld [tilespmem:s14+$0xFFFF81F0]  }
0x10: {  	v1 =	vld [tilespmem:s14+$0xFFFF83F0]  }
0x11: {  	v4 =	vld [tilespmem:s14+$0xFFFF85F0]  }
0x12: {  	v5 =	vld [tilespmem:s14+$0xFFFF87F0]  }
0x13: {  	v6 =	vld [tilespmem:s14+$0xFFFF89F0]  }
0x14: {  	v7 =	vld [tilespmem:s14+$0xFFFF8BF0]  }
0x15: {  	v8 =	vld [tilespmem:s14+$0xFFFF8DF0]  }
0x16: {  	v9 =	vld [tilespmem:s14+$0xFFFF8FF0]  }
0x17: {  	v10 =	vld [tilespmem:s14+$0xFFFF91F0]  }
0x18: {  	v11 =	vld [tilespmem:s14+$0xFFFF93F0]  }
0x19: {  	v12 =	vld [tilespmem:s14+$0xFFFF95F0]  }
0x1a: {  	v13 =	vld [tilespmem:s14+$0xFFFF97F0]  }
0x1b: {  	v16 =	vld [tilespmem:s14+$0xFFFF99F0]  }
0x1c: {  	v17 =	vld [tilespmem:s14+$0xFFFF9BF0]  }
0x1d: {  	v21 =	vld [tilespmem:s14+$0xFFFF9DF0]  }
0x1e: {  	v22 =	vld [tilespmem:s14+$0xFFFF9FF0]  }
0x1f: {  	v24 =	vld [tilespmem:s14+$0xFFFFA1F0]  }
0x20: {  	v26 =	vld [tilespmem:s14+$0xFFFFA3F0]  }
0x21: {  	v27 =	vld [tilespmem:s14+$0xFFFFA5F0]  }
0x22: {  	v28 =	vld [tilespmem:s14+$0xFFFFA7F0]  }
0x23: {  	v31 =	vld [tilespmem:s14+$0xFFFFA9F0]  }
0x24: {  	v32 =	vld [tilespmem:s14+$0xFFFFABF0]  }
0x25: {  	v33 =	vld [tilespmem:s14+$0xFFFFADF0]  }
0x26: {  	v34 =	vld [tilespmem:s14+$0xFFFFAFF0]  }
0x27: {  	v35 =	vld [tilespmem:s14+$0xFFFFB1F0];
	v3 =	vand.u32 $0xFFFFFFC0, v1;
	v1 =	vor.u32 $0x3F, v0  }
0x28: {  	v36 =	vld [tilespmem:s14+$0xFFFFB3F0];
	v52 =	vand.u32 $0xFFFFFFC0, v4;
	v53 =	vand.u32 $0xFFFFFFC0, v5;
	v54 =	vand.u32 $0xFFFFFFC0, v6  }
0x29: {  	v2 =	vld [tilespmem:s14+$0xFFFFC5F0];
	v55 =	vand.u32 $0xFFFFFFC0, v7;
	v56 =	vand.u32 $0xFFFFFFC0, v8;
	v9 =	vand.u32 $0xFFFFFFC0, v9  }
0x2a: {  	v37 =	vld [tilespmem:s14+$0xFFFFB5F0];
	v57 =	vand.u32 $0xFFFFFFC0, v10;
	v58 =	vand.u32 $0xFFFFFFC0, v11;
	v59 =	vand.u32 $0xFFFFFFC0, v12  }
0x2b: {  	v38 =	vld [tilespmem:s14+$0xFFFFB7F0];
	v60 =	vand.u32 $0xFFFFFFC0, v13;
	v61 =	vand.u32 $0xFFFFFFC0, v16;
	v62 =	vand.u32 $0xFFFFFFC0, v17  }
0x2c: {  	v39 =	vld [tilespmem:s14+$0xFFFFB9F0];
	v63 =	vand.u32 $0xFFFFFFC0, v21;
	v47 =	vand.u32 $0xFFFFFFC0, v22;
	v48 =	vand.u32 $0xFFFFFFC0, v24  }
0x2d: {  	v40 =	vld [tilespmem:s14+$0xFFFFBBF0];
	v49 =	vand.u32 $0xFFFFFFC0, v26;
	v50 =	vand.u32 $0xFFFFFFC0, v27;
	v51 =	vand.u32 $0xFFFFFFC0, v28  }
0x2e: {  	v41 =	vld [tilespmem:s14+$0xFFFFC3F0];
	v2 =	vand.u32 $0xFFFFFFC0, v2;
	v3 =	vor.u32 $0x3E, v3;
	v4 =	vor.u32 $0x3D, v52  }
0x2f: {  	v42 =	vld [tilespmem:s14+$0xFFFFCFF0];
	v6 =	vor.u32 $0x3C, v53;
	v5 =	vor.u32 $0x3B, v54;
	v7 =	vor.u32 $0x3A, v55  }
0x30: {  	v43 =	vld [tilespmem:s14+$0xFFFFD7F0];
	v8 =	vor.u32 $0x39, v56;
	v9 =	vor.u32 $0x38, v9;
	v14 =	vor.u32 $0x37, v57  }
0x31: {  	v10 =	vld [tilespmem:s14+$0xFFFFBDF0];
	v18 =	vor.u32 $0x36, v58;
	v15 =	vor.u32 $0x35, v59;
	v19 =	vor.u32 $0x34, v60  }
0x32: {  	v12 =	vld [tilespmem:s14+$0xFFFFBFF0];
	v0 =	vor.u32 $0x33, v61;
	v20 =	vor.u32 $0x32, v62;
	v23 =	vor.u32 $0x31, v63  }
0x33: {  	v11 =	vld [tilespmem:s14+$0xFFFFC1F0];
	v25 =	vor.u32 $0x30, v47;
	v16 =	vor.u32 $0x2F, v48;
	v17 =	vor.u32 $0x2E, v49  }
0x34: {  	v22 =	vld [tilespmem:s14+$0xFFFFC7F0];
	v29 =	vor.u32 $0x2D, v50;
	v30 =	vor.u32 $0x2C, v51;
	v52 =	vand.u32 $0xFFFFFFC0, v31  }
0x35: {  	v24 =	vld [tilespmem:s14+$0xFFFFC9F0];
	v53 =	vand.u32 $0xFFFFFFC0, v32;
	v54 =	vand.u32 $0xFFFFFFC0, v33;
	v55 =	vand.u32 $0xFFFFFFC0, v34  }
0x36: {  	v27 =	vld [tilespmem:s14+$0xFFFFCBF0];
	v56 =	vand.u32 $0xFFFFFFC0, v35;
	v57 =	vand.u32 $0xFFFFFFC0, v36;
	v58 =	vand.u32 $0xFFFFFFC0, v37  }
0x37: {  	v26 =	vld [tilespmem:s14+$0xFFFFCDF0];
	v59 =	vand.u32 $0xFFFFFFC0, v38;
	v60 =	vand.u32 $0xFFFFFFC0, v39;
	v61 =	vand.u32 $0xFFFFFFC0, v40  }
0x38: {  	v28 =	vld [tilespmem:s14+$0xFFFFD1F0];
	v63 =	vand.u32 $0xFFFFFFC0, v41;
	v48 =	vor.u32 $0x1D, v2;
	v41 =	vand.u32 $0xFFFFFFC0, v42  }
0x39: {  	v13 =	vld [tilespmem:s14+$0xFFFFDBF0];
	v31 =	vor.u32 $0x2B, v52;
	v33 =	vor.u32 $0x2A, v53;
	v32 =	vor.u32 $0x29, v54  }
0x3a: {  	v21 =	vld [tilespmem:s14+$0xFFFFDFF0];
	v34 =	vor.u32 $0x28, v55;
	v45 =	vor.u32 $0x27, v56;
	v51 =	vor.u32 $0x26, v57  }
0x3b: {  	v36 =	vld [tilespmem:s14+$0xFFFFD3F0];
	v53 =	vor.u32 $0x25, v58;
	v57 =	vor.u32 $0x24, v59;
	v55 =	vor.u32 $0x23, v60  }
0x3c: {  	v35 =	vld [tilespmem:s14+$0xFFFFD5F0];
	v58 =	vor.u32 $0x22, v61;
	v49 =	vor.u32 $0x1E, v63;
	v59 =	vor.u32 $0x18, v41  }
0x3d: {  	v37 =	vld [tilespmem:s14+$0xFFFFD9F0];
	v10 =	vand.u32 $0xFFFFFFC0, v10;
	v12 =	vand.u32 $0xFFFFFFC0, v12;
	v62 =	vand.u32 $0xFFFFFFC0, v11  }
0x3e: {  	v11 =	vld [tilespmem:s14+$0xFFFFDDF0];
	v22 =	vand.u32 $0xFFFFFFC0, v22;
	v38 =	vand.u32 $0xFFFFFFC0, v24;
	v39 =	vand.u32 $0xFFFFFFC0, v27  }
0x3f: {  	v24 =	vld [tilespmem:s14+$0xFFFFE3F0];
	v40 =	vand.u32 $0xFFFFFFC0, v26;
	v42 =	vand.u32 $0xFFFFFFC0, v28;
	v2 =	vand.u32 $0xFFFFFFC0, v13  }
0x40: {  	v26 =	vld [tilespmem:s14+$0xFFFFE5F0];
	v21 =	vand.u32 $0xFFFFFFC0, v21;
	v60 =	vor.u32 $0x21, v10;
	v61 =	vor.u32 $0x20, v12  }
0x41: {  	v27 =	vld [tilespmem:s14+$0xFFFFE7F0];
	v47 =	vor.u32 $0x1F, v62;
	v50 =	vor.u32 $0x1C, v22;
	v52 =	vor.u32 $0x1B, v38  }
0x42: {  	v13 =	vld [tilespmem:s14+$0xFFFFEFF0];
	v54 =	vor.u32 $0x1A, v39;
	v56 =	vor.u32 $0x19, v40;
	v38 =	vor.u32 $0x17, v42  }
0x43: {  	v12 =	vld [tilespmem:s14+$0xFFFFE1F0];
	v44 =	vand.u32 $0xFFFFFFC0, v36;
	v46 =	vand.u32 $0xFFFFFFC0, v35;
	v62 =	vand.u32 $0xFFFFFFC0, v43  }
0x44: {  	v35 =	vld [tilespmem:s14+$0xFFFFEBF0];
	v63 =	vand.u32 $0xFFFFFFC0, v37;
	v39 =	vor.u32 $0x16, v44;
	v40 =	vor.u32 $0x15, v46  }
0x45: {  	v28 =	vld [tilespmem:s14+$0xFFFFE9F0];
	v41 =	vor.u32 $0x14, v62;
	v42 =	vor.u32 $0x13, v63;
	v44 =	vor.u32 $0x12, v2  }
0x46: {  	v36 =	vld [tilespmem:s14+$0xFFFFEDF0];
	v46 =	vor.u32 $0x10, v21;
	v11 =	vand.u32 $0xFFFFFFC0, v11;
	v37 =	vand.u32 $0xFFFFFFC0, v24  }
0x47: {  	v62 =	vld [tilespmem:s14+$0xFFFFF3F0];
	v63 =	vand.u32 $0xFFFFFFC0, v26;
	v2 =	vand.u32 $0xFFFFFFC0, v27;
	v13 =	vand.u32 $0xFFFFFFC0, v13  }
0x48: {  	v43 =	vor.u32 $0x11, v11;
	v11 =	vld [tilespmem:s14+$0xFFFFF1F0];
	v22 =	vand.u32 $0xFFFFFFC0, v12;
	v24 =	vor.u32 $0xD, v63  }
0x49: {  	v12 =	vld [tilespmem:s14+$0xFFFFF5F0];
	v63 =	vand.u32 $0xFFFFFFC0, v35;
	v21 =	vor.u32 $0xF, v22;
	v22 =	vor.u32 $0xE, v37  }
0x4a: {  	v27 =	vld [tilespmem:s14+$0xFFFFF7F0];
	v37 =	vand.u32 $0xFFFFFFC0, v28;
	v28 =	vor.u32 $0xC, v2;
	v35 =	vor.u32 $0xA, v63  }
0x4b: {  	v2 =	vand.u32 $0xFFFFFFC0, v36;
	v63 =	vmax.f32 v4, v6;
	v4 =	vmin.f32 v4, v6  }
0x4c: {  	v6 =	vmax.f32 v5, v7;
	v5 =	vmin.f32 v5, v7;
	v26 =	vor.u32 $0xB, v37  }
0x4d: {  	v36 =	vor.u32 $0x9, v2;
	v37 =	vor.u32 $0x8, v13;
	v13 =	vand.u32 $0xFFFFFFC0, v11  }
0x4e: {  	v11 =	vand.u32 $0xFFFFFFC0, v62;
	v12 =	vand.u32 $0xFFFFFFC0, v12;
	v62 =	vmax.f32 v8, v9  }
0x4f: {  	v8 =	vmin.f32 v8, v9;
	v10 =	vor.u32 $0x7, v13;
	v13 =	vand.u32 $0xFFFFFFC0, v27  }
0x50: {  	v27 =	vmax.f32 v1, v3;
	v1 =	vmin.f32 v1, v3;
	v2 =	vmax.f32 v5, v8  }
0x51: {  	v5 =	vmin.f32 v5, v8;
	v11 =	vor.u32 $0x6, v11;
	v12 =	vor.u32 $0x5, v12  }
0x52: {  	v9 =	vmax.f32 v27, v63;
	v3 =	vmin.f32 v27, v63;
	v63 =	vmax.f32 v1, v4  }
0x53: {  	v1 =	vmin.f32 v1, v4;
	v4 =	vmax.f32 v6, v62;
	v6 =	vmin.f32 v6, v62  }
0x54: {  	v13 =	vor.u32 $0x4, v13;
	v8 =	vmax.f32 v63, v3;
	v27 =	vmin.f32 v63, v3  }
0x55: {  	v62 =	vmax.f32 v2, v6;
	v6 =	vmin.f32 v2, v6;
	v2 =	vmax.f32 v9, v4  }
0x56: {  	v4 =	vmin.f32 v9, v4;
	v3 =	vmax.f32 v23, v25;
	v23 =	vmin.f32 v23, v25  }
0x57: {  	v7 =	vmax.f32 v8, v62;
	v8 =	vmin.f32 v8, v62;
	v63 =	vmax.f32 v27, v6  }
0x58: {  	v27 =	vmin.f32 v27, v6;
	v6 =	vmax.f32 v1, v5;
	v1 =	vmin.f32 v1, v5  }
0x59: {  	[tilespmem:$0x1FF30] =	vst v2;
	v2 =	vmax.f32 v63, v4;
	v9 =	vmin.f32 v63, v4;
	v62 =	vmax.f32 v6, v8  }
0x5a: {  	v63 =	vmin.f32 v6, v8;
	v4 =	vmax.f32 v7, v2;
	v5 =	vmin.f32 v7, v2  }
0x5b: {  	v6 =	vmax.f32 v62, v9;
	v7 =	vmin.f32 v62, v9;
	v8 =	vmax.f32 v63, v27  }
0x5c: {  	v9 =	vmin.f32 v63, v27;
	v62 =	vmax.f32 v14, v18;
	v14 =	vmin.f32 v14, v18  }
0x5d: {  	v63 =	vmax.f32 v15, v19;
	v15 =	vmin.f32 v15, v19;
	v19 =	vmax.f32 v0, v20  }
0x5e: {  	v0 =	vmin.f32 v0, v20;
	v25 =	vmax.f32 v62, v63;
	v18 =	vmin.f32 v62, v63  }
0x5f: {  	v27 =	vmax.f32 v14, v15;
	v15 =	vmin.f32 v14, v15;
	v62 =	vmax.f32 v19, v3  }
0x60: {  	v14 =	vmin.f32 v19, v3;
	v63 =	vmax.f32 v0, v23;
	v0 =	vmin.f32 v0, v23  }
0x61: {  	v2 =	vmax.f32 v27, v18;
	v18 =	vmin.f32 v27, v18;
	v3 =	vmax.f32 v63, v14  }
0x62: {  	v19 =	vmin.f32 v63, v14;
	v14 =	vmax.f32 v25, v62;
	v25 =	vmin.f32 v25, v62  }
0x63: {  	v63 =	vmax.f32 v15, v0;
	v27 =	vmax.f32 v2, v3;
	v20 =	vmin.f32 v2, v3  }
0x64: {  	v23 =	vmax.f32 v18, v19;
	v62 =	vmin.f32 v18, v19;
	v18 =	vmin.f32 v15, v0  }
0x65: {  	v0 =	vmax.f32 v23, v25;
	v23 =	vmin.f32 v23, v25;
	v2 =	vmax.f32 v63, v20  }
0x66: {  	v3 =	vmin.f32 v63, v20;
	v63 =	vmax.f32 v16, v17;
	v16 =	vmin.f32 v16, v17  }
0x67: {  	v15 =	vmax.f32 v27, v0;
	v19 =	vmin.f32 v27, v0;
	v20 =	vmax.f32 v2, v23  }
0x68: {  	v23 =	vmin.f32 v2, v23;
	v25 =	vmax.f32 v3, v62;
	v27 =	vmin.f32 v3, v62  }
0x69: {  	v2 =	vmax.f32 v29, v30;
	v29 =	vmin.f32 v29, v30;
	v30 =	vmax.f32 v31, v33  }
0x6a: {  	v31 =	vmin.f32 v31, v33;
	v33 =	vmax.f32 v32, v34;
	v32 =	vmin.f32 v32, v34  }
0x6b: {  	v34 =	vmax.f32 v63, v2;
	v0 =	vmin.f32 v63, v2;
	v3 =	vmax.f32 v16, v29  }
0x6c: {  	v29 =	vmin.f32 v16, v29;
	v62 =	vmax.f32 v30, v33;
	v16 =	vmin.f32 v30, v33  }
0x6d: {  	v30 =	vmax.f32 v31, v32;
	v31 =	vmin.f32 v31, v32;
	v4 =	vmax.f32 v4, v27  }
0x6e: {  	v5 =	vmax.f32 v5, v25;
	v6 =	vmax.f32 v6, v23;
	v7 =	vmax.f32 v7, v20  }
0x6f: {  	v8 =	vmax.f32 v8, v19;
	v9 =	vmax.f32 v9, v15;
	v32 =	vmax.f32 v3, v0  }
0x70: {  	v0 =	vmin.f32 v3, v0;
	v63 =	vmax.f32 v30, v16;
	v30 =	vmin.f32 v30, v16  }
0x71: {  	[tilespmem:$0x1FF40] =	vst v1;
	v16 =	vmax.f32 v34, v62;
	v33 =	vmin.f32 v34, v62;
	v1 =	vmax.f32 v29, v31  }
0x72: {  	v17 =	vmin.f32 v29, v31;
	v27 =	vmax.f32 v4, v8;
	v4 =	vmin.f32 v4, v8  }
0x73: {  	v34 =	vmax.f32 v32, v63;
	v32 =	vmin.f32 v32, v63;
	v62 =	vmax.f32 v0, v30  }
0x74: {  	v0 =	vmin.f32 v0, v30;
	v2 =	vmax.f32 v62, v33;
	v33 =	vmin.f32 v62, v33  }
0x75: {  	v3 =	vmax.f32 v1, v32;
	v1 =	vmin.f32 v1, v32;
	v29 =	vmax.f32 v34, v2  }
0x76: {  	v30 =	vmin.f32 v34, v2;
	v31 =	vmax.f32 v3, v33;
	v32 =	vmin.f32 v3, v33  }
0x77: {  	v33 =	vmax.f32 v1, v0;
	v34 =	vmin.f32 v1, v0;
	v0 =	vmax.f32 v45, v51  }
0x78: {  	v23 =	vld [tilespmem:$0x1FF40];
	v45 =	vmin.f32 v45, v51;
	v2 =	vmax.f32 v53, v57;
	v53 =	vmin.f32 v53, v57  }
0x79: {  	v57 =	vmax.f32 v55, v58;
	v55 =	vmin.f32 v55, v58;
	v58 =	vmax.f32 v60, v61  }
0x7a: {  	v60 =	vmin.f32 v60, v61;
	v61 =	vmax.f32 v0, v2;
	v0 =	vmin.f32 v0, v2  }
0x7b: {  	v3 =	vmax.f32 v45, v53;
	v53 =	vmin.f32 v45, v53;
	v62 =	vmax.f32 v57, v58  }
0x7c: {  	v45 =	vmin.f32 v57, v58;
	v63 =	vmax.f32 v55, v60;
	v55 =	vmin.f32 v55, v60  }
0x7d: {  	v14 =	vmax.f32 v23, v14;
	v58 =	vmax.f32 v3, v0;
	v0 =	vmin.f32 v3, v0  }
0x7e: {  	v3 =	vmax.f32 v63, v45;
	v57 =	vmin.f32 v63, v45;
	v45 =	vmax.f32 v61, v62  }
0x7f: {  	v60 =	vmin.f32 v61, v62;
	v19 =	vmax.f32 v6, v14;
	v6 =	vmin.f32 v6, v14  }
0x80: {  	v61 =	vmax.f32 v58, v3;
	v51 =	vmin.f32 v58, v3;
	v63 =	vmax.f32 v0, v57  }
0x81: {  	v0 =	vmin.f32 v0, v57;
	v3 =	vmax.f32 v53, v55;
	v53 =	vmin.f32 v53, v55  }
0x82: {  	v1 =	vmax.f32 v63, v60;
	v58 =	vmin.f32 v63, v60;
	v2 =	vmax.f32 v3, v51  }
0x83: {  	v3 =	vmin.f32 v3, v51;
	v63 =	vmax.f32 v47, v49;
	v47 =	vmin.f32 v47, v49  }
0x84: {  	v51 =	vmax.f32 v61, v1;
	v55 =	vmin.f32 v61, v1;
	v57 =	vmax.f32 v2, v58  }
0x85: {  	v58 =	vmin.f32 v2, v58;
	v60 =	vmax.f32 v3, v0;
	v61 =	vmin.f32 v3, v0  }
0x86: {  	v2 =	vmax.f32 v48, v50;
	v48 =	vmin.f32 v48, v50;
	v50 =	vmax.f32 v52, v54  }
0x87: {  	v52 =	vmin.f32 v52, v54;
	v54 =	vmax.f32 v56, v59;
	v56 =	vmin.f32 v56, v59  }
0x88: {  	v59 =	vmax.f32 v63, v2;
	v0 =	vmin.f32 v63, v2;
	v3 =	vmax.f32 v47, v48  }
0x89: {  	v48 =	vmin.f32 v47, v48;
	v62 =	vmax.f32 v50, v54;
	v47 =	vmin.f32 v50, v54  }
0x8a: {  	v50 =	vmax.f32 v52, v56;
	v52 =	vmin.f32 v52, v56;
	v63 =	vmax.f32 v3, v0  }
0x8b: {  	v0 =	vmin.f32 v3, v0;
	v3 =	vmax.f32 v50, v47;
	v50 =	vmin.f32 v50, v47  }
0x8c: {  	v47 =	vmax.f32 v59, v62;
	v56 =	vmin.f32 v59, v62;
	v59 =	vmax.f32 v63, v3  }
0x8d: {  	v49 =	vmin.f32 v63, v3;
	v62 =	vmax.f32 v0, v50;
	v0 =	vmin.f32 v0, v50  }
0x8e: {  	v63 =	vmax.f32 v48, v52;
	v48 =	vmin.f32 v48, v52;
	v1 =	vmax.f32 v62, v56  }
0x8f: {  	v54 =	vmin.f32 v62, v56;
	v2 =	vmax.f32 v63, v49;
	v3 =	vmin.f32 v63, v49  }
0x90: {  	v63 =	vmax.f32 v38, v39;
	v38 =	vmin.f32 v38, v39;
	v49 =	vmax.f32 v59, v1  }
0x91: {  	v50 =	vmin.f32 v59, v1;
	v52 =	vmax.f32 v2, v54;
	v54 =	vmin.f32 v2, v54  }
0x92: {  	v56 =	vmax.f32 v3, v0;
	v59 =	vmin.f32 v3, v0;
	v2 =	vmax.f32 v40, v41  }
0x93: {  	v40 =	vmin.f32 v40, v41;
	v41 =	vmax.f32 v42, v44;
	v42 =	vmin.f32 v42, v44  }
0x94: {  	v44 =	vmax.f32 v43, v46;
	v43 =	vmin.f32 v43, v46;
	v1 =	vmax.f32 v36, v37  }
0x95: {  	v36 =	vmin.f32 v36, v37;
	v46 =	vmax.f32 v63, v2;
	v0 =	vmin.f32 v63, v2  }
0x96: {  	v3 =	vmax.f32 v38, v40;
	v40 =	vmin.f32 v38, v40;
	v62 =	vmax.f32 v41, v44  }
0x97: {  	v38 =	vmin.f32 v41, v44;
	v41 =	vmax.f32 v42, v43;
	v42 =	vmin.f32 v42, v43  }
0x98: {  	v63 =	vmax.f32 v3, v0;
	v0 =	vmin.f32 v3, v0;
	v3 =	vmax.f32 v41, v38  }
0x99: {  	v41 =	vmin.f32 v41, v38;
	v38 =	vmax.f32 v46, v62;
	v44 =	vmin.f32 v46, v62  }
0x9a: {  	v46 =	vmax.f32 v63, v3;
	v39 =	vmin.f32 v63, v3;
	v43 =	vmax.f32 v0, v41  }
0x9b: {  	v62 =	vmin.f32 v0, v41;
	v63 =	vmax.f32 v40, v42;
	v40 =	vmin.f32 v40, v42  }
0x9c: {  	v0 =	vmax.f32 v26, v35;
	v26 =	vmin.f32 v26, v35;
	v2 =	vmax.f32 v43, v44  }
0x9d: {  	v43 =	vmin.f32 v43, v44;
	v3 =	vmax.f32 v63, v39;
	v63 =	vmin.f32 v63, v39  }
0x9e: {  	v39 =	vmax.f32 v46, v2;
	v41 =	vmin.f32 v46, v2;
	v42 =	vmax.f32 v3, v43  }
0x9f: {  	v43 =	vmin.f32 v3, v43;
	v3 =	vmax.f32 v63, v62;
	v44 =	vmin.f32 v63, v62  }
0xa0: {  	v62 =	vmax.f32 v21, v22;
	v21 =	vmin.f32 v21, v22;
	v63 =	vmax.f32 v24, v28  }
0xa1: {  	v24 =	vmin.f32 v24, v28;
	v37 =	vmax.f32 v62, v63;
	v22 =	vmin.f32 v62, v63  }
0xa2: {  	v2 =	vmax.f32 v21, v24;
	v24 =	vmin.f32 v21, v24;
	v62 =	vmax.f32 v0, v1  }
0xa3: {  	v63 =	vmin.f32 v0, v1;
	v0 =	vmax.f32 v26, v36;
	v26 =	vmin.f32 v26, v36  }
0xa4: {  	v1 =	vmax.f32 v2, v22;
	v22 =	vmin.f32 v2, v22;
	v2 =	vmax.f32 v0, v63  }
0xa5: {  	v28 =	vmin.f32 v0, v63;
	v21 =	vmax.f32 v37, v62;
	v37 =	vmin.f32 v37, v62  }
0xa6: {  	v63 =	vld [tilespmem:s14+$0xFFFFF9F0];
	v46 =	vmax.f32 v1, v2;
	v35 =	vmin.f32 v1, v2;
	v36 =	vmax.f32 v22, v28  }
0xa7: {  	v62 =	vmin.f32 v22, v28;
	v28 =	vmax.f32 v24, v26;
	v22 =	vmin.f32 v24, v26;
	v2 =	vld [tilespmem:s14+$0xFFFFFBF0]  }
0xa8: {  	v1 =	vld [tilespmem:s14+$0xFFFFFDF0];
	v26 =	vmax.f32 v36, v37;
	v36 =	vmin.f32 v36, v37;
	v37 =	vmax.f32 v28, v35  }
0xa9: {  	v23 =	vmax.f32 v27, v19;
	v0 =	vmin.f32 v28, v35;
	v28 =	vmax.f32 v37, v36  }
0xaa: {  	v35 =	vmin.f32 v37, v36;
	v36 =	vmax.f32 v0, v62;
	v37 =	vmin.f32 v0, v62;
	v0 =	vld [tilespmem:s14+$0xFFFFFFF0]  }
0xab: {  	v24 =	vmax.f32 v46, v26;
	v26 =	vmin.f32 v46, v26;
	v46 =	vmax.f32 v10, v11  }
0xac: {  	v10 =	vmin.f32 v10, v11;
	v11 =	vmax.f32 v12, v13;
	v12 =	vmin.f32 v12, v13  }
0xad: {  	v62 =	vand.u32 $0xFFFFFFC0, v63;
	v2 =	vand.u32 $0xFFFFFFC0, v2;
	v1 =	vand.u32 $0xFFFFFFC0, v1  }
0xae: {  	v13 =	vor.u32 $0x3, v62;
	v2 =	vor.u32 $0x2, v2;
	v1 =	vor.u32 $0x1, v1  }
0xaf: {  	v0 =	vand.u32 $0xFFFFFFC0, v0;
	v62 =	vmax.f32 v13, v2;
	v2 =	vmin.f32 v13, v2  }
0xb0: {  	v63 =	vmax.f32 v1, v0;
	v0 =	vmin.f32 v1, v0;
	v1 =	vmax.f32 v46, v11  }
0xb1: {  	v11 =	vmin.f32 v46, v11;
	v46 =	vmax.f32 v10, v12;
	v10 =	vmin.f32 v10, v12  }
0xb2: {  	v12 =	vmax.f32 v62, v63;
	v13 =	vmin.f32 v62, v63;
	v62 =	vmax.f32 v2, v0  }
0xb3: {  	v0 =	vmin.f32 v2, v0;
	v2 =	vmax.f32 v46, v11;
	v11 =	vmin.f32 v46, v11  }
0xb4: {  	v46 =	vmax.f32 v62, v13;
	v13 =	vmin.f32 v62, v13;
	v62 =	vmax.f32 v1, v12  }
0xb5: {  	v1 =	vmin.f32 v1, v12;
	v12 =	vmax.f32 v2, v46;
	v2 =	vmin.f32 v2, v46  }
0xb6: {  	v63 =	vmax.f32 v11, v13;
	v11 =	vmin.f32 v11, v13;
	v13 =	vmax.f32 v10, v0  }
0xb7: {  	v0 =	vmin.f32 v10, v0;
	v10 =	vmax.f32 v63, v1;
	v1 =	vmin.f32 v63, v1  }
0xb8: {  	v63 =	vmax.f32 v13, v2;
	v2 =	vmin.f32 v13, v2;
	v13 =	vmax.f32 v12, v10  }
0xb9: {  	v10 =	vmin.f32 v12, v10;
	v12 =	vmax.f32 v63, v1;
	v1 =	vmin.f32 v63, v1;
	v63 =	vld [tilespmem:$0x1FF30]  }
0xba: {  	v17 =	vmax.f32 v17, v45;
	v3 =	vmax.f32 v50, v3;
	v41 =	vmax.f32 v56, v41  }
0xbb: {  	v22 =	vmax.f32 v22, v62;
	v46 =	vmax.f32 v2, v11;
	v2 =	vmin.f32 v2, v11  }
0xbc: {  	v0 =	vmax.f32 v21, v0;
	v2 =	vmax.f32 v24, v2;
	v1 =	vmax.f32 v28, v1  }
0xbd: {  	v12 =	vmax.f32 v35, v12;
	v10 =	vmax.f32 v36, v10;
	v13 =	vmax.f32 v37, v13  }
0xbe: {  	v56 =	vmax.f32 v2, v10;
	v2 =	vmin.f32 v2, v10;
	v11 =	vmax.f32 v63, v18  }
0xbf: {  	v18 =	vmax.f32 v5, v9;
	v5 =	vmin.f32 v5, v9;
	v9 =	vmin.f32 v27, v19  }
0xc0: {  	v27 =	vmax.f32 v4, v6;
	v4 =	vmin.f32 v4, v6;
	v25 =	vmax.f32 v11, v7  }
0xc1: {  	v7 =	vmin.f32 v11, v7;
	v20 =	vmax.f32 v25, v18;
	v8 =	vmin.f32 v25, v18  }
0xc2: {  	v25 =	vmax.f32 v7, v5;
	v5 =	vmin.f32 v7, v5;
	v6 =	vmax.f32 v20, v23  }
0xc3: {  	v14 =	vmin.f32 v20, v23;
	v15 =	vmax.f32 v8, v9;
	v8 =	vmin.f32 v8, v9  }
0xc4: {  	v9 =	vmax.f32 v25, v27;
	v7 =	vmin.f32 v25, v27;
	v11 =	vmax.f32 v5, v4  }
0xc5: {  	v4 =	vmin.f32 v5, v4;
	v5 =	vmax.f32 v16, v53;
	v16 =	vmax.f32 v29, v61  }
0xc6: {  	v53 =	vmax.f32 v30, v60;
	v60 =	vmax.f32 v31, v58;
	v61 =	vmax.f32 v32, v57  }
0xc7: {  	v30 =	vmax.f32 v33, v55;
	v31 =	vmax.f32 v34, v51;
	v58 =	vmax.f32 v47, v40  }
0xc8: {  	v40 =	vmax.f32 v54, v42;
	v42 =	vmax.f32 v59, v39;
	v54 =	vmax.f32 v26, v46  }
0xc9: {  	v32 =	vmax.f32 v5, v61;
	v5 =	vmin.f32 v5, v61;
	v33 =	vmax.f32 v16, v30  }
0xca: {  	v16 =	vmin.f32 v16, v30;
	v34 =	vmax.f32 v53, v31;
	v18 =	vmin.f32 v53, v31  }
0xcb: {  	v45 =	vmax.f32 v60, v17;
	v17 =	vmin.f32 v60, v17;
	v60 =	vmax.f32 v49, v44  }
0xcc: {  	v61 =	vmax.f32 v52, v43;
	v43 =	vmax.f32 v48, v38;
	v44 =	vmax.f32 v58, v40  }
0xcd: {  	v47 =	vmax.f32 v3, v42;
	v3 =	vmin.f32 v3, v42;
	v51 =	vmax.f32 v32, v34  }
0xce: {  	v23 =	vmin.f32 v32, v34;
	v53 =	vmax.f32 v33, v45;
	v20 =	vmin.f32 v33, v45  }
0xcf: {  	v55 =	vmax.f32 v5, v18;
	v5 =	vmin.f32 v5, v18;
	v57 =	vmax.f32 v16, v17  }
0xd0: {  	v16 =	vmin.f32 v16, v17;
	v45 =	vmax.f32 v60, v41;
	v29 =	vmin.f32 v60, v41  }
0xd1: {  	v48 =	vmax.f32 v61, v43;
	v30 =	vmin.f32 v61, v43;
	v49 =	vmax.f32 v44, v47  }
0xd2: {  	v32 =	vmin.f32 v44, v47;
	v17 =	vmax.f32 v51, v53;
	v19 =	vmin.f32 v51, v53  }
0xd3: {  	v27 =	vmax.f32 v23, v20;
	v20 =	vmin.f32 v23, v20;
	v23 =	vmax.f32 v55, v57  }
0xd4: {  	v18 =	vmin.f32 v55, v57;
	v25 =	vmax.f32 v5, v16;
	v5 =	vmin.f32 v5, v16  }
0xd5: {  	v16 =	vmin.f32 v58, v40;
	v50 =	vmax.f32 v45, v48;
	v31 =	vmin.f32 v45, v48  }
0xd6: {  	v52 =	vmax.f32 v29, v30;
	v29 =	vmin.f32 v29, v30;
	v55 =	vmax.f32 v0, v12  }
0xd7: {  	v0 =	vmin.f32 v0, v12;
	v57 =	vmax.f32 v54, v13;
	v13 =	vmin.f32 v54, v13  }
0xd8: {  	v58 =	vmax.f32 v1, v22;
	v1 =	vmin.f32 v1, v22;
	v51 =	vmax.f32 v16, v3  }
0xd9: {  	v3 =	vmin.f32 v16, v3;
	v53 =	vmax.f32 v49, v50;
	v34 =	vmin.f32 v49, v50  }
0xda: {  	v38 =	vmax.f32 v32, v31;
	v31 =	vmin.f32 v32, v31;
	v59 =	vmax.f32 v55, v57  }
0xdb: {  	v10 =	vmin.f32 v55, v57;
	v60 =	vmax.f32 v56, v58;
	v12 =	vmin.f32 v56, v58  }
0xdc: {  	v61 =	vmax.f32 v0, v13;
	v0 =	vmin.f32 v0, v13;
	v62 =	vmax.f32 v2, v1  }
0xdd: {  	v1 =	vmin.f32 v2, v1;
	v37 =	vmax.f32 v6, v5;
	v39 =	vmax.f32 v14, v25  }
0xde: {  	v40 =	vmax.f32 v15, v18;
	v8 =	vmax.f32 v8, v23;
	v9 =	vmax.f32 v9, v20  }
0xdf: {  	v7 =	vmax.f32 v7, v27;
	v11 =	vmax.f32 v11, v19;
	v4 =	vmax.f32 v4, v17  }
0xe0: {  	v32 =	vmax.f32 v51, v52;
	v16 =	vmin.f32 v51, v52;
	v33 =	vmax.f32 v3, v29  }
0xe1: {  	v3 =	vmin.f32 v3, v29;
	v28 =	vmax.f32 v59, v60;
	v22 =	vmin.f32 v59, v60  }
0xe2: {  	v29 =	vmax.f32 v10, v12;
	v10 =	vmin.f32 v10, v12;
	v35 =	vmax.f32 v61, v62  }
0xe3: {  	v13 =	vmin.f32 v61, v62;
	v36 =	vmax.f32 v0, v1;
	v0 =	vmin.f32 v0, v1  }
0xe4: {  	v41 =	vmax.f32 v37, v9;
	v1 =	vmin.f32 v37, v9;
	v42 =	vmax.f32 v39, v7  }
0xe5: {  	v5 =	vmin.f32 v39, v7;
	v43 =	vmax.f32 v40, v11;
	v6 =	vmin.f32 v40, v11  }
0xe6: {  	v44 =	vmax.f32 v8, v4;
	v4 =	vmin.f32 v8, v4;
	v45 =	vmax.f32 v41, v43  }
0xe7: {  	v7 =	vmin.f32 v41, v43;
	v46 =	vmax.f32 v42, v44;
	v9 =	vmin.f32 v42, v44  }
0xe8: {  	v47 =	vmax.f32 v1, v6;
	v1 =	vmin.f32 v1, v6;
	v48 =	vmax.f32 v5, v4  }
0xe9: {  	v4 =	vmin.f32 v5, v4;
	v0 =	vmax.f32 v53, v0;
	v53 =	vmax.f32 v34, v36  }
0xea: {  	v13 =	vmax.f32 v38, v13;
	v12 =	vmax.f32 v31, v35;
	v10 =	vmax.f32 v32, v10  }
0xeb: {  	v54 =	vmax.f32 v16, v29;
	v55 =	vmax.f32 v33, v22;
	v2 =	vmax.f32 v3, v28  }
0xec: {  	v49 =	vmax.f32 v45, v46;
	v8 =	vmin.f32 v45, v46;
	v50 =	vmax.f32 v7, v9  }
0xed: {  	v7 =	vmin.f32 v7, v9;
	v51 =	vmax.f32 v47, v48;
	v6 =	vmin.f32 v47, v48  }
0xee: {  	v52 =	vmax.f32 v1, v4;
	v1 =	vmin.f32 v1, v4;
	v56 =	vmax.f32 v0, v10  }
0xef: {  	v0 =	vmin.f32 v0, v10;
	v57 =	vmax.f32 v53, v54;
	v4 =	vmin.f32 v53, v54  }
0xf0: {  	v58 =	vmax.f32 v13, v55;
	v13 =	vmin.f32 v13, v55;
	v59 =	vmax.f32 v12, v2  }
0xf1: {  	v2 =	vmin.f32 v12, v2;
	v60 =	vmax.f32 v56, v58;
	v3 =	vmin.f32 v56, v58  }
0xf2: {  	v61 =	vmax.f32 v57, v59;
	v10 =	vmin.f32 v57, v59;
	v62 =	vmax.f32 v0, v13  }
0xf3: {  	v0 =	vmin.f32 v0, v13;
	v20 =	vmax.f32 v4, v2;
	v2 =	vmin.f32 v4, v2  }
0xf4: {  	v21 =	vmax.f32 v60, v61;
	v12 =	vmin.f32 v60, v61;
	v22 =	vmax.f32 v3, v10  }
0xf5: {  	v44 =	vld [tilespmem:$0x1FFF0];
	v3 =	vmin.f32 v3, v10;
	v24 =	vmax.f32 v0, v2;
	v0 =	vmin.f32 v0, v2  }
0xf6: {  	v16 =	vld [tilespmem:s14+$0xFFFFCA00];
	v23 =	vmax.f32 v62, v20;
	v25 =	vmin.f32 v62, v20;
	v0 =	vmax.f32 v49, v0  }
0xf7: {  	v45 =	vld [tilespmem:$0x1FFF0];
	v26 =	vmax.f32 v8, v24;
	v2 =	vmax.f32 v50, v25;
	v7 =	vmax.f32 v7, v23  }
0xf8: {  	v53 =	vld [tilespmem:$0x1FFF0];
	v3 =	vmax.f32 v51, v3;
	v6 =	vmax.f32 v6, v22;
	v27 =	vmax.f32 v52, v12  }
0xf9: {  	v57 =	vld [tilespmem:$0x1FFF0];
	v1 =	vmax.f32 v1, v21;
	v28 =	vmax.f32 v0, v3;
	v0 =	vmin.f32 v0, v3  }
0xfa: {  	v51 =	vld [tilespmem:$0x1FFF0];
	v29 =	vmax.f32 v26, v6;
	v5 =	vmin.f32 v26, v6;
	v31 =	vmax.f32 v7, v1  }
0xfb: {  	v30 =	vmax.f32 v2, v27;
	v33 =	vmax.f32 v29, v31;
	v3 =	vmin.f32 v29, v31;
	v31 =	vld [tilespmem:$0x1FFF0]  }
0xfc: {  	v2 =	vmin.f32 v2, v27;
	v1 =	vmin.f32 v7, v1;
	v32 =	vmax.f32 v28, v30;
	v29 =	vld [tilespmem:s14+$0xFFFF9C00]  }
0xfd: {  	v4 =	vmin.f32 v28, v30;
	v34 =	vmax.f32 v0, v2;
	v35 =	vmax.f32 v5, v1;
	v30 =	vld [tilespmem:s14+$0xFFFF9E00]  }
0xfe: {  	v0 =	vmin.f32 v0, v2;
	v38 =	vmax.f32 v34, v35;
	v2 =	vmin.f32 v34, v35;
	v34 =	vld [tilespmem:$0x1FFF0]  }
0xff: {  	v36 =	vmax.f32 v32, v33;
	v35 =	vld [tilespmem:$0x1FFF0]  }
0x100: {  	v1 =	vmin.f32 v5, v1;
	v37 =	vmax.f32 v4, v3;
	v5 =	vandn.u32 $0x3F, v36;
	v36 =	vld [tilespmem:s14+$0xFFFF8200]  }
0x101: {  	v7 =	vandn.u32 $0x3F, v37;
	v37 =	vld [tilespmem:s14+$0xFFFF8400]  }
0x102: {  	v6 =	vmin.f32 v32, v33;
	v39 =	vmax.f32 v0, v1;
	v50 =	vandn.u32 $0x3F, v38;
	v38 =	vld [tilespmem:s14+$0xFFFF8600]  }
0x103: {  	v63 =	vlaneseq.u32;
	v42 =	vandn.u32 $0x3F, v6;
	v59 =	vandn.u32 $0x3F, v39;
	v39 =	vld [tilespmem:s14+$0xFFFF8800]  }
0x104: {  	v63 =	vor.u32 s15, v63;
	[tilespmem:$0x1FF80] =	vst v42;
	v6 =	vshll.u32 v42, $0x9;
	v42 =	vld [tilespmem:s14+$0xFFFF8E00]  }
0x105: {  	v40 =	vand.u32 $0x1E8, v63;
	v3 =	vmin.f32 v4, v3;
	[tilespmem:$0x1FFB0] =	vst v50;
	v52 =	vshll.u32 v50, $0x9;
	v50 =	vld [tilespmem:s14+$0xFFFF9600]  }
0x106: {  	v47 =	vandn.u32 $0x3F, v3;
	v41 =	vshll.u32 v5, $0x9;
	[tilespmem:$0x1FFD0] =	vst v59;
	v61 =	vshll.u32 v59, $0x9;
	v59 =	vld [tilespmem:s14+$0xFFFFAE00]  }
0x107: {  	[tilespmem:$0x1FF90] =	vst v7;
	v7 =	vshll.u32 v7, $0x9;
	v49 =	vshll.u32 v47, $0x9;
	v43 =	vor.u32 v40, v41;
	v41 =	vld [tilespmem:s14+$0xFFFF8C00]  }
0x108: {  	v48 =	vor.u32 v40, v7;
	v7 =	vor.u32 v40, v49;
	v49 =	vld [tilespmem:s14+$0xFFFF9400]  }
0x109: {  	v0 =	vmin.f32 v0, v1;
	v1 =	vor.u32 v44, v43;
	v43 =	vld [tilespmem:s14+$0xFFFF9000]  }
0x10a: {  	v3 =	vor.u32 v51, v48;
	v48 =	vld [tilespmem:s14+$0xFFFF9200]  }
0x10b: {  	v6 =	vor.u32 v40, v6;
	v54 =	vor.u32 v53, v7;
	v53 =	vld [tilespmem:s14+$0xFFFF9A00]  }
0x10c: {  	v46 =	vor.u32 v45, v6;
	v6 =	vld [tilespmem:s14+$0xFFFFB200]  }
0x10d: {  	v56 =	vandn.u32 $0x3F, v2;
	v62 =	vandn.u32 $0x3F, v0;
	v32 =	vor.u32 v40, v61;
	v7 =	vld [tilespmem:s14+$0xFFFFB400]  }
0x10e: {  	v58 =	vshll.u32 v56, $0x9;
	v33 =	vshll.u32 v62, $0x9;
	v11 =	vor.u32 v34, v32;
	v32 =	vld [tilespmem:s14+$0xFFFFAA00]  }
0x10f: {  	v55 =	vor.u32 v40, v52;
	v60 =	vor.u32 v40, v58;
	v12 =	vor.u32 v40, v33;
	v34 =	vld [tilespmem:s14+$0xFFFFD400]  }
0x110: {  	v2 =	vor.u32 v57, v55;
	v12 =	vor.u32 v35, v12;
	v44 =	vand.u32 $0xFFFFFFC0, v42;
	v42 =	vld [tilespmem:s14+$0xFFFFC000]  }
0x111: {  	[tilespmem:$0x1FF60] =	vst v63;
	v57 =	vand.u32 $0xFFFFFFC0, v37;
	v58 =	vand.u32 $0xFFFFFFC0, v38;
	v15 =	vor.u32 $0x3F, v36;
	v63 =	vld.idx.msk [tilespmem:v1+s2+$0x0], $0xffff  }
0x112: {  	[tilespmem:$0x1FFE0] =	vst v62;
	v62 =	vand.u32 $0xFFFFFFC0, v39;
	v17 =	vor.u32 $0x3E, v57;
	v33 =	vor.u32 $0x3D, v58;
	v13 =	vld.idx.msk [tilespmem:v46+s2+$0x0], $0xffff  }
0x113: {  	v45 =	vor.u32 $0x3C, v62;
	v50 =	vand.u32 $0xFFFFFFC0, v50;
	v59 =	vand.u32 $0xFFFFFFC0, v59;
	v3 =	vld.idx.msk [tilespmem:v3+s2+$0x0], $0xffff  }
0x114: {  	[tilespmem:$0x1FF70] =	vst v5;
	v5 =	vand.u32 $0xFFFFFFC0, v41;
	v61 =	vor.u32 $0x39, v44;
	v49 =	vand.u32 $0xFFFFFFC0, v49;
	v14 =	vld.idx.msk [tilespmem:v54+s2+$0x0], $0xffff  }
0x115: {  	v20 =	vor.u32 $0x35, v50;
	v1 =	vor.u32 v31, v60;
	v2 =	vld.idx.msk [tilespmem:v2+s2+$0x0], $0xffff;
	v18 =	vor.u32 $0x3A, v5  }
0x116: {  	[tilespmem:$0x1FFA0] =	vst v47;
	v46 =	vand.u32 $0xFFFFFFC0, v43;
	v47 =	vand.u32 $0xFFFFFFC0, v48;
	v48 =	vld [tilespmem:s14+$0xFFFFB600];
	v23 =	vor.u32 $0x36, v49  }
0x117: {  	v53 =	vand.u32 $0xFFFFFFC0, v53;
	v4 =	vand.u32 $0xFFFFFFC0, v6;
	v5 =	vand.u32 $0xFFFFFFC0, v7;
	v7 =	vld [tilespmem:s14+$0xFFFFCE00]  }
0x118: {  	v11 =	vld.idx.msk [tilespmem:v11+s2+$0x0], $0xffff;
	v62 =	vor.u32 $0x38, v46;
	v19 =	vor.u32 $0x37, v47;
	v25 =	vor.u32 $0x33, v53  }
0x119: {  	v12 =	vld.idx.msk [tilespmem:v12+s2+$0x0], $0xffff;
	v58 =	vand.u32 $0xFFFFFFC0, v32;
	v35 =	vor.u32 $0x27, v4;
	v39 =	vor.u32 $0x26, v5  }
0x11a: {  	v28 =	vld [tilespmem:s14+$0xFFFFBE00];
	v4 =	vand.u32 $0xFFFFFFC0, v16;
	v10 =	vand.u32 $0xFFFFFFC0, v34;
	v22 =	vor.u32 $0x2B, v58  }
0x11b: {  	v34 =	vld [tilespmem:s14+$0xFFFFE200];
	v53 =	vor.u32 $0x16, v10;
	v51 =	vsub.f32 v63, v63;
	v13 =	vsub.f32 v13, v63  }
0x11c: {  	v40 =	vld [tilespmem:s14+$0xFFFF8A00];
	v58 =	vand.u32 $0xFFFFFFC0, v42;
	v3 =	vsub.f32 v3, v63;
	v14 =	vsub.f32 v14, v63  }
0x11d: {  	v52 =	vld [tilespmem:s14+$0xFFFF9800];
	v2 =	vsub.f32 v2, v63;
	v6 =	vand.u32 $0xFFFFFFC0, v48;
	v5 =	vand.u32 $0xFFFFFFC0, v7  }
0x11e: {  	v38 =	vld [tilespmem:s14+$0xFFFFBA00];
	v48 =	vor.u32 $0x1B, v4;
	v55 =	vsub.f32 v11, v63;
	v0 =	vsub.f32 v12, v63  }
0x11f: {  	v1 =	vld.idx.msk [tilespmem:v1+s2+$0x0], $0xffff;
	v36 =	vor.u32 $0x25, v6;
	v49 =	vor.u32 $0x19, v5;
	v26 =	vmul.f32 $1.442695020e+00, v51  }
0x120: {  	v11 =	vld [tilespmem:s14+$0xFFFFA400];
	v42 =	vand.u32 $0xFFFFFFC0, v34;
	v13 =	vmul.f32 $1.442695020e+00, v13;
	v3 =	vmul.f32 $1.442695020e+00, v3  }
0x121: {  	v12 =	vld [tilespmem:s14+$0xFFFFA600];
	v34 =	vmax.f32 v61, v62;
	v54 =	vmul.f32 $1.442695020e+00, v14;
	v2 =	vmul.f32 $1.442695020e+00, v2  }
0x122: {  	[tilespmem:$0x1FFC0] =	vst v56;
	v6 =	vld [tilespmem:s14+$0xFFFFDE00];
	v51 =	vand.u32 $0xFFFFFFC0, v52;
	v56 =	vmul.f32 $1.442695020e+00, v55;
	v0 =	vmul.f32 $1.442695020e+00, v0  }
0x123: {  	v37 =	vld [tilespmem:s14+$0xFFFFB800];
	v24 =	vor.u32 $0x34, v51;
	v55 =	vand.u32 $0xFFFFFFC0, v30;
	v30 =	vor.u32 $0x29, v59  }
0x124: {  	v14 =	vld [tilespmem:s14+$0xFFFFA200];
	(erf) = vpow2.f32 v26;
	v26 =	vor.u32 $0x31, v55;
	v55 =	vand.u32 $0xFFFFFFC0, v38  }
0x125: {  	v31 =	vld [tilespmem:s14+$0xFFFFA000];
	(erf) = vpow2.f32 v13;
	v1 =	vsub.f32 v1, v63;
	v63 =	vand.u32 $0xFFFFFFC0, v40  }
0x126: {  	v51 =	vld [tilespmem:s14+$0xFFFFD200];
	v40 =	vor.u32 $0x23, v55;
	(erf) = vpow2.f32 v3;
	v60 =	vor.u32 $0x3B, v63  }
0x127: {  	v59 =	vld [tilespmem:s14+$0xFFFFD600];
	v11 =	vand.u32 $0xFFFFFFC0, v11;
	v12 =	vand.u32 $0xFFFFFFC0, v12;
	v5 =	vand.u32 $0xFFFFFFC0, v6  }
0x128: {  	v46 =	vld [tilespmem:s14+$0xFFFFC600];
	v6 =	vmax.f32 v15, v17;
	(erf) = vpow2.f32 v54;
	v1 =	vmul.f32 $1.442695020e+00, v1  }
0x129: {  	v13 =	vld [tilespmem:s14+$0xFFFFA800];
	v54 =	vand.u32 $0xFFFFFFC0, v29;
	v57 =	vand.u32 $0xFFFFFFC0, v14;
	v3 =	vor.u32 $0x2E, v11  }
0x12a: {  	v52 =	vld [tilespmem:s14+$0xFFFFBC00];
	v21 =	vor.u32 $0x2D, v12;
	v10 =	vmax.f32 v60, v18;
	(erf) = vpow2.f32 v2  }
0x12b: {  	v14 =	vld [tilespmem:s14+$0xFFFFC200];
	v27 =	vor.u32 $0x32, v54;
	v54 =	vand.u32 $0xFFFFFFC0, v37;
	v9 =	vand.u32 $0xFFFFFFC0, v51  }
0x12c: {  	v11 =	vld [tilespmem:s14+$0xFFFFC400];
	v59 =	vand.u32 $0xFFFFFFC0, v59;
	(erf) = vpow2.f32 v1;
	v1 =	vor.u32 $0x2F, v57  }
0x12d: {  	v12 =	vld [tilespmem:s14+$0xFFFFC800];
	v41 =	vor.u32 $0x24, v54;
	v57 =	vand.u32 $0xFFFFFFC0, v28;
	v54 =	vor.u32 $0x15, v59  }
0x12e: {  	v2 =	vld [tilespmem:s14+$0xFFFFAC00];
	(erf) = vpow2.f32 v56;
	v56 =	vand.u32 $0xFFFFFFC0, v31;
	v13 =	vand.u32 $0xFFFFFFC0, v13  }
0x12f: {  	v44 =	vor.u32 $0x21, v57;
	v57 =	vand.u32 $0xFFFFFFC0, v46;
	(erf) = vpow2.f32 v0;
	v0 =	vld [tilespmem:s14+$0xFFFFB000]  }
0x130: {  	v63 =	vor.u32 $0x30, v56;
	v29 =	vor.u32 $0x2C, v13;
	v13 =	vld [tilespmem:s14+$0xFFFFD000];
	v56 =	vand.u32 $0xFFFFFFC0, v52  }
0x131: {  	v38 =	vor.u32 $0x1D, v57;
	v52 =	vor.u32 $0x17, v9;
	v14 =	vand.u32 $0xFFFFFFC0, v14  }
0x132: {  	v57 =	vor.u32 $0x11, v5;
	v11 =	vand.u32 $0xFFFFFFC0, v11;
	v37 =	vor.u32 $0x1F, v14;
	v14 =	vld [tilespmem:s14+$0xFFFFD800]  }
0x133: {  	v9 =	vmin.f32 v33, v45;
	v2 =	vand.u32 $0xFFFFFFC0, v2;
	v46 =	vor.u32 $0x1E, v11;
	v11 =	vld [tilespmem:s14+$0xFFFFDC00]  }
0x134: {  	v43 =	vor.u32 $0x22, v56;
	v12 =	vand.u32 $0xFFFFFFC0, v12;
	v31 =	vor.u32 $0x2A, v2;
	v2 =	vld [tilespmem:s14+$0xFFFFCC00]  }
0x135: {  	v7 =	vld [tilespmem:s14+$0xFFFFE000];
	v47 =	vor.u32 $0x1C, v12;
	v0 =	vand.u32 $0xFFFFFFC0, v0;
	v8 =	vand.u32 $0xFFFFFFC0, v13  }
0x136: {  	v32 =	vor.u32 $0x28, v0;
	v0 =	vor.u32 $0x20, v58;
	v51 =	vor.u32 $0x18, v8  }
0x137: {  	v8 =	vmax.f32 v33, v45;
	v33 =	vmin.f32 v60, v18;
	v45 =	vmin.f32 v61, v62  }
0x138: {  	v62 =	vmax.f32 v10, v34;
	v14 =	vand.u32 $0xFFFFFFC0, v14;
	v11 =	vand.u32 $0xFFFFFFC0, v11  }
0x139: {  	v58 =	vld [tilespmem:s14+$0xFFFFDA00];
	v60 =	vmax.f32 v6, v8;
	v2 =	vand.u32 $0xFFFFFFC0, v2;
	v56 =	vor.u32 $0x14, v14  }
0x13a: {  	v50 =	vor.u32 $0x1A, v2;
	v2 =	vand.u32 $0xFFFFFFC0, v7;
	v7 =	vmin.f32 v15, v17  }
0x13b: {  	v15 =	vmin.f32 v33, v45;
	v59 =	vor.u32 $0x10, v2;
	v2 =	vmin.f32 v6, v8  }
0x13c: {  	v61 =	vmax.f32 v7, v9;
	v13 =	vmin.f32 v7, v9;
	v7 =	vmin.f32 v10, v34  }
0x13d: {  	v8 =	vmax.f32 v33, v45;
	v33 =	vmax.f32 v60, v62;
	v34 =	vmin.f32 v60, v62  }
0x13e: {  	v6 =	vmax.f32 v19, v23;
	v19 =	vmin.f32 v19, v23;
	v4 =	vand.u32 $0xFFFFFFC0, v58  }
0x13f: {  	v58 =	vor.u32 $0x12, v11;
	v9 =	vmax.f32 v61, v2;
	v2 =	vmin.f32 v61, v2  }
0x140: {  	v10 =	vmax.f32 v8, v7;
	v14 =	vmin.f32 v8, v7;
	v61 =	vmax.f32 v13, v15  }
0x141: {  	v12 =	vmin.f32 v13, v15;
	v7 =	vmax.f32 v20, v24;
	v20 =	vmin.f32 v20, v24  }
0x142: {  	v8 =	vmax.f32 v25, v27;
	v25 =	vmin.f32 v25, v27;
	v55 =	vor.u32 $0x13, v4  }
0x143: {  	v45 =	vmax.f32 v9, v10;
	v16 =	vmin.f32 v9, v10;
	v60 =	vmax.f32 v2, v14  }
0x144: {  	v2 =	vmin.f32 v2, v14;
	v9 =	vmax.f32 v26, v63;
	v26 =	vmin.f32 v26, v63  }
0x145: {  	v10 =	vmax.f32 v6, v7;
	v14 =	vmax.f32 v19, v20;
	v20 =	vmin.f32 v19, v20  }
0x146: {  	v62 =	vmax.f32 v60, v34;
	v17 =	vmin.f32 v60, v34;
	v4 =	vmax.f32 v61, v16  }
0x147: {  	v5 =	vmin.f32 v61, v16;
	v60 =	vmin.f32 v8, v9;
	v61 =	vmax.f32 v25, v26  }
0x148: {  	v25 =	vmin.f32 v25, v26;
	v13 =	vmax.f32 v45, v62;
	v11 =	vmin.f32 v45, v62  }
0x149: {  	v15 =	vmax.f32 v4, v17;
	v16 =	vmin.f32 v4, v17;
	v17 =	vmax.f32 v5, v2  }
0x14a: {  	v18 =	vmin.f32 v5, v2;
	v2 =	vmin.f32 v6, v7;
	v45 =	vmax.f32 v8, v9  }
0x14b: {  	v63 =	vmax.f32 v61, v60;
	v24 =	vmin.f32 v61, v60;
	v7 =	vmax.f32 v20, v25  }
0x14c: {  	v23 =	vmin.f32 v20, v25;
	v60 =	vmax.f32 v22, v31;
	v22 =	vmin.f32 v22, v31  }
0x14d: {  	v61 =	vmax.f32 v30, v32;
	v30 =	vmin.f32 v30, v32;
	v62 =	vmax.f32 v14, v2  }
0x14e: {  	v2 =	vmin.f32 v14, v2;
	v19 =	vmax.f32 v10, v45;
	v4 =	vmin.f32 v10, v45  }
0x14f: {  	v14 =	vmax.f32 v1, v3;
	v1 =	vmin.f32 v1, v3;
	v45 =	vmax.f32 v21, v29  }
0x150: {  	v21 =	vmin.f32 v21, v29;
	v5 =	vmax.f32 v62, v63;
	v26 =	vmin.f32 v62, v63  }
0x151: {  	v6 =	vmax.f32 v2, v24;
	v2 =	vmin.f32 v2, v24;
	v62 =	vmax.f32 v14, v45  }
0x152: {  	v63 =	vmax.f32 v1, v21;
	v1 =	vmin.f32 v1, v21;
	v12 =	vmax.f32 v12, v19  }
0x153: {  	v8 =	vmax.f32 v6, v4;
	v27 =	vmin.f32 v6, v4;
	v9 =	vmax.f32 v7, v26  }
0x154: {  	v10 =	vmin.f32 v7, v26;
	v6 =	vmax.f32 v60, v61;
	v7 =	vmin.f32 v60, v61  }
0x155: {  	v20 =	vmax.f32 v5, v8;
	v24 =	vmin.f32 v5, v8;
	v25 =	vmax.f32 v9, v27  }
0x156: {  	v26 =	vmin.f32 v9, v27;
	v27 =	vmax.f32 v10, v2;
	v28 =	vmin.f32 v10, v2  }
0x157: {  	v2 =	vmin.f32 v14, v45;
	v8 =	vmax.f32 v22, v30;
	v22 =	vmin.f32 v22, v30  }
0x158: {  	v21 =	vmax.f32 v62, v6;
	v14 =	vmin.f32 v62, v6;
	v6 =	vmax.f32 v35, v39  }
0x159: {  	v9 =	vmax.f32 v63, v2;
	v2 =	vmin.f32 v63, v2;
	v10 =	vmax.f32 v8, v7  }
0x15a: {  	v29 =	vmin.f32 v8, v7;
	v61 =	vmax.f32 v1, v22;
	v22 =	vmin.f32 v1, v22  }
0x15b: {  	v7 =	vmin.f32 v35, v39;
	v8 =	vmax.f32 v36, v41;
	v13 =	vmax.f32 v13, v28  }
0x15c: {  	v11 =	vmax.f32 v11, v27;
	v15 =	vmax.f32 v15, v26;
	v16 =	vmax.f32 v16, v25  }
0x15d: {  	v17 =	vmax.f32 v17, v24;
	v18 =	vmax.f32 v18, v20;
	v45 =	vmax.f32 v9, v10  }
0x15e: {  	v3 =	vmin.f32 v9, v10;
	v60 =	vmax.f32 v2, v29;
	v2 =	vmin.f32 v2, v29  }
0x15f: {  	v9 =	vmin.f32 v36, v41;
	v10 =	vmax.f32 v40, v43;
	v1 =	vmin.f32 v6, v8  }
0x160: {  	v28 =	vmax.f32 v13, v17;
	v13 =	vmin.f32 v13, v17;
	v24 =	vmax.f32 v15, v12  }
0x161: {  	[tilespmem:$0x1FF50] =	vst v33;
	v12 =	vmin.f32 v15, v12;
	v62 =	vmax.f32 v60, v14;
	v33 =	vmin.f32 v60, v14  }
0x162: {  	v63 =	vmax.f32 v61, v3;
	v3 =	vmin.f32 v61, v3;
	v14 =	vmin.f32 v40, v43  }
0x163: {  	v60 =	vmax.f32 v6, v8;
	v61 =	vmax.f32 v7, v9;
	v26 =	vmax.f32 v28, v24  }
0x164: {  	v29 =	vmax.f32 v45, v62;
	v30 =	vmin.f32 v45, v62;
	v31 =	vmax.f32 v63, v33  }
0x165: {  	v32 =	vmin.f32 v63, v33;
	v33 =	vmax.f32 v3, v2;
	v34 =	vmin.f32 v3, v2  }
0x166: {  	v45 =	vmax.f32 v44, v0;
	v0 =	vmin.f32 v44, v0;
	v2 =	vmin.f32 v7, v9  }
0x167: {  	v7 =	vmax.f32 v61, v1;
	v1 =	vmin.f32 v61, v1;
	v62 =	vmax.f32 v10, v45  }
0x168: {  	v63 =	vmin.f32 v10, v45;
	v6 =	vmax.f32 v14, v0;
	v0 =	vmin.f32 v14, v0  }
0x169: {  	v8 =	vmax.f32 v6, v63;
	v36 =	vmin.f32 v6, v63;
	v35 =	vmax.f32 v60, v62  }
0x16a: {  	v9 =	vmin.f32 v60, v62;
	v45 =	vmax.f32 v2, v0;
	v39 =	vmin.f32 v2, v0  }
0x16b: {  	v63 =	vmax.f32 v37, v46;
	v6 =	vmin.f32 v37, v46;
	v10 =	vmax.f32 v7, v8  }
0x16c: {  	v3 =	vmin.f32 v7, v8;
	v14 =	vmax.f32 v1, v36;
	v1 =	vmin.f32 v1, v36  }
0x16d: {  	v7 =	vmax.f32 v38, v47;
	v8 =	vmin.f32 v38, v47;
	v22 =	vmax.f32 v22, v35  }
0x16e: {  	v60 =	vmax.f32 v14, v9;
	v61 =	vmin.f32 v14, v9;
	v62 =	vmax.f32 v45, v3  }
0x16f: {  	v3 =	vmin.f32 v45, v3;
	v9 =	vmax.f32 v48, v50;
	v14 =	vmax.f32 v49, v51  }
0x170: {  	v0 =	vmin.f32 v63, v7;
	v36 =	vmax.f32 v10, v60;
	v40 =	vmin.f32 v10, v60  }
0x171: {  	v41 =	vmax.f32 v62, v61;
	v43 =	vmin.f32 v62, v61;
	v44 =	vmax.f32 v3, v1  }
0x172: {  	v45 =	vmin.f32 v3, v1;
	v10 =	vmin.f32 v48, v50;
	v60 =	vmin.f32 v49, v51  }
0x173: {  	v61 =	vmax.f32 v63, v7;
	v62 =	vmax.f32 v6, v8;
	v1 =	vmin.f32 v6, v8  }
0x174: {  	v63 =	vmax.f32 v9, v14;
	v37 =	vmin.f32 v9, v14;
	v5 =	vmax.f32 v10, v60  }
0x175: {  	v38 =	vmin.f32 v10, v60;
	v6 =	vmax.f32 v62, v0;
	v0 =	vmin.f32 v62, v0  }
0x176: {  	v3 =	vmin.f32 v61, v63;
	v62 =	vmin.f32 v52, v53;
	v7 =	vmax.f32 v5, v37  }
0x177: {  	v46 =	vmin.f32 v5, v37;
	v37 =	vmax.f32 v61, v63;
	v10 =	vmax.f32 v1, v38  }
0x178: {  	v38 =	vmin.f32 v1, v38;
	v61 =	vmax.f32 v52, v53;
	v63 =	vmax.f32 v54, v56  }
0x179: {  	v8 =	vmax.f32 v6, v7;
	v2 =	vmin.f32 v6, v7;
	v9 =	vmax.f32 v0, v46  }
0x17a: {  	v0 =	vmin.f32 v0, v46;
	v6 =	vmin.f32 v54, v56;
	v7 =	vmax.f32 v55, v58  }
0x17b: {  	v14 =	vmax.f32 v9, v3;
	v3 =	vmin.f32 v9, v3;
	v60 =	vmax.f32 v10, v2  }
0x17c: {  	v2 =	vmin.f32 v10, v2;
	v9 =	vmax.f32 v57, v59;
	v10 =	vmin.f32 v57, v59  }
0x17d: {  	v1 =	vmin.f32 v62, v6;
	v46 =	vmax.f32 v8, v14;
	v47 =	vmin.f32 v8, v14  }
0x17e: {  	v48 =	vmax.f32 v60, v3;
	v49 =	vmin.f32 v60, v3;
	v50 =	vmax.f32 v2, v0  }
0x17f: {  	v51 =	vmin.f32 v2, v0;
	v8 =	vmin.f32 v55, v58;
	v14 =	vmax.f32 v61, v63  }
0x180: {  	v0 =	vmin.f32 v61, v63;
	v58 =	vmax.f32 v62, v6;
	v59 =	vmax.f32 v7, v9  }
0x181: {  	v52 =	vmin.f32 v7, v9;
	v6 =	vmax.f32 v8, v10;
	v53 =	vmin.f32 v8, v10  }
0x182: {  	v7 =	vmax.f32 v58, v0;
	v0 =	vmin.f32 v58, v0;
	v3 =	vmin.f32 v14, v59  }
0x183: {  	v60 =	vld [tilespmem:s14+$0xFFFFE400];
	v8 =	vmax.f32 v6, v52;
	v54 =	vmin.f32 v6, v52;
	v52 =	vmax.f32 v14, v59  }
0x184: {  	v61 =	vld [tilespmem:s14+$0xFFFFE600];
	v14 =	vmax.f32 v1, v53;
	v53 =	vmin.f32 v1, v53;
	v9 =	vmax.f32 v7, v8  }
0x185: {  	v62 =	vld [tilespmem:s14+$0xFFFFE800];
	v2 =	vmin.f32 v7, v8;
	v10 =	vmax.f32 v0, v54;
	v0 =	vmin.f32 v0, v54  }
0x186: {  	v63 =	vld [tilespmem:s14+$0xFFFFEC00];
	v6 =	vmax.f32 v10, v3;
	v3 =	vmin.f32 v10, v3;
	v7 =	vmax.f32 v14, v2  }
0x187: {  	v1 =	vld [tilespmem:s14+$0xFFFFEA00];
	v2 =	vmin.f32 v14, v2;
	v54 =	vmax.f32 v9, v6;
	v55 =	vmin.f32 v9, v6  }
0x188: {  	v56 =	vmax.f32 v7, v3;
	v57 =	vmin.f32 v7, v3;
	v58 =	vmax.f32 v2, v0  }
0x189: {  	v8 =	vld [tilespmem:s14+$0xFFFFEE00];
	v59 =	vmin.f32 v2, v0;
	v9 =	vor.u32 $0xF, v42;
	v10 =	vand.u32 $0xFFFFFFC0, v60  }
0x18a: {  	v14 =	vld [tilespmem:s14+$0xFFFFF000];
	v5 =	vand.u32 $0xFFFFFFC0, v61;
	v6 =	vand.u32 $0xFFFFFFC0, v62;
	v2 =	vor.u32 $0xE, v10  }
0x18b: {  	v60 =	vor.u32 $0xD, v5;
	v61 =	vor.u32 $0xC, v6;
	v10 =	vand.u32 $0xFFFFFFC0, v63  }
0x18c: {  	v7 =	vmax.f32 v9, v2;
	v0 =	vmin.f32 v9, v2;
	v1 =	vand.u32 $0xFFFFFFC0, v1  }
0x18d: {  	v6 =	vld [tilespmem:s14+$0xFFFFF600];
	v9 =	vmax.f32 v60, v61;
	v60 =	vmin.f32 v60, v61;
	v61 =	vor.u32 $0xA, v10  }
0x18e: {  	v1 =	vor.u32 $0xB, v1;
	v3 =	vand.u32 $0xFFFFFFC0, v8;
	v2 =	vmin.f32 v7, v9  }
0x18f: {  	v5 =	vmin.f32 v0, v60;
	v42 =	vand.u32 $0xFFFFFFC0, v14;
	v3 =	vor.u32 $0x9, v3  }
0x190: {  	v14 =	vmax.f32 v1, v61;
	v1 =	vmin.f32 v1, v61;
	v42 =	vor.u32 $0x8, v42  }
0x191: {  	v8 =	vmax.f32 v3, v42;
	v3 =	vmin.f32 v3, v42;
	v42 =	vmax.f32 v7, v9  }
0x192: {  	v9 =	vmax.f32 v0, v60;
	v6 =	vand.u32 $0xFFFFFFC0, v6;
	v60 =	vmax.f32 v14, v8  }
0x193: {  	v61 =	vmin.f32 v14, v8;
	v10 =	vmax.f32 v1, v3;
	v4 =	vmin.f32 v1, v3  }
0x194: {  	v7 =	vld [tilespmem:s14+$0xFFFFF200];
	v3 =	vmax.f32 v9, v2;
	v62 =	vmin.f32 v9, v2;
	v14 =	vmax.f32 v10, v61  }
0x195: {  	v8 =	vld [tilespmem:s14+$0xFFFFF800];
	v61 =	vmin.f32 v10, v61;
	v10 =	vmax.f32 v42, v60;
	v60 =	vmin.f32 v42, v60  }
0x196: {  	v2 =	vld [tilespmem:s14+$0xFFFFFC00];
	v63 =	vmax.f32 v3, v14;
	v1 =	vmin.f32 v3, v14;
	v3 =	vmax.f32 v62, v61  }
0x197: {  	v42 =	vld [tilespmem:s14+$0xFFFFF400];
	v61 =	vmin.f32 v62, v61;
	v62 =	vmax.f32 v5, v4;
	v14 =	vmin.f32 v5, v4  }
0x198: {  	v4 =	vld [tilespmem:s14+$0xFFFFFA00];
	v0 =	vmax.f32 v3, v60;
	v3 =	vmin.f32 v3, v60;
	v9 =	vmax.f32 v62, v1  }
0x199: {  	v5 =	vld [tilespmem:s14+$0xFFFFFE00];
	v1 =	vmin.f32 v62, v1;
	v60 =	vmax.f32 v63, v0;
	v62 =	vmin.f32 v63, v0  }
0x19a: {  	v63 =	vmax.f32 v9, v3;
	v9 =	vmin.f32 v9, v3;
	v3 =	vand.u32 $0xFFFFFFC0, v7  }
0x19b: {  	v6 =	vor.u32 $0x5, v6;
	v7 =	vor.u32 $0x7, v3;
	v3 =	vmax.f32 v1, v61  }
0x19c: {  	v1 =	vmin.f32 v1, v61;
	v61 =	vld [tilespmem:s14+$0x0];
	v8 =	vand.u32 $0xFFFFFFC0, v8;
	v2 =	vand.u32 $0xFFFFFFC0, v2  }
0x19d: {  	v0 =	vand.u32 $0xFFFFFFC0, v42;
	v8 =	vor.u32 $0x4, v8;
	v2 =	vor.u32 $0x2, v2  }
0x19e: {  	v42 =	vor.u32 $0x6, v0;
	v4 =	vand.u32 $0xFFFFFFC0, v4;
	v5 =	vand.u32 $0xFFFFFFC0, v5  }
0x19f: {  	v0 =	vmax.f32 v7, v42;
	v7 =	vmin.f32 v7, v42;
	v4 =	vor.u32 $0x3, v4  }
0x1a0: {  	v42 =	vmax.f32 v6, v8;
	v6 =	vmin.f32 v6, v8;
	v8 =	vmax.f32 v4, v2  }
0x1a1: {  	v2 =	vmin.f32 v4, v2;
	v4 =	vor.u32 $0x1, v5;
	v5 =	vand.u32 $0xFFFFFFC0, v61  }
0x1a2: {  	v61 =	vmax.f32 v4, v5;
	v4 =	vmin.f32 v4, v5;
	v5 =	vmax.f32 v0, v42  }
0x1a3: {  	v0 =	vmin.f32 v0, v42;
	v42 =	vmax.f32 v7, v6;
	v6 =	vmin.f32 v7, v6  }
0x1a4: {  	v7 =	vmax.f32 v8, v61;
	v8 =	vmin.f32 v8, v61;
	v61 =	vmax.f32 v2, v4  }
0x1a5: {  	v2 =	vmin.f32 v2, v4;
	v4 =	vmax.f32 v42, v0;
	v0 =	vmin.f32 v42, v0  }
0x1a6: {  	v42 =	vmax.f32 v61, v8;
	v8 =	vmin.f32 v61, v8;
	v61 =	vmax.f32 v5, v7  }
0x1a7: {  	v5 =	vmin.f32 v5, v7;
	v7 =	vmax.f32 v4, v42;
	v4 =	vmin.f32 v4, v42  }
0x1a8: {  	v42 =	vmax.f32 v0, v8;
	v0 =	vmin.f32 v0, v8;
	v8 =	vmax.f32 v6, v2  }
0x1a9: {  	v2 =	vmin.f32 v6, v2;
	v6 =	vmax.f32 v42, v5;
	v5 =	vmin.f32 v42, v5  }
0x1aa: {  	v42 =	vmax.f32 v8, v4;
	v4 =	vmin.f32 v8, v4;
	v2 =	vmax.f32 v10, v2  }
0x1ab: {  	v8 =	vmax.f32 v7, v6;
	v6 =	vmin.f32 v7, v6;
	v7 =	vmax.f32 v42, v5  }
0x1ac: {  	v5 =	vmin.f32 v42, v5;
	v42 =	vmax.f32 v4, v0;
	v0 =	vmin.f32 v4, v0;
	v4 =	vld [tilespmem:$0x1FF50]  }
0x1ad: {  	v0 =	vmax.f32 v60, v0;
	v5 =	vmax.f32 v63, v5;
	v7 =	vmax.f32 v9, v7  }
0x1ae: {  	v3 =	vmax.f32 v3, v6;
	v1 =	vmax.f32 v1, v8;
	v60 =	vmax.f32 v14, v61  }
0x1af: {  	v9 =	vmax.f32 v2, v7;
	v2 =	vmin.f32 v2, v7;
	v61 =	vmax.f32 v0, v3  }
0x1b0: {  	v0 =	vmin.f32 v0, v3;
	v63 =	vmax.f32 v5, v60;
	v5 =	vmin.f32 v5, v60  }
0x1b1: {  	v7 =	vmin.f32 v61, v63;
	v4 =	vmax.f32 v4, v23;
	v23 =	vmax.f32 v11, v18  }
0x1b2: {  	v11 =	vmin.f32 v11, v18;
	v27 =	vmax.f32 v4, v16;
	v4 =	vmin.f32 v4, v16  }
0x1b3: {  	v16 =	vmin.f32 v28, v24;
	v28 =	vmax.f32 v13, v12;
	v12 =	vmin.f32 v13, v12  }
0x1b4: {  	v13 =	vmax.f32 v30, v44;
	v44 =	vmax.f32 v33, v40;
	v40 =	vmax.f32 v37, v53  }
0x1b5: {  	v25 =	vmax.f32 v27, v23;
	v17 =	vmin.f32 v27, v23;
	v27 =	vmax.f32 v4, v11  }
0x1b6: {  	v4 =	vmin.f32 v4, v11;
	v11 =	vmax.f32 v21, v39;
	v39 =	vmax.f32 v31, v43  }
0x1b7: {  	v43 =	vmax.f32 v32, v41;
	v41 =	vmax.f32 v46, v59;
	v46 =	vmax.f32 v50, v55  }
0x1b8: {  	v20 =	vmax.f32 v25, v26;
	v15 =	vmin.f32 v25, v26;
	v19 =	vmax.f32 v17, v16  }
0x1b9: {  	v16 =	vmin.f32 v17, v16;
	v17 =	vmax.f32 v27, v28;
	v18 =	vmin.f32 v27, v28  }
0x1ba: {  	v23 =	vmax.f32 v4, v12;
	v4 =	vmin.f32 v4, v12;
	v12 =	vmax.f32 v29, v45  }
0x1bb: {  	v45 =	vmax.f32 v34, v36;
	v30 =	vmax.f32 v11, v43;
	v11 =	vmin.f32 v11, v43  }
0x1bc: {  	v33 =	vmax.f32 v39, v22;
	v21 =	vmin.f32 v39, v22;
	v43 =	vmax.f32 v47, v58  }
0x1bd: {  	v47 =	vmax.f32 v51, v54;
	v50 =	vmax.f32 v41, v46;
	v31 =	vmax.f32 v12, v44  }
0x1be: {  	v12 =	vmin.f32 v12, v44;
	v32 =	vmax.f32 v13, v45;
	v13 =	vmin.f32 v13, v45  }
0x1bf: {  	v44 =	vmax.f32 v48, v57;
	v45 =	vmax.f32 v49, v56;
	v48 =	vmax.f32 v38, v52  }
0x1c0: {  	v51 =	vmax.f32 v43, v47;
	v57 =	vmax.f32 v62, v42;
	v38 =	vmax.f32 v61, v63  }
0x1c1: {  	v34 =	vmax.f32 v30, v32;
	v25 =	vmin.f32 v30, v32;
	v35 =	vmax.f32 v31, v33  }
0x1c2: {  	v24 =	vmin.f32 v31, v33;
	v36 =	vmax.f32 v11, v13;
	v11 =	vmin.f32 v11, v13  }
0x1c3: {  	v39 =	vmax.f32 v12, v21;
	v12 =	vmin.f32 v12, v21;
	v49 =	vmax.f32 v40, v45  }
0x1c4: {  	v13 =	vmin.f32 v43, v47;
	v52 =	vmax.f32 v44, v48;
	v30 =	vmin.f32 v44, v48  }
0x1c5: {  	v62 =	vmax.f32 v57, v1;
	v1 =	vmin.f32 v57, v1;
	v21 =	vmax.f32 v34, v35  }
0x1c6: {  	v22 =	vmin.f32 v34, v35;
	v27 =	vmax.f32 v25, v24;
	v24 =	vmin.f32 v25, v24  }
0x1c7: {  	v25 =	vmax.f32 v36, v39;
	v26 =	vmin.f32 v36, v39;
	v28 =	vmax.f32 v11, v12  }
0x1c8: {  	v29 =	vmin.f32 v11, v12;
	v11 =	vmin.f32 v40, v45;
	v12 =	vmin.f32 v41, v46  }
0x1c9: {  	v53 =	vmax.f32 v49, v51;
	v32 =	vmin.f32 v49, v51;
	v54 =	vmax.f32 v50, v52  }
0x1ca: {  	v31 =	vmin.f32 v50, v52;
	v14 =	vmax.f32 v9, v62;
	v3 =	vmin.f32 v9, v62  }
0x1cb: {  	v39 =	vmax.f32 v2, v1;
	v1 =	vmin.f32 v2, v1;
	v40 =	vmax.f32 v0, v5  }
0x1cc: {  	v0 =	vmin.f32 v0, v5;
	v55 =	vmax.f32 v11, v13;
	v13 =	vmin.f32 v11, v13  }
0x1cd: {  	v56 =	vmax.f32 v12, v30;
	v12 =	vmin.f32 v12, v30;
	v30 =	vmax.f32 v53, v54  }
0x1ce: {  	v34 =	vmin.f32 v53, v54;
	v35 =	vmax.f32 v32, v31;
	v31 =	vmin.f32 v32, v31  }
0x1cf: {  	v41 =	vmax.f32 v14, v38;
	v8 =	vmin.f32 v14, v38;
	v42 =	vmax.f32 v3, v7  }
0x1d0: {  	v3 =	vmin.f32 v3, v7;
	v43 =	vmax.f32 v39, v40;
	v2 =	vmin.f32 v39, v40  }
0x1d1: {  	v44 =	vmax.f32 v1, v0;
	v0 =	vmin.f32 v1, v0;
	v45 =	vmax.f32 v20, v29  }
0x1d2: {  	v46 =	vmax.f32 v15, v28;
	v19 =	vmax.f32 v19, v26;
	v16 =	vmax.f32 v16, v25  }
0x1d3: {  	v17 =	vmax.f32 v17, v24;
	v18 =	vmax.f32 v18, v27;
	v22 =	vmax.f32 v23, v22  }
0x1d4: {  	v4 =	vmax.f32 v4, v21;
	v32 =	vmax.f32 v55, v56;
	v33 =	vmin.f32 v55, v56  }
0x1d5: {  	v36 =	vmax.f32 v13, v12;
	v37 =	vmin.f32 v13, v12;
	v47 =	vmax.f32 v45, v17  }
0x1d6: {  	v1 =	vmin.f32 v45, v17;
	v48 =	vmax.f32 v46, v18;
	v18 =	vmin.f32 v46, v18  }
0x1d7: {  	v49 =	vmax.f32 v19, v22;
	v19 =	vmin.f32 v19, v22;
	v50 =	vmax.f32 v16, v4  }
0x1d8: {  	v4 =	vmin.f32 v16, v4;
	v0 =	vmax.f32 v30, v0;
	v61 =	vmax.f32 v34, v44  }
0x1d9: {  	v2 =	vmax.f32 v35, v2;
	v7 =	vmax.f32 v31, v43;
	v51 =	vmax.f32 v47, v49  }
0x1da: {  	v20 =	vmin.f32 v47, v49;
	v52 =	vmax.f32 v48, v50;
	v17 =	vmin.f32 v48, v50  }
0x1db: {  	v53 =	vmax.f32 v1, v19;
	v1 =	vmin.f32 v1, v19;
	v54 =	vmax.f32 v18, v4  }
0x1dc: {  	v4 =	vmin.f32 v18, v4;
	v3 =	vmax.f32 v32, v3;
	v9 =	vmax.f32 v33, v42  }
0x1dd: {  	v8 =	vmax.f32 v36, v8;
	v5 =	vmax.f32 v37, v41;
	v55 =	vmax.f32 v51, v52  }
0x1de: {  	v11 =	vpop (erf);
	v21 =	vmin.f32 v51, v52;
	v56 =	vmax.f32 v20, v17;
	v20 =	vmin.f32 v20, v17  }
0x1df: {  	v12 =	vpop (erf);
	v57 =	vmax.f32 v53, v54;
	v19 =	vmin.f32 v53, v54;
	v62 =	vmax.f32 v0, v3  }
0x1e0: {  	v0 =	vmin.f32 v0, v3;
	v63 =	vmax.f32 v61, v9;
	v58 =	vadd.f32 v12, v11  }
0x1e1: {  	v26 =	vmax.f32 v2, v8;
	v2 =	vmin.f32 v2, v8;
	v27 =	vmax.f32 v7, v5;
	v13 =	vpop (erf)  }
0x1e2: {  	v5 =	vmin.f32 v7, v5;
	v28 =	vmax.f32 v62, v26;
	v59 =	vadd.f32 v13, v58  }
0x1e3: {  	v29 =	vmax.f32 v63, v27;
	v3 =	vmin.f32 v63, v27;
	v31 =	vmax.f32 v0, v2;
	v14 =	vpop (erf)  }
0x1e4: {  	v0 =	vmin.f32 v0, v2;
	v33 =	vmax.f32 v28, v29;
	v6 =	vadd.f32 v14, v59  }
0x1e5: {  	s16 =	sadd.s32 $0x10, s15;
	v7 =	vmin.f32 v28, v29;
	v15 =	vpop (erf);
	v58 =	vmax.f32 v1, v4;
	v59 =	vlaneseq.u32  }
0x1e6: {  	v1 =	vmin.f32 v1, v4;
	v18 =	vor.u32 s16, v59;
	v6 =	vadd.f32 v15, v6  }
0x1e7: {  	v16 =	vpop (erf);
	v7 =	vmax.f32 v58, v7;
	v1 =	vmax.f32 v1, v33;
	v50 =	vand.u32 $0x1F8, v18  }
0x1e8: {  	v60 =	vadd.f32 v16, v6;
	v6 =	vmin.f32 v61, v9;
	v9 =	vmin.f32 v62, v26  }
0x1e9: {  	v17 =	vpop (erf);
	v32 =	vmax.f32 v6, v5;
	v5 =	vmin.f32 v6, v5;
	v34 =	vmax.f32 v9, v3  }
0x1ea: {  	v3 =	vmin.f32 v9, v3;
	v4 =	vadd.f32 v17, v60;
	v35 =	vmax.f32 v31, v32  }
0x1eb: {  	v2 =	vmin.f32 v31, v32;
	v36 =	vmax.f32 v0, v5;
	v0 =	vmin.f32 v0, v5  }
0x1ec: {  	v3 =	vmax.f32 v57, v3;
	v39 =	vmax.f32 v19, v34;
	v0 =	vmax.f32 v55, v0  }
0x1ed: {  	v37 =	vmax.f32 v21, v36;
	v2 =	vmax.f32 v56, v2;
	v38 =	vmax.f32 v20, v35  }
0x1ee: {  	v40 =	vmax.f32 v0, v3;
	v41 =	vmin.f32 v0, v3;
	v42 =	vmax.f32 v37, v39  }
0x1ef: {  	v5 =	vmin.f32 v37, v39;
	v43 =	vmax.f32 v2, v7;
	v44 =	vmax.f32 v38, v1  }
0x1f0: {  	v30 =	vld [tilespmem:$0x1FFF0];
	v2 =	vmin.f32 v2, v7;
	v45 =	vmax.f32 v40, v43;
	v46 =	vmax.f32 v42, v44  }
0x1f1: {  	v8 =	vmin.f32 v38, v1;
	v6 =	vmin.f32 v40, v43;
	v47 =	vmax.f32 v45, v46  }
0x1f2: {  	v7 =	vmin.f32 v42, v44;
	v49 =	vmin.f32 v45, v46;
	v1 =	vandn.u32 $0x3F, v47  }
0x1f3: {  	v48 =	vmax.f32 v41, v2;
	v0 =	vandn.u32 $0x3F, v49;
	v51 =	vshll.u32 v1, $0x9  }
0x1f4: {  	v52 =	vmax.f32 v6, v7;
	v53 =	vshll.u32 v0, $0x9;
	v19 =	vor.u32 v50, v51  }
0x1f5: {  	v3 =	vandn.u32 $0x3F, v52;
	v55 =	vor.u32 v50, v53;
	v54 =	vor.u32 v30, v19  }
0x1f6: {  	v6 =	vmin.f32 v6, v7;
	v57 =	vshll.u32 v3, $0x9;
	v56 =	vor.u32 v30, v55  }
0x1f7: {  	v58 =	vmax.f32 v5, v8;
	v59 =	vor.u32 v50, v57;
	v19 =	vandn.u32 $0x3F, v6  }
0x1f8: {  	v60 =	vmax.f32 v48, v58;
	v23 =	vor.u32 v30, v59;
	v61 =	vshll.u32 v19, $0x9  }
0x1f9: {  	v2 =	vmin.f32 v41, v2;
	v6 =	vandn.u32 $0x3F, v60;
	v62 =	vor.u32 v50, v61  }
0x1fa: {  	v20 =	vmin.f32 v48, v58;
	v31 =	vshll.u32 v6, $0x9;
	v10 =	vor.u32 v30, v62;
	v63 =	vld.idx.msk [tilespmem:v54+s2+$0x0], $0xffff  }
0x1fb: {  	v5 =	vmin.f32 v5, v8;
	v20 =	vandn.u32 $0x3F, v20;
	v32 =	vor.u32 v50, v31;
	v7 =	vld.idx.msk [tilespmem:v56+s2+$0x0], $0xffff  }
0x1fc: {  	v22 =	vpop (erf);
	v33 =	vmax.f32 v2, v5;
	v34 =	vshll.u32 v20, $0x9;
	v8 =	vor.u32 v30, v32  }
0x1fd: {  	v4 =	vadd.f32 v22, v4;
	v24 =	vandn.u32 $0x3F, v33;
	v25 =	vor.u32 v50, v34;
	v23 =	vld.idx.msk [tilespmem:v23+s2+$0x0], $0xffff  }
0x1fe: {  	v2 =	vmin.f32 v2, v5;
	v36 =	vshll.u32 v24, $0x9;
	v35 =	vor.u32 v30, v25  }
0x1ff: {  	v2 =	vandn.u32 $0x3F, v2;
	v25 =	vor.u32 v50, v36;
	v10 =	vld.idx.msk [tilespmem:v10+s2+$0x0], $0xffff;
	v37 =	vsub.f32 v63, v63  }
0x200: {  	v38 =	vshll.u32 v2, $0x9;
	v25 =	vor.u32 v30, v25;
	v7 =	vsub.f32 v7, v63  }
0x201: {  	(erf) = vrcp.f32 v4;
	v40 =	vor.u32 v50, v38;
	v39 =	vld.idx.msk [tilespmem:v8+s2+$0x0], $0xffff;
	v41 =	vmul.f32 $1.442695020e+00, v37  }
0x202: {  	v8 =	vor.u32 v30, v40;
	v23 =	vsub.f32 v23, v63;
	v7 =	vmul.f32 $1.442695020e+00, v7  }
0x203: {  	v5 =	vld.idx.msk [tilespmem:v35+s2+$0x0], $0xffff;
	(erf) = vpow2.f32 v41  }
0x204: {  	v42 =	vmul.f32 $1.442695020e+00, v23;
	v43 =	vsub.f32 v10, v63;
	(erf) = vpow2.f32 v7  }
0x205: {  	v44 =	vld.idx.msk [tilespmem:v25+s2+$0x0], $0xffff  }
0x206: {  	v4 =	vsub.f32 v39, v63;
	v45 =	vmul.f32 $1.442695020e+00, v43;
	(erf) = vpow2.f32 v42  }
0x207: {  	v8 =	vld.idx.msk [tilespmem:v8+s2+$0x0], $0xffff  }
0x208: {  	v5 =	vsub.f32 v5, v63;
	v4 =	vmul.f32 $1.442695020e+00, v4;
	(erf) = vpow2.f32 v45;
	_ =	sdelay $0x1  }
0x209: {  	v47 =	vsub.f32 v44, v63;
	v46 =	vmul.f32 $1.442695020e+00, v5;
	(erf) = vpow2.f32 v4  }
0x20a: {  	v48 =	vpop (erf)  }
0x20b: {  	v50 =	vmul.f32 $1.442695020e+00, v47;
	v51 =	vsub.f32 v8, v63;
	(erf) = vpow2.f32 v46;
	v49 =	vpop (erf)  }
0x20c: {  	v8 =	vpop (erf)  }
0x20d: {  	v57 =	vld [tilespmem:$0x1FF60];
	v52 =	vmul.f32 $1.442695020e+00, v51;
	(erf) = vpow2.f32 v50;
	v53 =	vadd.f32 v8, v49  }
0x20e: {  	v54 =	vpop (erf)  }
0x20f: {  	(erf) = vpow2.f32 v52;
	v55 =	vadd.f32 v54, v53  }
0x210: {  	v56 =	vpop (erf)  }
0x211: {  	v4 =	vadd.f32 v56, v55  }
0x212: {  	v23 =	vshll.u32 v57, $0x3;
	v21 =	vpop (erf)  }
0x213: {  	v61 =	vld [tilespmem:$0x1FF70];
	v4 =	vadd.f32 v21, v4  }
0x214: {  	v58 =	vor.u32 $0x1, v23;
	v25 =	vpop (erf)  }
0x215: {  	v31 =	vld [tilespmem:$0x1FF80];
	v11 =	vmul.f32 v48, v11;
	v4 =	vadd.f32 v25, v4  }
0x216: {  	v59 =	vor.u32 $0x2, v23;
	v27 =	vpop (erf)  }
0x217: {  	v34 =	vld [tilespmem:$0x1FF90];
	v60 =	vmul.f32 v48, v12;
	[tilespmem:v23+s10+$0x0] =	vst.idx.msk $0xffff, v11;
	v4 =	vadd.f32 v27, v4  }
0x218: {  	v62 =	vor.u32 $0x3, v23;
	[tilespmem:v23+s11+$0x0] =	vst.idx.msk $0xffff, v61;
	v63 =	vpop (erf)  }
0x219: {  	v30 =	vmul.f32 v48, v13;
	v37 =	vld [tilespmem:$0x1FFA0];
	[tilespmem:v58+s10+$0x0] =	vst.idx.msk $0xffff, v60;
	v4 =	vadd.f32 v63, v4  }
0x21a: {  	v32 =	vor.u32 $0x4, v23;
	[tilespmem:v58+s11+$0x0] =	vst.idx.msk $0xffff, v31  }
0x21b: {  	v33 =	vmul.f32 v48, v14;
	v40 =	vld [tilespmem:$0x1FFB0];
	[tilespmem:v59+s10+$0x0] =	vst.idx.msk $0xffff, v30;
	(erf) = vrcp.f32 v4  }
0x21c: {  	v35 =	vor.u32 $0x5, v23;
	[tilespmem:v59+s11+$0x0] =	vst.idx.msk $0xffff, v34  }
0x21d: {  	v36 =	vmul.f32 v48, v15;
	v43 =	vld [tilespmem:$0x1FFC0];
	[tilespmem:v62+s10+$0x0] =	vst.idx.msk $0xffff, v33  }
0x21e: {  	v38 =	vor.u32 $0x6, v23;
	[tilespmem:v62+s11+$0x0] =	vst.idx.msk $0xffff, v37  }
0x21f: {  	v39 =	vmul.f32 v48, v16;
	v46 =	vld [tilespmem:$0x1FFD0];
	[tilespmem:v32+s10+$0x0] =	vst.idx.msk $0xffff, v36  }
0x220: {  	v41 =	vor.u32 $0x7, v23;
	[tilespmem:v32+s11+$0x0] =	vst.idx.msk $0xffff, v40  }
0x221: {  	v42 =	vmul.f32 v48, v17;
	v50 =	vld [tilespmem:$0x1FFE0];
	[tilespmem:v35+s10+$0x0] =	vst.idx.msk $0xffff, v39  }
0x222: {  	v44 =	vshll.u32 v18, $0x3;
	[tilespmem:v35+s11+$0x0] =	vst.idx.msk $0xffff, v43  }
0x223: {  	v45 =	vmul.f32 v48, v22;
	[tilespmem:v38+s10+$0x0] =	vst.idx.msk $0xffff, v42  }
0x224: {  	v48 =	vor.u32 $0x1, v44;
	[tilespmem:v38+s11+$0x0] =	vst.idx.msk $0xffff, v46;
	v47 =	vpop (erf)  }
0x225: {  	[tilespmem:v41+s10+$0x0] =	vst.idx.msk $0xffff, v45;
	v49 =	vmul.f32 v47, v49  }
0x226: {  	v51 =	vor.u32 $0x2, v44;
	[tilespmem:v41+s11+$0x0] =	vst.idx.msk $0xffff, v50  }
0x227: {  	v52 =	vmul.f32 v47, v8;
	[tilespmem:v44+s10+$0x0] =	vst.idx.msk $0xffff, v49  }
0x228: {  	v53 =	vor.u32 $0x3, v44;
	[tilespmem:v44+s11+$0x0] =	vst.idx.msk $0xffff, v1  }
0x229: {  	v54 =	vmul.f32 v47, v54;
	[tilespmem:v48+s10+$0x0] =	vst.idx.msk $0xffff, v52  }
0x22a: {  	v55 =	vor.u32 $0x4, v44;
	[tilespmem:v48+s11+$0x0] =	vst.idx.msk $0xffff, v0  }
0x22b: {  	v56 =	vmul.f32 v47, v56;
	[tilespmem:v51+s10+$0x0] =	vst.idx.msk $0xffff, v54  }
0x22c: {  	v57 =	vor.u32 $0x5, v44;
	[tilespmem:v51+s11+$0x0] =	vst.idx.msk $0xffff, v3  }
0x22d: {  	v58 =	vmul.f32 v47, v21;
	[tilespmem:v53+s10+$0x0] =	vst.idx.msk $0xffff, v56  }
0x22e: {  	v59 =	vor.u32 $0x6, v44;
	[tilespmem:v53+s11+$0x0] =	vst.idx.msk $0xffff, v19  }
0x22f: {  	v60 =	vmul.f32 v47, v25;
	[tilespmem:v55+s10+$0x0] =	vst.idx.msk $0xffff, v58  }
0x230: {  	s13 =	sadd.s32 $0x2, s13;
	v61 =	vor.u32 $0x7, v44;
	[tilespmem:v55+s11+$0x0] =	vst.idx.msk $0xffff, v6  }
0x231: {  	p0 =	slt.u32 s13, $0x1E;
	v62 =	vmul.f32 v47, v27;
	[tilespmem:v57+s10+$0x0] =	vst.idx.msk $0xffff, v60  }
.Ltmp0:
0x232: {  	[tilespmem:v57+s11+$0x0] =	vst.idx.msk $0xffff, v20;
	(pc) =	sbr.rel @p0 .LBB2_2-.Ltmp0, $4  }
0x233: {  	v63 =	vmul.f32 v47, v63;
	[tilespmem:v59+s10+$0x0] =	vst.idx.msk $0xffff, v62  }
0x234: {  	[tilespmem:v59+s11+$0x0] =	vst.idx.msk $0xffff, v24  }
0x235: {  	[tilespmem:v61+s10+$0x0] =	vst.idx.msk $0xffff, v63  }
0x236: {  	s15 =	sadd.s32 $0x20, s15;
	s14 =	sadd.s32 $0x20, s14;
	[tilespmem:v61+s11+$0x0] =	vst.idx.msk $0xffff, v2  }
0x237: {  	[hbm4b:s4+s2] =	stream.linear.scatter [tilespmem:s10], [sflag:$0x1], $0x1000, $0x38;
	[tilespmem:$0xA000] =	vst v63  }
0x238: {  	s12 =	sadd.s32 $0x1, s12;
	_ =	swait.ge [sflag:s9], $0x1000  }
0x239: {  	p0 =	sne.s32 s12, s6;
	[sflag:s9] =	ssyncset.done $0x0  }
.Ltmp1:
0x23a: {  	[sflag:s9] =	ssyncadd.s32 $0xFFFFF000;
	(pc) =	sbr.rel @p0 .LBB2_1-.Ltmp1, $4  }
0x23b: {  	[hbm4b:s5+s2] =	stream.linear.scatter [tilespmem:s11], [sflag:$0x1], $0x1000, $0x38;
	[tilespmem:$0xA000] =	vst v63  }
0x23c: {  	_ =	swait.ge [sflag:s9], $0x1000  }
0x23d: {  	[sflag:s9] =	ssyncset.done $0x0  }
0x23e: {  	[sflag:s9] =	ssyncadd.s32 $0xFFFFF000  }
0x23f: {  	_ =	sfence.sel $0x180000  }
0x240: {  	[bflag:$0x0] =	sbarrier.arrive $0xFFFF  }
0x241: {  	p0 =	sne.s32 s1, $0x0;
	_ =	strace $0x90000047  }
0x242: {  	s0 =	sadd.s32 @!p0 $0x100000, s0;
	[bflag:$0x2] =	sbarrier.arrive $0xFFFF  }
0x243: {  	[sflag:s0] =	ssyncadd.tile.s32 @!p0 $0x1;
	_ =	shalt  }
.Lfunc_end2:
_tile_overlayer_lowered:
.L_overlay_start_2:
0x244: {  	(tag) =	ssettag $0x2  }
0x245: {  	s0 =	rddreg [dreg:$0x0];
	s2 =	stileid.u32  }
0x246: {  	s1 =	rddreg [dreg:$0x1];
	p0 =	sne.s32 s2, $0x0  }
0x247: {  	s3 =	rddreg [dreg:$0x2];
	[bflag:$0x3] =	sbarrier.arrive $0xFFFF;
	s2 =	simm.s32 @!p0 $0x1C01  }
0x248: {  	[timem:s3], [sflag:s2] =	dma.local @!p0 [hbm:s0], s1  }
0x249: {  	s0 =	simm.s32 @!p0 $0x1  }
0x24a: {  	_ =	swait.ge @!p0 [sflag:s0], s1  }
0x24b: {  	s1 =	ssub.s32 @!p0 $0x0, s1;
	[sflag:s0] =	ssyncset.done @!p0 $0x0  }
0x24c: {  	[sflag:s0] =	ssyncadd.s32 @!p0 s1  }
0x24d: {  	[bflag:$0x3] =	sbarrier.arrive $0xFFFF  }
0x24e: {  	_ =	shalt  }

// kernel: kernel.9.cloned.1.call-start
scs
__scs_entry_jumppad:
0x0: {  	(pc) =	sbr.rel $0x88, $3  }
0x1: {  	(tag) =	ssettag $0x0;
	lr =	simm.s32 $0x1  }
0x2: {  	[smem:$0x3F9E] =	sst lr;
	_ =	strace $0xD0000000  }
0x3: {  	_ = 	snop  }
0x4: {  	_ = 	snop  }
0x5: {  	_ = 	snop  }
0x6: {  	_ = 	snop  }
0x7: {  	_ = 	snop  }
__scs_overlays_trampoline_lowered:
0x8: {  	[smem:$0x3FAD] =	sst s0  }
0x9: {  	[smem:$0x3FAE] =	sst s1  }
0xa: {  	[smem:$0x3FAF] =	sst s2  }
0xb: {  	[smem:$0x3FB0] =	sst s3  }
0xc: {  	[smem:$0x3FB1] =	sst s4  }
0xd: {  	[smem:$0x3FB2] =	sst s5  }
0xe: {  	[smem:$0x3FB3] =	sst s6  }
0xf: {  	[smem:$0x3FB4] =	sst s7  }
0x10: {  	[smem:$0x3FB5] =	sst s8  }
0x11: {  	[smem:$0x3FB6] =	sst s9;
	s0 =	simm.s32 @!p0 $0x0  }
0x12: {  	s1 =	sld [smem:$0x3F9C];
	s0 =	simm.s32 @p0 $0x1  }
0x13: {  	[smem:$0x3FB7] =	sst s0;
	s0 =	simm.s32 @!p1 $0x0  }
0x14: {  	s2 =	sld [smem:$0x3F9B];
	s0 =	simm.s32 @p1 $0x1  }
0x15: {  	[smem:$0x3FB8] =	sst s0;
	s0 =	simm.s32 @!p2 $0x0  }
0x16: {  	s3 =	sld [smem:$0x3FDB];
	s0 =	simm.s32 @p2 $0x1  }
0x17: {  	s4 =	simm.s32 $0x1BF5;
	[smem:$0x3FBA] =	sst s0  }
0x18: {  	s0 =	sld [smem:$0x3F9D];
	_ =	swait.ge [sflag:s4], $0x0  }
0x19: {  	s7 =	sld [smem:$0x3F9E]  }
0x1a: {  	s8 =	sadd.s32 $0xFFFFE003, lr  }
0x1b: {  	s9 =	sadd.s32 $0xFFFFFEF7, lr;
	s5 =	simm.s32 $0xFFFFFFFF;
	p2 =	slt.u32 s8, $0xFFFFF086  }
0x1c: {  	p1 =	slt.u32 s9, $0xF7A;
	s5 =	simm.s32 @!p2 $0x0  }
0x1d: {  	s5 =	simm.s32 @p1 $0x1;
	p0 =	seq.s32 s7, s2  }
0x1e: {  	s7 =	smul.u32 @!p0 $0xF7A, s2;
	p2 =	seq.s32 @!p0 s5, $0x0  }
0x1f: {  	s9 =	smul.u32 $0xF7A, s1;
	s8 =	simm.s32 @!p0 $0x1BF5;
	p2 =	por !p2, p0  }
0x20: {  	[sflag:s8] =	ssyncset.s32 @!p0 $0xFFFFF086;
	s6 =	sadd.s32 @!p0 s3, s7;
	s7 =	simm.s32 @!p0 $0x108  }
0x21: {  	s3 =	sadd.s32 s3, s9;
	s6 =	sadd.s32 @!p0 $0x88, s6;
	s7 =	simm.s32 @p2 $0x1082  }
0x22: {  	[simem:s7], [sflag:s8] =	dma.local @!p0 [hbm:s6], $0xF7A  }
0x23: {  	s9 =	sor.u32 $0xD0000000, s2;
	s6 =	simm.s32 $0x108;
	_ =	swait.ge @!p0 [sflag:s8], $0x0  }
0x24: {  	s3 =	sadd.s32 $0x88, s3;
	s6 =	simm.s32 @!p1 $0x1082;
	[sflag:s4] =	ssyncset.s32 $0xFFFFF086  }
0x25: {  	[simem:s6], [sflag:s4] =	dma.local [hbm:s3], $0xF7A  }
0x26: {  	[smem:$0x3F9E] =	sst s1;
	(tag) =	ssettag s2;
	_ =	strace s9  }
0x27: {  	s1 =	sld [smem:$0x3FAE]  }
0x28: {  	s2 =	sld [smem:$0x3FAF]  }
0x29: {  	s4 =	sld [smem:$0x3FB1]  }
0x2a: {  	p0 =	seq.s32 s5, $0x0;
	s5 =	sld [smem:$0x3FB2]  }
0x2b: {  	s6 =	sld [smem:$0x3FB3]  }
0x2c: {  	s7 =	sld [smem:$0x3FB4]  }
0x2d: {  	s3 =	simm.s32 $0x108;
	s8 =	sld [smem:$0x3FB5]  }
0x2e: {  	s3 =	simm.s32 @!p0 $0x1082;
	s9 =	sld [smem:$0x3FB6]  }
0x2f: {  	lr =	sadd.s32 s0, s3;
	s0 =	sld [smem:$0x3FAD]  }
0x30: {  	s3 =	sld [smem:$0x3FB0]  }
0x31: {  	[smem:$0x3FB9] =	sst s10  }
0x32: {  	s10 =	sld [smem:$0x3FB7];
	_ =	sdelay $0x3  }
0x33: {  	p0 =	seq.s32 s10, $0x1;
	s10 =	sld [smem:$0x3FB9];
	_ =	sdelay $0x3  }
0x34: {  	[smem:$0x3FB9] =	sst s10  }
0x35: {  	s10 =	sld [smem:$0x3FB8];
	_ =	sdelay $0x3  }
0x36: {  	p1 =	seq.s32 s10, $0x1;
	s10 =	sld [smem:$0x3FB9];
	_ =	sdelay $0x3  }
0x37: {  	[smem:$0x3FB9] =	sst s10  }
0x38: {  	s10 =	sld [smem:$0x3FBA]  }
0x39: {  	_ = 	snop;
	(pc) =	sbr.ind lr, $3  }
0x3a: {  	_ = 	snop  }
0x3b: {  	_ = 	snop  }
0x3c: {  	p2 =	seq.s32 s10, $0x1;
	s10 =	sld [smem:$0x3FB9]  }
0x3d: {  	_ =	shalt  }
0x3e: {  	_ =	shalt  }
0x3f: {  	_ =	shalt  }
0x40: {  	_ =	shalt  }
0x41: {  	_ =	shalt  }
0x42: {  	_ =	shalt  }
0x43: {  	_ =	shalt  }
0x44: {  	_ =	shalt  }
0x45: {  	_ =	shalt  }
0x46: {  	_ =	shalt  }
0x47: {  	_ =	shalt  }
0x48: {  	_ =	shalt  }
0x49: {  	_ =	shalt  }
0x4a: {  	_ =	shalt  }
0x4b: {  	_ =	shalt  }
0x4c: {  	_ =	shalt  }
0x4d: {  	_ =	shalt  }
0x4e: {  	_ =	shalt  }
0x4f: {  	_ =	shalt  }
0x50: {  	_ =	shalt  }
0x51: {  	_ =	shalt  }
0x52: {  	_ =	shalt  }
0x53: {  	_ =	shalt  }
0x54: {  	_ =	shalt  }
0x55: {  	_ =	shalt  }
0x56: {  	_ =	shalt  }
0x57: {  	_ =	shalt  }
0x58: {  	_ =	shalt  }
0x59: {  	_ =	shalt  }
0x5a: {  	_ =	shalt  }
0x5b: {  	_ =	shalt  }
0x5c: {  	_ =	shalt  }
0x5d: {  	_ =	shalt  }
0x5e: {  	_ =	shalt  }
0x5f: {  	_ =	shalt  }
0x60: {  	_ =	shalt  }
0x61: {  	_ =	shalt  }
0x62: {  	_ =	shalt  }
0x63: {  	_ =	shalt  }
0x64: {  	_ =	shalt  }
0x65: {  	_ =	shalt  }
0x66: {  	_ =	shalt  }
0x67: {  	_ =	shalt  }
0x68: {  	_ =	shalt  }
0x69: {  	_ =	shalt  }
0x6a: {  	_ =	shalt  }
0x6b: {  	_ =	shalt  }
0x6c: {  	_ =	shalt  }
0x6d: {  	_ =	shalt  }
0x6e: {  	_ =	shalt  }
0x6f: {  	_ =	shalt  }
0x70: {  	_ =	shalt  }
0x71: {  	_ =	shalt  }
0x72: {  	_ =	shalt  }
0x73: {  	_ =	shalt  }
0x74: {  	_ =	shalt  }
0x75: {  	_ =	shalt  }
0x76: {  	_ =	shalt  }
0x77: {  	_ =	shalt  }
0x78: {  	_ =	shalt  }
0x79: {  	_ =	shalt  }
0x7a: {  	_ =	shalt  }
0x7b: {  	_ =	shalt  }
0x7c: {  	_ =	shalt  }
0x7d: {  	_ =	shalt  }
0x7e: {  	_ =	shalt  }
0x7f: {  	_ =	shalt  }
0x80: {  	_ =	shalt  }
0x81: {  	_ =	shalt  }
0x82: {  	_ =	shalt  }
0x83: {  	_ =	shalt  }
0x84: {  	_ =	shalt  }
0x85: {  	_ =	shalt  }
0x86: {  	_ =	shalt  }
0x87: {  	_ =	shalt  }
.Lfunc_end0:
.L_simem_size_0:
called_computation.1_lowered:
.L_overlay_start_0:
0x88: {  	s2 =	sld [smem:$0x3FD9]  }
0x89: {  	s3 =	sld [smem:$0x3FFE];
	_ =	sdelay $0x1  }
0x8a: {  	s1 =	srdreg.scid  }
0x8b: {  	s0 =	sand.u32 $0x1, s1  }
0x8c: {  	s15 =	sshll.u32 s0, $0xA;
	s2 =	sadd.s32 s3, s2  }
0x8d: {  	s2 =	sadd.s32 s2, s15  }
0x8e: {  	[smem:$0x3FC5] =	sst s2  }
0x8f: {  	_ = 	snop  }
0x90: {  	s2 =	sld [smem:$0x3FD0];
	_ =	sdelay $0x2  }
0x91: {  	s4 =	simm.s32 $0xB;
	s16 =	simm.s32 $0x10  }
0x92: {  	[smem:s16], [sflag:s4] =	dma.local [hbm:s2], $0x1  }
0x93: {  	_ =	swait.eq [sflag:s4], $0x1  }
0x94: {  	[sflag:s4] =	ssyncset.done $0x0  }
0x95: {  	s17 =	sld [smem:$0x10];
	[sflag:s4] =	ssyncadd.s32 $0xFFFFFFFF  }
0x96: {  	s18 =	sld [smem:$0x11];
	(tm) =	ssettm $0x1  }
0x97: {  	s19 =	sld [smem:$0x3FFB];
	_ =	sdelay $0x3  }
0x98: {  	_ =	strace s19  }
0x99: {  	s2 =	sld [smem:$0x3FFC];
	_ =	sdelay $0x3  }
0x9a: {  	_ =	strace s2  }
0x9b: {  	s2 =	sld [smem:$0x3FFD];
	_ =	sdelay $0x3  }
0x9c: {  	_ =	strace s2  }
0x9d: {  	_ =	strace $0x8FFFFFFF  }
0x9e: {  	s20 =	sld [smem:$0x3FDB];
	_ =	sdelay $0x1  }
0x9f: {  	s5 =	simm.s32 $_scs_section_size  }
0xa0: {  	s6 =	simm.s32 $_size__tile_overlayer_lowered;
	s7 =	simm.s32 $_tile_overlayer_lowered  }
0xa1: {  	s8 =	simm.s32 $0x1BFF;
	s21 =	sshll.u32 s7, $0x1;
	s5 =	sadd.s32 s5, s20  }
0xa2: {  	s22 =	simm.s32 $0x0;
	s6 =	sshll.u32 s6, $0x1;
	s7 =	sadd.s32 s21, s5  }
0xa3: {  	[timem:s22], [sflag:s8] =	dma.local [hbm:s7], s6  }
0xa4: {  	_ =	swait.ge [sflag:s8], s6  }
0xa5: {  	s6 =	ssub.s32 $0x0, s6;
	[sflag:s8] =	ssyncset.done $0x0  }
0xa6: {  	[sflag:s8] =	ssyncadd.s32 s6;
	_ =	sdelay $0x1  }
0xa7: {  	s23 =	simm.s32 $0x1B8B  }
0xa8: {  	_ =	swait.ge [sflag:s23], $0x1  }
0xa9: {  	[sflag:s23] =	ssyncset.done $0x0  }
0xaa: {  	[sflag:s23] =	ssyncadd.s32 $0xFFFFFFFF  }
0xab: {  	s6 =	sld [smem:$0x0]  }
0xac: {  	s7 =	sand.u32 $0xFFFFFFFE, s1  }
0xad: {  	p0 =	sne.s32 s1, s7  }
0xae: {  	s7 =	sshll.u32 @p0 s7, $0xE  }
0xaf: {  	s7 =	sadd.s32 @p0 $0x11B8D, s7;
	s8 =	sshll.u32 @p0 s6, $0x11  }
0xb0: {  	s7 =	sor.u32 @p0 s8, s7  }
0xb1: {  	[sflag:s7] =	ssyncadd.remote.s32 @p0 $0x1;
	_ =	sdelay $0x1  }
0xb2: {  	s7 =	simm.s32 @p0 $0x1B8D  }
0xb3: {  	_ =	swait.eq @p0 [sflag:s7], $0x1  }
0xb4: {  	[sflag:s7] =	ssyncadd.s32 @p0 $0xFFFFFFFF  }
0xb5: {  	s8 =	sshll.u32 @!p0 s1, $0xE  }
0xb6: {  	s8 =	sor.u32 @!p0 $0x4000, s8;
	s7 =	simm.s32 @!p0 $0x1B8D  }
0xb7: {  	s6 =	sshll.u32 @!p0 s6, $0x11;
	s8 =	sadd.s32 @!p0 $0x11B8D, s8;
	_ =	swait.eq @!p0 [sflag:s7], $0x1  }
0xb8: {  	s6 =	sor.u32 @!p0 s6, s8;
	[sflag:s7] =	ssyncadd.s32 @!p0 $0xFFFFFFFF  }
0xb9: {  	s25 =	simm.s32 $0x1B8E;
	s24 =	sld [smem:$0x3FFE];
	[sflag:s6] =	ssyncadd.remote.s32 @!p0 $0x1  }
0xba: {  	s26 =	simm.s32 $execute0_lowered;
	[smem:$0x3FD2] =	sst s25  }
0xbb: {  	s7 =	sshll.u32 s26, $0x1;
	_ =	strace $0x80000049;
	[dreg:$0x1] =	wrdreg $0xFFFFFFFF  }
0xbc: {  	s28 =	simm.s32 $_size_execute0_lowered;
	s5 =	sadd.s32 s5, s7;
	[dreg:$0x0] =	wrdreg $0x0  }
0xbd: {  	s7 =	sshll.u32 s28, $0x1;
	[dreg:$0x2] =	wrdreg s5  }
0xbe: {  	[dreg:$0x3] =	wrdreg s7  }
0xbf: {  	[dreg:$0x4] =	wrdreg $0xC0  }
0xc0: {  	_ =	task [dreg:s22], $0x5FFFF  }
0xc1: {  	[dreg:$0x1] =	wrdreg $0xFFFFFFFF  }
0xc2: {  	[dreg:$0x0] =	wrdreg $0x60  }
0xc3: {  	[dreg:$0x2] =	wrdreg s24  }
0xc4: {  	[dreg:$0x3] =	wrdreg s18  }
0xc5: {  	[dreg:$0x4] =	wrdreg s17  }
0xc6: {  	[dreg:$0x5] =	wrdreg $0xA  }
0xc7: {  	_ =	task.clear_ibuf [dreg:s22], $0x6FFFF;
	_ =	strace $0x90000049  }
0xc8: {  	s29 =	simm.s32 $0xA;
	_ =	strace $0x8000004B  }
0xc9: {  	_ =	swait.ge [sflag:s29], $0x1  }
0xca: {  	[sflag:s29] =	ssyncadd.s32 $0xFFFFFFFF  }
0xcb: {  	_ =	strace $0x9000004B  }
0xcc: {  	_ =	sfence  }
0xcd: {  	s30 =	sld [smem:$0x0];
	_ =	sdelay $0x2  }
0xce: {  	s31 =	sshll.u32 s1, $0xD;
	s1 =	sshrl.u32 s1, $0x2  }
0xcf: {  	s4 =	sand.u32 $0x4000, s31;
	s1 =	sadd.s32 s1, s30  }
0xd0: {  	s0 =	sor.u32 s4, s0;
	s1 =	sshll.u32 s1, $0x11  }
0xd1: {  	s0 =	sor.u32 s1, s0  }
0xd2: {  	s0 =	sadd.s32 $0x8F2B, s0  }
0xd3: {  	[sflag:s0] =	ssyncadd.remote.s32 $0x1  }
0xd4: {  	_ =	sfence.sel $0xFFFF  }
0xd5: {  	[dreg:$0x0] =	wrdreg $0xFFFFFFFF;
	(pc) =	sbr.abs _section_cstart, $3  }
0xd6: {  	[dreg:$0x1] =	wrdreg $0xFFFFFFFF  }
0xd7: {  	_ =	task.clear_ibuf [dreg:s22], $0x2FFFF;
	_ =	strace $0x9FFFFFFF  }
0xd8: {  	(tm) =	ssettm $0x7FFFFFFF  }
0xd9: {  	_ =	shalt  }
tec
execute0_lowered:
.L_overlay_start_1:
0x0: {  	(tag) =	ssettag $0x1  }
0x1: {  	s3 =	rddreg [dreg:$0x0]  }
0x2: {  	s4 =	rddreg [dreg:$0x1]  }
0x3: {  	s1 =	srdreg.scid;
	s0 =	stileid.u32  }
0x4: {  	s5 =	rddreg [dreg:$0x2];
	s2 =	simm.s32 $0x0;
	s9 =	simm.s32 $0x1  }
0x5: {  	s10 =	simm.s32 $0x8000;
	s11 =	simm.s32 $0x9000;
	s12 =	simm.s32 $0x0  }
0x6: {  	s6 =	sand.u32 $0x1, s1;
	s7 =	sshll.u32 s0, $0x1;
	s1 =	rddreg [dreg:$0x3]  }
0x7: {  	[smem:$0x7FF] =	sst s2;
	s7 =	sor.u32 s6, s7;
	s6 =	ssub.s32 $0x2, s6  }
0x8: {  	_ =	strace $0x8000004A;
	s8 =	sshll.u32 s7, $0x6;
	s31 =	sshrl.u32 s6, $0x1  }
0x9: {  	v0 =	vlaneseq.u32;
	s7 =	sshll.u32 s7, $0x9;
	s3 =	sadd.s32 s8, s3;
	s6 =	ssub.s32 s6, s31  }
0xa: {  	v30 =	vand.u32 $0x7, v0;
	s4 =	sadd.s32 s4, s7;
	s5 =	sadd.s32 s5, s7;
	s7 =	simm.s32 $0x200  }
0xb: {  	[tilespmem:$0x1FFF0] =	vst v30;
	s8 =	simm.s32 $0x4000;
	s3 =	sadd.s32 $0x29600, s3;
	s6 =	smax.u32 s6, $0x1  }
.LBB2_1:
0xc: {  	[tilespmem:s2], [sflag:$0x1] =	stream.strided.gather [hbm4b:s3+s7], $0x8000, s8, s7, $0x38;
	[tilespmem:$0xA000] =	vst v63  }
0xd: {  	_ =	swait.ge [sflag:s9], $0x8000  }
0xe: {  	s13 =	simm.s32 $0xFFFFFFFE;
	[sflag:s9] =	ssyncset.done $0x0  }
0xf: {  	s14 =	simm.s32 $0x7E10;
	s15 =	simm.s32 $0x0;
	[sflag:s9] =	ssyncadd.s32 $0xFFFF8000  }
.LBB2_2:
0x10: {  	v0 =	vld [tilespmem:s14+$0xFFFF81F0]  }
0x11: {  	v1 =	vld [tilespmem:s14+$0xFFFF83F0]  }
0x12: {  	v4 =	vld [tilespmem:s14+$0xFFFF85F0]  }
0x13: {  	v5 =	vld [tilespmem:s14+$0xFFFF87F0]  }
0x14: {  	v6 =	vld [tilespmem:s14+$0xFFFF89F0]  }
0x15: {  	v7 =	vld [tilespmem:s14+$0xFFFF8BF0]  }
0x16: {  	v8 =	vld [tilespmem:s14+$0xFFFF8DF0]  }
0x17: {  	v9 =	vld [tilespmem:s14+$0xFFFF8FF0]  }
0x18: {  	v10 =	vld [tilespmem:s14+$0xFFFF91F0]  }
0x19: {  	v11 =	vld [tilespmem:s14+$0xFFFF93F0]  }
0x1a: {  	v12 =	vld [tilespmem:s14+$0xFFFF95F0]  }
0x1b: {  	v13 =	vld [tilespmem:s14+$0xFFFF97F0]  }
0x1c: {  	v16 =	vld [tilespmem:s14+$0xFFFF99F0]  }
0x1d: {  	v17 =	vld [tilespmem:s14+$0xFFFF9BF0]  }
0x1e: {  	v21 =	vld [tilespmem:s14+$0xFFFF9DF0]  }
0x1f: {  	v22 =	vld [tilespmem:s14+$0xFFFF9FF0]  }
0x20: {  	v24 =	vld [tilespmem:s14+$0xFFFFA1F0]  }
0x21: {  	v26 =	vld [tilespmem:s14+$0xFFFFA3F0]  }
0x22: {  	v27 =	vld [tilespmem:s14+$0xFFFFA5F0]  }
0x23: {  	v28 =	vld [tilespmem:s14+$0xFFFFA7F0]  }
0x24: {  	v31 =	vld [tilespmem:s14+$0xFFFFA9F0]  }
0x25: {  	v32 =	vld [tilespmem:s14+$0xFFFFABF0]  }
0x26: {  	v33 =	vld [tilespmem:s14+$0xFFFFADF0]  }
0x27: {  	v34 =	vld [tilespmem:s14+$0xFFFFAFF0]  }
0x28: {  	v35 =	vld [tilespmem:s14+$0xFFFFB1F0];
	v3 =	vand.u32 $0xFFFFFFC0, v1;
	v1 =	vor.u32 $0x3F, v0  }
0x29: {  	v36 =	vld [tilespmem:s14+$0xFFFFB3F0];
	v52 =	vand.u32 $0xFFFFFFC0, v4;
	v53 =	vand.u32 $0xFFFFFFC0, v5;
	v54 =	vand.u32 $0xFFFFFFC0, v6  }
0x2a: {  	v2 =	vld [tilespmem:s14+$0xFFFFC5F0];
	v55 =	vand.u32 $0xFFFFFFC0, v7;
	v56 =	vand.u32 $0xFFFFFFC0, v8;
	v9 =	vand.u32 $0xFFFFFFC0, v9  }
0x2b: {  	v37 =	vld [tilespmem:s14+$0xFFFFB5F0];
	v57 =	vand.u32 $0xFFFFFFC0, v10;
	v58 =	vand.u32 $0xFFFFFFC0, v11;
	v59 =	vand.u32 $0xFFFFFFC0, v12  }
0x2c: {  	v38 =	vld [tilespmem:s14+$0xFFFFB7F0];
	v60 =	vand.u32 $0xFFFFFFC0, v13;
	v61 =	vand.u32 $0xFFFFFFC0, v16;
	v62 =	vand.u32 $0xFFFFFFC0, v17  }
0x2d: {  	v39 =	vld [tilespmem:s14+$0xFFFFB9F0];
	v63 =	vand.u32 $0xFFFFFFC0, v21;
	v47 =	vand.u32 $0xFFFFFFC0, v22;
	v48 =	vand.u32 $0xFFFFFFC0, v24  }
0x2e: {  	v40 =	vld [tilespmem:s14+$0xFFFFBBF0];
	v49 =	vand.u32 $0xFFFFFFC0, v26;
	v50 =	vand.u32 $0xFFFFFFC0, v27;
	v51 =	vand.u32 $0xFFFFFFC0, v28  }
0x2f: {  	v41 =	vld [tilespmem:s14+$0xFFFFC3F0];
	v2 =	vand.u32 $0xFFFFFFC0, v2;
	v3 =	vor.u32 $0x3E, v3;
	v4 =	vor.u32 $0x3D, v52  }
0x30: {  	v42 =	vld [tilespmem:s14+$0xFFFFCFF0];
	v6 =	vor.u32 $0x3C, v53;
	v5 =	vor.u32 $0x3B, v54;
	v7 =	vor.u32 $0x3A, v55  }
0x31: {  	v43 =	vld [tilespmem:s14+$0xFFFFD7F0];
	v8 =	vor.u32 $0x39, v56;
	v9 =	vor.u32 $0x38, v9;
	v14 =	vor.u32 $0x37, v57  }
0x32: {  	v10 =	vld [tilespmem:s14+$0xFFFFBDF0];
	v18 =	vor.u32 $0x36, v58;
	v15 =	vor.u32 $0x35, v59;
	v19 =	vor.u32 $0x34, v60  }
0x33: {  	v12 =	vld [tilespmem:s14+$0xFFFFBFF0];
	v0 =	vor.u32 $0x33, v61;
	v20 =	vor.u32 $0x32, v62;
	v23 =	vor.u32 $0x31, v63  }
0x34: {  	v11 =	vld [tilespmem:s14+$0xFFFFC1F0];
	v25 =	vor.u32 $0x30, v47;
	v16 =	vor.u32 $0x2F, v48;
	v17 =	vor.u32 $0x2E, v49  }
0x35: {  	v22 =	vld [tilespmem:s14+$0xFFFFC7F0];
	v29 =	vor.u32 $0x2D, v50;
	v30 =	vor.u32 $0x2C, v51;
	v52 =	vand.u32 $0xFFFFFFC0, v31  }
0x36: {  	v24 =	vld [tilespmem:s14+$0xFFFFC9F0];
	v53 =	vand.u32 $0xFFFFFFC0, v32;
	v54 =	vand.u32 $0xFFFFFFC0, v33;
	v55 =	vand.u32 $0xFFFFFFC0, v34  }
0x37: {  	v27 =	vld [tilespmem:s14+$0xFFFFCBF0];
	v56 =	vand.u32 $0xFFFFFFC0, v35;
	v57 =	vand.u32 $0xFFFFFFC0, v36;
	v58 =	vand.u32 $0xFFFFFFC0, v37  }
0x38: {  	v26 =	vld [tilespmem:s14+$0xFFFFCDF0];
	v59 =	vand.u32 $0xFFFFFFC0, v38;
	v60 =	vand.u32 $0xFFFFFFC0, v39;
	v61 =	vand.u32 $0xFFFFFFC0, v40  }
0x39: {  	v28 =	vld [tilespmem:s14+$0xFFFFD1F0];
	v63 =	vand.u32 $0xFFFFFFC0, v41;
	v48 =	vor.u32 $0x1D, v2;
	v41 =	vand.u32 $0xFFFFFFC0, v42  }
0x3a: {  	v13 =	vld [tilespmem:s14+$0xFFFFDBF0];
	v31 =	vor.u32 $0x2B, v52;
	v33 =	vor.u32 $0x2A, v53;
	v32 =	vor.u32 $0x29, v54  }
0x3b: {  	v21 =	vld [tilespmem:s14+$0xFFFFDFF0];
	v34 =	vor.u32 $0x28, v55;
	v45 =	vor.u32 $0x27, v56;
	v51 =	vor.u32 $0x26, v57  }
0x3c: {  	v36 =	vld [tilespmem:s14+$0xFFFFD3F0];
	v53 =	vor.u32 $0x25, v58;
	v57 =	vor.u32 $0x24, v59;
	v55 =	vor.u32 $0x23, v60  }
0x3d: {  	v35 =	vld [tilespmem:s14+$0xFFFFD5F0];
	v58 =	vor.u32 $0x22, v61;
	v49 =	vor.u32 $0x1E, v63;
	v59 =	vor.u32 $0x18, v41  }
0x3e: {  	v37 =	vld [tilespmem:s14+$0xFFFFD9F0];
	v10 =	vand.u32 $0xFFFFFFC0, v10;
	v12 =	vand.u32 $0xFFFFFFC0, v12;
	v62 =	vand.u32 $0xFFFFFFC0, v11  }
0x3f: {  	v11 =	vld [tilespmem:s14+$0xFFFFDDF0];
	v22 =	vand.u32 $0xFFFFFFC0, v22;
	v38 =	vand.u32 $0xFFFFFFC0, v24;
	v39 =	vand.u32 $0xFFFFFFC0, v27  }
0x40: {  	v24 =	vld [tilespmem:s14+$0xFFFFE3F0];
	v40 =	vand.u32 $0xFFFFFFC0, v26;
	v42 =	vand.u32 $0xFFFFFFC0, v28;
	v2 =	vand.u32 $0xFFFFFFC0, v13  }
0x41: {  	v26 =	vld [tilespmem:s14+$0xFFFFE5F0];
	v21 =	vand.u32 $0xFFFFFFC0, v21;
	v60 =	vor.u32 $0x21, v10;
	v61 =	vor.u32 $0x20, v12  }
0x42: {  	v27 =	vld [tilespmem:s14+$0xFFFFE7F0];
	v47 =	vor.u32 $0x1F, v62;
	v50 =	vor.u32 $0x1C, v22;
	v52 =	vor.u32 $0x1B, v38  }
0x43: {  	v13 =	vld [tilespmem:s14+$0xFFFFEFF0];
	v54 =	vor.u32 $0x1A, v39;
	v56 =	vor.u32 $0x19, v40;
	v38 =	vor.u32 $0x17, v42  }
0x44: {  	v12 =	vld [tilespmem:s14+$0xFFFFE1F0];
	v44 =	vand.u32 $0xFFFFFFC0, v36;
	v46 =	vand.u32 $0xFFFFFFC0, v35;
	v62 =	vand.u32 $0xFFFFFFC0, v43  }
0x45: {  	v35 =	vld [tilespmem:s14+$0xFFFFEBF0];
	v63 =	vand.u32 $0xFFFFFFC0, v37;
	v39 =	vor.u32 $0x16, v44;
	v40 =	vor.u32 $0x15, v46  }
0x46: {  	v28 =	vld [tilespmem:s14+$0xFFFFE9F0];
	v41 =	vor.u32 $0x14, v62;
	v42 =	vor.u32 $0x13, v63;
	v44 =	vor.u32 $0x12, v2  }
0x47: {  	v36 =	vld [tilespmem:s14+$0xFFFFEDF0];
	v46 =	vor.u32 $0x10, v21;
	v11 =	vand.u32 $0xFFFFFFC0, v11;
	v37 =	vand.u32 $0xFFFFFFC0, v24  }
0x48: {  	v62 =	vld [tilespmem:s14+$0xFFFFF3F0];
	v63 =	vand.u32 $0xFFFFFFC0, v26;
	v2 =	vand.u32 $0xFFFFFFC0, v27;
	v13 =	vand.u32 $0xFFFFFFC0, v13  }
0x49: {  	v43 =	vor.u32 $0x11, v11;
	v11 =	vld [tilespmem:s14+$0xFFFFF1F0];
	v22 =	vand.u32 $0xFFFFFFC0, v12;
	v24 =	vor.u32 $0xD, v63  }
0x4a: {  	v12 =	vld [tilespmem:s14+$0xFFFFF5F0];
	v63 =	vand.u32 $0xFFFFFFC0, v35;
	v21 =	vor.u32 $0xF, v22;
	v22 =	vor.u32 $0xE, v37  }
0x4b: {  	v27 =	vld [tilespmem:s14+$0xFFFFF7F0];
	v37 =	vand.u32 $0xFFFFFFC0, v28;
	v28 =	vor.u32 $0xC, v2;
	v35 =	vor.u32 $0xA, v63  }
0x4c: {  	v2 =	vand.u32 $0xFFFFFFC0, v36;
	v63 =	vmax.f32 v4, v6;
	v4 =	vmin.f32 v4, v6  }
0x4d: {  	v6 =	vmax.f32 v5, v7;
	v5 =	vmin.f32 v5, v7;
	v26 =	vor.u32 $0xB, v37  }
0x4e: {  	v36 =	vor.u32 $0x9, v2;
	v37 =	vor.u32 $0x8, v13;
	v13 =	vand.u32 $0xFFFFFFC0, v11  }
0x4f: {  	v11 =	vand.u32 $0xFFFFFFC0, v62;
	v12 =	vand.u32 $0xFFFFFFC0, v12;
	v62 =	vmax.f32 v8, v9  }
0x50: {  	v8 =	vmin.f32 v8, v9;
	v10 =	vor.u32 $0x7, v13;
	v13 =	vand.u32 $0xFFFFFFC0, v27  }
0x51: {  	v27 =	vmax.f32 v1, v3;
	v1 =	vmin.f32 v1, v3;
	v2 =	vmax.f32 v5, v8  }
0x52: {  	v5 =	vmin.f32 v5, v8;
	v11 =	vor.u32 $0x6, v11;
	v12 =	vor.u32 $0x5, v12  }
0x53: {  	v9 =	vmax.f32 v27, v63;
	v3 =	vmin.f32 v27, v63;
	v63 =	vmax.f32 v1, v4  }
0x54: {  	v1 =	vmin.f32 v1, v4;
	v4 =	vmax.f32 v6, v62;
	v6 =	vmin.f32 v6, v62  }
0x55: {  	v13 =	vor.u32 $0x4, v13;
	v8 =	vmax.f32 v63, v3;
	v27 =	vmin.f32 v63, v3  }
0x56: {  	v62 =	vmax.f32 v2, v6;
	v6 =	vmin.f32 v2, v6;
	v2 =	vmax.f32 v9, v4  }
0x57: {  	v4 =	vmin.f32 v9, v4;
	v3 =	vmax.f32 v23, v25;
	v23 =	vmin.f32 v23, v25  }
0x58: {  	v7 =	vmax.f32 v8, v62;
	v8 =	vmin.f32 v8, v62;
	v63 =	vmax.f32 v27, v6  }
0x59: {  	v27 =	vmin.f32 v27, v6;
	v6 =	vmax.f32 v1, v5;
	v1 =	vmin.f32 v1, v5  }
0x5a: {  	[tilespmem:$0x1FF30] =	vst v2;
	v2 =	vmax.f32 v63, v4;
	v9 =	vmin.f32 v63, v4;
	v62 =	vmax.f32 v6, v8  }
0x5b: {  	v63 =	vmin.f32 v6, v8;
	v4 =	vmax.f32 v7, v2;
	v5 =	vmin.f32 v7, v2  }
0x5c: {  	v6 =	vmax.f32 v62, v9;
	v7 =	vmin.f32 v62, v9;
	v8 =	vmax.f32 v63, v27  }
0x5d: {  	v9 =	vmin.f32 v63, v27;
	v62 =	vmax.f32 v14, v18;
	v14 =	vmin.f32 v14, v18  }
0x5e: {  	v63 =	vmax.f32 v15, v19;
	v15 =	vmin.f32 v15, v19;
	v19 =	vmax.f32 v0, v20  }
0x5f: {  	v0 =	vmin.f32 v0, v20;
	v25 =	vmax.f32 v62, v63;
	v18 =	vmin.f32 v62, v63  }
0x60: {  	v27 =	vmax.f32 v14, v15;
	v15 =	vmin.f32 v14, v15;
	v62 =	vmax.f32 v19, v3  }
0x61: {  	v14 =	vmin.f32 v19, v3;
	v63 =	vmax.f32 v0, v23;
	v0 =	vmin.f32 v0, v23  }
0x62: {  	v2 =	vmax.f32 v27, v18;
	v18 =	vmin.f32 v27, v18;
	v3 =	vmax.f32 v63, v14  }
0x63: {  	v19 =	vmin.f32 v63, v14;
	v14 =	vmax.f32 v25, v62;
	v25 =	vmin.f32 v25, v62  }
0x64: {  	v63 =	vmax.f32 v15, v0;
	v27 =	vmax.f32 v2, v3;
	v20 =	vmin.f32 v2, v3  }
0x65: {  	v23 =	vmax.f32 v18, v19;
	v62 =	vmin.f32 v18, v19;
	v18 =	vmin.f32 v15, v0  }
0x66: {  	v0 =	vmax.f32 v23, v25;
	v23 =	vmin.f32 v23, v25;
	v2 =	vmax.f32 v63, v20  }
0x67: {  	v3 =	vmin.f32 v63, v20;
	v63 =	vmax.f32 v16, v17;
	v16 =	vmin.f32 v16, v17  }
0x68: {  	v15 =	vmax.f32 v27, v0;
	v19 =	vmin.f32 v27, v0;
	v20 =	vmax.f32 v2, v23  }
0x69: {  	v23 =	vmin.f32 v2, v23;
	v25 =	vmax.f32 v3, v62;
	v27 =	vmin.f32 v3, v62  }
0x6a: {  	v2 =	vmax.f32 v29, v30;
	v29 =	vmin.f32 v29, v30;
	v30 =	vmax.f32 v31, v33  }
0x6b: {  	v31 =	vmin.f32 v31, v33;
	v33 =	vmax.f32 v32, v34;
	v32 =	vmin.f32 v32, v34  }
0x6c: {  	v34 =	vmax.f32 v63, v2;
	v0 =	vmin.f32 v63, v2;
	v3 =	vmax.f32 v16, v29  }
0x6d: {  	v29 =	vmin.f32 v16, v29;
	v62 =	vmax.f32 v30, v33;
	v16 =	vmin.f32 v30, v33  }
0x6e: {  	v30 =	vmax.f32 v31, v32;
	v31 =	vmin.f32 v31, v32;
	v4 =	vmax.f32 v4, v27  }
0x6f: {  	v5 =	vmax.f32 v5, v25;
	v6 =	vmax.f32 v6, v23;
	v7 =	vmax.f32 v7, v20  }
0x70: {  	v8 =	vmax.f32 v8, v19;
	v9 =	vmax.f32 v9, v15;
	v32 =	vmax.f32 v3, v0  }
0x71: {  	v0 =	vmin.f32 v3, v0;
	v63 =	vmax.f32 v30, v16;
	v30 =	vmin.f32 v30, v16  }
0x72: {  	[tilespmem:$0x1FF40] =	vst v1;
	v16 =	vmax.f32 v34, v62;
	v33 =	vmin.f32 v34, v62;
	v1 =	vmax.f32 v29, v31  }
0x73: {  	v17 =	vmin.f32 v29, v31;
	v27 =	vmax.f32 v4, v8;
	v4 =	vmin.f32 v4, v8  }
0x74: {  	v34 =	vmax.f32 v32, v63;
	v32 =	vmin.f32 v32, v63;
	v62 =	vmax.f32 v0, v30  }
0x75: {  	v0 =	vmin.f32 v0, v30;
	v2 =	vmax.f32 v62, v33;
	v33 =	vmin.f32 v62, v33  }
0x76: {  	v3 =	vmax.f32 v1, v32;
	v1 =	vmin.f32 v1, v32;
	v29 =	vmax.f32 v34, v2  }
0x77: {  	v30 =	vmin.f32 v34, v2;
	v31 =	vmax.f32 v3, v33;
	v32 =	vmin.f32 v3, v33  }
0x78: {  	v33 =	vmax.f32 v1, v0;
	v34 =	vmin.f32 v1, v0;
	v0 =	vmax.f32 v45, v51  }
0x79: {  	v23 =	vld [tilespmem:$0x1FF40];
	v45 =	vmin.f32 v45, v51;
	v2 =	vmax.f32 v53, v57;
	v53 =	vmin.f32 v53, v57  }
0x7a: {  	v57 =	vmax.f32 v55, v58;
	v55 =	vmin.f32 v55, v58;
	v58 =	vmax.f32 v60, v61  }
0x7b: {  	v60 =	vmin.f32 v60, v61;
	v61 =	vmax.f32 v0, v2;
	v0 =	vmin.f32 v0, v2  }
0x7c: {  	v3 =	vmax.f32 v45, v53;
	v53 =	vmin.f32 v45, v53;
	v62 =	vmax.f32 v57, v58  }
0x7d: {  	v45 =	vmin.f32 v57, v58;
	v63 =	vmax.f32 v55, v60;
	v55 =	vmin.f32 v55, v60  }
0x7e: {  	v14 =	vmax.f32 v23, v14;
	v58 =	vmax.f32 v3, v0;
	v0 =	vmin.f32 v3, v0  }
0x7f: {  	v3 =	vmax.f32 v63, v45;
	v57 =	vmin.f32 v63, v45;
	v45 =	vmax.f32 v61, v62  }
0x80: {  	v60 =	vmin.f32 v61, v62;
	v19 =	vmax.f32 v6, v14;
	v6 =	vmin.f32 v6, v14  }
0x81: {  	v61 =	vmax.f32 v58, v3;
	v51 =	vmin.f32 v58, v3;
	v63 =	vmax.f32 v0, v57  }
0x82: {  	v0 =	vmin.f32 v0, v57;
	v3 =	vmax.f32 v53, v55;
	v53 =	vmin.f32 v53, v55  }
0x83: {  	v1 =	vmax.f32 v63, v60;
	v58 =	vmin.f32 v63, v60;
	v2 =	vmax.f32 v3, v51  }
0x84: {  	v3 =	vmin.f32 v3, v51;
	v63 =	vmax.f32 v47, v49;
	v47 =	vmin.f32 v47, v49  }
0x85: {  	v51 =	vmax.f32 v61, v1;
	v55 =	vmin.f32 v61, v1;
	v57 =	vmax.f32 v2, v58  }
0x86: {  	v58 =	vmin.f32 v2, v58;
	v60 =	vmax.f32 v3, v0;
	v61 =	vmin.f32 v3, v0  }
0x87: {  	v2 =	vmax.f32 v48, v50;
	v48 =	vmin.f32 v48, v50;
	v50 =	vmax.f32 v52, v54  }
0x88: {  	v52 =	vmin.f32 v52, v54;
	v54 =	vmax.f32 v56, v59;
	v56 =	vmin.f32 v56, v59  }
0x89: {  	v59 =	vmax.f32 v63, v2;
	v0 =	vmin.f32 v63, v2;
	v3 =	vmax.f32 v47, v48  }
0x8a: {  	v48 =	vmin.f32 v47, v48;
	v62 =	vmax.f32 v50, v54;
	v47 =	vmin.f32 v50, v54  }
0x8b: {  	v50 =	vmax.f32 v52, v56;
	v52 =	vmin.f32 v52, v56;
	v63 =	vmax.f32 v3, v0  }
0x8c: {  	v0 =	vmin.f32 v3, v0;
	v3 =	vmax.f32 v50, v47;
	v50 =	vmin.f32 v50, v47  }
0x8d: {  	v47 =	vmax.f32 v59, v62;
	v56 =	vmin.f32 v59, v62;
	v59 =	vmax.f32 v63, v3  }
0x8e: {  	v49 =	vmin.f32 v63, v3;
	v62 =	vmax.f32 v0, v50;
	v0 =	vmin.f32 v0, v50  }
0x8f: {  	v63 =	vmax.f32 v48, v52;
	v48 =	vmin.f32 v48, v52;
	v1 =	vmax.f32 v62, v56  }
0x90: {  	v54 =	vmin.f32 v62, v56;
	v2 =	vmax.f32 v63, v49;
	v3 =	vmin.f32 v63, v49  }
0x91: {  	v63 =	vmax.f32 v38, v39;
	v38 =	vmin.f32 v38, v39;
	v49 =	vmax.f32 v59, v1  }
0x92: {  	v50 =	vmin.f32 v59, v1;
	v52 =	vmax.f32 v2, v54;
	v54 =	vmin.f32 v2, v54  }
0x93: {  	v56 =	vmax.f32 v3, v0;
	v59 =	vmin.f32 v3, v0;
	v2 =	vmax.f32 v40, v41  }
0x94: {  	v40 =	vmin.f32 v40, v41;
	v41 =	vmax.f32 v42, v44;
	v42 =	vmin.f32 v42, v44  }
0x95: {  	v44 =	vmax.f32 v43, v46;
	v43 =	vmin.f32 v43, v46;
	v1 =	vmax.f32 v36, v37  }
0x96: {  	v36 =	vmin.f32 v36, v37;
	v46 =	vmax.f32 v63, v2;
	v0 =	vmin.f32 v63, v2  }
0x97: {  	v3 =	vmax.f32 v38, v40;
	v40 =	vmin.f32 v38, v40;
	v62 =	vmax.f32 v41, v44  }
0x98: {  	v38 =	vmin.f32 v41, v44;
	v41 =	vmax.f32 v42, v43;
	v42 =	vmin.f32 v42, v43  }
0x99: {  	v63 =	vmax.f32 v3, v0;
	v0 =	vmin.f32 v3, v0;
	v3 =	vmax.f32 v41, v38  }
0x9a: {  	v41 =	vmin.f32 v41, v38;
	v38 =	vmax.f32 v46, v62;
	v44 =	vmin.f32 v46, v62  }
0x9b: {  	v46 =	vmax.f32 v63, v3;
	v39 =	vmin.f32 v63, v3;
	v43 =	vmax.f32 v0, v41  }
0x9c: {  	v62 =	vmin.f32 v0, v41;
	v63 =	vmax.f32 v40, v42;
	v40 =	vmin.f32 v40, v42  }
0x9d: {  	v0 =	vmax.f32 v26, v35;
	v26 =	vmin.f32 v26, v35;
	v2 =	vmax.f32 v43, v44  }
0x9e: {  	v43 =	vmin.f32 v43, v44;
	v3 =	vmax.f32 v63, v39;
	v63 =	vmin.f32 v63, v39  }
0x9f: {  	v39 =	vmax.f32 v46, v2;
	v41 =	vmin.f32 v46, v2;
	v42 =	vmax.f32 v3, v43  }
0xa0: {  	v43 =	vmin.f32 v3, v43;
	v3 =	vmax.f32 v63, v62;
	v44 =	vmin.f32 v63, v62  }
0xa1: {  	v62 =	vmax.f32 v21, v22;
	v21 =	vmin.f32 v21, v22;
	v63 =	vmax.f32 v24, v28  }
0xa2: {  	v24 =	vmin.f32 v24, v28;
	v37 =	vmax.f32 v62, v63;
	v22 =	vmin.f32 v62, v63  }
0xa3: {  	v2 =	vmax.f32 v21, v24;
	v24 =	vmin.f32 v21, v24;
	v62 =	vmax.f32 v0, v1  }
0xa4: {  	v63 =	vmin.f32 v0, v1;
	v0 =	vmax.f32 v26, v36;
	v26 =	vmin.f32 v26, v36  }
0xa5: {  	v1 =	vmax.f32 v2, v22;
	v22 =	vmin.f32 v2, v22;
	v2 =	vmax.f32 v0, v63  }
0xa6: {  	v28 =	vmin.f32 v0, v63;
	v21 =	vmax.f32 v37, v62;
	v37 =	vmin.f32 v37, v62  }
0xa7: {  	v63 =	vld [tilespmem:s14+$0xFFFFF9F0];
	v46 =	vmax.f32 v1, v2;
	v35 =	vmin.f32 v1, v2;
	v36 =	vmax.f32 v22, v28  }
0xa8: {  	v62 =	vmin.f32 v22, v28;
	v28 =	vmax.f32 v24, v26;
	v22 =	vmin.f32 v24, v26;
	v2 =	vld [tilespmem:s14+$0xFFFFFBF0]  }
0xa9: {  	v1 =	vld [tilespmem:s14+$0xFFFFFDF0];
	v26 =	vmax.f32 v36, v37;
	v36 =	vmin.f32 v36, v37;
	v37 =	vmax.f32 v28, v35  }
0xaa: {  	v23 =	vmax.f32 v27, v19;
	v0 =	vmin.f32 v28, v35;
	v28 =	vmax.f32 v37, v36  }
0xab: {  	v35 =	vmin.f32 v37, v36;
	v36 =	vmax.f32 v0, v62;
	v37 =	vmin.f32 v0, v62;
	v0 =	vld [tilespmem:s14+$0xFFFFFFF0]  }
0xac: {  	v24 =	vmax.f32 v46, v26;
	v26 =	vmin.f32 v46, v26;
	v46 =	vmax.f32 v10, v11  }
0xad: {  	v10 =	vmin.f32 v10, v11;
	v11 =	vmax.f32 v12, v13;
	v12 =	vmin.f32 v12, v13  }
0xae: {  	v62 =	vand.u32 $0xFFFFFFC0, v63;
	v2 =	vand.u32 $0xFFFFFFC0, v2;
	v1 =	vand.u32 $0xFFFFFFC0, v1  }
0xaf: {  	v13 =	vor.u32 $0x3, v62;
	v2 =	vor.u32 $0x2, v2;
	v1 =	vor.u32 $0x1, v1  }
0xb0: {  	v0 =	vand.u32 $0xFFFFFFC0, v0;
	v62 =	vmax.f32 v13, v2;
	v2 =	vmin.f32 v13, v2  }
0xb1: {  	v63 =	vmax.f32 v1, v0;
	v0 =	vmin.f32 v1, v0;
	v1 =	vmax.f32 v46, v11  }
0xb2: {  	v11 =	vmin.f32 v46, v11;
	v46 =	vmax.f32 v10, v12;
	v10 =	vmin.f32 v10, v12  }
0xb3: {  	v12 =	vmax.f32 v62, v63;
	v13 =	vmin.f32 v62, v63;
	v62 =	vmax.f32 v2, v0  }
0xb4: {  	v0 =	vmin.f32 v2, v0;
	v2 =	vmax.f32 v46, v11;
	v11 =	vmin.f32 v46, v11  }
0xb5: {  	v46 =	vmax.f32 v62, v13;
	v13 =	vmin.f32 v62, v13;
	v62 =	vmax.f32 v1, v12  }
0xb6: {  	v1 =	vmin.f32 v1, v12;
	v12 =	vmax.f32 v2, v46;
	v2 =	vmin.f32 v2, v46  }
0xb7: {  	v63 =	vmax.f32 v11, v13;
	v11 =	vmin.f32 v11, v13;
	v13 =	vmax.f32 v10, v0  }
0xb8: {  	v0 =	vmin.f32 v10, v0;
	v10 =	vmax.f32 v63, v1;
	v1 =	vmin.f32 v63, v1  }
0xb9: {  	v63 =	vmax.f32 v13, v2;
	v2 =	vmin.f32 v13, v2;
	v13 =	vmax.f32 v12, v10  }
0xba: {  	v10 =	vmin.f32 v12, v10;
	v12 =	vmax.f32 v63, v1;
	v1 =	vmin.f32 v63, v1;
	v63 =	vld [tilespmem:$0x1FF30]  }
0xbb: {  	v17 =	vmax.f32 v17, v45;
	v3 =	vmax.f32 v50, v3;
	v41 =	vmax.f32 v56, v41  }
0xbc: {  	v22 =	vmax.f32 v22, v62;
	v46 =	vmax.f32 v2, v11;
	v2 =	vmin.f32 v2, v11  }
0xbd: {  	v0 =	vmax.f32 v21, v0;
	v2 =	vmax.f32 v24, v2;
	v1 =	vmax.f32 v28, v1  }
0xbe: {  	v12 =	vmax.f32 v35, v12;
	v10 =	vmax.f32 v36, v10;
	v13 =	vmax.f32 v37, v13  }
0xbf: {  	v56 =	vmax.f32 v2, v10;
	v2 =	vmin.f32 v2, v10;
	v11 =	vmax.f32 v63, v18  }
0xc0: {  	v18 =	vmax.f32 v5, v9;
	v5 =	vmin.f32 v5, v9;
	v9 =	vmin.f32 v27, v19  }
0xc1: {  	v27 =	vmax.f32 v4, v6;
	v4 =	vmin.f32 v4, v6;
	v25 =	vmax.f32 v11, v7  }
0xc2: {  	v7 =	vmin.f32 v11, v7;
	v20 =	vmax.f32 v25, v18;
	v8 =	vmin.f32 v25, v18  }
0xc3: {  	v25 =	vmax.f32 v7, v5;
	v5 =	vmin.f32 v7, v5;
	v6 =	vmax.f32 v20, v23  }
0xc4: {  	v14 =	vmin.f32 v20, v23;
	v15 =	vmax.f32 v8, v9;
	v8 =	vmin.f32 v8, v9  }
0xc5: {  	v9 =	vmax.f32 v25, v27;
	v7 =	vmin.f32 v25, v27;
	v11 =	vmax.f32 v5, v4  }
0xc6: {  	v4 =	vmin.f32 v5, v4;
	v5 =	vmax.f32 v16, v53;
	v16 =	vmax.f32 v29, v61  }
0xc7: {  	v53 =	vmax.f32 v30, v60;
	v60 =	vmax.f32 v31, v58;
	v61 =	vmax.f32 v32, v57  }
0xc8: {  	v30 =	vmax.f32 v33, v55;
	v31 =	vmax.f32 v34, v51;
	v58 =	vmax.f32 v47, v40  }
0xc9: {  	v40 =	vmax.f32 v54, v42;
	v42 =	vmax.f32 v59, v39;
	v54 =	vmax.f32 v26, v46  }
0xca: {  	v32 =	vmax.f32 v5, v61;
	v5 =	vmin.f32 v5, v61;
	v33 =	vmax.f32 v16, v30  }
0xcb: {  	v16 =	vmin.f32 v16, v30;
	v34 =	vmax.f32 v53, v31;
	v18 =	vmin.f32 v53, v31  }
0xcc: {  	v45 =	vmax.f32 v60, v17;
	v17 =	vmin.f32 v60, v17;
	v60 =	vmax.f32 v49, v44  }
0xcd: {  	v61 =	vmax.f32 v52, v43;
	v43 =	vmax.f32 v48, v38;
	v44 =	vmax.f32 v58, v40  }
0xce: {  	v47 =	vmax.f32 v3, v42;
	v3 =	vmin.f32 v3, v42;
	v51 =	vmax.f32 v32, v34  }
0xcf: {  	v23 =	vmin.f32 v32, v34;
	v53 =	vmax.f32 v33, v45;
	v20 =	vmin.f32 v33, v45  }
0xd0: {  	v55 =	vmax.f32 v5, v18;
	v5 =	vmin.f32 v5, v18;
	v57 =	vmax.f32 v16, v17  }
0xd1: {  	v16 =	vmin.f32 v16, v17;
	v45 =	vmax.f32 v60, v41;
	v29 =	vmin.f32 v60, v41  }
0xd2: {  	v48 =	vmax.f32 v61, v43;
	v30 =	vmin.f32 v61, v43;
	v49 =	vmax.f32 v44, v47  }
0xd3: {  	v32 =	vmin.f32 v44, v47;
	v17 =	vmax.f32 v51, v53;
	v19 =	vmin.f32 v51, v53  }
0xd4: {  	v27 =	vmax.f32 v23, v20;
	v20 =	vmin.f32 v23, v20;
	v23 =	vmax.f32 v55, v57  }
0xd5: {  	v18 =	vmin.f32 v55, v57;
	v25 =	vmax.f32 v5, v16;
	v5 =	vmin.f32 v5, v16  }
0xd6: {  	v16 =	vmin.f32 v58, v40;
	v50 =	vmax.f32 v45, v48;
	v31 =	vmin.f32 v45, v48  }
0xd7: {  	v52 =	vmax.f32 v29, v30;
	v29 =	vmin.f32 v29, v30;
	v55 =	vmax.f32 v0, v12  }
0xd8: {  	v0 =	vmin.f32 v0, v12;
	v57 =	vmax.f32 v54, v13;
	v13 =	vmin.f32 v54, v13  }
0xd9: {  	v58 =	vmax.f32 v1, v22;
	v1 =	vmin.f32 v1, v22;
	v51 =	vmax.f32 v16, v3  }
0xda: {  	v3 =	vmin.f32 v16, v3;
	v53 =	vmax.f32 v49, v50;
	v34 =	vmin.f32 v49, v50  }
0xdb: {  	v38 =	vmax.f32 v32, v31;
	v31 =	vmin.f32 v32, v31;
	v59 =	vmax.f32 v55, v57  }
0xdc: {  	v10 =	vmin.f32 v55, v57;
	v60 =	vmax.f32 v56, v58;
	v12 =	vmin.f32 v56, v58  }
0xdd: {  	v61 =	vmax.f32 v0, v13;
	v0 =	vmin.f32 v0, v13;
	v62 =	vmax.f32 v2, v1  }
0xde: {  	v1 =	vmin.f32 v2, v1;
	v37 =	vmax.f32 v6, v5;
	v39 =	vmax.f32 v14, v25  }
0xdf: {  	v40 =	vmax.f32 v15, v18;
	v8 =	vmax.f32 v8, v23;
	v9 =	vmax.f32 v9, v20  }
0xe0: {  	v7 =	vmax.f32 v7, v27;
	v11 =	vmax.f32 v11, v19;
	v4 =	vmax.f32 v4, v17  }
0xe1: {  	v32 =	vmax.f32 v51, v52;
	v16 =	vmin.f32 v51, v52;
	v33 =	vmax.f32 v3, v29  }
0xe2: {  	v3 =	vmin.f32 v3, v29;
	v28 =	vmax.f32 v59, v60;
	v22 =	vmin.f32 v59, v60  }
0xe3: {  	v29 =	vmax.f32 v10, v12;
	v10 =	vmin.f32 v10, v12;
	v35 =	vmax.f32 v61, v62  }
0xe4: {  	v13 =	vmin.f32 v61, v62;
	v36 =	vmax.f32 v0, v1;
	v0 =	vmin.f32 v0, v1  }
0xe5: {  	v41 =	vmax.f32 v37, v9;
	v1 =	vmin.f32 v37, v9;
	v42 =	vmax.f32 v39, v7  }
0xe6: {  	v5 =	vmin.f32 v39, v7;
	v43 =	vmax.f32 v40, v11;
	v6 =	vmin.f32 v40, v11  }
0xe7: {  	v44 =	vmax.f32 v8, v4;
	v4 =	vmin.f32 v8, v4;
	v45 =	vmax.f32 v41, v43  }
0xe8: {  	v7 =	vmin.f32 v41, v43;
	v46 =	vmax.f32 v42, v44;
	v9 =	vmin.f32 v42, v44  }
0xe9: {  	v47 =	vmax.f32 v1, v6;
	v1 =	vmin.f32 v1, v6;
	v48 =	vmax.f32 v5, v4  }
0xea: {  	v4 =	vmin.f32 v5, v4;
	v0 =	vmax.f32 v53, v0;
	v53 =	vmax.f32 v34, v36  }
0xeb: {  	v13 =	vmax.f32 v38, v13;
	v12 =	vmax.f32 v31, v35;
	v10 =	vmax.f32 v32, v10  }
0xec: {  	v54 =	vmax.f32 v16, v29;
	v55 =	vmax.f32 v33, v22;
	v2 =	vmax.f32 v3, v28  }
0xed: {  	v49 =	vmax.f32 v45, v46;
	v8 =	vmin.f32 v45, v46;
	v50 =	vmax.f32 v7, v9  }
0xee: {  	v7 =	vmin.f32 v7, v9;
	v51 =	vmax.f32 v47, v48;
	v6 =	vmin.f32 v47, v48  }
0xef: {  	v52 =	vmax.f32 v1, v4;
	v1 =	vmin.f32 v1, v4;
	v56 =	vmax.f32 v0, v10  }
0xf0: {  	v0 =	vmin.f32 v0, v10;
	v57 =	vmax.f32 v53, v54;
	v4 =	vmin.f32 v53, v54  }
0xf1: {  	v58 =	vmax.f32 v13, v55;
	v13 =	vmin.f32 v13, v55;
	v59 =	vmax.f32 v12, v2  }
0xf2: {  	v2 =	vmin.f32 v12, v2;
	v60 =	vmax.f32 v56, v58;
	v3 =	vmin.f32 v56, v58  }
0xf3: {  	v61 =	vmax.f32 v57, v59;
	v10 =	vmin.f32 v57, v59;
	v62 =	vmax.f32 v0, v13  }
0xf4: {  	v0 =	vmin.f32 v0, v13;
	v20 =	vmax.f32 v4, v2;
	v2 =	vmin.f32 v4, v2  }
0xf5: {  	v21 =	vmax.f32 v60, v61;
	v12 =	vmin.f32 v60, v61;
	v22 =	vmax.f32 v3, v10  }
0xf6: {  	v44 =	vld [tilespmem:$0x1FFF0];
	v3 =	vmin.f32 v3, v10;
	v24 =	vmax.f32 v0, v2;
	v0 =	vmin.f32 v0, v2  }
0xf7: {  	v16 =	vld [tilespmem:s14+$0xFFFFCA00];
	v23 =	vmax.f32 v62, v20;
	v25 =	vmin.f32 v62, v20;
	v0 =	vmax.f32 v49, v0  }
0xf8: {  	v45 =	vld [tilespmem:$0x1FFF0];
	v26 =	vmax.f32 v8, v24;
	v2 =	vmax.f32 v50, v25;
	v7 =	vmax.f32 v7, v23  }
0xf9: {  	v53 =	vld [tilespmem:$0x1FFF0];
	v3 =	vmax.f32 v51, v3;
	v6 =	vmax.f32 v6, v22;
	v27 =	vmax.f32 v52, v12  }
0xfa: {  	v57 =	vld [tilespmem:$0x1FFF0];
	v1 =	vmax.f32 v1, v21;
	v28 =	vmax.f32 v0, v3;
	v0 =	vmin.f32 v0, v3  }
0xfb: {  	v51 =	vld [tilespmem:$0x1FFF0];
	v29 =	vmax.f32 v26, v6;
	v5 =	vmin.f32 v26, v6;
	v31 =	vmax.f32 v7, v1  }
0xfc: {  	v30 =	vmax.f32 v2, v27;
	v33 =	vmax.f32 v29, v31;
	v3 =	vmin.f32 v29, v31;
	v31 =	vld [tilespmem:$0x1FFF0]  }
0xfd: {  	v2 =	vmin.f32 v2, v27;
	v1 =	vmin.f32 v7, v1;
	v32 =	vmax.f32 v28, v30;
	v29 =	vld [tilespmem:s14+$0xFFFF9C00]  }
0xfe: {  	v4 =	vmin.f32 v28, v30;
	v34 =	vmax.f32 v0, v2;
	v35 =	vmax.f32 v5, v1;
	v30 =	vld [tilespmem:s14+$0xFFFF9E00]  }
0xff: {  	v0 =	vmin.f32 v0, v2;
	v38 =	vmax.f32 v34, v35;
	v2 =	vmin.f32 v34, v35;
	v34 =	vld [tilespmem:$0x1FFF0]  }
0x100: {  	v36 =	vmax.f32 v32, v33;
	v35 =	vld [tilespmem:$0x1FFF0]  }
0x101: {  	v1 =	vmin.f32 v5, v1;
	v37 =	vmax.f32 v4, v3;
	v5 =	vandn.u32 $0x3F, v36;
	v36 =	vld [tilespmem:s14+$0xFFFF8200]  }
0x102: {  	v7 =	vandn.u32 $0x3F, v37;
	v37 =	vld [tilespmem:s14+$0xFFFF8400]  }
0x103: {  	v6 =	vmin.f32 v32, v33;
	v39 =	vmax.f32 v0, v1;
	v50 =	vandn.u32 $0x3F, v38;
	v38 =	vld [tilespmem:s14+$0xFFFF8600]  }
0x104: {  	v63 =	vlaneseq.u32;
	v42 =	vandn.u32 $0x3F, v6;
	v59 =	vandn.u32 $0x3F, v39;
	v39 =	vld [tilespmem:s14+$0xFFFF8800]  }
0x105: {  	v63 =	vor.u32 s15, v63;
	[tilespmem:$0x1FF80] =	vst v42;
	v6 =	vshll.u32 v42, $0x9;
	v42 =	vld [tilespmem:s14+$0xFFFF8E00]  }
0x106: {  	v40 =	vand.u32 $0x1E8, v63;
	v3 =	vmin.f32 v4, v3;
	[tilespmem:$0x1FFB0] =	vst v50;
	v52 =	vshll.u32 v50, $0x9;
	v50 =	vld [tilespmem:s14+$0xFFFF9600]  }
0x107: {  	v47 =	vandn.u32 $0x3F, v3;
	v41 =	vshll.u32 v5, $0x9;
	[tilespmem:$0x1FFD0] =	vst v59;
	v61 =	vshll.u32 v59, $0x9;
	v59 =	vld [tilespmem:s14+$0xFFFFAE00]  }
0x108: {  	[tilespmem:$0x1FF90] =	vst v7;
	v7 =	vshll.u32 v7, $0x9;
	v49 =	vshll.u32 v47, $0x9;
	v43 =	vor.u32 v40, v41;
	v41 =	vld [tilespmem:s14+$0xFFFF8C00]  }
0x109: {  	v48 =	vor.u32 v40, v7;
	v7 =	vor.u32 v40, v49;
	v49 =	vld [tilespmem:s14+$0xFFFF9400]  }
0x10a: {  	v0 =	vmin.f32 v0, v1;
	v1 =	vor.u32 v44, v43;
	v43 =	vld [tilespmem:s14+$0xFFFF9000]  }
0x10b: {  	v3 =	vor.u32 v51, v48;
	v48 =	vld [tilespmem:s14+$0xFFFF9200]  }
0x10c: {  	v6 =	vor.u32 v40, v6;
	v54 =	vor.u32 v53, v7;
	v53 =	vld [tilespmem:s14+$0xFFFF9A00]  }
0x10d: {  	v46 =	vor.u32 v45, v6;
	v6 =	vld [tilespmem:s14+$0xFFFFB200]  }
0x10e: {  	v56 =	vandn.u32 $0x3F, v2;
	v62 =	vandn.u32 $0x3F, v0;
	v32 =	vor.u32 v40, v61;
	v7 =	vld [tilespmem:s14+$0xFFFFB400]  }
0x10f: {  	v58 =	vshll.u32 v56, $0x9;
	v33 =	vshll.u32 v62, $0x9;
	v11 =	vor.u32 v34, v32;
	v32 =	vld [tilespmem:s14+$0xFFFFAA00]  }
0x110: {  	v55 =	vor.u32 v40, v52;
	v60 =	vor.u32 v40, v58;
	v12 =	vor.u32 v40, v33;
	v34 =	vld [tilespmem:s14+$0xFFFFD400]  }
0x111: {  	v2 =	vor.u32 v57, v55;
	v12 =	vor.u32 v35, v12;
	v44 =	vand.u32 $0xFFFFFFC0, v42;
	v42 =	vld [tilespmem:s14+$0xFFFFC000]  }
0x112: {  	[tilespmem:$0x1FF60] =	vst v63;
	v57 =	vand.u32 $0xFFFFFFC0, v37;
	v58 =	vand.u32 $0xFFFFFFC0, v38;
	v15 =	vor.u32 $0x3F, v36;
	v63 =	vld.idx.msk [tilespmem:v1+s2+$0x0], $0xffff  }
0x113: {  	[tilespmem:$0x1FFE0] =	vst v62;
	v62 =	vand.u32 $0xFFFFFFC0, v39;
	v17 =	vor.u32 $0x3E, v57;
	v33 =	vor.u32 $0x3D, v58;
	v13 =	vld.idx.msk [tilespmem:v46+s2+$0x0], $0xffff  }
0x114: {  	v45 =	vor.u32 $0x3C, v62;
	v50 =	vand.u32 $0xFFFFFFC0, v50;
	v59 =	vand.u32 $0xFFFFFFC0, v59;
	v3 =	vld.idx.msk [tilespmem:v3+s2+$0x0], $0xffff  }
0x115: {  	[tilespmem:$0x1FF70] =	vst v5;
	v5 =	vand.u32 $0xFFFFFFC0, v41;
	v61 =	vor.u32 $0x39, v44;
	v49 =	vand.u32 $0xFFFFFFC0, v49;
	v14 =	vld.idx.msk [tilespmem:v54+s2+$0x0], $0xffff  }
0x116: {  	v20 =	vor.u32 $0x35, v50;
	v1 =	vor.u32 v31, v60;
	v2 =	vld.idx.msk [tilespmem:v2+s2+$0x0], $0xffff;
	v18 =	vor.u32 $0x3A, v5  }
0x117: {  	[tilespmem:$0x1FFA0] =	vst v47;
	v46 =	vand.u32 $0xFFFFFFC0, v43;
	v47 =	vand.u32 $0xFFFFFFC0, v48;
	v48 =	vld [tilespmem:s14+$0xFFFFB600];
	v23 =	vor.u32 $0x36, v49  }
0x118: {  	v53 =	vand.u32 $0xFFFFFFC0, v53;
	v4 =	vand.u32 $0xFFFFFFC0, v6;
	v5 =	vand.u32 $0xFFFFFFC0, v7;
	v7 =	vld [tilespmem:s14+$0xFFFFCE00]  }
0x119: {  	v11 =	vld.idx.msk [tilespmem:v11+s2+$0x0], $0xffff;
	v62 =	vor.u32 $0x38, v46;
	v19 =	vor.u32 $0x37, v47;
	v25 =	vor.u32 $0x33, v53  }
0x11a: {  	v12 =	vld.idx.msk [tilespmem:v12+s2+$0x0], $0xffff;
	v58 =	vand.u32 $0xFFFFFFC0, v32;
	v35 =	vor.u32 $0x27, v4;
	v39 =	vor.u32 $0x26, v5  }
0x11b: {  	v28 =	vld [tilespmem:s14+$0xFFFFBE00];
	v4 =	vand.u32 $0xFFFFFFC0, v16;
	v10 =	vand.u32 $0xFFFFFFC0, v34;
	v22 =	vor.u32 $0x2B, v58  }
0x11c: {  	v34 =	vld [tilespmem:s14+$0xFFFFE200];
	v53 =	vor.u32 $0x16, v10;
	v51 =	vsub.f32 v63, v63;
	v13 =	vsub.f32 v13, v63  }
0x11d: {  	v40 =	vld [tilespmem:s14+$0xFFFF8A00];
	v58 =	vand.u32 $0xFFFFFFC0, v42;
	v3 =	vsub.f32 v3, v63;
	v14 =	vsub.f32 v14, v63  }
0x11e: {  	v52 =	vld [tilespmem:s14+$0xFFFF9800];
	v2 =	vsub.f32 v2, v63;
	v6 =	vand.u32 $0xFFFFFFC0, v48;
	v5 =	vand.u32 $0xFFFFFFC0, v7  }
0x11f: {  	v38 =	vld [tilespmem:s14+$0xFFFFBA00];
	v48 =	vor.u32 $0x1B, v4;
	v55 =	vsub.f32 v11, v63;
	v0 =	vsub.f32 v12, v63  }
0x120: {  	v1 =	vld.idx.msk [tilespmem:v1+s2+$0x0], $0xffff;
	v36 =	vor.u32 $0x25, v6;
	v49 =	vor.u32 $0x19, v5;
	v26 =	vmul.f32 $1.442695020e+00, v51  }
0x121: {  	v11 =	vld [tilespmem:s14+$0xFFFFA400];
	v42 =	vand.u32 $0xFFFFFFC0, v34;
	v13 =	vmul.f32 $1.442695020e+00, v13;
	v3 =	vmul.f32 $1.442695020e+00, v3  }
0x122: {  	v12 =	vld [tilespmem:s14+$0xFFFFA600];
	v34 =	vmax.f32 v61, v62;
	v54 =	vmul.f32 $1.442695020e+00, v14;
	v2 =	vmul.f32 $1.442695020e+00, v2  }
0x123: {  	[tilespmem:$0x1FFC0] =	vst v56;
	v6 =	vld [tilespmem:s14+$0xFFFFDE00];
	v51 =	vand.u32 $0xFFFFFFC0, v52;
	v56 =	vmul.f32 $1.442695020e+00, v55;
	v0 =	vmul.f32 $1.442695020e+00, v0  }
0x124: {  	v37 =	vld [tilespmem:s14+$0xFFFFB800];
	v24 =	vor.u32 $0x34, v51;
	v55 =	vand.u32 $0xFFFFFFC0, v30;
	v30 =	vor.u32 $0x29, v59  }
0x125: {  	v14 =	vld [tilespmem:s14+$0xFFFFA200];
	(erf) = vpow2.f32 v26;
	v26 =	vor.u32 $0x31, v55;
	v55 =	vand.u32 $0xFFFFFFC0, v38  }
0x126: {  	v31 =	vld [tilespmem:s14+$0xFFFFA000];
	(erf) = vpow2.f32 v13;
	v1 =	vsub.f32 v1, v63;
	v63 =	vand.u32 $0xFFFFFFC0, v40  }
0x127: {  	v51 =	vld [tilespmem:s14+$0xFFFFD200];
	v40 =	vor.u32 $0x23, v55;
	(erf) = vpow2.f32 v3;
	v60 =	vor.u32 $0x3B, v63  }
0x128: {  	v59 =	vld [tilespmem:s14+$0xFFFFD600];
	v11 =	vand.u32 $0xFFFFFFC0, v11;
	v12 =	vand.u32 $0xFFFFFFC0, v12;
	v5 =	vand.u32 $0xFFFFFFC0, v6  }
0x129: {  	v46 =	vld [tilespmem:s14+$0xFFFFC600];
	v6 =	vmax.f32 v15, v17;
	(erf) = vpow2.f32 v54;
	v1 =	vmul.f32 $1.442695020e+00, v1  }
0x12a: {  	v13 =	vld [tilespmem:s14+$0xFFFFA800];
	v54 =	vand.u32 $0xFFFFFFC0, v29;
	v57 =	vand.u32 $0xFFFFFFC0, v14;
	v3 =	vor.u32 $0x2E, v11  }
0x12b: {  	v52 =	vld [tilespmem:s14+$0xFFFFBC00];
	v21 =	vor.u32 $0x2D, v12;
	v10 =	vmax.f32 v60, v18;
	(erf) = vpow2.f32 v2  }
0x12c: {  	v14 =	vld [tilespmem:s14+$0xFFFFC200];
	v27 =	vor.u32 $0x32, v54;
	v54 =	vand.u32 $0xFFFFFFC0, v37;
	v9 =	vand.u32 $0xFFFFFFC0, v51  }
0x12d: {  	v11 =	vld [tilespmem:s14+$0xFFFFC400];
	v59 =	vand.u32 $0xFFFFFFC0, v59;
	(erf) = vpow2.f32 v1;
	v1 =	vor.u32 $0x2F, v57  }
0x12e: {  	v12 =	vld [tilespmem:s14+$0xFFFFC800];
	v41 =	vor.u32 $0x24, v54;
	v57 =	vand.u32 $0xFFFFFFC0, v28;
	v54 =	vor.u32 $0x15, v59  }
0x12f: {  	v2 =	vld [tilespmem:s14+$0xFFFFAC00];
	(erf) = vpow2.f32 v56;
	v56 =	vand.u32 $0xFFFFFFC0, v31;
	v13 =	vand.u32 $0xFFFFFFC0, v13  }
0x130: {  	v44 =	vor.u32 $0x21, v57;
	v57 =	vand.u32 $0xFFFFFFC0, v46;
	(erf) = vpow2.f32 v0;
	v0 =	vld [tilespmem:s14+$0xFFFFB000]  }
0x131: {  	v63 =	vor.u32 $0x30, v56;
	v29 =	vor.u32 $0x2C, v13;
	v13 =	vld [tilespmem:s14+$0xFFFFD000];
	v56 =	vand.u32 $0xFFFFFFC0, v52  }
0x132: {  	v38 =	vor.u32 $0x1D, v57;
	v52 =	vor.u32 $0x17, v9;
	v14 =	vand.u32 $0xFFFFFFC0, v14  }
0x133: {  	v57 =	vor.u32 $0x11, v5;
	v11 =	vand.u32 $0xFFFFFFC0, v11;
	v37 =	vor.u32 $0x1F, v14;
	v14 =	vld [tilespmem:s14+$0xFFFFD800]  }
0x134: {  	v9 =	vmin.f32 v33, v45;
	v2 =	vand.u32 $0xFFFFFFC0, v2;
	v46 =	vor.u32 $0x1E, v11;
	v11 =	vld [tilespmem:s14+$0xFFFFDC00]  }
0x135: {  	v43 =	vor.u32 $0x22, v56;
	v12 =	vand.u32 $0xFFFFFFC0, v12;
	v31 =	vor.u32 $0x2A, v2;
	v2 =	vld [tilespmem:s14+$0xFFFFCC00]  }
0x136: {  	v7 =	vld [tilespmem:s14+$0xFFFFE000];
	v47 =	vor.u32 $0x1C, v12;
	v0 =	vand.u32 $0xFFFFFFC0, v0;
	v8 =	vand.u32 $0xFFFFFFC0, v13  }
0x137: {  	v32 =	vor.u32 $0x28, v0;
	v0 =	vor.u32 $0x20, v58;
	v51 =	vor.u32 $0x18, v8  }
0x138: {  	v8 =	vmax.f32 v33, v45;
	v33 =	vmin.f32 v60, v18;
	v45 =	vmin.f32 v61, v62  }
0x139: {  	v62 =	vmax.f32 v10, v34;
	v14 =	vand.u32 $0xFFFFFFC0, v14;
	v11 =	vand.u32 $0xFFFFFFC0, v11  }
0x13a: {  	v58 =	vld [tilespmem:s14+$0xFFFFDA00];
	v60 =	vmax.f32 v6, v8;
	v2 =	vand.u32 $0xFFFFFFC0, v2;
	v56 =	vor.u32 $0x14, v14  }
0x13b: {  	v50 =	vor.u32 $0x1A, v2;
	v2 =	vand.u32 $0xFFFFFFC0, v7;
	v7 =	vmin.f32 v15, v17  }
0x13c: {  	v15 =	vmin.f32 v33, v45;
	v59 =	vor.u32 $0x10, v2;
	v2 =	vmin.f32 v6, v8  }
0x13d: {  	v61 =	vmax.f32 v7, v9;
	v13 =	vmin.f32 v7, v9;
	v7 =	vmin.f32 v10, v34  }
0x13e: {  	v8 =	vmax.f32 v33, v45;
	v33 =	vmax.f32 v60, v62;
	v34 =	vmin.f32 v60, v62  }
0x13f: {  	v6 =	vmax.f32 v19, v23;
	v19 =	vmin.f32 v19, v23;
	v4 =	vand.u32 $0xFFFFFFC0, v58  }
0x140: {  	v58 =	vor.u32 $0x12, v11;
	v9 =	vmax.f32 v61, v2;
	v2 =	vmin.f32 v61, v2  }
0x141: {  	v10 =	vmax.f32 v8, v7;
	v14 =	vmin.f32 v8, v7;
	v61 =	vmax.f32 v13, v15  }
0x142: {  	v12 =	vmin.f32 v13, v15;
	v7 =	vmax.f32 v20, v24;
	v20 =	vmin.f32 v20, v24  }
0x143: {  	v8 =	vmax.f32 v25, v27;
	v25 =	vmin.f32 v25, v27;
	v55 =	vor.u32 $0x13, v4  }
0x144: {  	v45 =	vmax.f32 v9, v10;
	v16 =	vmin.f32 v9, v10;
	v60 =	vmax.f32 v2, v14  }
0x145: {  	v2 =	vmin.f32 v2, v14;
	v9 =	vmax.f32 v26, v63;
	v26 =	vmin.f32 v26, v63  }
0x146: {  	v10 =	vmax.f32 v6, v7;
	v14 =	vmax.f32 v19, v20;
	v20 =	vmin.f32 v19, v20  }
0x147: {  	v62 =	vmax.f32 v60, v34;
	v17 =	vmin.f32 v60, v34;
	v4 =	vmax.f32 v61, v16  }
0x148: {  	v5 =	vmin.f32 v61, v16;
	v60 =	vmin.f32 v8, v9;
	v61 =	vmax.f32 v25, v26  }
0x149: {  	v25 =	vmin.f32 v25, v26;
	v13 =	vmax.f32 v45, v62;
	v11 =	vmin.f32 v45, v62  }
0x14a: {  	v15 =	vmax.f32 v4, v17;
	v16 =	vmin.f32 v4, v17;
	v17 =	vmax.f32 v5, v2  }
0x14b: {  	v18 =	vmin.f32 v5, v2;
	v2 =	vmin.f32 v6, v7;
	v45 =	vmax.f32 v8, v9  }
0x14c: {  	v63 =	vmax.f32 v61, v60;
	v24 =	vmin.f32 v61, v60;
	v7 =	vmax.f32 v20, v25  }
0x14d: {  	v23 =	vmin.f32 v20, v25;
	v60 =	vmax.f32 v22, v31;
	v22 =	vmin.f32 v22, v31  }
0x14e: {  	v61 =	vmax.f32 v30, v32;
	v30 =	vmin.f32 v30, v32;
	v62 =	vmax.f32 v14, v2  }
0x14f: {  	v2 =	vmin.f32 v14, v2;
	v19 =	vmax.f32 v10, v45;
	v4 =	vmin.f32 v10, v45  }
0x150: {  	v14 =	vmax.f32 v1, v3;
	v1 =	vmin.f32 v1, v3;
	v45 =	vmax.f32 v21, v29  }
0x151: {  	v21 =	vmin.f32 v21, v29;
	v5 =	vmax.f32 v62, v63;
	v26 =	vmin.f32 v62, v63  }
0x152: {  	v6 =	vmax.f32 v2, v24;
	v2 =	vmin.f32 v2, v24;
	v62 =	vmax.f32 v14, v45  }
0x153: {  	v63 =	vmax.f32 v1, v21;
	v1 =	vmin.f32 v1, v21;
	v12 =	vmax.f32 v12, v19  }
0x154: {  	v8 =	vmax.f32 v6, v4;
	v27 =	vmin.f32 v6, v4;
	v9 =	vmax.f32 v7, v26  }
0x155: {  	v10 =	vmin.f32 v7, v26;
	v6 =	vmax.f32 v60, v61;
	v7 =	vmin.f32 v60, v61  }
0x156: {  	v20 =	vmax.f32 v5, v8;
	v24 =	vmin.f32 v5, v8;
	v25 =	vmax.f32 v9, v27  }
0x157: {  	v26 =	vmin.f32 v9, v27;
	v27 =	vmax.f32 v10, v2;
	v28 =	vmin.f32 v10, v2  }
0x158: {  	v2 =	vmin.f32 v14, v45;
	v8 =	vmax.f32 v22, v30;
	v22 =	vmin.f32 v22, v30  }
0x159: {  	v21 =	vmax.f32 v62, v6;
	v14 =	vmin.f32 v62, v6;
	v6 =	vmax.f32 v35, v39  }
0x15a: {  	v9 =	vmax.f32 v63, v2;
	v2 =	vmin.f32 v63, v2;
	v10 =	vmax.f32 v8, v7  }
0x15b: {  	v29 =	vmin.f32 v8, v7;
	v61 =	vmax.f32 v1, v22;
	v22 =	vmin.f32 v1, v22  }
0x15c: {  	v7 =	vmin.f32 v35, v39;
	v8 =	vmax.f32 v36, v41;
	v13 =	vmax.f32 v13, v28  }
0x15d: {  	v11 =	vmax.f32 v11, v27;
	v15 =	vmax.f32 v15, v26;
	v16 =	vmax.f32 v16, v25  }
0x15e: {  	v17 =	vmax.f32 v17, v24;
	v18 =	vmax.f32 v18, v20;
	v45 =	vmax.f32 v9, v10  }
0x15f: {  	v3 =	vmin.f32 v9, v10;
	v60 =	vmax.f32 v2, v29;
	v2 =	vmin.f32 v2, v29  }
0x160: {  	v9 =	vmin.f32 v36, v41;
	v10 =	vmax.f32 v40, v43;
	v1 =	vmin.f32 v6, v8  }
0x161: {  	v28 =	vmax.f32 v13, v17;
	v13 =	vmin.f32 v13, v17;
	v24 =	vmax.f32 v15, v12  }
0x162: {  	[tilespmem:$0x1FF50] =	vst v33;
	v12 =	vmin.f32 v15, v12;
	v62 =	vmax.f32 v60, v14;
	v33 =	vmin.f32 v60, v14  }
0x163: {  	v63 =	vmax.f32 v61, v3;
	v3 =	vmin.f32 v61, v3;
	v14 =	vmin.f32 v40, v43  }
0x164: {  	v60 =	vmax.f32 v6, v8;
	v61 =	vmax.f32 v7, v9;
	v26 =	vmax.f32 v28, v24  }
0x165: {  	v29 =	vmax.f32 v45, v62;
	v30 =	vmin.f32 v45, v62;
	v31 =	vmax.f32 v63, v33  }
0x166: {  	v32 =	vmin.f32 v63, v33;
	v33 =	vmax.f32 v3, v2;
	v34 =	vmin.f32 v3, v2  }
0x167: {  	v45 =	vmax.f32 v44, v0;
	v0 =	vmin.f32 v44, v0;
	v2 =	vmin.f32 v7, v9  }
0x168: {  	v7 =	vmax.f32 v61, v1;
	v1 =	vmin.f32 v61, v1;
	v62 =	vmax.f32 v10, v45  }
0x169: {  	v63 =	vmin.f32 v10, v45;
	v6 =	vmax.f32 v14, v0;
	v0 =	vmin.f32 v14, v0  }
0x16a: {  	v8 =	vmax.f32 v6, v63;
	v36 =	vmin.f32 v6, v63;
	v35 =	vmax.f32 v60, v62  }
0x16b: {  	v9 =	vmin.f32 v60, v62;
	v45 =	vmax.f32 v2, v0;
	v39 =	vmin.f32 v2, v0  }
0x16c: {  	v63 =	vmax.f32 v37, v46;
	v6 =	vmin.f32 v37, v46;
	v10 =	vmax.f32 v7, v8  }
0x16d: {  	v3 =	vmin.f32 v7, v8;
	v14 =	vmax.f32 v1, v36;
	v1 =	vmin.f32 v1, v36  }
0x16e: {  	v7 =	vmax.f32 v38, v47;
	v8 =	vmin.f32 v38, v47;
	v22 =	vmax.f32 v22, v35  }
0x16f: {  	v60 =	vmax.f32 v14, v9;
	v61 =	vmin.f32 v14, v9;
	v62 =	vmax.f32 v45, v3  }
0x170: {  	v3 =	vmin.f32 v45, v3;
	v9 =	vmax.f32 v48, v50;
	v14 =	vmax.f32 v49, v51  }
0x171: {  	v0 =	vmin.f32 v63, v7;
	v36 =	vmax.f32 v10, v60;
	v40 =	vmin.f32 v10, v60  }
0x172: {  	v41 =	vmax.f32 v62, v61;
	v43 =	vmin.f32 v62, v61;
	v44 =	vmax.f32 v3, v1  }
0x173: {  	v45 =	vmin.f32 v3, v1;
	v10 =	vmin.f32 v48, v50;
	v60 =	vmin.f32 v49, v51  }
0x174: {  	v61 =	vmax.f32 v63, v7;
	v62 =	vmax.f32 v6, v8;
	v1 =	vmin.f32 v6, v8  }
0x175: {  	v63 =	vmax.f32 v9, v14;
	v37 =	vmin.f32 v9, v14;
	v5 =	vmax.f32 v10, v60  }
0x176: {  	v38 =	vmin.f32 v10, v60;
	v6 =	vmax.f32 v62, v0;
	v0 =	vmin.f32 v62, v0  }
0x177: {  	v3 =	vmin.f32 v61, v63;
	v62 =	vmin.f32 v52, v53;
	v7 =	vmax.f32 v5, v37  }
0x178: {  	v46 =	vmin.f32 v5, v37;
	v37 =	vmax.f32 v61, v63;
	v10 =	vmax.f32 v1, v38  }
0x179: {  	v38 =	vmin.f32 v1, v38;
	v61 =	vmax.f32 v52, v53;
	v63 =	vmax.f32 v54, v56  }
0x17a: {  	v8 =	vmax.f32 v6, v7;
	v2 =	vmin.f32 v6, v7;
	v9 =	vmax.f32 v0, v46  }
0x17b: {  	v0 =	vmin.f32 v0, v46;
	v6 =	vmin.f32 v54, v56;
	v7 =	vmax.f32 v55, v58  }
0x17c: {  	v14 =	vmax.f32 v9, v3;
	v3 =	vmin.f32 v9, v3;
	v60 =	vmax.f32 v10, v2  }
0x17d: {  	v2 =	vmin.f32 v10, v2;
	v9 =	vmax.f32 v57, v59;
	v10 =	vmin.f32 v57, v59  }
0x17e: {  	v1 =	vmin.f32 v62, v6;
	v46 =	vmax.f32 v8, v14;
	v47 =	vmin.f32 v8, v14  }
0x17f: {  	v48 =	vmax.f32 v60, v3;
	v49 =	vmin.f32 v60, v3;
	v50 =	vmax.f32 v2, v0  }
0x180: {  	v51 =	vmin.f32 v2, v0;
	v8 =	vmin.f32 v55, v58;
	v14 =	vmax.f32 v61, v63  }
0x181: {  	v0 =	vmin.f32 v61, v63;
	v58 =	vmax.f32 v62, v6;
	v59 =	vmax.f32 v7, v9  }
0x182: {  	v52 =	vmin.f32 v7, v9;
	v6 =	vmax.f32 v8, v10;
	v53 =	vmin.f32 v8, v10  }
0x183: {  	v7 =	vmax.f32 v58, v0;
	v0 =	vmin.f32 v58, v0;
	v3 =	vmin.f32 v14, v59  }
0x184: {  	v60 =	vld [tilespmem:s14+$0xFFFFE400];
	v8 =	vmax.f32 v6, v52;
	v54 =	vmin.f32 v6, v52;
	v52 =	vmax.f32 v14, v59  }
0x185: {  	v61 =	vld [tilespmem:s14+$0xFFFFE600];
	v14 =	vmax.f32 v1, v53;
	v53 =	vmin.f32 v1, v53;
	v9 =	vmax.f32 v7, v8  }
0x186: {  	v62 =	vld [tilespmem:s14+$0xFFFFE800];
	v2 =	vmin.f32 v7, v8;
	v10 =	vmax.f32 v0, v54;
	v0 =	vmin.f32 v0, v54  }
0x187: {  	v63 =	vld [tilespmem:s14+$0xFFFFEC00];
	v6 =	vmax.f32 v10, v3;
	v3 =	vmin.f32 v10, v3;
	v7 =	vmax.f32 v14, v2  }
0x188: {  	v1 =	vld [tilespmem:s14+$0xFFFFEA00];
	v2 =	vmin.f32 v14, v2;
	v54 =	vmax.f32 v9, v6;
	v55 =	vmin.f32 v9, v6  }
0x189: {  	v56 =	vmax.f32 v7, v3;
	v57 =	vmin.f32 v7, v3;
	v58 =	vmax.f32 v2, v0  }
0x18a: {  	v8 =	vld [tilespmem:s14+$0xFFFFEE00];
	v59 =	vmin.f32 v2, v0;
	v9 =	vor.u32 $0xF, v42;
	v10 =	vand.u32 $0xFFFFFFC0, v60  }
0x18b: {  	v14 =	vld [tilespmem:s14+$0xFFFFF000];
	v5 =	vand.u32 $0xFFFFFFC0, v61;
	v6 =	vand.u32 $0xFFFFFFC0, v62;
	v2 =	vor.u32 $0xE, v10  }
0x18c: {  	v60 =	vor.u32 $0xD, v5;
	v61 =	vor.u32 $0xC, v6;
	v10 =	vand.u32 $0xFFFFFFC0, v63  }
0x18d: {  	v7 =	vmax.f32 v9, v2;
	v0 =	vmin.f32 v9, v2;
	v1 =	vand.u32 $0xFFFFFFC0, v1  }
0x18e: {  	v6 =	vld [tilespmem:s14+$0xFFFFF600];
	v9 =	vmax.f32 v60, v61;
	v60 =	vmin.f32 v60, v61;
	v61 =	vor.u32 $0xA, v10  }
0x18f: {  	v1 =	vor.u32 $0xB, v1;
	v3 =	vand.u32 $0xFFFFFFC0, v8;
	v2 =	vmin.f32 v7, v9  }
0x190: {  	v5 =	vmin.f32 v0, v60;
	v42 =	vand.u32 $0xFFFFFFC0, v14;
	v3 =	vor.u32 $0x9, v3  }
0x191: {  	v14 =	vmax.f32 v1, v61;
	v1 =	vmin.f32 v1, v61;
	v42 =	vor.u32 $0x8, v42  }
0x192: {  	v8 =	vmax.f32 v3, v42;
	v3 =	vmin.f32 v3, v42;
	v42 =	vmax.f32 v7, v9  }
0x193: {  	v9 =	vmax.f32 v0, v60;
	v6 =	vand.u32 $0xFFFFFFC0, v6;
	v60 =	vmax.f32 v14, v8  }
0x194: {  	v61 =	vmin.f32 v14, v8;
	v10 =	vmax.f32 v1, v3;
	v4 =	vmin.f32 v1, v3  }
0x195: {  	v7 =	vld [tilespmem:s14+$0xFFFFF200];
	v3 =	vmax.f32 v9, v2;
	v62 =	vmin.f32 v9, v2;
	v14 =	vmax.f32 v10, v61  }
0x196: {  	v8 =	vld [tilespmem:s14+$0xFFFFF800];
	v61 =	vmin.f32 v10, v61;
	v10 =	vmax.f32 v42, v60;
	v60 =	vmin.f32 v42, v60  }
0x197: {  	v2 =	vld [tilespmem:s14+$0xFFFFFC00];
	v63 =	vmax.f32 v3, v14;
	v1 =	vmin.f32 v3, v14;
	v3 =	vmax.f32 v62, v61  }
0x198: {  	v42 =	vld [tilespmem:s14+$0xFFFFF400];
	v61 =	vmin.f32 v62, v61;
	v62 =	vmax.f32 v5, v4;
	v14 =	vmin.f32 v5, v4  }
0x199: {  	v4 =	vld [tilespmem:s14+$0xFFFFFA00];
	v0 =	vmax.f32 v3, v60;
	v3 =	vmin.f32 v3, v60;
	v9 =	vmax.f32 v62, v1  }
0x19a: {  	v5 =	vld [tilespmem:s14+$0xFFFFFE00];
	v1 =	vmin.f32 v62, v1;
	v60 =	vmax.f32 v63, v0;
	v62 =	vmin.f32 v63, v0  }
0x19b: {  	v63 =	vmax.f32 v9, v3;
	v9 =	vmin.f32 v9, v3;
	v3 =	vand.u32 $0xFFFFFFC0, v7  }
0x19c: {  	v6 =	vor.u32 $0x5, v6;
	v7 =	vor.u32 $0x7, v3;
	v3 =	vmax.f32 v1, v61  }
0x19d: {  	v1 =	vmin.f32 v1, v61;
	v61 =	vld [tilespmem:s14+$0x0];
	v8 =	vand.u32 $0xFFFFFFC0, v8;
	v2 =	vand.u32 $0xFFFFFFC0, v2  }
0x19e: {  	v0 =	vand.u32 $0xFFFFFFC0, v42;
	v8 =	vor.u32 $0x4, v8;
	v2 =	vor.u32 $0x2, v2  }
0x19f: {  	v42 =	vor.u32 $0x6, v0;
	v4 =	vand.u32 $0xFFFFFFC0, v4;
	v5 =	vand.u32 $0xFFFFFFC0, v5  }
0x1a0: {  	v0 =	vmax.f32 v7, v42;
	v7 =	vmin.f32 v7, v42;
	v4 =	vor.u32 $0x3, v4  }
0x1a1: {  	v42 =	vmax.f32 v6, v8;
	v6 =	vmin.f32 v6, v8;
	v8 =	vmax.f32 v4, v2  }
0x1a2: {  	v2 =	vmin.f32 v4, v2;
	v4 =	vor.u32 $0x1, v5;
	v5 =	vand.u32 $0xFFFFFFC0, v61  }
0x1a3: {  	v61 =	vmax.f32 v4, v5;
	v4 =	vmin.f32 v4, v5;
	v5 =	vmax.f32 v0, v42  }
0x1a4: {  	v0 =	vmin.f32 v0, v42;
	v42 =	vmax.f32 v7, v6;
	v6 =	vmin.f32 v7, v6  }
0x1a5: {  	v7 =	vmax.f32 v8, v61;
	v8 =	vmin.f32 v8, v61;
	v61 =	vmax.f32 v2, v4  }
0x1a6: {  	v2 =	vmin.f32 v2, v4;
	v4 =	vmax.f32 v42, v0;
	v0 =	vmin.f32 v42, v0  }
0x1a7: {  	v42 =	vmax.f32 v61, v8;
	v8 =	vmin.f32 v61, v8;
	v61 =	vmax.f32 v5, v7  }
0x1a8: {  	v5 =	vmin.f32 v5, v7;
	v7 =	vmax.f32 v4, v42;
	v4 =	vmin.f32 v4, v42  }
0x1a9: {  	v42 =	vmax.f32 v0, v8;
	v0 =	vmin.f32 v0, v8;
	v8 =	vmax.f32 v6, v2  }
0x1aa: {  	v2 =	vmin.f32 v6, v2;
	v6 =	vmax.f32 v42, v5;
	v5 =	vmin.f32 v42, v5  }
0x1ab: {  	v42 =	vmax.f32 v8, v4;
	v4 =	vmin.f32 v8, v4;
	v2 =	vmax.f32 v10, v2  }
0x1ac: {  	v8 =	vmax.f32 v7, v6;
	v6 =	vmin.f32 v7, v6;
	v7 =	vmax.f32 v42, v5  }
0x1ad: {  	v5 =	vmin.f32 v42, v5;
	v42 =	vmax.f32 v4, v0;
	v0 =	vmin.f32 v4, v0;
	v4 =	vld [tilespmem:$0x1FF50]  }
0x1ae: {  	v0 =	vmax.f32 v60, v0;
	v5 =	vmax.f32 v63, v5;
	v7 =	vmax.f32 v9, v7  }
0x1af: {  	v3 =	vmax.f32 v3, v6;
	v1 =	vmax.f32 v1, v8;
	v60 =	vmax.f32 v14, v61  }
0x1b0: {  	v9 =	vmax.f32 v2, v7;
	v2 =	vmin.f32 v2, v7;
	v61 =	vmax.f32 v0, v3  }
0x1b1: {  	v0 =	vmin.f32 v0, v3;
	v63 =	vmax.f32 v5, v60;
	v5 =	vmin.f32 v5, v60  }
0x1b2: {  	v7 =	vmin.f32 v61, v63;
	v4 =	vmax.f32 v4, v23;
	v23 =	vmax.f32 v11, v18  }
0x1b3: {  	v11 =	vmin.f32 v11, v18;
	v27 =	vmax.f32 v4, v16;
	v4 =	vmin.f32 v4, v16  }
0x1b4: {  	v16 =	vmin.f32 v28, v24;
	v28 =	vmax.f32 v13, v12;
	v12 =	vmin.f32 v13, v12  }
0x1b5: {  	v13 =	vmax.f32 v30, v44;
	v44 =	vmax.f32 v33, v40;
	v40 =	vmax.f32 v37, v53  }
0x1b6: {  	v25 =	vmax.f32 v27, v23;
	v17 =	vmin.f32 v27, v23;
	v27 =	vmax.f32 v4, v11  }
0x1b7: {  	v4 =	vmin.f32 v4, v11;
	v11 =	vmax.f32 v21, v39;
	v39 =	vmax.f32 v31, v43  }
0x1b8: {  	v43 =	vmax.f32 v32, v41;
	v41 =	vmax.f32 v46, v59;
	v46 =	vmax.f32 v50, v55  }
0x1b9: {  	v20 =	vmax.f32 v25, v26;
	v15 =	vmin.f32 v25, v26;
	v19 =	vmax.f32 v17, v16  }
0x1ba: {  	v16 =	vmin.f32 v17, v16;
	v17 =	vmax.f32 v27, v28;
	v18 =	vmin.f32 v27, v28  }
0x1bb: {  	v23 =	vmax.f32 v4, v12;
	v4 =	vmin.f32 v4, v12;
	v12 =	vmax.f32 v29, v45  }
0x1bc: {  	v45 =	vmax.f32 v34, v36;
	v30 =	vmax.f32 v11, v43;
	v11 =	vmin.f32 v11, v43  }
0x1bd: {  	v33 =	vmax.f32 v39, v22;
	v21 =	vmin.f32 v39, v22;
	v43 =	vmax.f32 v47, v58  }
0x1be: {  	v47 =	vmax.f32 v51, v54;
	v50 =	vmax.f32 v41, v46;
	v31 =	vmax.f32 v12, v44  }
0x1bf: {  	v12 =	vmin.f32 v12, v44;
	v32 =	vmax.f32 v13, v45;
	v13 =	vmin.f32 v13, v45  }
0x1c0: {  	v44 =	vmax.f32 v48, v57;
	v45 =	vmax.f32 v49, v56;
	v48 =	vmax.f32 v38, v52  }
0x1c1: {  	v51 =	vmax.f32 v43, v47;
	v57 =	vmax.f32 v62, v42;
	v38 =	vmax.f32 v61, v63  }
0x1c2: {  	v34 =	vmax.f32 v30, v32;
	v25 =	vmin.f32 v30, v32;
	v35 =	vmax.f32 v31, v33  }
0x1c3: {  	v24 =	vmin.f32 v31, v33;
	v36 =	vmax.f32 v11, v13;
	v11 =	vmin.f32 v11, v13  }
0x1c4: {  	v39 =	vmax.f32 v12, v21;
	v12 =	vmin.f32 v12, v21;
	v49 =	vmax.f32 v40, v45  }
0x1c5: {  	v13 =	vmin.f32 v43, v47;
	v52 =	vmax.f32 v44, v48;
	v30 =	vmin.f32 v44, v48  }
0x1c6: {  	v62 =	vmax.f32 v57, v1;
	v1 =	vmin.f32 v57, v1;
	v21 =	vmax.f32 v34, v35  }
0x1c7: {  	v22 =	vmin.f32 v34, v35;
	v27 =	vmax.f32 v25, v24;
	v24 =	vmin.f32 v25, v24  }
0x1c8: {  	v25 =	vmax.f32 v36, v39;
	v26 =	vmin.f32 v36, v39;
	v28 =	vmax.f32 v11, v12  }
0x1c9: {  	v29 =	vmin.f32 v11, v12;
	v11 =	vmin.f32 v40, v45;
	v12 =	vmin.f32 v41, v46  }
0x1ca: {  	v53 =	vmax.f32 v49, v51;
	v32 =	vmin.f32 v49, v51;
	v54 =	vmax.f32 v50, v52  }
0x1cb: {  	v31 =	vmin.f32 v50, v52;
	v14 =	vmax.f32 v9, v62;
	v3 =	vmin.f32 v9, v62  }
0x1cc: {  	v39 =	vmax.f32 v2, v1;
	v1 =	vmin.f32 v2, v1;
	v40 =	vmax.f32 v0, v5  }
0x1cd: {  	v0 =	vmin.f32 v0, v5;
	v55 =	vmax.f32 v11, v13;
	v13 =	vmin.f32 v11, v13  }
0x1ce: {  	v56 =	vmax.f32 v12, v30;
	v12 =	vmin.f32 v12, v30;
	v30 =	vmax.f32 v53, v54  }
0x1cf: {  	v34 =	vmin.f32 v53, v54;
	v35 =	vmax.f32 v32, v31;
	v31 =	vmin.f32 v32, v31  }
0x1d0: {  	v41 =	vmax.f32 v14, v38;
	v8 =	vmin.f32 v14, v38;
	v42 =	vmax.f32 v3, v7  }
0x1d1: {  	v3 =	vmin.f32 v3, v7;
	v43 =	vmax.f32 v39, v40;
	v2 =	vmin.f32 v39, v40  }
0x1d2: {  	v44 =	vmax.f32 v1, v0;
	v0 =	vmin.f32 v1, v0;
	v45 =	vmax.f32 v20, v29  }
0x1d3: {  	v46 =	vmax.f32 v15, v28;
	v19 =	vmax.f32 v19, v26;
	v16 =	vmax.f32 v16, v25  }
0x1d4: {  	v17 =	vmax.f32 v17, v24;
	v18 =	vmax.f32 v18, v27;
	v22 =	vmax.f32 v23, v22  }
0x1d5: {  	v4 =	vmax.f32 v4, v21;
	v32 =	vmax.f32 v55, v56;
	v33 =	vmin.f32 v55, v56  }
0x1d6: {  	v36 =	vmax.f32 v13, v12;
	v37 =	vmin.f32 v13, v12;
	v47 =	vmax.f32 v45, v17  }
0x1d7: {  	v1 =	vmin.f32 v45, v17;
	v48 =	vmax.f32 v46, v18;
	v18 =	vmin.f32 v46, v18  }
0x1d8: {  	v49 =	vmax.f32 v19, v22;
	v19 =	vmin.f32 v19, v22;
	v50 =	vmax.f32 v16, v4  }
0x1d9: {  	v4 =	vmin.f32 v16, v4;
	v0 =	vmax.f32 v30, v0;
	v61 =	vmax.f32 v34, v44  }
0x1da: {  	v2 =	vmax.f32 v35, v2;
	v7 =	vmax.f32 v31, v43;
	v51 =	vmax.f32 v47, v49  }
0x1db: {  	v20 =	vmin.f32 v47, v49;
	v52 =	vmax.f32 v48, v50;
	v17 =	vmin.f32 v48, v50  }
0x1dc: {  	v53 =	vmax.f32 v1, v19;
	v1 =	vmin.f32 v1, v19;
	v54 =	vmax.f32 v18, v4  }
0x1dd: {  	v4 =	vmin.f32 v18, v4;
	v3 =	vmax.f32 v32, v3;
	v9 =	vmax.f32 v33, v42  }
0x1de: {  	v8 =	vmax.f32 v36, v8;
	v5 =	vmax.f32 v37, v41;
	v55 =	vmax.f32 v51, v52  }
0x1df: {  	v11 =	vpop (erf);
	v21 =	vmin.f32 v51, v52;
	v56 =	vmax.f32 v20, v17;
	v20 =	vmin.f32 v20, v17  }
0x1e0: {  	v12 =	vpop (erf);
	v57 =	vmax.f32 v53, v54;
	v19 =	vmin.f32 v53, v54;
	v62 =	vmax.f32 v0, v3  }
0x1e1: {  	v0 =	vmin.f32 v0, v3;
	v63 =	vmax.f32 v61, v9;
	v58 =	vadd.f32 v12, v11  }
0x1e2: {  	v26 =	vmax.f32 v2, v8;
	v2 =	vmin.f32 v2, v8;
	v27 =	vmax.f32 v7, v5;
	v13 =	vpop (erf)  }
0x1e3: {  	v5 =	vmin.f32 v7, v5;
	v28 =	vmax.f32 v62, v26;
	v59 =	vadd.f32 v13, v58  }
0x1e4: {  	v29 =	vmax.f32 v63, v27;
	v3 =	vmin.f32 v63, v27;
	v31 =	vmax.f32 v0, v2;
	v14 =	vpop (erf)  }
0x1e5: {  	v0 =	vmin.f32 v0, v2;
	v33 =	vmax.f32 v28, v29;
	v6 =	vadd.f32 v14, v59  }
0x1e6: {  	s16 =	sadd.s32 $0x10, s15;
	v7 =	vmin.f32 v28, v29;
	v15 =	vpop (erf);
	v58 =	vmax.f32 v1, v4;
	v59 =	vlaneseq.u32  }
0x1e7: {  	v1 =	vmin.f32 v1, v4;
	v18 =	vor.u32 s16, v59;
	v6 =	vadd.f32 v15, v6  }
0x1e8: {  	v16 =	vpop (erf);
	v7 =	vmax.f32 v58, v7;
	v1 =	vmax.f32 v1, v33;
	v50 =	vand.u32 $0x1F8, v18  }
0x1e9: {  	v60 =	vadd.f32 v16, v6;
	v6 =	vmin.f32 v61, v9;
	v9 =	vmin.f32 v62, v26  }
0x1ea: {  	v17 =	vpop (erf);
	v32 =	vmax.f32 v6, v5;
	v5 =	vmin.f32 v6, v5;
	v34 =	vmax.f32 v9, v3  }
0x1eb: {  	v3 =	vmin.f32 v9, v3;
	v4 =	vadd.f32 v17, v60;
	v35 =	vmax.f32 v31, v32  }
0x1ec: {  	v2 =	vmin.f32 v31, v32;
	v36 =	vmax.f32 v0, v5;
	v0 =	vmin.f32 v0, v5  }
0x1ed: {  	v3 =	vmax.f32 v57, v3;
	v39 =	vmax.f32 v19, v34;
	v0 =	vmax.f32 v55, v0  }
0x1ee: {  	v37 =	vmax.f32 v21, v36;
	v2 =	vmax.f32 v56, v2;
	v38 =	vmax.f32 v20, v35  }
0x1ef: {  	v40 =	vmax.f32 v0, v3;
	v41 =	vmin.f32 v0, v3;
	v42 =	vmax.f32 v37, v39  }
0x1f0: {  	v5 =	vmin.f32 v37, v39;
	v43 =	vmax.f32 v2, v7;
	v44 =	vmax.f32 v38, v1  }
0x1f1: {  	v30 =	vld [tilespmem:$0x1FFF0];
	v2 =	vmin.f32 v2, v7;
	v45 =	vmax.f32 v40, v43;
	v46 =	vmax.f32 v42, v44  }
0x1f2: {  	v8 =	vmin.f32 v38, v1;
	v6 =	vmin.f32 v40, v43;
	v47 =	vmax.f32 v45, v46  }
0x1f3: {  	v7 =	vmin.f32 v42, v44;
	v49 =	vmin.f32 v45, v46;
	v1 =	vandn.u32 $0x3F, v47  }
0x1f4: {  	v48 =	vmax.f32 v41, v2;
	v0 =	vandn.u32 $0x3F, v49;
	v51 =	vshll.u32 v1, $0x9  }
0x1f5: {  	v52 =	vmax.f32 v6, v7;
	v53 =	vshll.u32 v0, $0x9;
	v19 =	vor.u32 v50, v51  }
0x1f6: {  	v3 =	vandn.u32 $0x3F, v52;
	v55 =	vor.u32 v50, v53;
	v54 =	vor.u32 v30, v19  }
0x1f7: {  	v6 =	vmin.f32 v6, v7;
	v57 =	vshll.u32 v3, $0x9;
	v56 =	vor.u32 v30, v55  }
0x1f8: {  	v58 =	vmax.f32 v5, v8;
	v59 =	vor.u32 v50, v57;
	v19 =	vandn.u32 $0x3F, v6  }
0x1f9: {  	v60 =	vmax.f32 v48, v58;
	v23 =	vor.u32 v30, v59;
	v61 =	vshll.u32 v19, $0x9  }
0x1fa: {  	v2 =	vmin.f32 v41, v2;
	v6 =	vandn.u32 $0x3F, v60;
	v62 =	vor.u32 v50, v61  }
0x1fb: {  	v20 =	vmin.f32 v48, v58;
	v31 =	vshll.u32 v6, $0x9;
	v10 =	vor.u32 v30, v62;
	v63 =	vld.idx.msk [tilespmem:v54+s2+$0x0], $0xffff  }
0x1fc: {  	v5 =	vmin.f32 v5, v8;
	v20 =	vandn.u32 $0x3F, v20;
	v32 =	vor.u32 v50, v31;
	v7 =	vld.idx.msk [tilespmem:v56+s2+$0x0], $0xffff  }
0x1fd: {  	v22 =	vpop (erf);
	v33 =	vmax.f32 v2, v5;
	v34 =	vshll.u32 v20, $0x9;
	v8 =	vor.u32 v30, v32  }
0x1fe: {  	v4 =	vadd.f32 v22, v4;
	v24 =	vandn.u32 $0x3F, v33;
	v25 =	vor.u32 v50, v34;
	v23 =	vld.idx.msk [tilespmem:v23+s2+$0x0], $0xffff  }
0x1ff: {  	v2 =	vmin.f32 v2, v5;
	v36 =	vshll.u32 v24, $0x9;
	v35 =	vor.u32 v30, v25  }
0x200: {  	v2 =	vandn.u32 $0x3F, v2;
	v25 =	vor.u32 v50, v36;
	v10 =	vld.idx.msk [tilespmem:v10+s2+$0x0], $0xffff;
	v37 =	vsub.f32 v63, v63  }
0x201: {  	v38 =	vshll.u32 v2, $0x9;
	v25 =	vor.u32 v30, v25;
	v7 =	vsub.f32 v7, v63  }
0x202: {  	(erf) = vrcp.f32 v4;
	v40 =	vor.u32 v50, v38;
	v39 =	vld.idx.msk [tilespmem:v8+s2+$0x0], $0xffff;
	v41 =	vmul.f32 $1.442695020e+00, v37  }
0x203: {  	v8 =	vor.u32 v30, v40;
	v23 =	vsub.f32 v23, v63;
	v7 =	vmul.f32 $1.442695020e+00, v7  }
0x204: {  	v5 =	vld.idx.msk [tilespmem:v35+s2+$0x0], $0xffff;
	(erf) = vpow2.f32 v41  }
0x205: {  	v42 =	vmul.f32 $1.442695020e+00, v23;
	v43 =	vsub.f32 v10, v63;
	(erf) = vpow2.f32 v7  }
0x206: {  	v44 =	vld.idx.msk [tilespmem:v25+s2+$0x0], $0xffff  }
0x207: {  	v4 =	vsub.f32 v39, v63;
	v45 =	vmul.f32 $1.442695020e+00, v43;
	(erf) = vpow2.f32 v42  }
0x208: {  	v8 =	vld.idx.msk [tilespmem:v8+s2+$0x0], $0xffff  }
0x209: {  	v5 =	vsub.f32 v5, v63;
	v4 =	vmul.f32 $1.442695020e+00, v4;
	(erf) = vpow2.f32 v45;
	_ =	sdelay $0x1  }
0x20a: {  	v47 =	vsub.f32 v44, v63;
	v46 =	vmul.f32 $1.442695020e+00, v5;
	(erf) = vpow2.f32 v4  }
0x20b: {  	v48 =	vpop (erf)  }
0x20c: {  	v50 =	vmul.f32 $1.442695020e+00, v47;
	v51 =	vsub.f32 v8, v63;
	(erf) = vpow2.f32 v46;
	v49 =	vpop (erf)  }
0x20d: {  	v8 =	vpop (erf)  }
0x20e: {  	v57 =	vld [tilespmem:$0x1FF60];
	v52 =	vmul.f32 $1.442695020e+00, v51;
	(erf) = vpow2.f32 v50;
	v53 =	vadd.f32 v8, v49  }
0x20f: {  	v54 =	vpop (erf)  }
0x210: {  	(erf) = vpow2.f32 v52;
	v55 =	vadd.f32 v54, v53  }
0x211: {  	v56 =	vpop (erf)  }
0x212: {  	v4 =	vadd.f32 v56, v55  }
0x213: {  	v23 =	vshll.u32 v57, $0x3;
	v21 =	vpop (erf)  }
0x214: {  	v61 =	vld [tilespmem:$0x1FF70];
	v4 =	vadd.f32 v21, v4  }
0x215: {  	v58 =	vor.u32 $0x1, v23;
	v25 =	vpop (erf)  }
0x216: {  	v31 =	vld [tilespmem:$0x1FF80];
	v11 =	vmul.f32 v48, v11;
	v4 =	vadd.f32 v25, v4  }
0x217: {  	v59 =	vor.u32 $0x2, v23;
	v27 =	vpop (erf)  }
0x218: {  	v34 =	vld [tilespmem:$0x1FF90];
	v60 =	vmul.f32 v48, v12;
	[tilespmem:v23+s10+$0x0] =	vst.idx.msk $0xffff, v11;
	v4 =	vadd.f32 v27, v4  }
0x219: {  	v62 =	vor.u32 $0x3, v23;
	[tilespmem:v23+s11+$0x0] =	vst.idx.msk $0xffff, v61;
	v63 =	vpop (erf)  }
0x21a: {  	v30 =	vmul.f32 v48, v13;
	v37 =	vld [tilespmem:$0x1FFA0];
	[tilespmem:v58+s10+$0x0] =	vst.idx.msk $0xffff, v60;
	v4 =	vadd.f32 v63, v4  }
0x21b: {  	v32 =	vor.u32 $0x4, v23;
	[tilespmem:v58+s11+$0x0] =	vst.idx.msk $0xffff, v31  }
0x21c: {  	v33 =	vmul.f32 v48, v14;
	v40 =	vld [tilespmem:$0x1FFB0];
	[tilespmem:v59+s10+$0x0] =	vst.idx.msk $0xffff, v30;
	(erf) = vrcp.f32 v4  }
0x21d: {  	v35 =	vor.u32 $0x5, v23;
	[tilespmem:v59+s11+$0x0] =	vst.idx.msk $0xffff, v34  }
0x21e: {  	v36 =	vmul.f32 v48, v15;
	v43 =	vld [tilespmem:$0x1FFC0];
	[tilespmem:v62+s10+$0x0] =	vst.idx.msk $0xffff, v33  }
0x21f: {  	v38 =	vor.u32 $0x6, v23;
	[tilespmem:v62+s11+$0x0] =	vst.idx.msk $0xffff, v37  }
0x220: {  	v39 =	vmul.f32 v48, v16;
	v46 =	vld [tilespmem:$0x1FFD0];
	[tilespmem:v32+s10+$0x0] =	vst.idx.msk $0xffff, v36  }
0x221: {  	v41 =	vor.u32 $0x7, v23;
	[tilespmem:v32+s11+$0x0] =	vst.idx.msk $0xffff, v40  }
0x222: {  	v42 =	vmul.f32 v48, v17;
	v50 =	vld [tilespmem:$0x1FFE0];
	[tilespmem:v35+s10+$0x0] =	vst.idx.msk $0xffff, v39  }
0x223: {  	v44 =	vshll.u32 v18, $0x3;
	[tilespmem:v35+s11+$0x0] =	vst.idx.msk $0xffff, v43  }
0x224: {  	v45 =	vmul.f32 v48, v22;
	[tilespmem:v38+s10+$0x0] =	vst.idx.msk $0xffff, v42  }
0x225: {  	v48 =	vor.u32 $0x1, v44;
	[tilespmem:v38+s11+$0x0] =	vst.idx.msk $0xffff, v46;
	v47 =	vpop (erf)  }
0x226: {  	[tilespmem:v41+s10+$0x0] =	vst.idx.msk $0xffff, v45;
	v49 =	vmul.f32 v47, v49  }
0x227: {  	v51 =	vor.u32 $0x2, v44;
	[tilespmem:v41+s11+$0x0] =	vst.idx.msk $0xffff, v50  }
0x228: {  	v52 =	vmul.f32 v47, v8;
	[tilespmem:v44+s10+$0x0] =	vst.idx.msk $0xffff, v49  }
0x229: {  	v53 =	vor.u32 $0x3, v44;
	[tilespmem:v44+s11+$0x0] =	vst.idx.msk $0xffff, v1  }
0x22a: {  	v54 =	vmul.f32 v47, v54;
	[tilespmem:v48+s10+$0x0] =	vst.idx.msk $0xffff, v52  }
0x22b: {  	v55 =	vor.u32 $0x4, v44;
	[tilespmem:v48+s11+$0x0] =	vst.idx.msk $0xffff, v0  }
0x22c: {  	v56 =	vmul.f32 v47, v56;
	[tilespmem:v51+s10+$0x0] =	vst.idx.msk $0xffff, v54  }
0x22d: {  	v57 =	vor.u32 $0x5, v44;
	[tilespmem:v51+s11+$0x0] =	vst.idx.msk $0xffff, v3  }
0x22e: {  	v58 =	vmul.f32 v47, v21;
	[tilespmem:v53+s10+$0x0] =	vst.idx.msk $0xffff, v56  }
0x22f: {  	v59 =	vor.u32 $0x6, v44;
	[tilespmem:v53+s11+$0x0] =	vst.idx.msk $0xffff, v19  }
0x230: {  	v60 =	vmul.f32 v47, v25;
	[tilespmem:v55+s10+$0x0] =	vst.idx.msk $0xffff, v58  }
0x231: {  	s13 =	sadd.s32 $0x2, s13;
	v61 =	vor.u32 $0x7, v44;
	[tilespmem:v55+s11+$0x0] =	vst.idx.msk $0xffff, v6  }
0x232: {  	p0 =	slt.u32 s13, $0x1E;
	v62 =	vmul.f32 v47, v27;
	[tilespmem:v57+s10+$0x0] =	vst.idx.msk $0xffff, v60  }
.Ltmp0:
0x233: {  	[tilespmem:v57+s11+$0x0] =	vst.idx.msk $0xffff, v20;
	(pc) =	sbr.rel @p0 .LBB2_2-.Ltmp0, $4  }
0x234: {  	v63 =	vmul.f32 v47, v63;
	[tilespmem:v59+s10+$0x0] =	vst.idx.msk $0xffff, v62  }
0x235: {  	[tilespmem:v59+s11+$0x0] =	vst.idx.msk $0xffff, v24  }
0x236: {  	[tilespmem:v61+s10+$0x0] =	vst.idx.msk $0xffff, v63  }
0x237: {  	s15 =	sadd.s32 $0x20, s15;
	s14 =	sadd.s32 $0x20, s14;
	[tilespmem:v61+s11+$0x0] =	vst.idx.msk $0xffff, v2  }
0x238: {  	[hbm4b:s4+s2] =	stream.linear.scatter [tilespmem:s10], [sflag:$0x1], $0x1000, $0x38;
	[tilespmem:$0xA000] =	vst v63  }
0x239: {  	s12 =	sadd.s32 $0x1, s12;
	_ =	swait.ge [sflag:s9], $0x1000  }
0x23a: {  	p0 =	sne.s32 s12, s6;
	[sflag:s9] =	ssyncset.done $0x0  }
.Ltmp1:
0x23b: {  	[sflag:s9] =	ssyncadd.s32 $0xFFFFF000;
	(pc) =	sbr.rel @p0 .LBB2_1-.Ltmp1, $4  }
0x23c: {  	[hbm4b:s5+s2] =	stream.linear.scatter [tilespmem:s11], [sflag:$0x1], $0x1000, $0x38;
	[tilespmem:$0xA000] =	vst v63  }
0x23d: {  	_ =	swait.ge [sflag:s9], $0x1000  }
0x23e: {  	[sflag:s9] =	ssyncset.done $0x0  }
0x23f: {  	[sflag:s9] =	ssyncadd.s32 $0xFFFFF000  }
0x240: {  	_ =	sfence.sel $0x180000  }
0x241: {  	[bflag:$0x0] =	sbarrier.arrive $0xFFFF  }
0x242: {  	p0 =	sne.s32 s0, $0x0;
	_ =	strace $0x9000004A  }
0x243: {  	s0 =	sadd.s32 @!p0 $0x100000, s1;
	[bflag:$0x2] =	sbarrier.arrive $0xFFFF  }
0x244: {  	[sflag:s0] =	ssyncadd.tile.s32 @!p0 $0x1;
	_ =	shalt  }
.Lfunc_end2:
_tile_overlayer_lowered:
.L_overlay_start_2:
0x245: {  	(tag) =	ssettag $0x2  }
0x246: {  	s0 =	rddreg [dreg:$0x0];
	s2 =	stileid.u32  }
0x247: {  	s1 =	rddreg [dreg:$0x1];
	p0 =	sne.s32 s2, $0x0  }
0x248: {  	s3 =	rddreg [dreg:$0x2];
	[bflag:$0x3] =	sbarrier.arrive $0xFFFF;
	s2 =	simm.s32 @!p0 $0x1C01  }
0x249: {  	[timem:s3], [sflag:s2] =	dma.local @!p0 [hbm:s0], s1  }
0x24a: {  	s0 =	simm.s32 @!p0 $0x1  }
0x24b: {  	_ =	swait.ge @!p0 [sflag:s0], s1  }
0x24c: {  	s1 =	ssub.s32 @!p0 $0x0, s1;
	[sflag:s0] =	ssyncset.done @!p0 $0x0  }
0x24d: {  	[sflag:s0] =	ssyncadd.s32 @!p0 s1  }
0x24e: {  	[bflag:$0x3] =	sbarrier.arrive $0xFFFF  }
0x24f: {  	_ =	shalt  }

</sc_bundles>
